<compile_context>
chip_gen: v7x
topology: tpu7x:2x2x1
jax: 0.10.2.dev20260603
libtpu: 0.0.44.dev20260713+nightly
codegen_flags: <defaults>
</compile_context>

<pallas_src>
import functools
import math

import jax
import jax.numpy as jnp
import numpy as np
from jax import lax
from jax.experimental import pallas as pl
from jax.experimental.pallas import tpu as pltpu
from jax.experimental.pallas import tpu_sc as plsc

VOCAB = 100000
D_MODEL = 768
MAX_LEN = 4096
BATCH = 4
SCALE = math.sqrt(D_MODEL)

N_ROWS = MAX_LEN * BATCH
NW = 32
ROWS_PER_W = N_ROWS // NW
CHUNK_ROWS = 32
N_CHUNKS = ROWS_PER_W // CHUNK_ROWS
L_PER_CHUNK = CHUNK_ROWS // BATCH
LANES = 16
C_PER_ROW = D_MODEL // LANES


N_COARSE = MAX_LEN // L_PER_CHUNK


def _pack_bf16_pairs(arr):
    u = np.ascontiguousarray(arr, dtype=np.float32).view(np.uint32)
    bf = ((u + 0x7FFF + ((u >> 16) & 1)) >> 16).astype(np.uint32)
    bb = bf.reshape(arr.shape[0], D_MODEL // 32, 2, LANES)
    return ((bb[:, :, 1, :] << 16) | bb[:, :, 0, :]).reshape(
        arr.shape[0], D_MODEL // 2).view(np.int32)


def _pe_factors():
    w = np.exp(
        np.arange(0, D_MODEL, 2, dtype=np.float32) * (-math.log(10000.0) / D_MODEL)
    )
    a = np.arange(N_COARSE, dtype=np.float32)[:, None]
    d = np.arange(L_PER_CHUNK, dtype=np.float32)[:, None]
    X = np.zeros((N_COARSE, D_MODEL), np.float32)
    Y = np.zeros((N_COARSE, D_MODEL), np.float32)
    X[:, 0::2] = np.sin(L_PER_CHUNK * a * w)
    X[:, 1::2] = np.cos(L_PER_CHUNK * a * w)
    Y[:, 0::2] = np.cos(L_PER_CHUNK * a * w)
    Y[:, 1::2] = -np.sin(L_PER_CHUNK * a * w)
    U = np.zeros((L_PER_CHUNK, D_MODEL), np.float32)
    V = np.zeros((L_PER_CHUNK, D_MODEL), np.float32)
    U[:, 0::2] = np.cos(d * w)
    U[:, 1::2] = np.cos(d * w)
    V[:, 0::2] = np.sin(d * w)
    V[:, 1::2] = np.sin(d * w)
    xy = np.stack([_pack_bf16_pairs(X), _pack_bf16_pairs(Y)], axis=1)
    uv = np.concatenate(
        [_pack_bf16_pairs(U).reshape(-1), _pack_bf16_pairs(V).reshape(-1)])
    return jnp.asarray(xy.reshape(-1)), jnp.asarray(uv)


_MESH = plsc.VectorSubcoreMesh(core_axis_name="c", subcore_axis_name="s")


@functools.partial(
    pl.kernel,
    mesh=_MESH,
    out_type=jax.ShapeDtypeStruct((MAX_LEN, BATCH, D_MODEL), jnp.float32),
    scratch_types=[
        pltpu.VMEM((N_CHUNKS, CHUNK_ROWS), jnp.int32),
        pltpu.VMEM((2, CHUNK_ROWS, D_MODEL), jnp.float32),
        pltpu.VMEM((2, L_PER_CHUNK, BATCH, D_MODEL), jnp.float32),
        pltpu.VMEM((D_MODEL,), jnp.int32),
        pltpu.VMEM((D_MODEL,), jnp.int32),
        pltpu.VMEM((L_PER_CHUNK * D_MODEL,), jnp.int32),
        pltpu.SemaphoreType.DMA,
        pltpu.SemaphoreType.DMA,
        pltpu.SemaphoreType.DMA,
        pltpu.SemaphoreType.DMA,
        pltpu.SemaphoreType.DMA,
        pltpu.SemaphoreType.DMA,
    ],
)
def _embed_sc(table_hbm, idx_hbm, xy_hbm, uv_hbm, out_hbm,
              idx_v, in_v, out_v, xy_v0, xy_v1, uv_v,
              gsem0, gsem1, psem0, psem1, osem0, osem1):
    xy_vs = (xy_v0, xy_v1)
    wid = lax.axis_index("s") * 2 + lax.axis_index("c")
    base_l = wid * (ROWS_PER_W // BATCH)
    gsems = (gsem0, gsem1)
    psems = (psem0, psem1)
    osems = (osem0, osem1)

    pltpu.sync_copy(idx_hbm.at[pl.ds(wid * N_CHUNKS, N_CHUNKS)], idx_v)
    pltpu.sync_copy(uv_hbm, uv_v)

    def start_in(g, s):
        a = wid * N_CHUNKS + g
        pltpu.async_copy(
            xy_hbm.at[pl.ds(a * D_MODEL, D_MODEL)], xy_vs[s], psems[s])
        pltpu.async_copy(table_hbm.at[idx_v.at[g]], in_v.at[s], gsems[s])

    def wait_in(s):
        pltpu.make_async_copy(
            xy_hbm.at[pl.ds(0, D_MODEL)], xy_vs[s], psems[s]).wait()
        pltpu.make_async_copy(
            table_hbm.at[pl.ds(0, CHUNK_ROWS)], in_v.at[s], gsems[s]).wait()

    def wait_out(s):
        pltpu.make_async_copy(
            out_hbm.at[pl.ds(0, L_PER_CHUNK)], out_v.at[s], osems[s]).wait()

    def do_chunk(g, s):
        @pl.when(g + 1 < N_CHUNKS)
        def _():
            start_in(g + 1, 1 - s)

        wait_in(s)

        @pl.when(g >= 2)
        def _():
            wait_out(s)

        def widen(x):
            return (lax.bitcast_convert_type(x << 16, jnp.float32),
                    lax.bitcast_convert_type(x & jnp.int32(-65536),
                                             jnp.float32))

        @plsc.parallel_loop(0, C_PER_ROW // 2)
        def _(p):
            x_a, x_b = widen(xy_vs[s][pl.ds(p * LANES, LANES)])
            y_a, y_b = widen(xy_vs[s][pl.ds(D_MODEL // 2 + p * LANES, LANES)])
            sla = pl.ds(2 * p * LANES, LANES)
            slb = pl.ds((2 * p + 1) * LANES, LANES)

            def load_li(li):
                off = li * (D_MODEL // 2) + p * LANES
                return (uv_v[pl.ds(off, LANES)],
                        uv_v[pl.ds(L_PER_CHUNK * D_MODEL // 2 + off, LANES)],
                        [in_v[s, li * BATCH + b, sla] for b in range(BATCH)],
                        [in_v[s, li * BATCH + b, slb] for b in range(BATCH)])

            grp = {li: load_li(li) for li in range(2)}
            for li in range(L_PER_CHUNK):
                u_i, v_i, ins_a, ins_b = grp.pop(li)
                if li + 2 < L_PER_CHUNK:
                    grp[li + 2] = load_li(li + 2)
                u_a, u_b = widen(u_i)
                v_a, v_b = widen(v_i)
                pe_a = x_a * u_a + y_a * v_a
                pe_b = x_b * u_b + y_b * v_b
                for b in range(BATCH):
                    out_v[s, li, b, sla] = ins_a[b] * SCALE + pe_a
                    out_v[s, li, b, slb] = ins_b[b] * SCALE + pe_b
        l0 = base_l + g * L_PER_CHUNK
        pltpu.async_copy(out_v.at[s], out_hbm.at[pl.ds(l0, L_PER_CHUNK)], osems[s])

    start_in(0, 0)

    def pair_body(i, carry):
        do_chunk(2 * i, 0)
        do_chunk(2 * i + 1, 1)
        return carry

    lax.fori_loop(0, N_CHUNKS // 2, pair_body, 0)
    wait_out(0)
    wait_out(1)


def kernel(encoded_words, embed_weight):
    idx2d = encoded_words.reshape(NW * N_CHUNKS, CHUNK_ROWS)
    xy, uv = _pe_factors()
    return _embed_sc(embed_weight, idx2d, xy, uv)

# --- scband reference (transcript-rebuilt; emitter-appended) ---
"""Pipeline reference for scband-embedding-57458072486315 (READ-ONLY COPY).

The authoritative reference and input builder live on the scoring server;
editing this copy changes nothing except your own understanding.
"""

import jax, jax.numpy as jnp
import numpy as np
import math

VOCAB = 100000
D_MODEL = 768
MAX_LEN = 4096
BATCH = 4


def _create_pe(max_len, d_model):
    pe = np.zeros((max_len, d_model), dtype=np.float32)
    position = np.arange(0, max_len, dtype=np.float32)[:, None]
    div_term = np.exp(np.arange(0, d_model, 2, dtype=np.float32) * (-math.log(10000.0) / d_model))
    pe[:, 0::2] = np.sin(position * div_term)
    pe[:, 1::2] = np.cos(position * div_term)
    # torch: pe.unsqueeze(0).transpose(0, 1) -> [max_len, 1, d_model]
    return jnp.asarray(pe)[:, None, :]


def setup_inputs(seed: int = 0) -> dict:
    key = jax.random.key(seed)
    k1, k2 = jax.random.split(key)
    # seq-first layout [L, B]: required so pe [max_len,1,d] broadcasts against [L,B,d]
    encoded_words = jax.random.randint(k1, (MAX_LEN, BATCH), 0, VOCAB, dtype=jnp.int32)
    embed_weight = jax.random.normal(k2, (VOCAB, D_MODEL), dtype=jnp.float32) * 0.02
    return {"encoded_words": encoded_words, "embed_weight": embed_weight}


def reference(encoded_words, embed_weight):
    # nn.Embedding lookup (SparseCore gather) scaled by sqrt(d_model)
    embedding = jnp.take(embed_weight, encoded_words, axis=0) * math.sqrt(D_MODEL)
    pe = _create_pe(MAX_LEN, D_MODEL)
    # torch: embedding += self.pe[:, :embedding.size(1)]  (slices dim 1 of size 1 -> stays size 1)
    embedding = embedding + pe[:, : embedding.shape[1]]
    # dropout is identity in inference reference (p=0.1 at train time)
    return embedding

if __name__ == "__main__":
    import jax
    _d = setup_inputs()
    print(jax.jit(kernel)(*tuple(_d.values())))

</pallas_src>

<mosaic_0001>
#map = affine_map<(d0, d1) -> (0, 0)>
#map1 = affine_map<(d0, d1) -> (0)>
#map2 = affine_map<(d0, d1) -> (0, 0, 0)>
module attributes {stable_mosaic.version = 14 : i64} {
  func.func @_embed_sc(%arg0: i32, %arg1: i32, %arg2: memref<100000x768xf32, #tpu.memory_space<hbm>>, %arg3: memref<512x32xi32, #tpu.memory_space<hbm>>, %arg4: memref<393216xi32, #tpu.memory_space<hbm>>, %arg5: memref<6144xi32, #tpu.memory_space<hbm>>, %arg6: memref<4096x4x768xf32, #tpu.memory_space<hbm>>, %arg7: memref<16x32xi32, #tpu.memory_space<vmem>>, %arg8: memref<2x32x768xf32, #tpu.memory_space<vmem>>, %arg9: memref<2x8x4x768xf32, #tpu.memory_space<vmem>>, %arg10: memref<768xi32, #tpu.memory_space<vmem>>, %arg11: memref<768xi32, #tpu.memory_space<vmem>>, %arg12: memref<6144xi32, #tpu.memory_space<vmem>>, %arg13: memref<!tpu.dma_semaphore, #tpu.memory_space<semaphore_mem>>, %arg14: memref<!tpu.dma_semaphore, #tpu.memory_space<semaphore_mem>>, %arg15: memref<!tpu.dma_semaphore, #tpu.memory_space<semaphore_mem>>, %arg16: memref<!tpu.dma_semaphore, #tpu.memory_space<semaphore_mem>>, %arg17: memref<!tpu.dma_semaphore, #tpu.memory_space<semaphore_mem>>, %arg18: memref<!tpu.dma_semaphore, #tpu.memory_space<semaphore_mem>>) attributes {dimension_semantics = [#tpu.dimension_semantics<core_parallel>, #tpu.dimension_semantics<subcore_parallel>], iteration_bounds = array<i64: 2, 16>, scalar_prefetch = 0 : i64, scratch_operands = 12 : i64, tpu.core_type = #tpu.core_type<sc_vector_subcore>, window_params = [{transform_indices = #map}, {transform_indices = #map}, {transform_indices = #map1}, {transform_indices = #map1}, {transform_indices = #map2}]} {
    %mul3A = arith.constant 2 : i32
    %mul3A_0 = arith.muli %arg1, %mul3A : i32
    %add3A = arith.addi %mul3A_0, %arg0 : i32
    %mul3A_1 = arith.constant 128 : i32
    %mul3A_2 = arith.muli %add3A, %mul3A_1 : i32
    %mul3A_3 = arith.constant 16 : i32
    %mul3A_4 = arith.muli %add3A, %mul3A_3 : i32
    "tpu.region"() ({
      %run_scoped3A = tpu.sem_alloc : memref<!tpu.dma_semaphore, #tpu.memory_space<semaphore_mem>>
      %dma_start3A_66 = arith.constant 0 : i32
      %dma_start3A_67 = tpu.memref_slice %arg3[%mul3A_4, %dma_start3A_66] : memref<512x32xi32, #tpu.memory_space<hbm>> -> memref<16x32xi32, #tpu.memory_space<hbm>>
      %dma_start3A_68 = arith.constant 0 : i32
      %dma_start3A_69 = tpu.memref_slice %arg3[%mul3A_4, %dma_start3A_68] : memref<512x32xi32, #tpu.memory_space<hbm>> -> memref<16x32xi32, #tpu.memory_space<hbm>>
      tpu.enqueue_dma source(%dma_start3A_69 : memref<16x32xi32, #tpu.memory_space<hbm>>) target(%arg7 : memref<16x32xi32, #tpu.memory_space<vmem>>) target_semaphore(%run_scoped3A : memref<!tpu.dma_semaphore, #tpu.memory_space<semaphore_mem>>)
      %dma_wait3A_70 = arith.constant 0 : i32
      %dma_wait3A_71 = tpu.memref_slice %arg3[%mul3A_4, %dma_wait3A_70] : memref<512x32xi32, #tpu.memory_space<hbm>> -> memref<16x32xi32, #tpu.memory_space<hbm>>
      %dma_wait3A_72 = arith.constant 0 : i32
      %dma_wait3A_73 = tpu.memref_slice %arg3[%mul3A_4, %dma_wait3A_72] : memref<512x32xi32, #tpu.memory_space<hbm>> -> memref<16x32xi32, #tpu.memory_space<hbm>>
      tpu.wait_dma2 semaphore(%run_scoped3A : memref<!tpu.dma_semaphore, #tpu.memory_space<semaphore_mem>>) src(%dma_wait3A_73 : memref<16x32xi32, #tpu.memory_space<hbm>>) dst(%arg7 : memref<16x32xi32, #tpu.memory_space<vmem>>)
      tpu.yield
    }) : () -> ()
    "tpu.region"() ({
      %run_scoped3A = tpu.sem_alloc : memref<!tpu.dma_semaphore, #tpu.memory_space<semaphore_mem>>
      tpu.enqueue_dma source(%arg5 : memref<6144xi32, #tpu.memory_space<hbm>>) target(%arg12 : memref<6144xi32, #tpu.memory_space<vmem>>) target_semaphore(%run_scoped3A : memref<!tpu.dma_semaphore, #tpu.memory_space<semaphore_mem>>)
      tpu.wait_dma2 semaphore(%run_scoped3A : memref<!tpu.dma_semaphore, #tpu.memory_space<semaphore_mem>>) src(%arg5 : memref<6144xi32, #tpu.memory_space<hbm>>) dst(%arg12 : memref<6144xi32, #tpu.memory_space<vmem>>)
      tpu.yield
    }) : () -> ()
    %mul3A_5 = arith.constant 16 : i32
    %mul3A_6 = arith.muli %add3A, %mul3A_5 : i32
    %add3A_7 = arith.constant 0 : i32
    %add3A_8 = arith.addi %mul3A_6, %add3A_7 : i32
    %mul3A_9 = arith.constant 768 : i32
    %mul3A_10 = arith.muli %add3A_8, %mul3A_9 : i32
    %dma_start3A = tpu.memref_slice %arg4[%mul3A_10] : memref<393216xi32, #tpu.memory_space<hbm>> -> memref<768xi32, #tpu.memory_space<hbm>>
    %dma_start3A_11 = tpu.memref_slice %arg4[%mul3A_10] : memref<393216xi32, #tpu.memory_space<hbm>> -> memref<768xi32, #tpu.memory_space<hbm>>
    tpu.enqueue_dma source(%dma_start3A_11 : memref<768xi32, #tpu.memory_space<hbm>>) target(%arg10 : memref<768xi32, #tpu.memory_space<vmem>>) target_semaphore(%arg15 : memref<!tpu.dma_semaphore, #tpu.memory_space<semaphore_mem>>)
    %dma_start3A_12 = arith.constant 0 : i32
    %dma_start3A_13 = arith.constant 0 : i32
    %dma_start3A_14 = arith.constant 0 : i32
    %dma_start3A_15 = arith.constant 0 : i32
    %dma_start3A_16 = tpu.memref_slice %arg8[%dma_start3A_13, %dma_start3A_14, %dma_start3A_15] : memref<2x32x768xf32, #tpu.memory_space<vmem>> -> memref<1x32x768xf32, #tpu.memory_space<vmem>>
    %dma_start3A_17 = tpu.memref_squeeze %dma_start3A_16 : memref<1x32x768xf32, #tpu.memory_space<vmem>> -> memref<32x768xf32, #tpu.memory_space<vmem>>
    %dma_start3A_18 = arith.constant 0 : i32
    %dma_start3A_19 = tpu.memref_slice %arg7[%dma_start3A_12, %dma_start3A_18] : memref<16x32xi32, #tpu.memory_space<vmem>> -> memref<1x32xi32, #tpu.memory_space<vmem>>
    %dma_start3A_20 = tpu.memref_squeeze %dma_start3A_19 : memref<1x32xi32, #tpu.memory_space<vmem>> -> memref<32xi32, #tpu.memory_space<vmem>>
    %dma_start3A_21 = arith.constant 0 : i32
    %dma_start3A_22 = arith.constant 0 : i32
    %dma_start3A_23 = tpu.memref_slice %arg2[%dma_start3A_21, %dma_start3A_22] : memref<100000x768xf32, #tpu.memory_space<hbm>> -> memref<100000x768xf32, #tpu.memory_space<hbm>>
    tpu.enqueue_indirect_dma source(%dma_start3A_23 : memref<100000x768xf32, #tpu.memory_space<hbm>>) target(%dma_start3A_17 : memref<32x768xf32, #tpu.memory_space<vmem>>) offsets(%dma_start3A_20 : memref<32xi32, #tpu.memory_space<vmem>>) semaphore(%arg13 : memref<!tpu.dma_semaphore, #tpu.memory_space<semaphore_mem>>)
    %scan3A = arith.constant 0 : i32
    %scan3A_24 = arith.constant 0 : i32
    %scan3A_25 = arith.constant 8 : i32
    %scan3A_26 = arith.addi %scan3A_24, %scan3A_25 : i32
    %scan3A_27 = arith.constant 1 : i32
    scf.for %scan3A_66 = %scan3A_24 to %scan3A_26 step %scan3A_27  : i32 {
      %mul3A_67 = arith.constant 2 : i32
      %mul3A_68 = arith.muli %mul3A_67, %scan3A_66 : i32
      %add3A_69 = arith.constant 1 : i32
      %add3A_70 = arith.addi %mul3A_68, %add3A_69 : i32
      %lt3A = arith.constant 16 : i32
      %lt3A_71 = arith.cmpi slt, %add3A_70, %lt3A : i32
      %convert_element_type3A = arith.extui %lt3A_71 : i1 to i32
      %cond3A = arith.constant 0 : i32
      %cond3A_72 = arith.cmpi ne, %convert_element_type3A, %cond3A : i32
      scf.if %cond3A_72 {
        %add3A_176 = arith.constant 1 : i32
        %add3A_177 = arith.addi %mul3A_68, %add3A_176 : i32
        %mul3A_178 = arith.constant 16 : i32
        %mul3A_179 = arith.muli %add3A, %mul3A_178 : i32
        %add3A_180 = arith.addi %mul3A_179, %add3A_177 : i32
        %mul3A_181 = arith.constant 768 : i32
        %mul3A_182 = arith.muli %add3A_180, %mul3A_181 : i32
        %dma_start3A_183 = tpu.memref_slice %arg4[%mul3A_182] : memref<393216xi32, #tpu.memory_space<hbm>> -> memref<768xi32, #tpu.memory_space<hbm>>
        %dma_start3A_184 = tpu.memref_slice %arg4[%mul3A_182] : memref<393216xi32, #tpu.memory_space<hbm>> -> memref<768xi32, #tpu.memory_space<hbm>>
        tpu.enqueue_dma source(%dma_start3A_184 : memref<768xi32, #tpu.memory_space<hbm>>) target(%arg11 : memref<768xi32, #tpu.memory_space<vmem>>) target_semaphore(%arg16 : memref<!tpu.dma_semaphore, #tpu.memory_space<semaphore_mem>>)
        %dma_start3A_185 = arith.constant 1 : i32
        %dma_start3A_186 = arith.constant 0 : i32
        %dma_start3A_187 = arith.constant 0 : i32
        %dma_start3A_188 = tpu.memref_slice %arg8[%dma_start3A_185, %dma_start3A_186, %dma_start3A_187] : memref<2x32x768xf32, #tpu.memory_space<vmem>> -> memref<1x32x768xf32, #tpu.memory_space<vmem>>
        %dma_start3A_189 = tpu.memref_squeeze %dma_start3A_188 : memref<1x32x768xf32, #tpu.memory_space<vmem>> -> memref<32x768xf32, #tpu.memory_space<vmem>>
        %dma_start3A_190 = arith.constant 0 : i32
        %dma_start3A_191 = tpu.memref_slice %arg7[%add3A_177, %dma_start3A_190] : memref<16x32xi32, #tpu.memory_space<vmem>> -> memref<1x32xi32, #tpu.memory_space<vmem>>
        %dma_start3A_192 = tpu.memref_squeeze %dma_start3A_191 : memref<1x32xi32, #tpu.memory_space<vmem>> -> memref<32xi32, #tpu.memory_space<vmem>>
        %dma_start3A_193 = arith.constant 0 : i32
        %dma_start3A_194 = arith.constant 0 : i32
        %dma_start3A_195 = tpu.memref_slice %arg2[%dma_start3A_193, %dma_start3A_194] : memref<100000x768xf32, #tpu.memory_space<hbm>> -> memref<100000x768xf32, #tpu.memory_space<hbm>>
        tpu.enqueue_indirect_dma source(%dma_start3A_195 : memref<100000x768xf32, #tpu.memory_space<hbm>>) target(%dma_start3A_189 : memref<32x768xf32, #tpu.memory_space<vmem>>) offsets(%dma_start3A_192 : memref<32xi32, #tpu.memory_space<vmem>>) semaphore(%arg14 : memref<!tpu.dma_semaphore, #tpu.memory_space<semaphore_mem>>)
      } else {
      }
      %dma_wait3A_73 = arith.constant 0 : i32
      %dma_wait3A_74 = tpu.memref_slice %arg4[%dma_wait3A_73] : memref<393216xi32, #tpu.memory_space<hbm>> -> memref<768xi32, #tpu.memory_space<hbm>>
      %dma_wait3A_75 = arith.constant 0 : i32
      %dma_wait3A_76 = tpu.memref_slice %arg4[%dma_wait3A_75] : memref<393216xi32, #tpu.memory_space<hbm>> -> memref<768xi32, #tpu.memory_space<hbm>>
      tpu.wait_dma2 semaphore(%arg15 : memref<!tpu.dma_semaphore, #tpu.memory_space<semaphore_mem>>) src(%dma_wait3A_76 : memref<768xi32, #tpu.memory_space<hbm>>) dst(%arg10 : memref<768xi32, #tpu.memory_space<vmem>>)
      %dma_wait3A_77 = arith.constant 0 : i32
      %dma_wait3A_78 = arith.constant 0 : i32
      %dma_wait3A_79 = arith.constant 0 : i32
      %dma_wait3A_80 = tpu.memref_slice %arg8[%dma_wait3A_77, %dma_wait3A_78, %dma_wait3A_79] : memref<2x32x768xf32, #tpu.memory_space<vmem>> -> memref<1x32x768xf32, #tpu.memory_space<vmem>>
      %dma_wait3A_81 = tpu.memref_squeeze %dma_wait3A_80 : memref<1x32x768xf32, #tpu.memory_space<vmem>> -> memref<32x768xf32, #tpu.memory_space<vmem>>
      %dma_wait3A_82 = arith.constant 0 : i32
      %dma_wait3A_83 = arith.constant 0 : i32
      %dma_wait3A_84 = tpu.memref_slice %arg2[%dma_wait3A_82, %dma_wait3A_83] : memref<100000x768xf32, #tpu.memory_space<hbm>> -> memref<32x768xf32, #tpu.memory_space<hbm>>
      %dma_wait3A_85 = arith.constant 0 : i32
      %dma_wait3A_86 = arith.constant 0 : i32
      %dma_wait3A_87 = tpu.memref_slice %arg8[%dma_wait3A_77, %dma_wait3A_85, %dma_wait3A_86] : memref<2x32x768xf32, #tpu.memory_space<vmem>> -> memref<1x32x768xf32, #tpu.memory_space<vmem>>
      %dma_wait3A_88 = tpu.memref_squeeze %dma_wait3A_87 : memref<1x32x768xf32, #tpu.memory_space<vmem>> -> memref<32x768xf32, #tpu.memory_space<vmem>>
      %dma_wait3A_89 = arith.constant 0 : i32
      %dma_wait3A_90 = arith.constant 0 : i32
      %dma_wait3A_91 = tpu.memref_slice %arg2[%dma_wait3A_89, %dma_wait3A_90] : memref<100000x768xf32, #tpu.memory_space<hbm>> -> memref<32x768xf32, #tpu.memory_space<hbm>>
      tpu.wait_dma2 semaphore(%arg13 : memref<!tpu.dma_semaphore, #tpu.memory_space<semaphore_mem>>) src(%dma_wait3A_91 : memref<32x768xf32, #tpu.memory_space<hbm>>) dst(%dma_wait3A_88 : memref<32x768xf32, #tpu.memory_space<vmem>>)
      %ge3A = arith.constant 2 : i32
      %ge3A_92 = arith.cmpi sge, %mul3A_68, %ge3A : i32
      %convert_element_type3A_93 = arith.extui %ge3A_92 : i1 to i32
      %cond3A_94 = arith.constant 0 : i32
      %cond3A_95 = arith.cmpi ne, %convert_element_type3A_93, %cond3A_94 : i32
      scf.if %cond3A_95 {
        %dma_wait3A_176 = arith.constant 0 : i32
        %dma_wait3A_177 = arith.constant 0 : i32
        %dma_wait3A_178 = arith.constant 0 : i32
        %dma_wait3A_179 = arith.constant 0 : i32
        %dma_wait3A_180 = tpu.memref_slice %arg9[%dma_wait3A_176, %dma_wait3A_177, %dma_wait3A_178, %dma_wait3A_179] : memref<2x8x4x768xf32, #tpu.memory_space<vmem>> -> memref<1x8x4x768xf32, #tpu.memory_space<vmem>>
        %dma_wait3A_181 = tpu.memref_squeeze %dma_wait3A_180 : memref<1x8x4x768xf32, #tpu.memory_space<vmem>> -> memref<8x4x768xf32, #tpu.memory_space<vmem>>
        %dma_wait3A_182 = arith.constant 0 : i32
        %dma_wait3A_183 = arith.constant 0 : i32
        %dma_wait3A_184 = arith.constant 0 : i32
        %dma_wait3A_185 = tpu.memref_slice %arg6[%dma_wait3A_182, %dma_wait3A_183, %dma_wait3A_184] : memref<4096x4x768xf32, #tpu.memory_space<hbm>> -> memref<8x4x768xf32, #tpu.memory_space<hbm>>
        %dma_wait3A_186 = arith.constant 0 : i32
        %dma_wait3A_187 = arith.constant 0 : i32
        %dma_wait3A_188 = arith.constant 0 : i32
        %dma_wait3A_189 = tpu.memref_slice %arg9[%dma_wait3A_176, %dma_wait3A_186, %dma_wait3A_187, %dma_wait3A_188] : memref<2x8x4x768xf32, #tpu.memory_space<vmem>> -> memref<1x8x4x768xf32, #tpu.memory_space<vmem>>
        %dma_wait3A_190 = tpu.memref_squeeze %dma_wait3A_189 : memref<1x8x4x768xf32, #tpu.memory_space<vmem>> -> memref<8x4x768xf32, #tpu.memory_space<vmem>>
        %dma_wait3A_191 = arith.constant 0 : i32
        %dma_wait3A_192 = arith.constant 0 : i32
        %dma_wait3A_193 = arith.constant 0 : i32
        %dma_wait3A_194 = tpu.memref_slice %arg6[%dma_wait3A_191, %dma_wait3A_192, %dma_wait3A_193] : memref<4096x4x768xf32, #tpu.memory_space<hbm>> -> memref<8x4x768xf32, #tpu.memory_space<hbm>>
        tpu.wait_dma2 semaphore(%arg17 : memref<!tpu.dma_semaphore, #tpu.memory_space<semaphore_mem>>) src(%dma_wait3A_194 : memref<8x4x768xf32, #tpu.memory_space<hbm>>) dst(%dma_wait3A_190 : memref<8x4x768xf32, #tpu.memory_space<vmem>>)
      } else {
      }
      %parallel_loop3A = arith.constant 0 : i32
      %parallel_loop3A_96 = arith.constant 24 : i32
      %parallel_loop3A_97 = arith.constant 1 : i32
      scf.for %parallel_loop3A_176 = %parallel_loop3A to %parallel_loop3A_96 step %parallel_loop3A_97  : i32 {
        %parallel_loop3A_177 = arith.constant 16 : i32
        %parallel_loop3A_178 = arith.muli %parallel_loop3A_176, %parallel_loop3A_177 : i32
        %parallel_loop3A_179 = arith.index_cast %parallel_loop3A_178 : i32 to index
        %parallel_loop3A_180 = tpu.vector_load %arg10[%parallel_loop3A_179] {strides = array<i32>} : memref<768xi32, #tpu.memory_space<vmem>>, vector<16xi32>,
        %parallel_loop3A_181 = vector.shape_cast %parallel_loop3A_180 : vector<16xi32> to vector<16xi32>
        %parallel_loop3A_182 = arith.constant 16 : i32
        %parallel_loop3A_183 = vector.broadcast %parallel_loop3A_182 : i32 to vector<16xi32>
        %parallel_loop3A_184 = arith.shli %parallel_loop3A_181, %parallel_loop3A_183 : vector<16xi32>
        %parallel_loop3A_185 = tpu.bitcast %parallel_loop3A_184 : vector<16xi32> -> vector<16xf32>
        %parallel_loop3A_186 = arith.constant -65536 : i32
        %parallel_loop3A_187 = vector.broadcast %parallel_loop3A_186 : i32 to vector<16xi32>
        %parallel_loop3A_188 = arith.andi %parallel_loop3A_181, %parallel_loop3A_187 : vector<16xi32>
        %parallel_loop3A_189 = tpu.bitcast %parallel_loop3A_188 : vector<16xi32> -> vector<16xf32>
        %parallel_loop3A_190 = arith.constant 16 : i32
        %parallel_loop3A_191 = arith.muli %parallel_loop3A_176, %parallel_loop3A_190 : i32
        %parallel_loop3A_192 = arith.constant 384 : i32
        %parallel_loop3A_193 = arith.addi %parallel_loop3A_192, %parallel_loop3A_191 : i32
        %parallel_loop3A_194 = arith.index_cast %parallel_loop3A_193 : i32 to index
        %parallel_loop3A_195 = tpu.vector_load %arg10[%parallel_loop3A_194] {strides = array<i32>} : memref<768xi32, #tpu.memory_space<vmem>>, vector<16xi32>,
        %parallel_loop3A_196 = vector.shape_cast %parallel_loop3A_195 : vector<16xi32> to vector<16xi32>
        %parallel_loop3A_197 = arith.constant 16 : i32
        %parallel_loop3A_198 = vector.broadcast %parallel_loop3A_197 : i32 to vector<16xi32>
        %parallel_loop3A_199 = arith.shli %parallel_loop3A_196, %parallel_loop3A_198 : vector<16xi32>
        %parallel_loop3A_200 = tpu.bitcast %parallel_loop3A_199 : vector<16xi32> -> vector<16xf32>
        %parallel_loop3A_201 = arith.constant -65536 : i32
        %parallel_loop3A_202 = vector.broadcast %parallel_loop3A_201 : i32 to vector<16xi32>
        %parallel_loop3A_203 = arith.andi %parallel_loop3A_196, %parallel_loop3A_202 : vector<16xi32>
        %parallel_loop3A_204 = tpu.bitcast %parallel_loop3A_203 : vector<16xi32> -> vector<16xf32>
        %parallel_loop3A_205 = arith.constant 2 : i32
        %parallel_loop3A_206 = arith.muli %parallel_loop3A_205, %parallel_loop3A_176 : i32
        %parallel_loop3A_207 = arith.constant 16 : i32
        %parallel_loop3A_208 = arith.muli %parallel_loop3A_206, %parallel_loop3A_207 : i32
        %parallel_loop3A_209 = arith.constant 2 : i32
        %parallel_loop3A_210 = arith.muli %parallel_loop3A_209, %parallel_loop3A_176 : i32
        %parallel_loop3A_211 = arith.constant 1 : i32
        %parallel_loop3A_212 = arith.addi %parallel_loop3A_210, %parallel_loop3A_211 : i32
        %parallel_loop3A_213 = arith.constant 16 : i32
        %parallel_loop3A_214 = arith.muli %parallel_loop3A_212, %parallel_loop3A_213 : i32
        %parallel_loop3A_215 = arith.constant 16 : i32
        %parallel_loop3A_216 = arith.muli %parallel_loop3A_176, %parallel_loop3A_215 : i32
        %parallel_loop3A_217 = arith.constant 0 : i32
        %parallel_loop3A_218 = arith.addi %parallel_loop3A_217, %parallel_loop3A_216 : i32
        %parallel_loop3A_219 = arith.index_cast %parallel_loop3A_218 : i32 to index
        %parallel_loop3A_220 = tpu.vector_load %arg12[%parallel_loop3A_219] {strides = array<i32>} : memref<6144xi32, #tpu.memory_space<vmem>>, vector<16xi32>,
        %parallel_loop3A_221 = vector.shape_cast %parallel_loop3A_220 : vector<16xi32> to vector<16xi32>
        %parallel_loop3A_222 = arith.constant 3072 : i32
        %parallel_loop3A_223 = arith.addi %parallel_loop3A_222, %parallel_loop3A_218 : i32
        %parallel_loop3A_224 = arith.index_cast %parallel_loop3A_223 : i32 to index
        %parallel_loop3A_225 = tpu.vector_load %arg12[%parallel_loop3A_224] {strides = array<i32>} : memref<6144xi32, #tpu.memory_space<vmem>>, vector<16xi32>,
        %parallel_loop3A_226 = vector.shape_cast %parallel_loop3A_225 : vector<16xi32> to vector<16xi32>
        %parallel_loop3A_227 = arith.constant 0 : i32
        %parallel_loop3A_228 = arith.constant 0 : i32
        %parallel_loop3A_229 = arith.index_cast %parallel_loop3A_227 : i32 to index
        %parallel_loop3A_230 = arith.index_cast %parallel_loop3A_228 : i32 to index
        %parallel_loop3A_231 = arith.index_cast %parallel_loop3A_208 : i32 to index
        %parallel_loop3A_232 = tpu.vector_load %arg8[%parallel_loop3A_229, %parallel_loop3A_230, %parallel_loop3A_231] {strides = array<i32>} : memref<2x32x768xf32, #tpu.memory_space<vmem>>, vector<1x1x16xf32>,
        %parallel_loop3A_233 = vector.shape_cast %parallel_loop3A_232 : vector<1x1x16xf32> to vector<16xf32>
        %parallel_loop3A_234 = arith.constant 0 : i32
        %parallel_loop3A_235 = arith.constant 1 : i32
        %parallel_loop3A_236 = arith.index_cast %parallel_loop3A_234 : i32 to index
        %parallel_loop3A_237 = arith.index_cast %parallel_loop3A_235 : i32 to index
        %parallel_loop3A_238 = arith.index_cast %parallel_loop3A_208 : i32 to index
        %parallel_loop3A_239 = tpu.vector_load %arg8[%parallel_loop3A_236, %parallel_loop3A_237, %parallel_loop3A_238] {strides = array<i32>} : memref<2x32x768xf32, #tpu.memory_space<vmem>>, vector<1x1x16xf32>,
        %parallel_loop3A_240 = vector.shape_cast %parallel_loop3A_239 : vector<1x1x16xf32> to vector<16xf32>
        %parallel_loop3A_241 = arith.constant 0 : i32
        %parallel_loop3A_242 = arith.constant 2 : i32
        %parallel_loop3A_243 = arith.index_cast %parallel_loop3A_241 : i32 to index
        %parallel_loop3A_244 = arith.index_cast %parallel_loop3A_242 : i32 to index
        %parallel_loop3A_245 = arith.index_cast %parallel_loop3A_208 : i32 to index
        %parallel_loop3A_246 = tpu.vector_load %arg8[%parallel_loop3A_243, %parallel_loop3A_244, %parallel_loop3A_245] {strides = array<i32>} : memref<2x32x768xf32, #tpu.memory_space<vmem>>, vector<1x1x16xf32>,
        %parallel_loop3A_247 = vector.shape_cast %parallel_loop3A_246 : vector<1x1x16xf32> to vector<16xf32>
        %parallel_loop3A_248 = arith.constant 0 : i32
        %parallel_loop3A_249 = arith.constant 3 : i32
        %parallel_loop3A_250 = arith.index_cast %parallel_loop3A_248 : i32 to index
        %parallel_loop3A_251 = arith.index_cast %parallel_loop3A_249 : i32 to index
        %parallel_loop3A_252 = arith.index_cast %parallel_loop3A_208 : i32 to index
        %parallel_loop3A_253 = tpu.vector_load %arg8[%parallel_loop3A_250, %parallel_loop3A_251, %parallel_loop3A_252] {strides = array<i32>} : memref<2x32x768xf32, #tpu.memory_space<vmem>>, vector<1x1x16xf32>,
        %parallel_loop3A_254 = vector.shape_cast %parallel_loop3A_253 : vector<1x1x16xf32> to vector<16xf32>
        %parallel_loop3A_255 = arith.constant 0 : i32
        %parallel_loop3A_256 = arith.constant 0 : i32
        %parallel_loop3A_257 = arith.index_cast %parallel_loop3A_255 : i32 to index
        %parallel_loop3A_258 = arith.index_cast %parallel_loop3A_256 : i32 to index
        %parallel_loop3A_259 = arith.index_cast %parallel_loop3A_214 : i32 to index
        %parallel_loop3A_260 = tpu.vector_load %arg8[%parallel_loop3A_257, %parallel_loop3A_258, %parallel_loop3A_259] {strides = array<i32>} : memref<2x32x768xf32, #tpu.memory_space<vmem>>, vector<1x1x16xf32>,
        %parallel_loop3A_261 = vector.shape_cast %parallel_loop3A_260 : vector<1x1x16xf32> to vector<16xf32>
        %parallel_loop3A_262 = arith.constant 0 : i32
        %parallel_loop3A_263 = arith.constant 1 : i32
        %parallel_loop3A_264 = arith.index_cast %parallel_loop3A_262 : i32 to index
        %parallel_loop3A_265 = arith.index_cast %parallel_loop3A_263 : i32 to index
        %parallel_loop3A_266 = arith.index_cast %parallel_loop3A_214 : i32 to index
        %parallel_loop3A_267 = tpu.vector_load %arg8[%parallel_loop3A_264, %parallel_loop3A_265, %parallel_loop3A_266] {strides = array<i32>} : memref<2x32x768xf32, #tpu.memory_space<vmem>>, vector<1x1x16xf32>,
        %parallel_loop3A_268 = vector.shape_cast %parallel_loop3A_267 : vector<1x1x16xf32> to vector<16xf32>
        %parallel_loop3A_269 = arith.constant 0 : i32
        %parallel_loop3A_270 = arith.constant 2 : i32
        %parallel_loop3A_271 = arith.index_cast %parallel_loop3A_269 : i32 to index
        %parallel_loop3A_272 = arith.index_cast %parallel_loop3A_270 : i32 to index
        %parallel_loop3A_273 = arith.index_cast %parallel_loop3A_214 : i32 to index
        %parallel_loop3A_274 = tpu.vector_load %arg8[%parallel_loop3A_271, %parallel_loop3A_272, %parallel_loop3A_273] {strides = array<i32>} : memref<2x32x768xf32, #tpu.memory_space<vmem>>, vector<1x1x16xf32>,
        %parallel_loop3A_275 = vector.shape_cast %parallel_loop3A_274 : vector<1x1x16xf32> to vector<16xf32>
        %parallel_loop3A_276 = arith.constant 0 : i32
        %parallel_loop3A_277 = arith.constant 3 : i32
        %parallel_loop3A_278 = arith.index_cast %parallel_loop3A_276 : i32 to index
        %parallel_loop3A_279 = arith.index_cast %parallel_loop3A_277 : i32 to index
        %parallel_loop3A_280 = arith.index_cast %parallel_loop3A_214 : i32 to index
        %parallel_loop3A_281 = tpu.vector_load %arg8[%parallel_loop3A_278, %parallel_loop3A_279, %parallel_loop3A_280] {strides = array<i32>} : memref<2x32x768xf32, #tpu.memory_space<vmem>>, vector<1x1x16xf32>,
        %parallel_loop3A_282 = vector.shape_cast %parallel_loop3A_281 : vector<1x1x16xf32> to vector<16xf32>
        %parallel_loop3A_283 = arith.constant 16 : i32
        %parallel_loop3A_284 = arith.muli %parallel_loop3A_176, %parallel_loop3A_283 : i32
        %parallel_loop3A_285 = arith.constant 384 : i32
        %parallel_loop3A_286 = arith.addi %parallel_loop3A_285, %parallel_loop3A_284 : i32
        %parallel_loop3A_287 = arith.index_cast %parallel_loop3A_286 : i32 to index
        %parallel_loop3A_288 = tpu.vector_load %arg12[%parallel_loop3A_287] {strides = array<i32>} : memref<6144xi32, #tpu.memory_space<vmem>>, vector<16xi32>,
        %parallel_loop3A_289 = vector.shape_cast %parallel_loop3A_288 : vector<16xi32> to vector<16xi32>
        %parallel_loop3A_290 = arith.constant 3072 : i32
        %parallel_loop3A_291 = arith.addi %parallel_loop3A_290, %parallel_loop3A_286 : i32
        %parallel_loop3A_292 = arith.index_cast %parallel_loop3A_291 : i32 to index
        %parallel_loop3A_293 = tpu.vector_load %arg12[%parallel_loop3A_292] {strides = array<i32>} : memref<6144xi32, #tpu.memory_space<vmem>>, vector<16xi32>,
        %parallel_loop3A_294 = vector.shape_cast %parallel_loop3A_293 : vector<16xi32> to vector<16xi32>
        %parallel_loop3A_295 = arith.constant 0 : i32
        %parallel_loop3A_296 = arith.constant 4 : i32
        %parallel_loop3A_297 = arith.index_cast %parallel_loop3A_295 : i32 to index
        %parallel_loop3A_298 = arith.index_cast %parallel_loop3A_296 : i32 to index
        %parallel_loop3A_299 = arith.index_cast %parallel_loop3A_208 : i32 to index
        %parallel_loop3A_300 = tpu.vector_load %arg8[%parallel_loop3A_297, %parallel_loop3A_298, %parallel_loop3A_299] {strides = array<i32>} : memref<2x32x768xf32, #tpu.memory_space<vmem>>, vector<1x1x16xf32>,
        %parallel_loop3A_301 = vector.shape_cast %parallel_loop3A_300 : vector<1x1x16xf32> to vector<16xf32>
        %parallel_loop3A_302 = arith.constant 0 : i32
        %parallel_loop3A_303 = arith.constant 5 : i32
        %parallel_loop3A_304 = arith.index_cast %parallel_loop3A_302 : i32 to index
        %parallel_loop3A_305 = arith.index_cast %parallel_loop3A_303 : i32 to index
        %parallel_loop3A_306 = arith.index_cast %parallel_loop3A_208 : i32 to index
        %parallel_loop3A_307 = tpu.vector_load %arg8[%parallel_loop3A_304, %parallel_loop3A_305, %parallel_loop3A_306] {strides = array<i32>} : memref<2x32x768xf32, #tpu.memory_space<vmem>>, vector<1x1x16xf32>,
        %parallel_loop3A_308 = vector.shape_cast %parallel_loop3A_307 : vector<1x1x16xf32> to vector<16xf32>
        %parallel_loop3A_309 = arith.constant 0 : i32
        %parallel_loop3A_310 = arith.constant 6 : i32
        %parallel_loop3A_311 = arith.index_cast %parallel_loop3A_309 : i32 to index
        %parallel_loop3A_312 = arith.index_cast %parallel_loop3A_310 : i32 to index
        %parallel_loop3A_313 = arith.index_cast %parallel_loop3A_208 : i32 to index
        %parallel_loop3A_314 = tpu.vector_load %arg8[%parallel_loop3A_311, %parallel_loop3A_312, %parallel_loop3A_313] {strides = array<i32>} : memref<2x32x768xf32, #tpu.memory_space<vmem>>, vector<1x1x16xf32>,
        %parallel_loop3A_315 = vector.shape_cast %parallel_loop3A_314 : vector<1x1x16xf32> to vector<16xf32>
        %parallel_loop3A_316 = arith.constant 0 : i32
        %parallel_loop3A_317 = arith.constant 7 : i32
        %parallel_loop3A_318 = arith.index_cast %parallel_loop3A_316 : i32 to index
        %parallel_loop3A_319 = arith.index_cast %parallel_loop3A_317 : i32 to index
        %parallel_loop3A_320 = arith.index_cast %parallel_loop3A_208 : i32 to index
        %parallel_loop3A_321 = tpu.vector_load %arg8[%parallel_loop3A_318, %parallel_loop3A_319, %parallel_loop3A_320] {strides = array<i32>} : memref<2x32x768xf32, #tpu.memory_space<vmem>>, vector<1x1x16xf32>,
        %parallel_loop3A_322 = vector.shape_cast %parallel_loop3A_321 : vector<1x1x16xf32> to vector<16xf32>
        %parallel_loop3A_323 = arith.constant 0 : i32
        %parallel_loop3A_324 = arith.constant 4 : i32
        %parallel_loop3A_325 = arith.index_cast %parallel_loop3A_323 : i32 to index
        %parallel_loop3A_326 = arith.index_cast %parallel_loop3A_324 : i32 to index
        %parallel_loop3A_327 = arith.index_cast %parallel_loop3A_214 : i32 to index
        %parallel_loop3A_328 = tpu.vector_load %arg8[%parallel_loop3A_325, %parallel_loop3A_326, %parallel_loop3A_327] {strides = array<i32>} : memref<2x32x768xf32, #tpu.memory_space<vmem>>, vector<1x1x16xf32>,
        %parallel_loop3A_329 = vector.shape_cast %parallel_loop3A_328 : vector<1x1x16xf32> to vector<16xf32>
        %parallel_loop3A_330 = arith.constant 0 : i32
        %parallel_loop3A_331 = arith.constant 5 : i32
        %parallel_loop3A_332 = arith.index_cast %parallel_loop3A_330 : i32 to index
        %parallel_loop3A_333 = arith.index_cast %parallel_loop3A_331 : i32 to index
        %parallel_loop3A_334 = arith.index_cast %parallel_loop3A_214 : i32 to index
        %parallel_loop3A_335 = tpu.vector_load %arg8[%parallel_loop3A_332, %parallel_loop3A_333, %parallel_loop3A_334] {strides = array<i32>} : memref<2x32x768xf32, #tpu.memory_space<vmem>>, vector<1x1x16xf32>,
        %parallel_loop3A_336 = vector.shape_cast %parallel_loop3A_335 : vector<1x1x16xf32> to vector<16xf32>
        %parallel_loop3A_337 = arith.constant 0 : i32
        %parallel_loop3A_338 = arith.constant 6 : i32
        %parallel_loop3A_339 = arith.index_cast %parallel_loop3A_337 : i32 to index
        %parallel_loop3A_340 = arith.index_cast %parallel_loop3A_338 : i32 to index
        %parallel_loop3A_341 = arith.index_cast %parallel_loop3A_214 : i32 to index
        %parallel_loop3A_342 = tpu.vector_load %arg8[%parallel_loop3A_339, %parallel_loop3A_340, %parallel_loop3A_341] {strides = array<i32>} : memref<2x32x768xf32, #tpu.memory_space<vmem>>, vector<1x1x16xf32>,
        %parallel_loop3A_343 = vector.shape_cast %parallel_loop3A_342 : vector<1x1x16xf32> to vector<16xf32>
        %parallel_loop3A_344 = arith.constant 0 : i32
        %parallel_loop3A_345 = arith.constant 7 : i32
        %parallel_loop3A_346 = arith.index_cast %parallel_loop3A_344 : i32 to index
        %parallel_loop3A_347 = arith.index_cast %parallel_loop3A_345 : i32 to index
        %parallel_loop3A_348 = arith.index_cast %parallel_loop3A_214 : i32 to index
        %parallel_loop3A_349 = tpu.vector_load %arg8[%parallel_loop3A_346, %parallel_loop3A_347, %parallel_loop3A_348] {strides = array<i32>} : memref<2x32x768xf32, #tpu.memory_space<vmem>>, vector<1x1x16xf32>,
        %parallel_loop3A_350 = vector.shape_cast %parallel_loop3A_349 : vector<1x1x16xf32> to vector<16xf32>
        %parallel_loop3A_351 = arith.constant 16 : i32
        %parallel_loop3A_352 = arith.muli %parallel_loop3A_176, %parallel_loop3A_351 : i32
        %parallel_loop3A_353 = arith.constant 768 : i32
        %parallel_loop3A_354 = arith.addi %parallel_loop3A_353, %parallel_loop3A_352 : i32
        %parallel_loop3A_355 = arith.index_cast %parallel_loop3A_354 : i32 to index
        %parallel_loop3A_356 = tpu.vector_load %arg12[%parallel_loop3A_355] {strides = array<i32>} : memref<6144xi32, #tpu.memory_space<vmem>>, vector<16xi32>,
        %parallel_loop3A_357 = vector.shape_cast %parallel_loop3A_356 : vector<16xi32> to vector<16xi32>
        %parallel_loop3A_358 = arith.constant 3072 : i32
        %parallel_loop3A_359 = arith.addi %parallel_loop3A_358, %parallel_loop3A_354 : i32
        %parallel_loop3A_360 = arith.index_cast %parallel_loop3A_359 : i32 to index
        %parallel_loop3A_361 = tpu.vector_load %arg12[%parallel_loop3A_360] {strides = array<i32>} : memref<6144xi32, #tpu.memory_space<vmem>>, vector<16xi32>,
        %parallel_loop3A_362 = vector.shape_cast %parallel_loop3A_361 : vector<16xi32> to vector<16xi32>
        %parallel_loop3A_363 = arith.constant 0 : i32
        %parallel_loop3A_364 = arith.constant 8 : i32
        %parallel_loop3A_365 = arith.index_cast %parallel_loop3A_363 : i32 to index
        %parallel_loop3A_366 = arith.index_cast %parallel_loop3A_364 : i32 to index
        %parallel_loop3A_367 = arith.index_cast %parallel_loop3A_208 : i32 to index
        %parallel_loop3A_368 = tpu.vector_load %arg8[%parallel_loop3A_365, %parallel_loop3A_366, %parallel_loop3A_367] {strides = array<i32>} : memref<2x32x768xf32, #tpu.memory_space<vmem>>, vector<1x1x16xf32>,
        %parallel_loop3A_369 = vector.shape_cast %parallel_loop3A_368 : vector<1x1x16xf32> to vector<16xf32>
        %parallel_loop3A_370 = arith.constant 0 : i32
        %parallel_loop3A_371 = arith.constant 9 : i32
        %parallel_loop3A_372 = arith.index_cast %parallel_loop3A_370 : i32 to index
        %parallel_loop3A_373 = arith.index_cast %parallel_loop3A_371 : i32 to index
        %parallel_loop3A_374 = arith.index_cast %parallel_loop3A_208 : i32 to index
        %parallel_loop3A_375 = tpu.vector_load %arg8[%parallel_loop3A_372, %parallel_loop3A_373, %parallel_loop3A_374] {strides = array<i32>} : memref<2x32x768xf32, #tpu.memory_space<vmem>>, vector<1x1x16xf32>,
        %parallel_loop3A_376 = vector.shape_cast %parallel_loop3A_375 : vector<1x1x16xf32> to vector<16xf32>
        %parallel_loop3A_377 = arith.constant 0 : i32
        %parallel_loop3A_378 = arith.constant 10 : i32
        %parallel_loop3A_379 = arith.index_cast %parallel_loop3A_377 : i32 to index
        %parallel_loop3A_380 = arith.index_cast %parallel_loop3A_378 : i32 to index
        %parallel_loop3A_381 = arith.index_cast %parallel_loop3A_208 : i32 to index
        %parallel_loop3A_382 = tpu.vector_load %arg8[%parallel_loop3A_379, %parallel_loop3A_380, %parallel_loop3A_381] {strides = array<i32>} : memref<2x32x768xf32, #tpu.memory_space<vmem>>, vector<1x1x16xf32>,
        %parallel_loop3A_383 = vector.shape_cast %parallel_loop3A_382 : vector<1x1x16xf32> to vector<16xf32>
        %parallel_loop3A_384 = arith.constant 0 : i32
        %parallel_loop3A_385 = arith.constant 11 : i32
        %parallel_loop3A_386 = arith.index_cast %parallel_loop3A_384 : i32 to index
        %parallel_loop3A_387 = arith.index_cast %parallel_loop3A_385 : i32 to index
        %parallel_loop3A_388 = arith.index_cast %parallel_loop3A_208 : i32 to index
        %parallel_loop3A_389 = tpu.vector_load %arg8[%parallel_loop3A_386, %parallel_loop3A_387, %parallel_loop3A_388] {strides = array<i32>} : memref<2x32x768xf32, #tpu.memory_space<vmem>>, vector<1x1x16xf32>,
        %parallel_loop3A_390 = vector.shape_cast %parallel_loop3A_389 : vector<1x1x16xf32> to vector<16xf32>
        %parallel_loop3A_391 = arith.constant 0 : i32
        %parallel_loop3A_392 = arith.constant 8 : i32
        %parallel_loop3A_393 = arith.index_cast %parallel_loop3A_391 : i32 to index
        %parallel_loop3A_394 = arith.index_cast %parallel_loop3A_392 : i32 to index
        %parallel_loop3A_395 = arith.index_cast %parallel_loop3A_214 : i32 to index
        %parallel_loop3A_396 = tpu.vector_load %arg8[%parallel_loop3A_393, %parallel_loop3A_394, %parallel_loop3A_395] {strides = array<i32>} : memref<2x32x768xf32, #tpu.memory_space<vmem>>, vector<1x1x16xf32>,
        %parallel_loop3A_397 = vector.shape_cast %parallel_loop3A_396 : vector<1x1x16xf32> to vector<16xf32>
        %parallel_loop3A_398 = arith.constant 0 : i32
        %parallel_loop3A_399 = arith.constant 9 : i32
        %parallel_loop3A_400 = arith.index_cast %parallel_loop3A_398 : i32 to index
        %parallel_loop3A_401 = arith.index_cast %parallel_loop3A_399 : i32 to index
        %parallel_loop3A_402 = arith.index_cast %parallel_loop3A_214 : i32 to index
        %parallel_loop3A_403 = tpu.vector_load %arg8[%parallel_loop3A_400, %parallel_loop3A_401, %parallel_loop3A_402] {strides = array<i32>} : memref<2x32x768xf32, #tpu.memory_space<vmem>>, vector<1x1x16xf32>,
        %parallel_loop3A_404 = vector.shape_cast %parallel_loop3A_403 : vector<1x1x16xf32> to vector<16xf32>
        %parallel_loop3A_405 = arith.constant 0 : i32
        %parallel_loop3A_406 = arith.constant 10 : i32
        %parallel_loop3A_407 = arith.index_cast %parallel_loop3A_405 : i32 to index
        %parallel_loop3A_408 = arith.index_cast %parallel_loop3A_406 : i32 to index
        %parallel_loop3A_409 = arith.index_cast %parallel_loop3A_214 : i32 to index
        %parallel_loop3A_410 = tpu.vector_load %arg8[%parallel_loop3A_407, %parallel_loop3A_408, %parallel_loop3A_409] {strides = array<i32>} : memref<2x32x768xf32, #tpu.memory_space<vmem>>, vector<1x1x16xf32>,
        %parallel_loop3A_411 = vector.shape_cast %parallel_loop3A_410 : vector<1x1x16xf32> to vector<16xf32>
        %parallel_loop3A_412 = arith.constant 0 : i32
        %parallel_loop3A_413 = arith.constant 11 : i32
        %parallel_loop3A_414 = arith.index_cast %parallel_loop3A_412 : i32 to index
        %parallel_loop3A_415 = arith.index_cast %parallel_loop3A_413 : i32 to index
        %parallel_loop3A_416 = arith.index_cast %parallel_loop3A_214 : i32 to index
        %parallel_loop3A_417 = tpu.vector_load %arg8[%parallel_loop3A_414, %parallel_loop3A_415, %parallel_loop3A_416] {strides = array<i32>} : memref<2x32x768xf32, #tpu.memory_space<vmem>>, vector<1x1x16xf32>,
        %parallel_loop3A_418 = vector.shape_cast %parallel_loop3A_417 : vector<1x1x16xf32> to vector<16xf32>
        %parallel_loop3A_419 = arith.constant 16 : i32
        %parallel_loop3A_420 = vector.broadcast %parallel_loop3A_419 : i32 to vector<16xi32>
        %parallel_loop3A_421 = arith.shli %parallel_loop3A_221, %parallel_loop3A_420 : vector<16xi32>
        %parallel_loop3A_422 = tpu.bitcast %parallel_loop3A_421 : vector<16xi32> -> vector<16xf32>
        %parallel_loop3A_423 = arith.constant -65536 : i32
        %parallel_loop3A_424 = vector.broadcast %parallel_loop3A_423 : i32 to vector<16xi32>
        %parallel_loop3A_425 = arith.andi %parallel_loop3A_221, %parallel_loop3A_424 : vector<16xi32>
        %parallel_loop3A_426 = tpu.bitcast %parallel_loop3A_425 : vector<16xi32> -> vector<16xf32>
        %parallel_loop3A_427 = arith.constant 16 : i32
        %parallel_loop3A_428 = vector.broadcast %parallel_loop3A_427 : i32 to vector<16xi32>
        %parallel_loop3A_429 = arith.shli %parallel_loop3A_226, %parallel_loop3A_428 : vector<16xi32>
        %parallel_loop3A_430 = tpu.bitcast %parallel_loop3A_429 : vector<16xi32> -> vector<16xf32>
        %parallel_loop3A_431 = arith.constant -65536 : i32
        %parallel_loop3A_432 = vector.broadcast %parallel_loop3A_431 : i32 to vector<16xi32>
        %parallel_loop3A_433 = arith.andi %parallel_loop3A_226, %parallel_loop3A_432 : vector<16xi32>
        %parallel_loop3A_434 = tpu.bitcast %parallel_loop3A_433 : vector<16xi32> -> vector<16xf32>
        %parallel_loop3A_435 = arith.mulf %parallel_loop3A_185, %parallel_loop3A_422 : vector<16xf32>
        %parallel_loop3A_436 = arith.mulf %parallel_loop3A_200, %parallel_loop3A_430 : vector<16xf32>
        %parallel_loop3A_437 = arith.addf %parallel_loop3A_435, %parallel_loop3A_436 : vector<16xf32>
        %parallel_loop3A_438 = arith.mulf %parallel_loop3A_189, %parallel_loop3A_426 : vector<16xf32>
        %parallel_loop3A_439 = arith.mulf %parallel_loop3A_204, %parallel_loop3A_434 : vector<16xf32>
        %parallel_loop3A_440 = arith.addf %parallel_loop3A_438, %parallel_loop3A_439 : vector<16xf32>
        %parallel_loop3A_441 = arith.constant 27.7128124 : f32
        %parallel_loop3A_442 = vector.broadcast %parallel_loop3A_441 : f32 to vector<16xf32>
        %parallel_loop3A_443 = arith.mulf %parallel_loop3A_233, %parallel_loop3A_442 : vector<16xf32>
        %parallel_loop3A_444 = arith.addf %parallel_loop3A_443, %parallel_loop3A_437 : vector<16xf32>
        %parallel_loop3A_445 = arith.constant 0 : i32
        %parallel_loop3A_446 = arith.constant 0 : i32
        %parallel_loop3A_447 = arith.constant 0 : i32
        %parallel_loop3A_448 = arith.index_cast %parallel_loop3A_445 : i32 to index
        %parallel_loop3A_449 = arith.index_cast %parallel_loop3A_446 : i32 to index
        %parallel_loop3A_450 = arith.index_cast %parallel_loop3A_447 : i32 to index
        %parallel_loop3A_451 = arith.index_cast %parallel_loop3A_208 : i32 to index
        %parallel_loop3A_452 = tpu.vector_load %arg9[%parallel_loop3A_448, %parallel_loop3A_449, %parallel_loop3A_450, %parallel_loop3A_451] {strides = array<i32>} : memref<2x8x4x768xf32, #tpu.memory_space<vmem>>, vector<1x1x1x16xf32>,
        %parallel_loop3A_453 = vector.shape_cast %parallel_loop3A_452 : vector<1x1x1x16xf32> to vector<16xf32>
        %parallel_loop3A_454 = vector.shape_cast %parallel_loop3A_444 : vector<16xf32> to vector<1x1x1x16xf32>
        tpu.vector_store %arg9[%parallel_loop3A_448, %parallel_loop3A_449, %parallel_loop3A_450, %parallel_loop3A_451], %parallel_loop3A_454 {strides = array<i32>} : memref<2x8x4x768xf32, #tpu.memory_space<vmem>>, vector<1x1x1x16xf32>,
        %parallel_loop3A_455 = arith.constant 27.7128124 : f32
        %parallel_loop3A_456 = vector.broadcast %parallel_loop3A_455 : f32 to vector<16xf32>
        %parallel_loop3A_457 = arith.mulf %parallel_loop3A_261, %parallel_loop3A_456 : vector<16xf32>
        %parallel_loop3A_458 = arith.addf %parallel_loop3A_457, %parallel_loop3A_440 : vector<16xf32>
        %parallel_loop3A_459 = arith.constant 0 : i32
        %parallel_loop3A_460 = arith.constant 0 : i32
        %parallel_loop3A_461 = arith.constant 0 : i32
        %parallel_loop3A_462 = arith.index_cast %parallel_loop3A_459 : i32 to index
        %parallel_loop3A_463 = arith.index_cast %parallel_loop3A_460 : i32 to index
        %parallel_loop3A_464 = arith.index_cast %parallel_loop3A_461 : i32 to index
        %parallel_loop3A_465 = arith.index_cast %parallel_loop3A_214 : i32 to index
        %parallel_loop3A_466 = tpu.vector_load %arg9[%parallel_loop3A_462, %parallel_loop3A_463, %parallel_loop3A_464, %parallel_loop3A_465] {strides = array<i32>} : memref<2x8x4x768xf32, #tpu.memory_space<vmem>>, vector<1x1x1x16xf32>,
        %parallel_loop3A_467 = vector.shape_cast %parallel_loop3A_466 : vector<1x1x1x16xf32> to vector<16xf32>
        %parallel_loop3A_468 = vector.shape_cast %parallel_loop3A_458 : vector<16xf32> to vector<1x1x1x16xf32>
        tpu.vector_store %arg9[%parallel_loop3A_462, %parallel_loop3A_463, %parallel_loop3A_464, %parallel_loop3A_465], %parallel_loop3A_468 {strides = array<i32>} : memref<2x8x4x768xf32, #tpu.memory_space<vmem>>, vector<1x1x1x16xf32>,
        %parallel_loop3A_469 = arith.constant 27.7128124 : f32
        %parallel_loop3A_470 = vector.broadcast %parallel_loop3A_469 : f32 to vector<16xf32>
        %parallel_loop3A_471 = arith.mulf %parallel_loop3A_240, %parallel_loop3A_470 : vector<16xf32>
        %parallel_loop3A_472 = arith.addf %parallel_loop3A_471, %parallel_loop3A_437 : vector<16xf32>
        %parallel_loop3A_473 = arith.constant 0 : i32
        %parallel_loop3A_474 = arith.constant 0 : i32
        %parallel_loop3A_475 = arith.constant 1 : i32
        %parallel_loop3A_476 = arith.index_cast %parallel_loop3A_473 : i32 to index
        %parallel_loop3A_477 = arith.index_cast %parallel_loop3A_474 : i32 to index
        %parallel_loop3A_478 = arith.index_cast %parallel_loop3A_475 : i32 to index
        %parallel_loop3A_479 = arith.index_cast %parallel_loop3A_208 : i32 to index
        %parallel_loop3A_480 = tpu.vector_load %arg9[%parallel_loop3A_476, %parallel_loop3A_477, %parallel_loop3A_478, %parallel_loop3A_479] {strides = array<i32>} : memref<2x8x4x768xf32, #tpu.memory_space<vmem>>, vector<1x1x1x16xf32>,
        %parallel_loop3A_481 = vector.shape_cast %parallel_loop3A_480 : vector<1x1x1x16xf32> to vector<16xf32>
        %parallel_loop3A_482 = vector.shape_cast %parallel_loop3A_472 : vector<16xf32> to vector<1x1x1x16xf32>
        tpu.vector_store %arg9[%parallel_loop3A_476, %parallel_loop3A_477, %parallel_loop3A_478, %parallel_loop3A_479], %parallel_loop3A_482 {strides = array<i32>} : memref<2x8x4x768xf32, #tpu.memory_space<vmem>>, vector<1x1x1x16xf32>,
        %parallel_loop3A_483 = arith.constant 27.7128124 : f32
        %parallel_loop3A_484 = vector.broadcast %parallel_loop3A_483 : f32 to vector<16xf32>
        %parallel_loop3A_485 = arith.mulf %parallel_loop3A_268, %parallel_loop3A_484 : vector<16xf32>
        %parallel_loop3A_486 = arith.addf %parallel_loop3A_485, %parallel_loop3A_440 : vector<16xf32>
        %parallel_loop3A_487 = arith.constant 0 : i32
        %parallel_loop3A_488 = arith.constant 0 : i32
        %parallel_loop3A_489 = arith.constant 1 : i32
        %parallel_loop3A_490 = arith.index_cast %parallel_loop3A_487 : i32 to index
        %parallel_loop3A_491 = arith.index_cast %parallel_loop3A_488 : i32 to index
        %parallel_loop3A_492 = arith.index_cast %parallel_loop3A_489 : i32 to index
        %parallel_loop3A_493 = arith.index_cast %parallel_loop3A_214 : i32 to index
        %parallel_loop3A_494 = tpu.vector_load %arg9[%parallel_loop3A_490, %parallel_loop3A_491, %parallel_loop3A_492, %parallel_loop3A_493] {strides = array<i32>} : memref<2x8x4x768xf32, #tpu.memory_space<vmem>>, vector<1x1x1x16xf32>,
        %parallel_loop3A_495 = vector.shape_cast %parallel_loop3A_494 : vector<1x1x1x16xf32> to vector<16xf32>
        %parallel_loop3A_496 = vector.shape_cast %parallel_loop3A_486 : vector<16xf32> to vector<1x1x1x16xf32>
        tpu.vector_store %arg9[%parallel_loop3A_490, %parallel_loop3A_491, %parallel_loop3A_492, %parallel_loop3A_493], %parallel_loop3A_496 {strides = array<i32>} : memref<2x8x4x768xf32, #tpu.memory_space<vmem>>, vector<1x1x1x16xf32>,
        %parallel_loop3A_497 = arith.constant 27.7128124 : f32
        %parallel_loop3A_498 = vector.broadcast %parallel_loop3A_497 : f32 to vector<16xf32>
        %parallel_loop3A_499 = arith.mulf %parallel_loop3A_247, %parallel_loop3A_498 : vector<16xf32>
        %parallel_loop3A_500 = arith.addf %parallel_loop3A_499, %parallel_loop3A_437 : vector<16xf32>
        %parallel_loop3A_501 = arith.constant 0 : i32
        %parallel_loop3A_502 = arith.constant 0 : i32
        %parallel_loop3A_503 = arith.constant 2 : i32
        %parallel_loop3A_504 = arith.index_cast %parallel_loop3A_501 : i32 to index
        %parallel_loop3A_505 = arith.index_cast %parallel_loop3A_502 : i32 to index
        %parallel_loop3A_506 = arith.index_cast %parallel_loop3A_503 : i32 to index
        %parallel_loop3A_507 = arith.index_cast %parallel_loop3A_208 : i32 to index
        %parallel_loop3A_508 = tpu.vector_load %arg9[%parallel_loop3A_504, %parallel_loop3A_505, %parallel_loop3A_506, %parallel_loop3A_507] {strides = array<i32>} : memref<2x8x4x768xf32, #tpu.memory_space<vmem>>, vector<1x1x1x16xf32>,
        %parallel_loop3A_509 = vector.shape_cast %parallel_loop3A_508 : vector<1x1x1x16xf32> to vector<16xf32>
        %parallel_loop3A_510 = vector.shape_cast %parallel_loop3A_500 : vector<16xf32> to vector<1x1x1x16xf32>
        tpu.vector_store %arg9[%parallel_loop3A_504, %parallel_loop3A_505, %parallel_loop3A_506, %parallel_loop3A_507], %parallel_loop3A_510 {strides = array<i32>} : memref<2x8x4x768xf32, #tpu.memory_space<vmem>>, vector<1x1x1x16xf32>,
        %parallel_loop3A_511 = arith.constant 27.7128124 : f32
        %parallel_loop3A_512 = vector.broadcast %parallel_loop3A_511 : f32 to vector<16xf32>
        %parallel_loop3A_513 = arith.mulf %parallel_loop3A_275, %parallel_loop3A_512 : vector<16xf32>
        %parallel_loop3A_514 = arith.addf %parallel_loop3A_513, %parallel_loop3A_440 : vector<16xf32>
        %parallel_loop3A_515 = arith.constant 0 : i32
        %parallel_loop3A_516 = arith.constant 0 : i32
        %parallel_loop3A_517 = arith.constant 2 : i32
        %parallel_loop3A_518 = arith.index_cast %parallel_loop3A_515 : i32 to index
        %parallel_loop3A_519 = arith.index_cast %parallel_loop3A_516 : i32 to index
        %parallel_loop3A_520 = arith.index_cast %parallel_loop3A_517 : i32 to index
        %parallel_loop3A_521 = arith.index_cast %parallel_loop3A_214 : i32 to index
        %parallel_loop3A_522 = tpu.vector_load %arg9[%parallel_loop3A_518, %parallel_loop3A_519, %parallel_loop3A_520, %parallel_loop3A_521] {strides = array<i32>} : memref<2x8x4x768xf32, #tpu.memory_space<vmem>>, vector<1x1x1x16xf32>,
        %parallel_loop3A_523 = vector.shape_cast %parallel_loop3A_522 : vector<1x1x1x16xf32> to vector<16xf32>
        %parallel_loop3A_524 = vector.shape_cast %parallel_loop3A_514 : vector<16xf32> to vector<1x1x1x16xf32>
        tpu.vector_store %arg9[%parallel_loop3A_518, %parallel_loop3A_519, %parallel_loop3A_520, %parallel_loop3A_521], %parallel_loop3A_524 {strides = array<i32>} : memref<2x8x4x768xf32, #tpu.memory_space<vmem>>, vector<1x1x1x16xf32>,
        %parallel_loop3A_525 = arith.constant 27.7128124 : f32
        %parallel_loop3A_526 = vector.broadcast %parallel_loop3A_525 : f32 to vector<16xf32>
        %parallel_loop3A_527 = arith.mulf %parallel_loop3A_254, %parallel_loop3A_526 : vector<16xf32>
        %parallel_loop3A_528 = arith.addf %parallel_loop3A_527, %parallel_loop3A_437 : vector<16xf32>
        %parallel_loop3A_529 = arith.constant 0 : i32
        %parallel_loop3A_530 = arith.constant 0 : i32
        %parallel_loop3A_531 = arith.constant 3 : i32
        %parallel_loop3A_532 = arith.index_cast %parallel_loop3A_529 : i32 to index
        %parallel_loop3A_533 = arith.index_cast %parallel_loop3A_530 : i32 to index
        %parallel_loop3A_534 = arith.index_cast %parallel_loop3A_531 : i32 to index
        %parallel_loop3A_535 = arith.index_cast %parallel_loop3A_208 : i32 to index
        %parallel_loop3A_536 = tpu.vector_load %arg9[%parallel_loop3A_532, %parallel_loop3A_533, %parallel_loop3A_534, %parallel_loop3A_535] {strides = array<i32>} : memref<2x8x4x768xf32, #tpu.memory_space<vmem>>, vector<1x1x1x16xf32>,
        %parallel_loop3A_537 = vector.shape_cast %parallel_loop3A_536 : vector<1x1x1x16xf32> to vector<16xf32>
        %parallel_loop3A_538 = vector.shape_cast %parallel_loop3A_528 : vector<16xf32> to vector<1x1x1x16xf32>
        tpu.vector_store %arg9[%parallel_loop3A_532, %parallel_loop3A_533, %parallel_loop3A_534, %parallel_loop3A_535], %parallel_loop3A_538 {strides = array<i32>} : memref<2x8x4x768xf32, #tpu.memory_space<vmem>>, vector<1x1x1x16xf32>,
        %parallel_loop3A_539 = arith.constant 27.7128124 : f32
        %parallel_loop3A_540 = vector.broadcast %parallel_loop3A_539 : f32 to vector<16xf32>
        %parallel_loop3A_541 = arith.mulf %parallel_loop3A_282, %parallel_loop3A_540 : vector<16xf32>
        %parallel_loop3A_542 = arith.addf %parallel_loop3A_541, %parallel_loop3A_440 : vector<16xf32>
        %parallel_loop3A_543 = arith.constant 0 : i32
        %parallel_loop3A_544 = arith.constant 0 : i32
        %parallel_loop3A_545 = arith.constant 3 : i32
        %parallel_loop3A_546 = arith.index_cast %parallel_loop3A_543 : i32 to index
        %parallel_loop3A_547 = arith.index_cast %parallel_loop3A_544 : i32 to index
        %parallel_loop3A_548 = arith.index_cast %parallel_loop3A_545 : i32 to index
        %parallel_loop3A_549 = arith.index_cast %parallel_loop3A_214 : i32 to index
        %parallel_loop3A_550 = tpu.vector_load %arg9[%parallel_loop3A_546, %parallel_loop3A_547, %parallel_loop3A_548, %parallel_loop3A_549] {strides = array<i32>} : memref<2x8x4x768xf32, #tpu.memory_space<vmem>>, vector<1x1x1x16xf32>,
        %parallel_loop3A_551 = vector.shape_cast %parallel_loop3A_550 : vector<1x1x1x16xf32> to vector<16xf32>
        %parallel_loop3A_552 = vector.shape_cast %parallel_loop3A_542 : vector<16xf32> to vector<1x1x1x16xf32>
        tpu.vector_store %arg9[%parallel_loop3A_546, %parallel_loop3A_547, %parallel_loop3A_548, %parallel_loop3A_549], %parallel_loop3A_552 {strides = array<i32>} : memref<2x8x4x768xf32, #tpu.memory_space<vmem>>, vector<1x1x1x16xf32>,
        %parallel_loop3A_553 = arith.constant 16 : i32
        %parallel_loop3A_554 = arith.muli %parallel_loop3A_176, %parallel_loop3A_553 : i32
        %parallel_loop3A_555 = arith.constant 1152 : i32
        %parallel_loop3A_556 = arith.addi %parallel_loop3A_555, %parallel_loop3A_554 : i32
        %parallel_loop3A_557 = arith.index_cast %parallel_loop3A_556 : i32 to index
        %parallel_loop3A_558 = tpu.vector_load %arg12[%parallel_loop3A_557] {strides = array<i32>} : memref<6144xi32, #tpu.memory_space<vmem>>, vector<16xi32>,
        %parallel_loop3A_559 = vector.shape_cast %parallel_loop3A_558 : vector<16xi32> to vector<16xi32>
        %parallel_loop3A_560 = arith.constant 3072 : i32
        %parallel_loop3A_561 = arith.addi %parallel_loop3A_560, %parallel_loop3A_556 : i32
        %parallel_loop3A_562 = arith.index_cast %parallel_loop3A_561 : i32 to index
        %parallel_loop3A_563 = tpu.vector_load %arg12[%parallel_loop3A_562] {strides = array<i32>} : memref<6144xi32, #tpu.memory_space<vmem>>, vector<16xi32>,
        %parallel_loop3A_564 = vector.shape_cast %parallel_loop3A_563 : vector<16xi32> to vector<16xi32>
        %parallel_loop3A_565 = arith.constant 0 : i32
        %parallel_loop3A_566 = arith.constant 12 : i32
        %parallel_loop3A_567 = arith.index_cast %parallel_loop3A_565 : i32 to index
        %parallel_loop3A_568 = arith.index_cast %parallel_loop3A_566 : i32 to index
        %parallel_loop3A_569 = arith.index_cast %parallel_loop3A_208 : i32 to index
        %parallel_loop3A_570 = tpu.vector_load %arg8[%parallel_loop3A_567, %parallel_loop3A_568, %parallel_loop3A_569] {strides = array<i32>} : memref<2x32x768xf32, #tpu.memory_space<vmem>>, vector<1x1x16xf32>,
        %parallel_loop3A_571 = vector.shape_cast %parallel_loop3A_570 : vector<1x1x16xf32> to vector<16xf32>
        %parallel_loop3A_572 = arith.constant 0 : i32
        %parallel_loop3A_573 = arith.constant 13 : i32
        %parallel_loop3A_574 = arith.index_cast %parallel_loop3A_572 : i32 to index
        %parallel_loop3A_575 = arith.index_cast %parallel_loop3A_573 : i32 to index
        %parallel_loop3A_576 = arith.index_cast %parallel_loop3A_208 : i32 to index
        %parallel_loop3A_577 = tpu.vector_load %arg8[%parallel_loop3A_574, %parallel_loop3A_575, %parallel_loop3A_576] {strides = array<i32>} : memref<2x32x768xf32, #tpu.memory_space<vmem>>, vector<1x1x16xf32>,
        %parallel_loop3A_578 = vector.shape_cast %parallel_loop3A_577 : vector<1x1x16xf32> to vector<16xf32>
        %parallel_loop3A_579 = arith.constant 0 : i32
        %parallel_loop3A_580 = arith.constant 14 : i32
        %parallel_loop3A_581 = arith.index_cast %parallel_loop3A_579 : i32 to index
        %parallel_loop3A_582 = arith.index_cast %parallel_loop3A_580 : i32 to index
        %parallel_loop3A_583 = arith.index_cast %parallel_loop3A_208 : i32 to index
        %parallel_loop3A_584 = tpu.vector_load %arg8[%parallel_loop3A_581, %parallel_loop3A_582, %parallel_loop3A_583] {strides = array<i32>} : memref<2x32x768xf32, #tpu.memory_space<vmem>>, vector<1x1x16xf32>,
        %parallel_loop3A_585 = vector.shape_cast %parallel_loop3A_584 : vector<1x1x16xf32> to vector<16xf32>
        %parallel_loop3A_586 = arith.constant 0 : i32
        %parallel_loop3A_587 = arith.constant 15 : i32
        %parallel_loop3A_588 = arith.index_cast %parallel_loop3A_586 : i32 to index
        %parallel_loop3A_589 = arith.index_cast %parallel_loop3A_587 : i32 to index
        %parallel_loop3A_590 = arith.index_cast %parallel_loop3A_208 : i32 to index
        %parallel_loop3A_591 = tpu.vector_load %arg8[%parallel_loop3A_588, %parallel_loop3A_589, %parallel_loop3A_590] {strides = array<i32>} : memref<2x32x768xf32, #tpu.memory_space<vmem>>, vector<1x1x16xf32>,
        %parallel_loop3A_592 = vector.shape_cast %parallel_loop3A_591 : vector<1x1x16xf32> to vector<16xf32>
        %parallel_loop3A_593 = arith.constant 0 : i32
        %parallel_loop3A_594 = arith.constant 12 : i32
        %parallel_loop3A_595 = arith.index_cast %parallel_loop3A_593 : i32 to index
        %parallel_loop3A_596 = arith.index_cast %parallel_loop3A_594 : i32 to index
        %parallel_loop3A_597 = arith.index_cast %parallel_loop3A_214 : i32 to index
        %parallel_loop3A_598 = tpu.vector_load %arg8[%parallel_loop3A_595, %parallel_loop3A_596, %parallel_loop3A_597] {strides = array<i32>} : memref<2x32x768xf32, #tpu.memory_space<vmem>>, vector<1x1x16xf32>,
        %parallel_loop3A_599 = vector.shape_cast %parallel_loop3A_598 : vector<1x1x16xf32> to vector<16xf32>
        %parallel_loop3A_600 = arith.constant 0 : i32
        %parallel_loop3A_601 = arith.constant 13 : i32
        %parallel_loop3A_602 = arith.index_cast %parallel_loop3A_600 : i32 to index
        %parallel_loop3A_603 = arith.index_cast %parallel_loop3A_601 : i32 to index
        %parallel_loop3A_604 = arith.index_cast %parallel_loop3A_214 : i32 to index
        %parallel_loop3A_605 = tpu.vector_load %arg8[%parallel_loop3A_602, %parallel_loop3A_603, %parallel_loop3A_604] {strides = array<i32>} : memref<2x32x768xf32, #tpu.memory_space<vmem>>, vector<1x1x16xf32>,
        %parallel_loop3A_606 = vector.shape_cast %parallel_loop3A_605 : vector<1x1x16xf32> to vector<16xf32>
        %parallel_loop3A_607 = arith.constant 0 : i32
        %parallel_loop3A_608 = arith.constant 14 : i32
        %parallel_loop3A_609 = arith.index_cast %parallel_loop3A_607 : i32 to index
        %parallel_loop3A_610 = arith.index_cast %parallel_loop3A_608 : i32 to index
        %parallel_loop3A_611 = arith.index_cast %parallel_loop3A_214 : i32 to index
        %parallel_loop3A_612 = tpu.vector_load %arg8[%parallel_loop3A_609, %parallel_loop3A_610, %parallel_loop3A_611] {strides = array<i32>} : memref<2x32x768xf32, #tpu.memory_space<vmem>>, vector<1x1x16xf32>,
        %parallel_loop3A_613 = vector.shape_cast %parallel_loop3A_612 : vector<1x1x16xf32> to vector<16xf32>
        %parallel_loop3A_614 = arith.constant 0 : i32
        %parallel_loop3A_615 = arith.constant 15 : i32
        %parallel_loop3A_616 = arith.index_cast %parallel_loop3A_614 : i32 to index
        %parallel_loop3A_617 = arith.index_cast %parallel_loop3A_615 : i32 to index
        %parallel_loop3A_618 = arith.index_cast %parallel_loop3A_214 : i32 to index
        %parallel_loop3A_619 = tpu.vector_load %arg8[%parallel_loop3A_616, %parallel_loop3A_617, %parallel_loop3A_618] {strides = array<i32>} : memref<2x32x768xf32, #tpu.memory_space<vmem>>, vector<1x1x16xf32>,
        %parallel_loop3A_620 = vector.shape_cast %parallel_loop3A_619 : vector<1x1x16xf32> to vector<16xf32>
        %parallel_loop3A_621 = arith.constant 16 : i32
        %parallel_loop3A_622 = vector.broadcast %parallel_loop3A_621 : i32 to vector<16xi32>
        %parallel_loop3A_623 = arith.shli %parallel_loop3A_289, %parallel_loop3A_622 : vector<16xi32>
        %parallel_loop3A_624 = tpu.bitcast %parallel_loop3A_623 : vector<16xi32> -> vector<16xf32>
        %parallel_loop3A_625 = arith.constant -65536 : i32
        %parallel_loop3A_626 = vector.broadcast %parallel_loop3A_625 : i32 to vector<16xi32>
        %parallel_loop3A_627 = arith.andi %parallel_loop3A_289, %parallel_loop3A_626 : vector<16xi32>
        %parallel_loop3A_628 = tpu.bitcast %parallel_loop3A_627 : vector<16xi32> -> vector<16xf32>
        %parallel_loop3A_629 = arith.constant 16 : i32
        %parallel_loop3A_630 = vector.broadcast %parallel_loop3A_629 : i32 to vector<16xi32>
        %parallel_loop3A_631 = arith.shli %parallel_loop3A_294, %parallel_loop3A_630 : vector<16xi32>
        %parallel_loop3A_632 = tpu.bitcast %parallel_loop3A_631 : vector<16xi32> -> vector<16xf32>
        %parallel_loop3A_633 = arith.constant -65536 : i32
        %parallel_loop3A_634 = vector.broadcast %parallel_loop3A_633 : i32 to vector<16xi32>
        %parallel_loop3A_635 = arith.andi %parallel_loop3A_294, %parallel_loop3A_634 : vector<16xi32>
        %parallel_loop3A_636 = tpu.bitcast %parallel_loop3A_635 : vector<16xi32> -> vector<16xf32>
        %parallel_loop3A_637 = arith.mulf %parallel_loop3A_185, %parallel_loop3A_624 : vector<16xf32>
        %parallel_loop3A_638 = arith.mulf %parallel_loop3A_200, %parallel_loop3A_632 : vector<16xf32>
        %parallel_loop3A_639 = arith.addf %parallel_loop3A_637, %parallel_loop3A_638 : vector<16xf32>
        %parallel_loop3A_640 = arith.mulf %parallel_loop3A_189, %parallel_loop3A_628 : vector<16xf32>
        %parallel_loop3A_641 = arith.mulf %parallel_loop3A_204, %parallel_loop3A_636 : vector<16xf32>
        %parallel_loop3A_642 = arith.addf %parallel_loop3A_640, %parallel_loop3A_641 : vector<16xf32>
        %parallel_loop3A_643 = arith.constant 27.7128124 : f32
        %parallel_loop3A_644 = vector.broadcast %parallel_loop3A_643 : f32 to vector<16xf32>
        %parallel_loop3A_645 = arith.mulf %parallel_loop3A_301, %parallel_loop3A_644 : vector<16xf32>
        %parallel_loop3A_646 = arith.addf %parallel_loop3A_645, %parallel_loop3A_639 : vector<16xf32>
        %parallel_loop3A_647 = arith.constant 0 : i32
        %parallel_loop3A_648 = arith.constant 1 : i32
        %parallel_loop3A_649 = arith.constant 0 : i32
        %parallel_loop3A_650 = arith.index_cast %parallel_loop3A_647 : i32 to index
        %parallel_loop3A_651 = arith.index_cast %parallel_loop3A_648 : i32 to index
        %parallel_loop3A_652 = arith.index_cast %parallel_loop3A_649 : i32 to index
        %parallel_loop3A_653 = arith.index_cast %parallel_loop3A_208 : i32 to index
        %parallel_loop3A_654 = tpu.vector_load %arg9[%parallel_loop3A_650, %parallel_loop3A_651, %parallel_loop3A_652, %parallel_loop3A_653] {strides = array<i32>} : memref<2x8x4x768xf32, #tpu.memory_space<vmem>>, vector<1x1x1x16xf32>,
        %parallel_loop3A_655 = vector.shape_cast %parallel_loop3A_654 : vector<1x1x1x16xf32> to vector<16xf32>
        %parallel_loop3A_656 = vector.shape_cast %parallel_loop3A_646 : vector<16xf32> to vector<1x1x1x16xf32>
        tpu.vector_store %arg9[%parallel_loop3A_650, %parallel_loop3A_651, %parallel_loop3A_652, %parallel_loop3A_653], %parallel_loop3A_656 {strides = array<i32>} : memref<2x8x4x768xf32, #tpu.memory_space<vmem>>, vector<1x1x1x16xf32>,
        %parallel_loop3A_657 = arith.constant 27.7128124 : f32
        %parallel_loop3A_658 = vector.broadcast %parallel_loop3A_657 : f32 to vector<16xf32>
        %parallel_loop3A_659 = arith.mulf %parallel_loop3A_329, %parallel_loop3A_658 : vector<16xf32>
        %parallel_loop3A_660 = arith.addf %parallel_loop3A_659, %parallel_loop3A_642 : vector<16xf32>
        %parallel_loop3A_661 = arith.constant 0 : i32
        %parallel_loop3A_662 = arith.constant 1 : i32
        %parallel_loop3A_663 = arith.constant 0 : i32
        %parallel_loop3A_664 = arith.index_cast %parallel_loop3A_661 : i32 to index
        %parallel_loop3A_665 = arith.index_cast %parallel_loop3A_662 : i32 to index
        %parallel_loop3A_666 = arith.index_cast %parallel_loop3A_663 : i32 to index
        %parallel_loop3A_667 = arith.index_cast %parallel_loop3A_214 : i32 to index
        %parallel_loop3A_668 = tpu.vector_load %arg9[%parallel_loop3A_664, %parallel_loop3A_665, %parallel_loop3A_666, %parallel_loop3A_667] {strides = array<i32>} : memref<2x8x4x768xf32, #tpu.memory_space<vmem>>, vector<1x1x1x16xf32>,
        %parallel_loop3A_669 = vector.shape_cast %parallel_loop3A_668 : vector<1x1x1x16xf32> to vector<16xf32>
        %parallel_loop3A_670 = vector.shape_cast %parallel_loop3A_660 : vector<16xf32> to vector<1x1x1x16xf32>
        tpu.vector_store %arg9[%parallel_loop3A_664, %parallel_loop3A_665, %parallel_loop3A_666, %parallel_loop3A_667], %parallel_loop3A_670 {strides = array<i32>} : memref<2x8x4x768xf32, #tpu.memory_space<vmem>>, vector<1x1x1x16xf32>,
        %parallel_loop3A_671 = arith.constant 27.7128124 : f32
        %parallel_loop3A_672 = vector.broadcast %parallel_loop3A_671 : f32 to vector<16xf32>
        %parallel_loop3A_673 = arith.mulf %parallel_loop3A_308, %parallel_loop3A_672 : vector<16xf32>
        %parallel_loop3A_674 = arith.addf %parallel_loop3A_673, %parallel_loop3A_639 : vector<16xf32>
        %parallel_loop3A_675 = arith.constant 0 : i32
        %parallel_loop3A_676 = arith.constant 1 : i32
        %parallel_loop3A_677 = arith.constant 1 : i32
        %parallel_loop3A_678 = arith.index_cast %parallel_loop3A_675 : i32 to index
        %parallel_loop3A_679 = arith.index_cast %parallel_loop3A_676 : i32 to index
        %parallel_loop3A_680 = arith.index_cast %parallel_loop3A_677 : i32 to index
        %parallel_loop3A_681 = arith.index_cast %parallel_loop3A_208 : i32 to index
        %parallel_loop3A_682 = tpu.vector_load %arg9[%parallel_loop3A_678, %parallel_loop3A_679, %parallel_loop3A_680, %parallel_loop3A_681] {strides = array<i32>} : memref<2x8x4x768xf32, #tpu.memory_space<vmem>>, vector<1x1x1x16xf32>,
        %parallel_loop3A_683 = vector.shape_cast %parallel_loop3A_682 : vector<1x1x1x16xf32> to vector<16xf32>
        %parallel_loop3A_684 = vector.shape_cast %parallel_loop3A_674 : vector<16xf32> to vector<1x1x1x16xf32>
        tpu.vector_store %arg9[%parallel_loop3A_678, %parallel_loop3A_679, %parallel_loop3A_680, %parallel_loop3A_681], %parallel_loop3A_684 {strides = array<i32>} : memref<2x8x4x768xf32, #tpu.memory_space<vmem>>, vector<1x1x1x16xf32>,
        %parallel_loop3A_685 = arith.constant 27.7128124 : f32
        %parallel_loop3A_686 = vector.broadcast %parallel_loop3A_685 : f32 to vector<16xf32>
        %parallel_loop3A_687 = arith.mulf %parallel_loop3A_336, %parallel_loop3A_686 : vector<16xf32>
        %parallel_loop3A_688 = arith.addf %parallel_loop3A_687, %parallel_loop3A_642 : vector<16xf32>
        %parallel_loop3A_689 = arith.constant 0 : i32
        %parallel_loop3A_690 = arith.constant 1 : i32
        %parallel_loop3A_691 = arith.constant 1 : i32
        %parallel_loop3A_692 = arith.index_cast %parallel_loop3A_689 : i32 to index
        %parallel_loop3A_693 = arith.index_cast %parallel_loop3A_690 : i32 to index
        %parallel_loop3A_694 = arith.index_cast %parallel_loop3A_691 : i32 to index
        %parallel_loop3A_695 = arith.index_cast %parallel_loop3A_214 : i32 to index
        %parallel_loop3A_696 = tpu.vector_load %arg9[%parallel_loop3A_692, %parallel_loop3A_693, %parallel_loop3A_694, %parallel_loop3A_695] {strides = array<i32>} : memref<2x8x4x768xf32, #tpu.memory_space<vmem>>, vector<1x1x1x16xf32>,
        %parallel_loop3A_697 = vector.shape_cast %parallel_loop3A_696 : vector<1x1x1x16xf32> to vector<16xf32>
        %parallel_loop3A_698 = vector.shape_cast %parallel_loop3A_688 : vector<16xf32> to vector<1x1x1x16xf32>
        tpu.vector_store %arg9[%parallel_loop3A_692, %parallel_loop3A_693, %parallel_loop3A_694, %parallel_loop3A_695], %parallel_loop3A_698 {strides = array<i32>} : memref<2x8x4x768xf32, #tpu.memory_space<vmem>>, vector<1x1x1x16xf32>,
        %parallel_loop3A_699 = arith.constant 27.7128124 : f32
        %parallel_loop3A_700 = vector.broadcast %parallel_loop3A_699 : f32 to vector<16xf32>
        %parallel_loop3A_701 = arith.mulf %parallel_loop3A_315, %parallel_loop3A_700 : vector<16xf32>
        %parallel_loop3A_702 = arith.addf %parallel_loop3A_701, %parallel_loop3A_639 : vector<16xf32>
        %parallel_loop3A_703 = arith.constant 0 : i32
        %parallel_loop3A_704 = arith.constant 1 : i32
        %parallel_loop3A_705 = arith.constant 2 : i32
        %parallel_loop3A_706 = arith.index_cast %parallel_loop3A_703 : i32 to index
        %parallel_loop3A_707 = arith.index_cast %parallel_loop3A_704 : i32 to index
        %parallel_loop3A_708 = arith.index_cast %parallel_loop3A_705 : i32 to index
        %parallel_loop3A_709 = arith.index_cast %parallel_loop3A_208 : i32 to index
        %parallel_loop3A_710 = tpu.vector_load %arg9[%parallel_loop3A_706, %parallel_loop3A_707, %parallel_loop3A_708, %parallel_loop3A_709] {strides = array<i32>} : memref<2x8x4x768xf32, #tpu.memory_space<vmem>>, vector<1x1x1x16xf32>,
        %parallel_loop3A_711 = vector.shape_cast %parallel_loop3A_710 : vector<1x1x1x16xf32> to vector<16xf32>
        %parallel_loop3A_712 = vector.shape_cast %parallel_loop3A_702 : vector<16xf32> to vector<1x1x1x16xf32>
        tpu.vector_store %arg9[%parallel_loop3A_706, %parallel_loop3A_707, %parallel_loop3A_708, %parallel_loop3A_709], %parallel_loop3A_712 {strides = array<i32>} : memref<2x8x4x768xf32, #tpu.memory_space<vmem>>, vector<1x1x1x16xf32>,
        %parallel_loop3A_713 = arith.constant 27.7128124 : f32
        %parallel_loop3A_714 = vector.broadcast %parallel_loop3A_713 : f32 to vector<16xf32>
        %parallel_loop3A_715 = arith.mulf %parallel_loop3A_343, %parallel_loop3A_714 : vector<16xf32>
        %parallel_loop3A_716 = arith.addf %parallel_loop3A_715, %parallel_loop3A_642 : vector<16xf32>
        %parallel_loop3A_717 = arith.constant 0 : i32
        %parallel_loop3A_718 = arith.constant 1 : i32
        %parallel_loop3A_719 = arith.constant 2 : i32
        %parallel_loop3A_720 = arith.index_cast %parallel_loop3A_717 : i32 to index
        %parallel_loop3A_721 = arith.index_cast %parallel_loop3A_718 : i32 to index
        %parallel_loop3A_722 = arith.index_cast %parallel_loop3A_719 : i32 to index
        %parallel_loop3A_723 = arith.index_cast %parallel_loop3A_214 : i32 to index
        %parallel_loop3A_724 = tpu.vector_load %arg9[%parallel_loop3A_720, %parallel_loop3A_721, %parallel_loop3A_722, %parallel_loop3A_723] {strides = array<i32>} : memref<2x8x4x768xf32, #tpu.memory_space<vmem>>, vector<1x1x1x16xf32>,
        %parallel_loop3A_725 = vector.shape_cast %parallel_loop3A_724 : vector<1x1x1x16xf32> to vector<16xf32>
        %parallel_loop3A_726 = vector.shape_cast %parallel_loop3A_716 : vector<16xf32> to vector<1x1x1x16xf32>
        tpu.vector_store %arg9[%parallel_loop3A_720, %parallel_loop3A_721, %parallel_loop3A_722, %parallel_loop3A_723], %parallel_loop3A_726 {strides = array<i32>} : memref<2x8x4x768xf32, #tpu.memory_space<vmem>>, vector<1x1x1x16xf32>,
        %parallel_loop3A_727 = arith.constant 27.7128124 : f32
        %parallel_loop3A_728 = vector.broadcast %parallel_loop3A_727 : f32 to vector<16xf32>
        %parallel_loop3A_729 = arith.mulf %parallel_loop3A_322, %parallel_loop3A_728 : vector<16xf32>
        %parallel_loop3A_730 = arith.addf %parallel_loop3A_729, %parallel_loop3A_639 : vector<16xf32>
        %parallel_loop3A_731 = arith.constant 0 : i32
        %parallel_loop3A_732 = arith.constant 1 : i32
        %parallel_loop3A_733 = arith.constant 3 : i32
        %parallel_loop3A_734 = arith.index_cast %parallel_loop3A_731 : i32 to index
        %parallel_loop3A_735 = arith.index_cast %parallel_loop3A_732 : i32 to index
        %parallel_loop3A_736 = arith.index_cast %parallel_loop3A_733 : i32 to index
        %parallel_loop3A_737 = arith.index_cast %parallel_loop3A_208 : i32 to index
        %parallel_loop3A_738 = tpu.vector_load %arg9[%parallel_loop3A_734, %parallel_loop3A_735, %parallel_loop3A_736, %parallel_loop3A_737] {strides = array<i32>} : memref<2x8x4x768xf32, #tpu.memory_space<vmem>>, vector<1x1x1x16xf32>,
        %parallel_loop3A_739 = vector.shape_cast %parallel_loop3A_738 : vector<1x1x1x16xf32> to vector<16xf32>
        %parallel_loop3A_740 = vector.shape_cast %parallel_loop3A_730 : vector<16xf32> to vector<1x1x1x16xf32>
        tpu.vector_store %arg9[%parallel_loop3A_734, %parallel_loop3A_735, %parallel_loop3A_736, %parallel_loop3A_737], %parallel_loop3A_740 {strides = array<i32>} : memref<2x8x4x768xf32, #tpu.memory_space<vmem>>, vector<1x1x1x16xf32>,
        %parallel_loop3A_741 = arith.constant 27.7128124 : f32
        %parallel_loop3A_742 = vector.broadcast %parallel_loop3A_741 : f32 to vector<16xf32>
        %parallel_loop3A_743 = arith.mulf %parallel_loop3A_350, %parallel_loop3A_742 : vector<16xf32>
        %parallel_loop3A_744 = arith.addf %parallel_loop3A_743, %parallel_loop3A_642 : vector<16xf32>
        %parallel_loop3A_745 = arith.constant 0 : i32
        %parallel_loop3A_746 = arith.constant 1 : i32
        %parallel_loop3A_747 = arith.constant 3 : i32
        %parallel_loop3A_748 = arith.index_cast %parallel_loop3A_745 : i32 to index
        %parallel_loop3A_749 = arith.index_cast %parallel_loop3A_746 : i32 to index
        %parallel_loop3A_750 = arith.index_cast %parallel_loop3A_747 : i32 to index
        %parallel_loop3A_751 = arith.index_cast %parallel_loop3A_214 : i32 to index
        %parallel_loop3A_752 = tpu.vector_load %arg9[%parallel_loop3A_748, %parallel_loop3A_749, %parallel_loop3A_750, %parallel_loop3A_751] {strides = array<i32>} : memref<2x8x4x768xf32, #tpu.memory_space<vmem>>, vector<1x1x1x16xf32>,
        %parallel_loop3A_753 = vector.shape_cast %parallel_loop3A_752 : vector<1x1x1x16xf32> to vector<16xf32>
        %parallel_loop3A_754 = vector.shape_cast %parallel_loop3A_744 : vector<16xf32> to vector<1x1x1x16xf32>
        tpu.vector_store %arg9[%parallel_loop3A_748, %parallel_loop3A_749, %parallel_loop3A_750, %parallel_loop3A_751], %parallel_loop3A_754 {strides = array<i32>} : memref<2x8x4x768xf32, #tpu.memory_space<vmem>>, vector<1x1x1x16xf32>,
        %parallel_loop3A_755 = arith.constant 16 : i32
        %parallel_loop3A_756 = arith.muli %parallel_loop3A_176, %parallel_loop3A_755 : i32
        %parallel_loop3A_757 = arith.constant 1536 : i32
        %parallel_loop3A_758 = arith.addi %parallel_loop3A_757, %parallel_loop3A_756 : i32
        %parallel_loop3A_759 = arith.index_cast %parallel_loop3A_758 : i32 to index
        %parallel_loop3A_760 = tpu.vector_load %arg12[%parallel_loop3A_759] {strides = array<i32>} : memref<6144xi32, #tpu.memory_space<vmem>>, vector<16xi32>,
        %parallel_loop3A_761 = vector.shape_cast %parallel_loop3A_760 : vector<16xi32> to vector<16xi32>
        %parallel_loop3A_762 = arith.constant 3072 : i32
        %parallel_loop3A_763 = arith.addi %parallel_loop3A_762, %parallel_loop3A_758 : i32
        %parallel_loop3A_764 = arith.index_cast %parallel_loop3A_763 : i32 to index
        %parallel_loop3A_765 = tpu.vector_load %arg12[%parallel_loop3A_764] {strides = array<i32>} : memref<6144xi32, #tpu.memory_space<vmem>>, vector<16xi32>,
        %parallel_loop3A_766 = vector.shape_cast %parallel_loop3A_765 : vector<16xi32> to vector<16xi32>
        %parallel_loop3A_767 = arith.constant 0 : i32
        %parallel_loop3A_768 = arith.constant 16 : i32
        %parallel_loop3A_769 = arith.index_cast %parallel_loop3A_767 : i32 to index
        %parallel_loop3A_770 = arith.index_cast %parallel_loop3A_768 : i32 to index
        %parallel_loop3A_771 = arith.index_cast %parallel_loop3A_208 : i32 to index
        %parallel_loop3A_772 = tpu.vector_load %arg8[%parallel_loop3A_769, %parallel_loop3A_770, %parallel_loop3A_771] {strides = array<i32>} : memref<2x32x768xf32, #tpu.memory_space<vmem>>, vector<1x1x16xf32>,
        %parallel_loop3A_773 = vector.shape_cast %parallel_loop3A_772 : vector<1x1x16xf32> to vector<16xf32>
        %parallel_loop3A_774 = arith.constant 0 : i32
        %parallel_loop3A_775 = arith.constant 17 : i32
        %parallel_loop3A_776 = arith.index_cast %parallel_loop3A_774 : i32 to index
        %parallel_loop3A_777 = arith.index_cast %parallel_loop3A_775 : i32 to index
        %parallel_loop3A_778 = arith.index_cast %parallel_loop3A_208 : i32 to index
        %parallel_loop3A_779 = tpu.vector_load %arg8[%parallel_loop3A_776, %parallel_loop3A_777, %parallel_loop3A_778] {strides = array<i32>} : memref<2x32x768xf32, #tpu.memory_space<vmem>>, vector<1x1x16xf32>,
        %parallel_loop3A_780 = vector.shape_cast %parallel_loop3A_779 : vector<1x1x16xf32> to vector<16xf32>
        %parallel_loop3A_781 = arith.constant 0 : i32
        %parallel_loop3A_782 = arith.constant 18 : i32
        %parallel_loop3A_783 = arith.index_cast %parallel_loop3A_781 : i32 to index
        %parallel_loop3A_784 = arith.index_cast %parallel_loop3A_782 : i32 to index
        %parallel_loop3A_785 = arith.index_cast %parallel_loop3A_208 : i32 to index
        %parallel_loop3A_786 = tpu.vector_load %arg8[%parallel_loop3A_783, %parallel_loop3A_784, %parallel_loop3A_785] {strides = array<i32>} : memref<2x32x768xf32, #tpu.memory_space<vmem>>, vector<1x1x16xf32>,
        %parallel_loop3A_787 = vector.shape_cast %parallel_loop3A_786 : vector<1x1x16xf32> to vector<16xf32>
        %parallel_loop3A_788 = arith.constant 0 : i32
        %parallel_loop3A_789 = arith.constant 19 : i32
        %parallel_loop3A_790 = arith.index_cast %parallel_loop3A_788 : i32 to index
        %parallel_loop3A_791 = arith.index_cast %parallel_loop3A_789 : i32 to index
        %parallel_loop3A_792 = arith.index_cast %parallel_loop3A_208 : i32 to index
        %parallel_loop3A_793 = tpu.vector_load %arg8[%parallel_loop3A_790, %parallel_loop3A_791, %parallel_loop3A_792] {strides = array<i32>} : memref<2x32x768xf32, #tpu.memory_space<vmem>>, vector<1x1x16xf32>,
        %parallel_loop3A_794 = vector.shape_cast %parallel_loop3A_793 : vector<1x1x16xf32> to vector<16xf32>
        %parallel_loop3A_795 = arith.constant 0 : i32
        %parallel_loop3A_796 = arith.constant 16 : i32
        %parallel_loop3A_797 = arith.index_cast %parallel_loop3A_795 : i32 to index
        %parallel_loop3A_798 = arith.index_cast %parallel_loop3A_796 : i32 to index
        %parallel_loop3A_799 = arith.index_cast %parallel_loop3A_214 : i32 to index
        %parallel_loop3A_800 = tpu.vector_load %arg8[%parallel_loop3A_797, %parallel_loop3A_798, %parallel_loop3A_799] {strides = array<i32>} : memref<2x32x768xf32, #tpu.memory_space<vmem>>, vector<1x1x16xf32>,
        %parallel_loop3A_801 = vector.shape_cast %parallel_loop3A_800 : vector<1x1x16xf32> to vector<16xf32>
        %parallel_loop3A_802 = arith.constant 0 : i32
        %parallel_loop3A_803 = arith.constant 17 : i32
        %parallel_loop3A_804 = arith.index_cast %parallel_loop3A_802 : i32 to index
        %parallel_loop3A_805 = arith.index_cast %parallel_loop3A_803 : i32 to index
        %parallel_loop3A_806 = arith.index_cast %parallel_loop3A_214 : i32 to index
        %parallel_loop3A_807 = tpu.vector_load %arg8[%parallel_loop3A_804, %parallel_loop3A_805, %parallel_loop3A_806] {strides = array<i32>} : memref<2x32x768xf32, #tpu.memory_space<vmem>>, vector<1x1x16xf32>,
        %parallel_loop3A_808 = vector.shape_cast %parallel_loop3A_807 : vector<1x1x16xf32> to vector<16xf32>
        %parallel_loop3A_809 = arith.constant 0 : i32
        %parallel_loop3A_810 = arith.constant 18 : i32
        %parallel_loop3A_811 = arith.index_cast %parallel_loop3A_809 : i32 to index
        %parallel_loop3A_812 = arith.index_cast %parallel_loop3A_810 : i32 to index
        %parallel_loop3A_813 = arith.index_cast %parallel_loop3A_214 : i32 to index
        %parallel_loop3A_814 = tpu.vector_load %arg8[%parallel_loop3A_811, %parallel_loop3A_812, %parallel_loop3A_813] {strides = array<i32>} : memref<2x32x768xf32, #tpu.memory_space<vmem>>, vector<1x1x16xf32>,
        %parallel_loop3A_815 = vector.shape_cast %parallel_loop3A_814 : vector<1x1x16xf32> to vector<16xf32>
        %parallel_loop3A_816 = arith.constant 0 : i32
        %parallel_loop3A_817 = arith.constant 19 : i32
        %parallel_loop3A_818 = arith.index_cast %parallel_loop3A_816 : i32 to index
        %parallel_loop3A_819 = arith.index_cast %parallel_loop3A_817 : i32 to index
        %parallel_loop3A_820 = arith.index_cast %parallel_loop3A_214 : i32 to index
        %parallel_loop3A_821 = tpu.vector_load %arg8[%parallel_loop3A_818, %parallel_loop3A_819, %parallel_loop3A_820] {strides = array<i32>} : memref<2x32x768xf32, #tpu.memory_space<vmem>>, vector<1x1x16xf32>,
        %parallel_loop3A_822 = vector.shape_cast %parallel_loop3A_821 : vector<1x1x16xf32> to vector<16xf32>
        %parallel_loop3A_823 = arith.constant 16 : i32
        %parallel_loop3A_824 = vector.broadcast %parallel_loop3A_823 : i32 to vector<16xi32>
        %parallel_loop3A_825 = arith.shli %parallel_loop3A_357, %parallel_loop3A_824 : vector<16xi32>
        %parallel_loop3A_826 = tpu.bitcast %parallel_loop3A_825 : vector<16xi32> -> vector<16xf32>
        %parallel_loop3A_827 = arith.constant -65536 : i32
        %parallel_loop3A_828 = vector.broadcast %parallel_loop3A_827 : i32 to vector<16xi32>
        %parallel_loop3A_829 = arith.andi %parallel_loop3A_357, %parallel_loop3A_828 : vector<16xi32>
        %parallel_loop3A_830 = tpu.bitcast %parallel_loop3A_829 : vector<16xi32> -> vector<16xf32>
        %parallel_loop3A_831 = arith.constant 16 : i32
        %parallel_loop3A_832 = vector.broadcast %parallel_loop3A_831 : i32 to vector<16xi32>
        %parallel_loop3A_833 = arith.shli %parallel_loop3A_362, %parallel_loop3A_832 : vector<16xi32>
        %parallel_loop3A_834 = tpu.bitcast %parallel_loop3A_833 : vector<16xi32> -> vector<16xf32>
        %parallel_loop3A_835 = arith.constant -65536 : i32
        %parallel_loop3A_836 = vector.broadcast %parallel_loop3A_835 : i32 to vector<16xi32>
        %parallel_loop3A_837 = arith.andi %parallel_loop3A_362, %parallel_loop3A_836 : vector<16xi32>
        %parallel_loop3A_838 = tpu.bitcast %parallel_loop3A_837 : vector<16xi32> -> vector<16xf32>
        %parallel_loop3A_839 = arith.mulf %parallel_loop3A_185, %parallel_loop3A_826 : vector<16xf32>
        %parallel_loop3A_840 = arith.mulf %parallel_loop3A_200, %parallel_loop3A_834 : vector<16xf32>
        %parallel_loop3A_841 = arith.addf %parallel_loop3A_839, %parallel_loop3A_840 : vector<16xf32>
        %parallel_loop3A_842 = arith.mulf %parallel_loop3A_189, %parallel_loop3A_830 : vector<16xf32>
        %parallel_loop3A_843 = arith.mulf %parallel_loop3A_204, %parallel_loop3A_838 : vector<16xf32>
        %parallel_loop3A_844 = arith.addf %parallel_loop3A_842, %parallel_loop3A_843 : vector<16xf32>
        %parallel_loop3A_845 = arith.constant 27.7128124 : f32
        %parallel_loop3A_846 = vector.broadcast %parallel_loop3A_845 : f32 to vector<16xf32>
        %parallel_loop3A_847 = arith.mulf %parallel_loop3A_369, %parallel_loop3A_846 : vector<16xf32>
        %parallel_loop3A_848 = arith.addf %parallel_loop3A_847, %parallel_loop3A_841 : vector<16xf32>
        %parallel_loop3A_849 = arith.constant 0 : i32
        %parallel_loop3A_850 = arith.constant 2 : i32
        %parallel_loop3A_851 = arith.constant 0 : i32
        %parallel_loop3A_852 = arith.index_cast %parallel_loop3A_849 : i32 to index
        %parallel_loop3A_853 = arith.index_cast %parallel_loop3A_850 : i32 to index
        %parallel_loop3A_854 = arith.index_cast %parallel_loop3A_851 : i32 to index
        %parallel_loop3A_855 = arith.index_cast %parallel_loop3A_208 : i32 to index
        %parallel_loop3A_856 = tpu.vector_load %arg9[%parallel_loop3A_852, %parallel_loop3A_853, %parallel_loop3A_854, %parallel_loop3A_855] {strides = array<i32>} : memref<2x8x4x768xf32, #tpu.memory_space<vmem>>, vector<1x1x1x16xf32>,
        %parallel_loop3A_857 = vector.shape_cast %parallel_loop3A_856 : vector<1x1x1x16xf32> to vector<16xf32>
        %parallel_loop3A_858 = vector.shape_cast %parallel_loop3A_848 : vector<16xf32> to vector<1x1x1x16xf32>
        tpu.vector_store %arg9[%parallel_loop3A_852, %parallel_loop3A_853, %parallel_loop3A_854, %parallel_loop3A_855], %parallel_loop3A_858 {strides = array<i32>} : memref<2x8x4x768xf32, #tpu.memory_space<vmem>>, vector<1x1x1x16xf32>,
        %parallel_loop3A_859 = arith.constant 27.7128124 : f32
        %parallel_loop3A_860 = vector.broadcast %parallel_loop3A_859 : f32 to vector<16xf32>
        %parallel_loop3A_861 = arith.mulf %parallel_loop3A_397, %parallel_loop3A_860 : vector<16xf32>
        %parallel_loop3A_862 = arith.addf %parallel_loop3A_861, %parallel_loop3A_844 : vector<16xf32>
        %parallel_loop3A_863 = arith.constant 0 : i32
        %parallel_loop3A_864 = arith.constant 2 : i32
        %parallel_loop3A_865 = arith.constant 0 : i32
        %parallel_loop3A_866 = arith.index_cast %parallel_loop3A_863 : i32 to index
        %parallel_loop3A_867 = arith.index_cast %parallel_loop3A_864 : i32 to index
        %parallel_loop3A_868 = arith.index_cast %parallel_loop3A_865 : i32 to index
        %parallel_loop3A_869 = arith.index_cast %parallel_loop3A_214 : i32 to index
        %parallel_loop3A_870 = tpu.vector_load %arg9[%parallel_loop3A_866, %parallel_loop3A_867, %parallel_loop3A_868, %parallel_loop3A_869] {strides = array<i32>} : memref<2x8x4x768xf32, #tpu.memory_space<vmem>>, vector<1x1x1x16xf32>,
        %parallel_loop3A_871 = vector.shape_cast %parallel_loop3A_870 : vector<1x1x1x16xf32> to vector<16xf32>
        %parallel_loop3A_872 = vector.shape_cast %parallel_loop3A_862 : vector<16xf32> to vector<1x1x1x16xf32>
        tpu.vector_store %arg9[%parallel_loop3A_866, %parallel_loop3A_867, %parallel_loop3A_868, %parallel_loop3A_869], %parallel_loop3A_872 {strides = array<i32>} : memref<2x8x4x768xf32, #tpu.memory_space<vmem>>, vector<1x1x1x16xf32>,
        %parallel_loop3A_873 = arith.constant 27.7128124 : f32
        %parallel_loop3A_874 = vector.broadcast %parallel_loop3A_873 : f32 to vector<16xf32>
        %parallel_loop3A_875 = arith.mulf %parallel_loop3A_376, %parallel_loop3A_874 : vector<16xf32>
        %parallel_loop3A_876 = arith.addf %parallel_loop3A_875, %parallel_loop3A_841 : vector<16xf32>
        %parallel_loop3A_877 = arith.constant 0 : i32
        %parallel_loop3A_878 = arith.constant 2 : i32
        %parallel_loop3A_879 = arith.constant 1 : i32
        %parallel_loop3A_880 = arith.index_cast %parallel_loop3A_877 : i32 to index
        %parallel_loop3A_881 = arith.index_cast %parallel_loop3A_878 : i32 to index
        %parallel_loop3A_882 = arith.index_cast %parallel_loop3A_879 : i32 to index
        %parallel_loop3A_883 = arith.index_cast %parallel_loop3A_208 : i32 to index
        %parallel_loop3A_884 = tpu.vector_load %arg9[%parallel_loop3A_880, %parallel_loop3A_881, %parallel_loop3A_882, %parallel_loop3A_883] {strides = array<i32>} : memref<2x8x4x768xf32, #tpu.memory_space<vmem>>, vector<1x1x1x16xf32>,
        %parallel_loop3A_885 = vector.shape_cast %parallel_loop3A_884 : vector<1x1x1x16xf32> to vector<16xf32>
        %parallel_loop3A_886 = vector.shape_cast %parallel_loop3A_876 : vector<16xf32> to vector<1x1x1x16xf32>
        tpu.vector_store %arg9[%parallel_loop3A_880, %parallel_loop3A_881, %parallel_loop3A_882, %parallel_loop3A_883], %parallel_loop3A_886 {strides = array<i32>} : memref<2x8x4x768xf32, #tpu.memory_space<vmem>>, vector<1x1x1x16xf32>,
        %parallel_loop3A_887 = arith.constant 27.7128124 : f32
        %parallel_loop3A_888 = vector.broadcast %parallel_loop3A_887 : f32 to vector<16xf32>
        %parallel_loop3A_889 = arith.mulf %parallel_loop3A_404, %parallel_loop3A_888 : vector<16xf32>
        %parallel_loop3A_890 = arith.addf %parallel_loop3A_889, %parallel_loop3A_844 : vector<16xf32>
        %parallel_loop3A_891 = arith.constant 0 : i32
        %parallel_loop3A_892 = arith.constant 2 : i32
        %parallel_loop3A_893 = arith.constant 1 : i32
        %parallel_loop3A_894 = arith.index_cast %parallel_loop3A_891 : i32 to index
        %parallel_loop3A_895 = arith.index_cast %parallel_loop3A_892 : i32 to index
        %parallel_loop3A_896 = arith.index_cast %parallel_loop3A_893 : i32 to index
        %parallel_loop3A_897 = arith.index_cast %parallel_loop3A_214 : i32 to index
        %parallel_loop3A_898 = tpu.vector_load %arg9[%parallel_loop3A_894, %parallel_loop3A_895, %parallel_loop3A_896, %parallel_loop3A_897] {strides = array<i32>} : memref<2x8x4x768xf32, #tpu.memory_space<vmem>>, vector<1x1x1x16xf32>,
        %parallel_loop3A_899 = vector.shape_cast %parallel_loop3A_898 : vector<1x1x1x16xf32> to vector<16xf32>
        %parallel_loop3A_900 = vector.shape_cast %parallel_loop3A_890 : vector<16xf32> to vector<1x1x1x16xf32>
        tpu.vector_store %arg9[%parallel_loop3A_894, %parallel_loop3A_895, %parallel_loop3A_896, %parallel_loop3A_897], %parallel_loop3A_900 {strides = array<i32>} : memref<2x8x4x768xf32, #tpu.memory_space<vmem>>, vector<1x1x1x16xf32>,
        %parallel_loop3A_901 = arith.constant 27.7128124 : f32
        %parallel_loop3A_902 = vector.broadcast %parallel_loop3A_901 : f32 to vector<16xf32>
        %parallel_loop3A_903 = arith.mulf %parallel_loop3A_383, %parallel_loop3A_902 : vector<16xf32>
        %parallel_loop3A_904 = arith.addf %parallel_loop3A_903, %parallel_loop3A_841 : vector<16xf32>
        %parallel_loop3A_905 = arith.constant 0 : i32
        %parallel_loop3A_906 = arith.constant 2 : i32
        %parallel_loop3A_907 = arith.constant 2 : i32
        %parallel_loop3A_908 = arith.index_cast %parallel_loop3A_905 : i32 to index
        %parallel_loop3A_909 = arith.index_cast %parallel_loop3A_906 : i32 to index
        %parallel_loop3A_910 = arith.index_cast %parallel_loop3A_907 : i32 to index
        %parallel_loop3A_911 = arith.index_cast %parallel_loop3A_208 : i32 to index
        %parallel_loop3A_912 = tpu.vector_load %arg9[%parallel_loop3A_908, %parallel_loop3A_909, %parallel_loop3A_910, %parallel_loop3A_911] {strides = array<i32>} : memref<2x8x4x768xf32, #tpu.memory_space<vmem>>, vector<1x1x1x16xf32>,
        %parallel_loop3A_913 = vector.shape_cast %parallel_loop3A_912 : vector<1x1x1x16xf32> to vector<16xf32>
        %parallel_loop3A_914 = vector.shape_cast %parallel_loop3A_904 : vector<16xf32> to vector<1x1x1x16xf32>
        tpu.vector_store %arg9[%parallel_loop3A_908, %parallel_loop3A_909, %parallel_loop3A_910, %parallel_loop3A_911], %parallel_loop3A_914 {strides = array<i32>} : memref<2x8x4x768xf32, #tpu.memory_space<vmem>>, vector<1x1x1x16xf32>,
        %parallel_loop3A_915 = arith.constant 27.7128124 : f32
        %parallel_loop3A_916 = vector.broadcast %parallel_loop3A_915 : f32 to vector<16xf32>
        %parallel_loop3A_917 = arith.mulf %parallel_loop3A_411, %parallel_loop3A_916 : vector<16xf32>
        %parallel_loop3A_918 = arith.addf %parallel_loop3A_917, %parallel_loop3A_844 : vector<16xf32>
        %parallel_loop3A_919 = arith.constant 0 : i32
        %parallel_loop3A_920 = arith.constant 2 : i32
        %parallel_loop3A_921 = arith.constant 2 : i32
        %parallel_loop3A_922 = arith.index_cast %parallel_loop3A_919 : i32 to index
        %parallel_loop3A_923 = arith.index_cast %parallel_loop3A_920 : i32 to index
        %parallel_loop3A_924 = arith.index_cast %parallel_loop3A_921 : i32 to index
        %parallel_loop3A_925 = arith.index_cast %parallel_loop3A_214 : i32 to index
        %parallel_loop3A_926 = tpu.vector_load %arg9[%parallel_loop3A_922, %parallel_loop3A_923, %parallel_loop3A_924, %parallel_loop3A_925] {strides = array<i32>} : memref<2x8x4x768xf32, #tpu.memory_space<vmem>>, vector<1x1x1x16xf32>,
        %parallel_loop3A_927 = vector.shape_cast %parallel_loop3A_926 : vector<1x1x1x16xf32> to vector<16xf32>
        %parallel_loop3A_928 = vector.shape_cast %parallel_loop3A_918 : vector<16xf32> to vector<1x1x1x16xf32>
        tpu.vector_store %arg9[%parallel_loop3A_922, %parallel_loop3A_923, %parallel_loop3A_924, %parallel_loop3A_925], %parallel_loop3A_928 {strides = array<i32>} : memref<2x8x4x768xf32, #tpu.memory_space<vmem>>, vector<1x1x1x16xf32>,
        %parallel_loop3A_929 = arith.constant 27.7128124 : f32
        %parallel_loop3A_930 = vector.broadcast %parallel_loop3A_929 : f32 to vector<16xf32>
        %parallel_loop3A_931 = arith.mulf %parallel_loop3A_390, %parallel_loop3A_930 : vector<16xf32>
        %parallel_loop3A_932 = arith.addf %parallel_loop3A_931, %parallel_loop3A_841 : vector<16xf32>
        %parallel_loop3A_933 = arith.constant 0 : i32
        %parallel_loop3A_934 = arith.constant 2 : i32
        %parallel_loop3A_935 = arith.constant 3 : i32
        %parallel_loop3A_936 = arith.index_cast %parallel_loop3A_933 : i32 to index
        %parallel_loop3A_937 = arith.index_cast %parallel_loop3A_934 : i32 to index
        %parallel_loop3A_938 = arith.index_cast %parallel_loop3A_935 : i32 to index
        %parallel_loop3A_939 = arith.index_cast %parallel_loop3A_208 : i32 to index
        %parallel_loop3A_940 = tpu.vector_load %arg9[%parallel_loop3A_936, %parallel_loop3A_937, %parallel_loop3A_938, %parallel_loop3A_939] {strides = array<i32>} : memref<2x8x4x768xf32, #tpu.memory_space<vmem>>, vector<1x1x1x16xf32>,
        %parallel_loop3A_941 = vector.shape_cast %parallel_loop3A_940 : vector<1x1x1x16xf32> to vector<16xf32>
        %parallel_loop3A_942 = vector.shape_cast %parallel_loop3A_932 : vector<16xf32> to vector<1x1x1x16xf32>
        tpu.vector_store %arg9[%parallel_loop3A_936, %parallel_loop3A_937, %parallel_loop3A_938, %parallel_loop3A_939], %parallel_loop3A_942 {strides = array<i32>} : memref<2x8x4x768xf32, #tpu.memory_space<vmem>>, vector<1x1x1x16xf32>,
        %parallel_loop3A_943 = arith.constant 27.7128124 : f32
        %parallel_loop3A_944 = vector.broadcast %parallel_loop3A_943 : f32 to vector<16xf32>
        %parallel_loop3A_945 = arith.mulf %parallel_loop3A_418, %parallel_loop3A_944 : vector<16xf32>
        %parallel_loop3A_946 = arith.addf %parallel_loop3A_945, %parallel_loop3A_844 : vector<16xf32>
        %parallel_loop3A_947 = arith.constant 0 : i32
        %parallel_loop3A_948 = arith.constant 2 : i32
        %parallel_loop3A_949 = arith.constant 3 : i32
        %parallel_loop3A_950 = arith.index_cast %parallel_loop3A_947 : i32 to index
        %parallel_loop3A_951 = arith.index_cast %parallel_loop3A_948 : i32 to index
        %parallel_loop3A_952 = arith.index_cast %parallel_loop3A_949 : i32 to index
        %parallel_loop3A_953 = arith.index_cast %parallel_loop3A_214 : i32 to index
        %parallel_loop3A_954 = tpu.vector_load %arg9[%parallel_loop3A_950, %parallel_loop3A_951, %parallel_loop3A_952, %parallel_loop3A_953] {strides = array<i32>} : memref<2x8x4x768xf32, #tpu.memory_space<vmem>>, vector<1x1x1x16xf32>,
        %parallel_loop3A_955 = vector.shape_cast %parallel_loop3A_954 : vector<1x1x1x16xf32> to vector<16xf32>
        %parallel_loop3A_956 = vector.shape_cast %parallel_loop3A_946 : vector<16xf32> to vector<1x1x1x16xf32>
        tpu.vector_store %arg9[%parallel_loop3A_950, %parallel_loop3A_951, %parallel_loop3A_952, %parallel_loop3A_953], %parallel_loop3A_956 {strides = array<i32>} : memref<2x8x4x768xf32, #tpu.memory_space<vmem>>, vector<1x1x1x16xf32>,
        %parallel_loop3A_957 = arith.constant 16 : i32
        %parallel_loop3A_958 = arith.muli %parallel_loop3A_176, %parallel_loop3A_957 : i32
        %parallel_loop3A_959 = arith.constant 1920 : i32
        %parallel_loop3A_960 = arith.addi %parallel_loop3A_959, %parallel_loop3A_958 : i32
        %parallel_loop3A_961 = arith.index_cast %parallel_loop3A_960 : i32 to index
        %parallel_loop3A_962 = tpu.vector_load %arg12[%parallel_loop3A_961] {strides = array<i32>} : memref<6144xi32, #tpu.memory_space<vmem>>, vector<16xi32>,
        %parallel_loop3A_963 = vector.shape_cast %parallel_loop3A_962 : vector<16xi32> to vector<16xi32>
        %parallel_loop3A_964 = arith.constant 3072 : i32
        %parallel_loop3A_965 = arith.addi %parallel_loop3A_964, %parallel_loop3A_960 : i32
        %parallel_loop3A_966 = arith.index_cast %parallel_loop3A_965 : i32 to index
        %parallel_loop3A_967 = tpu.vector_load %arg12[%parallel_loop3A_966] {strides = array<i32>} : memref<6144xi32, #tpu.memory_space<vmem>>, vector<16xi32>,
        %parallel_loop3A_968 = vector.shape_cast %parallel_loop3A_967 : vector<16xi32> to vector<16xi32>
        %parallel_loop3A_969 = arith.constant 0 : i32
        %parallel_loop3A_970 = arith.constant 20 : i32
        %parallel_loop3A_971 = arith.index_cast %parallel_loop3A_969 : i32 to index
        %parallel_loop3A_972 = arith.index_cast %parallel_loop3A_970 : i32 to index
        %parallel_loop3A_973 = arith.index_cast %parallel_loop3A_208 : i32 to index
        %parallel_loop3A_974 = tpu.vector_load %arg8[%parallel_loop3A_971, %parallel_loop3A_972, %parallel_loop3A_973] {strides = array<i32>} : memref<2x32x768xf32, #tpu.memory_space<vmem>>, vector<1x1x16xf32>,
        %parallel_loop3A_975 = vector.shape_cast %parallel_loop3A_974 : vector<1x1x16xf32> to vector<16xf32>
        %parallel_loop3A_976 = arith.constant 0 : i32
        %parallel_loop3A_977 = arith.constant 21 : i32
        %parallel_loop3A_978 = arith.index_cast %parallel_loop3A_976 : i32 to index
        %parallel_loop3A_979 = arith.index_cast %parallel_loop3A_977 : i32 to index
        %parallel_loop3A_980 = arith.index_cast %parallel_loop3A_208 : i32 to index
        %parallel_loop3A_981 = tpu.vector_load %arg8[%parallel_loop3A_978, %parallel_loop3A_979, %parallel_loop3A_980] {strides = array<i32>} : memref<2x32x768xf32, #tpu.memory_space<vmem>>, vector<1x1x16xf32>,
        %parallel_loop3A_982 = vector.shape_cast %parallel_loop3A_981 : vector<1x1x16xf32> to vector<16xf32>
        %parallel_loop3A_983 = arith.constant 0 : i32
        %parallel_loop3A_984 = arith.constant 22 : i32
        %parallel_loop3A_985 = arith.index_cast %parallel_loop3A_983 : i32 to index
        %parallel_loop3A_986 = arith.index_cast %parallel_loop3A_984 : i32 to index
        %parallel_loop3A_987 = arith.index_cast %parallel_loop3A_208 : i32 to index
        %parallel_loop3A_988 = tpu.vector_load %arg8[%parallel_loop3A_985, %parallel_loop3A_986, %parallel_loop3A_987] {strides = array<i32>} : memref<2x32x768xf32, #tpu.memory_space<vmem>>, vector<1x1x16xf32>,
        %parallel_loop3A_989 = vector.shape_cast %parallel_loop3A_988 : vector<1x1x16xf32> to vector<16xf32>
        %parallel_loop3A_990 = arith.constant 0 : i32
        %parallel_loop3A_991 = arith.constant 23 : i32
        %parallel_loop3A_992 = arith.index_cast %parallel_loop3A_990 : i32 to index
        %parallel_loop3A_993 = arith.index_cast %parallel_loop3A_991 : i32 to index
        %parallel_loop3A_994 = arith.index_cast %parallel_loop3A_208 : i32 to index
        %parallel_loop3A_995 = tpu.vector_load %arg8[%parallel_loop3A_992, %parallel_loop3A_993, %parallel_loop3A_994] {strides = array<i32>} : memref<2x32x768xf32, #tpu.memory_space<vmem>>, vector<1x1x16xf32>,
        %parallel_loop3A_996 = vector.shape_cast %parallel_loop3A_995 : vector<1x1x16xf32> to vector<16xf32>
        %parallel_loop3A_997 = arith.constant 0 : i32
        %parallel_loop3A_998 = arith.constant 20 : i32
        %parallel_loop3A_999 = arith.index_cast %parallel_loop3A_997 : i32 to index
        %parallel_loop3A_1000 = arith.index_cast %parallel_loop3A_998 : i32 to index
        %parallel_loop3A_1001 = arith.index_cast %parallel_loop3A_214 : i32 to index
        %parallel_loop3A_1002 = tpu.vector_load %arg8[%parallel_loop3A_999, %parallel_loop3A_1000, %parallel_loop3A_1001] {strides = array<i32>} : memref<2x32x768xf32, #tpu.memory_space<vmem>>, vector<1x1x16xf32>,
        %parallel_loop3A_1003 = vector.shape_cast %parallel_loop3A_1002 : vector<1x1x16xf32> to vector<16xf32>
        %parallel_loop3A_1004 = arith.constant 0 : i32
        %parallel_loop3A_1005 = arith.constant 21 : i32
        %parallel_loop3A_1006 = arith.index_cast %parallel_loop3A_1004 : i32 to index
        %parallel_loop3A_1007 = arith.index_cast %parallel_loop3A_1005 : i32 to index
        %parallel_loop3A_1008 = arith.index_cast %parallel_loop3A_214 : i32 to index
        %parallel_loop3A_1009 = tpu.vector_load %arg8[%parallel_loop3A_1006, %parallel_loop3A_1007, %parallel_loop3A_1008] {strides = array<i32>} : memref<2x32x768xf32, #tpu.memory_space<vmem>>, vector<1x1x16xf32>,
        %parallel_loop3A_1010 = vector.shape_cast %parallel_loop3A_1009 : vector<1x1x16xf32> to vector<16xf32>
        %parallel_loop3A_1011 = arith.constant 0 : i32
        %parallel_loop3A_1012 = arith.constant 22 : i32
        %parallel_loop3A_1013 = arith.index_cast %parallel_loop3A_1011 : i32 to index
        %parallel_loop3A_1014 = arith.index_cast %parallel_loop3A_1012 : i32 to index
        %parallel_loop3A_1015 = arith.index_cast %parallel_loop3A_214 : i32 to index
        %parallel_loop3A_1016 = tpu.vector_load %arg8[%parallel_loop3A_1013, %parallel_loop3A_1014, %parallel_loop3A_1015] {strides = array<i32>} : memref<2x32x768xf32, #tpu.memory_space<vmem>>, vector<1x1x16xf32>,
        %parallel_loop3A_1017 = vector.shape_cast %parallel_loop3A_1016 : vector<1x1x16xf32> to vector<16xf32>
        %parallel_loop3A_1018 = arith.constant 0 : i32
        %parallel_loop3A_1019 = arith.constant 23 : i32
        %parallel_loop3A_1020 = arith.index_cast %parallel_loop3A_1018 : i32 to index
        %parallel_loop3A_1021 = arith.index_cast %parallel_loop3A_1019 : i32 to index
        %parallel_loop3A_1022 = arith.index_cast %parallel_loop3A_214 : i32 to index
        %parallel_loop3A_1023 = tpu.vector_load %arg8[%parallel_loop3A_1020, %parallel_loop3A_1021, %parallel_loop3A_1022] {strides = array<i32>} : memref<2x32x768xf32, #tpu.memory_space<vmem>>, vector<1x1x16xf32>,
        %parallel_loop3A_1024 = vector.shape_cast %parallel_loop3A_1023 : vector<1x1x16xf32> to vector<16xf32>
        %parallel_loop3A_1025 = arith.constant 16 : i32
        %parallel_loop3A_1026 = vector.broadcast %parallel_loop3A_1025 : i32 to vector<16xi32>
        %parallel_loop3A_1027 = arith.shli %parallel_loop3A_559, %parallel_loop3A_1026 : vector<16xi32>
        %parallel_loop3A_1028 = tpu.bitcast %parallel_loop3A_1027 : vector<16xi32> -> vector<16xf32>
        %parallel_loop3A_1029 = arith.constant -65536 : i32
        %parallel_loop3A_1030 = vector.broadcast %parallel_loop3A_1029 : i32 to vector<16xi32>
        %parallel_loop3A_1031 = arith.andi %parallel_loop3A_559, %parallel_loop3A_1030 : vector<16xi32>
        %parallel_loop3A_1032 = tpu.bitcast %parallel_loop3A_1031 : vector<16xi32> -> vector<16xf32>
        %parallel_loop3A_1033 = arith.constant 16 : i32
        %parallel_loop3A_1034 = vector.broadcast %parallel_loop3A_1033 : i32 to vector<16xi32>
        %parallel_loop3A_1035 = arith.shli %parallel_loop3A_564, %parallel_loop3A_1034 : vector<16xi32>
        %parallel_loop3A_1036 = tpu.bitcast %parallel_loop3A_1035 : vector<16xi32> -> vector<16xf32>
        %parallel_loop3A_1037 = arith.constant -65536 : i32
        %parallel_loop3A_1038 = vector.broadcast %parallel_loop3A_1037 : i32 to vector<16xi32>
        %parallel_loop3A_1039 = arith.andi %parallel_loop3A_564, %parallel_loop3A_1038 : vector<16xi32>
        %parallel_loop3A_1040 = tpu.bitcast %parallel_loop3A_1039 : vector<16xi32> -> vector<16xf32>
        %parallel_loop3A_1041 = arith.mulf %parallel_loop3A_185, %parallel_loop3A_1028 : vector<16xf32>
        %parallel_loop3A_1042 = arith.mulf %parallel_loop3A_200, %parallel_loop3A_1036 : vector<16xf32>
        %parallel_loop3A_1043 = arith.addf %parallel_loop3A_1041, %parallel_loop3A_1042 : vector<16xf32>
        %parallel_loop3A_1044 = arith.mulf %parallel_loop3A_189, %parallel_loop3A_1032 : vector<16xf32>
        %parallel_loop3A_1045 = arith.mulf %parallel_loop3A_204, %parallel_loop3A_1040 : vector<16xf32>
        %parallel_loop3A_1046 = arith.addf %parallel_loop3A_1044, %parallel_loop3A_1045 : vector<16xf32>
        %parallel_loop3A_1047 = arith.constant 27.7128124 : f32
        %parallel_loop3A_1048 = vector.broadcast %parallel_loop3A_1047 : f32 to vector<16xf32>
        %parallel_loop3A_1049 = arith.mulf %parallel_loop3A_571, %parallel_loop3A_1048 : vector<16xf32>
        %parallel_loop3A_1050 = arith.addf %parallel_loop3A_1049, %parallel_loop3A_1043 : vector<16xf32>
        %parallel_loop3A_1051 = arith.constant 0 : i32
        %parallel_loop3A_1052 = arith.constant 3 : i32
        %parallel_loop3A_1053 = arith.constant 0 : i32
        %parallel_loop3A_1054 = arith.index_cast %parallel_loop3A_1051 : i32 to index
        %parallel_loop3A_1055 = arith.index_cast %parallel_loop3A_1052 : i32 to index
        %parallel_loop3A_1056 = arith.index_cast %parallel_loop3A_1053 : i32 to index
        %parallel_loop3A_1057 = arith.index_cast %parallel_loop3A_208 : i32 to index
        %parallel_loop3A_1058 = tpu.vector_load %arg9[%parallel_loop3A_1054, %parallel_loop3A_1055, %parallel_loop3A_1056, %parallel_loop3A_1057] {strides = array<i32>} : memref<2x8x4x768xf32, #tpu.memory_space<vmem>>, vector<1x1x1x16xf32>,
        %parallel_loop3A_1059 = vector.shape_cast %parallel_loop3A_1058 : vector<1x1x1x16xf32> to vector<16xf32>
        %parallel_loop3A_1060 = vector.shape_cast %parallel_loop3A_1050 : vector<16xf32> to vector<1x1x1x16xf32>
        tpu.vector_store %arg9[%parallel_loop3A_1054, %parallel_loop3A_1055, %parallel_loop3A_1056, %parallel_loop3A_1057], %parallel_loop3A_1060 {strides = array<i32>} : memref<2x8x4x768xf32, #tpu.memory_space<vmem>>, vector<1x1x1x16xf32>,
        %parallel_loop3A_1061 = arith.constant 27.7128124 : f32
        %parallel_loop3A_1062 = vector.broadcast %parallel_loop3A_1061 : f32 to vector<16xf32>
        %parallel_loop3A_1063 = arith.mulf %parallel_loop3A_599, %parallel_loop3A_1062 : vector<16xf32>
        %parallel_loop3A_1064 = arith.addf %parallel_loop3A_1063, %parallel_loop3A_1046 : vector<16xf32>
        %parallel_loop3A_1065 = arith.constant 0 : i32
        %parallel_loop3A_1066 = arith.constant 3 : i32
        %parallel_loop3A_1067 = arith.constant 0 : i32
        %parallel_loop3A_1068 = arith.index_cast %parallel_loop3A_1065 : i32 to index
        %parallel_loop3A_1069 = arith.index_cast %parallel_loop3A_1066 : i32 to index
        %parallel_loop3A_1070 = arith.index_cast %parallel_loop3A_1067 : i32 to index
        %parallel_loop3A_1071 = arith.index_cast %parallel_loop3A_214 : i32 to index
        %parallel_loop3A_1072 = tpu.vector_load %arg9[%parallel_loop3A_1068, %parallel_loop3A_1069, %parallel_loop3A_1070, %parallel_loop3A_1071] {strides = array<i32>} : memref<2x8x4x768xf32, #tpu.memory_space<vmem>>, vector<1x1x1x16xf32>,
        %parallel_loop3A_1073 = vector.shape_cast %parallel_loop3A_1072 : vector<1x1x1x16xf32> to vector<16xf32>
        %parallel_loop3A_1074 = vector.shape_cast %parallel_loop3A_1064 : vector<16xf32> to vector<1x1x1x16xf32>
        tpu.vector_store %arg9[%parallel_loop3A_1068, %parallel_loop3A_1069, %parallel_loop3A_1070, %parallel_loop3A_1071], %parallel_loop3A_1074 {strides = array<i32>} : memref<2x8x4x768xf32, #tpu.memory_space<vmem>>, vector<1x1x1x16xf32>,
        %parallel_loop3A_1075 = arith.constant 27.7128124 : f32
        %parallel_loop3A_1076 = vector.broadcast %parallel_loop3A_1075 : f32 to vector<16xf32>
        %parallel_loop3A_1077 = arith.mulf %parallel_loop3A_578, %parallel_loop3A_1076 : vector<16xf32>
        %parallel_loop3A_1078 = arith.addf %parallel_loop3A_1077, %parallel_loop3A_1043 : vector<16xf32>
        %parallel_loop3A_1079 = arith.constant 0 : i32
        %parallel_loop3A_1080 = arith.constant 3 : i32
        %parallel_loop3A_1081 = arith.constant 1 : i32
        %parallel_loop3A_1082 = arith.index_cast %parallel_loop3A_1079 : i32 to index
        %parallel_loop3A_1083 = arith.index_cast %parallel_loop3A_1080 : i32 to index
        %parallel_loop3A_1084 = arith.index_cast %parallel_loop3A_1081 : i32 to index
        %parallel_loop3A_1085 = arith.index_cast %parallel_loop3A_208 : i32 to index
        %parallel_loop3A_1086 = tpu.vector_load %arg9[%parallel_loop3A_1082, %parallel_loop3A_1083, %parallel_loop3A_1084, %parallel_loop3A_1085] {strides = array<i32>} : memref<2x8x4x768xf32, #tpu.memory_space<vmem>>, vector<1x1x1x16xf32>,
        %parallel_loop3A_1087 = vector.shape_cast %parallel_loop3A_1086 : vector<1x1x1x16xf32> to vector<16xf32>
        %parallel_loop3A_1088 = vector.shape_cast %parallel_loop3A_1078 : vector<16xf32> to vector<1x1x1x16xf32>
        tpu.vector_store %arg9[%parallel_loop3A_1082, %parallel_loop3A_1083, %parallel_loop3A_1084, %parallel_loop3A_1085], %parallel_loop3A_1088 {strides = array<i32>} : memref<2x8x4x768xf32, #tpu.memory_space<vmem>>, vector<1x1x1x16xf32>,
        %parallel_loop3A_1089 = arith.constant 27.7128124 : f32
        %parallel_loop3A_1090 = vector.broadcast %parallel_loop3A_1089 : f32 to vector<16xf32>
        %parallel_loop3A_1091 = arith.mulf %parallel_loop3A_606, %parallel_loop3A_1090 : vector<16xf32>
        %parallel_loop3A_1092 = arith.addf %parallel_loop3A_1091, %parallel_loop3A_1046 : vector<16xf32>
        %parallel_loop3A_1093 = arith.constant 0 : i32
        %parallel_loop3A_1094 = arith.constant 3 : i32
        %parallel_loop3A_1095 = arith.constant 1 : i32
        %parallel_loop3A_1096 = arith.index_cast %parallel_loop3A_1093 : i32 to index
        %parallel_loop3A_1097 = arith.index_cast %parallel_loop3A_1094 : i32 to index
        %parallel_loop3A_1098 = arith.index_cast %parallel_loop3A_1095 : i32 to index
        %parallel_loop3A_1099 = arith.index_cast %parallel_loop3A_214 : i32 to index
        %parallel_loop3A_1100 = tpu.vector_load %arg9[%parallel_loop3A_1096, %parallel_loop3A_1097, %parallel_loop3A_1098, %parallel_loop3A_1099] {strides = array<i32>} : memref<2x8x4x768xf32, #tpu.memory_space<vmem>>, vector<1x1x1x16xf32>,
        %parallel_loop3A_1101 = vector.shape_cast %parallel_loop3A_1100 : vector<1x1x1x16xf32> to vector<16xf32>
        %parallel_loop3A_1102 = vector.shape_cast %parallel_loop3A_1092 : vector<16xf32> to vector<1x1x1x16xf32>
        tpu.vector_store %arg9[%parallel_loop3A_1096, %parallel_loop3A_1097, %parallel_loop3A_1098, %parallel_loop3A_1099], %parallel_loop3A_1102 {strides = array<i32>} : memref<2x8x4x768xf32, #tpu.memory_space<vmem>>, vector<1x1x1x16xf32>,
        %parallel_loop3A_1103 = arith.constant 27.7128124 : f32
        %parallel_loop3A_1104 = vector.broadcast %parallel_loop3A_1103 : f32 to vector<16xf32>
        %parallel_loop3A_1105 = arith.mulf %parallel_loop3A_585, %parallel_loop3A_1104 : vector<16xf32>
        %parallel_loop3A_1106 = arith.addf %parallel_loop3A_1105, %parallel_loop3A_1043 : vector<16xf32>
        %parallel_loop3A_1107 = arith.constant 0 : i32
        %parallel_loop3A_1108 = arith.constant 3 : i32
        %parallel_loop3A_1109 = arith.constant 2 : i32
        %parallel_loop3A_1110 = arith.index_cast %parallel_loop3A_1107 : i32 to index
        %parallel_loop3A_1111 = arith.index_cast %parallel_loop3A_1108 : i32 to index
        %parallel_loop3A_1112 = arith.index_cast %parallel_loop3A_1109 : i32 to index
        %parallel_loop3A_1113 = arith.index_cast %parallel_loop3A_208 : i32 to index
        %parallel_loop3A_1114 = tpu.vector_load %arg9[%parallel_loop3A_1110, %parallel_loop3A_1111, %parallel_loop3A_1112, %parallel_loop3A_1113] {strides = array<i32>} : memref<2x8x4x768xf32, #tpu.memory_space<vmem>>, vector<1x1x1x16xf32>,
        %parallel_loop3A_1115 = vector.shape_cast %parallel_loop3A_1114 : vector<1x1x1x16xf32> to vector<16xf32>
        %parallel_loop3A_1116 = vector.shape_cast %parallel_loop3A_1106 : vector<16xf32> to vector<1x1x1x16xf32>
        tpu.vector_store %arg9[%parallel_loop3A_1110, %parallel_loop3A_1111, %parallel_loop3A_1112, %parallel_loop3A_1113], %parallel_loop3A_1116 {strides = array<i32>} : memref<2x8x4x768xf32, #tpu.memory_space<vmem>>, vector<1x1x1x16xf32>,
        %parallel_loop3A_1117 = arith.constant 27.7128124 : f32
        %parallel_loop3A_1118 = vector.broadcast %parallel_loop3A_1117 : f32 to vector<16xf32>
        %parallel_loop3A_1119 = arith.mulf %parallel_loop3A_613, %parallel_loop3A_1118 : vector<16xf32>
        %parallel_loop3A_1120 = arith.addf %parallel_loop3A_1119, %parallel_loop3A_1046 : vector<16xf32>
        %parallel_loop3A_1121 = arith.constant 0 : i32
        %parallel_loop3A_1122 = arith.constant 3 : i32
        %parallel_loop3A_1123 = arith.constant 2 : i32
        %parallel_loop3A_1124 = arith.index_cast %parallel_loop3A_1121 : i32 to index
        %parallel_loop3A_1125 = arith.index_cast %parallel_loop3A_1122 : i32 to index
        %parallel_loop3A_1126 = arith.index_cast %parallel_loop3A_1123 : i32 to index
        %parallel_loop3A_1127 = arith.index_cast %parallel_loop3A_214 : i32 to index
        %parallel_loop3A_1128 = tpu.vector_load %arg9[%parallel_loop3A_1124, %parallel_loop3A_1125, %parallel_loop3A_1126, %parallel_loop3A_1127] {strides = array<i32>} : memref<2x8x4x768xf32, #tpu.memory_space<vmem>>, vector<1x1x1x16xf32>,
        %parallel_loop3A_1129 = vector.shape_cast %parallel_loop3A_1128 : vector<1x1x1x16xf32> to vector<16xf32>
        %parallel_loop3A_1130 = vector.shape_cast %parallel_loop3A_1120 : vector<16xf32> to vector<1x1x1x16xf32>
        tpu.vector_store %arg9[%parallel_loop3A_1124, %parallel_loop3A_1125, %parallel_loop3A_1126, %parallel_loop3A_1127], %parallel_loop3A_1130 {strides = array<i32>} : memref<2x8x4x768xf32, #tpu.memory_space<vmem>>, vector<1x1x1x16xf32>,
        %parallel_loop3A_1131 = arith.constant 27.7128124 : f32
        %parallel_loop3A_1132 = vector.broadcast %parallel_loop3A_1131 : f32 to vector<16xf32>
        %parallel_loop3A_1133 = arith.mulf %parallel_loop3A_592, %parallel_loop3A_1132 : vector<16xf32>
        %parallel_loop3A_1134 = arith.addf %parallel_loop3A_1133, %parallel_loop3A_1043 : vector<16xf32>
        %parallel_loop3A_1135 = arith.constant 0 : i32
        %parallel_loop3A_1136 = arith.constant 3 : i32
        %parallel_loop3A_1137 = arith.constant 3 : i32
        %parallel_loop3A_1138 = arith.index_cast %parallel_loop3A_1135 : i32 to index
        %parallel_loop3A_1139 = arith.index_cast %parallel_loop3A_1136 : i32 to index
        %parallel_loop3A_1140 = arith.index_cast %parallel_loop3A_1137 : i32 to index
        %parallel_loop3A_1141 = arith.index_cast %parallel_loop3A_208 : i32 to index
        %parallel_loop3A_1142 = tpu.vector_load %arg9[%parallel_loop3A_1138, %parallel_loop3A_1139, %parallel_loop3A_1140, %parallel_loop3A_1141] {strides = array<i32>} : memref<2x8x4x768xf32, #tpu.memory_space<vmem>>, vector<1x1x1x16xf32>,
        %parallel_loop3A_1143 = vector.shape_cast %parallel_loop3A_1142 : vector<1x1x1x16xf32> to vector<16xf32>
        %parallel_loop3A_1144 = vector.shape_cast %parallel_loop3A_1134 : vector<16xf32> to vector<1x1x1x16xf32>
        tpu.vector_store %arg9[%parallel_loop3A_1138, %parallel_loop3A_1139, %parallel_loop3A_1140, %parallel_loop3A_1141], %parallel_loop3A_1144 {strides = array<i32>} : memref<2x8x4x768xf32, #tpu.memory_space<vmem>>, vector<1x1x1x16xf32>,
        %parallel_loop3A_1145 = arith.constant 27.7128124 : f32
        %parallel_loop3A_1146 = vector.broadcast %parallel_loop3A_1145 : f32 to vector<16xf32>
        %parallel_loop3A_1147 = arith.mulf %parallel_loop3A_620, %parallel_loop3A_1146 : vector<16xf32>
        %parallel_loop3A_1148 = arith.addf %parallel_loop3A_1147, %parallel_loop3A_1046 : vector<16xf32>
        %parallel_loop3A_1149 = arith.constant 0 : i32
        %parallel_loop3A_1150 = arith.constant 3 : i32
        %parallel_loop3A_1151 = arith.constant 3 : i32
        %parallel_loop3A_1152 = arith.index_cast %parallel_loop3A_1149 : i32 to index
        %parallel_loop3A_1153 = arith.index_cast %parallel_loop3A_1150 : i32 to index
        %parallel_loop3A_1154 = arith.index_cast %parallel_loop3A_1151 : i32 to index
        %parallel_loop3A_1155 = arith.index_cast %parallel_loop3A_214 : i32 to index
        %parallel_loop3A_1156 = tpu.vector_load %arg9[%parallel_loop3A_1152, %parallel_loop3A_1153, %parallel_loop3A_1154, %parallel_loop3A_1155] {strides = array<i32>} : memref<2x8x4x768xf32, #tpu.memory_space<vmem>>, vector<1x1x1x16xf32>,
        %parallel_loop3A_1157 = vector.shape_cast %parallel_loop3A_1156 : vector<1x1x1x16xf32> to vector<16xf32>
        %parallel_loop3A_1158 = vector.shape_cast %parallel_loop3A_1148 : vector<16xf32> to vector<1x1x1x16xf32>
        tpu.vector_store %arg9[%parallel_loop3A_1152, %parallel_loop3A_1153, %parallel_loop3A_1154, %parallel_loop3A_1155], %parallel_loop3A_1158 {strides = array<i32>} : memref<2x8x4x768xf32, #tpu.memory_space<vmem>>, vector<1x1x1x16xf32>,
        %parallel_loop3A_1159 = arith.constant 16 : i32
        %parallel_loop3A_1160 = arith.muli %parallel_loop3A_176, %parallel_loop3A_1159 : i32
        %parallel_loop3A_1161 = arith.constant 2304 : i32
        %parallel_loop3A_1162 = arith.addi %parallel_loop3A_1161, %parallel_loop3A_1160 : i32
        %parallel_loop3A_1163 = arith.index_cast %parallel_loop3A_1162 : i32 to index
        %parallel_loop3A_1164 = tpu.vector_load %arg12[%parallel_loop3A_1163] {strides = array<i32>} : memref<6144xi32, #tpu.memory_space<vmem>>, vector<16xi32>,
        %parallel_loop3A_1165 = vector.shape_cast %parallel_loop3A_1164 : vector<16xi32> to vector<16xi32>
        %parallel_loop3A_1166 = arith.constant 3072 : i32
        %parallel_loop3A_1167 = arith.addi %parallel_loop3A_1166, %parallel_loop3A_1162 : i32
        %parallel_loop3A_1168 = arith.index_cast %parallel_loop3A_1167 : i32 to index
        %parallel_loop3A_1169 = tpu.vector_load %arg12[%parallel_loop3A_1168] {strides = array<i32>} : memref<6144xi32, #tpu.memory_space<vmem>>, vector<16xi32>,
        %parallel_loop3A_1170 = vector.shape_cast %parallel_loop3A_1169 : vector<16xi32> to vector<16xi32>
        %parallel_loop3A_1171 = arith.constant 0 : i32
        %parallel_loop3A_1172 = arith.constant 24 : i32
        %parallel_loop3A_1173 = arith.index_cast %parallel_loop3A_1171 : i32 to index
        %parallel_loop3A_1174 = arith.index_cast %parallel_loop3A_1172 : i32 to index
        %parallel_loop3A_1175 = arith.index_cast %parallel_loop3A_208 : i32 to index
        %parallel_loop3A_1176 = tpu.vector_load %arg8[%parallel_loop3A_1173, %parallel_loop3A_1174, %parallel_loop3A_1175] {strides = array<i32>} : memref<2x32x768xf32, #tpu.memory_space<vmem>>, vector<1x1x16xf32>,
        %parallel_loop3A_1177 = vector.shape_cast %parallel_loop3A_1176 : vector<1x1x16xf32> to vector<16xf32>
        %parallel_loop3A_1178 = arith.constant 0 : i32
        %parallel_loop3A_1179 = arith.constant 25 : i32
        %parallel_loop3A_1180 = arith.index_cast %parallel_loop3A_1178 : i32 to index
        %parallel_loop3A_1181 = arith.index_cast %parallel_loop3A_1179 : i32 to index
        %parallel_loop3A_1182 = arith.index_cast %parallel_loop3A_208 : i32 to index
        %parallel_loop3A_1183 = tpu.vector_load %arg8[%parallel_loop3A_1180, %parallel_loop3A_1181, %parallel_loop3A_1182] {strides = array<i32>} : memref<2x32x768xf32, #tpu.memory_space<vmem>>, vector<1x1x16xf32>,
        %parallel_loop3A_1184 = vector.shape_cast %parallel_loop3A_1183 : vector<1x1x16xf32> to vector<16xf32>
        %parallel_loop3A_1185 = arith.constant 0 : i32
        %parallel_loop3A_1186 = arith.constant 26 : i32
        %parallel_loop3A_1187 = arith.index_cast %parallel_loop3A_1185 : i32 to index
        %parallel_loop3A_1188 = arith.index_cast %parallel_loop3A_1186 : i32 to index
        %parallel_loop3A_1189 = arith.index_cast %parallel_loop3A_208 : i32 to index
        %parallel_loop3A_1190 = tpu.vector_load %arg8[%parallel_loop3A_1187, %parallel_loop3A_1188, %parallel_loop3A_1189] {strides = array<i32>} : memref<2x32x768xf32, #tpu.memory_space<vmem>>, vector<1x1x16xf32>,
        %parallel_loop3A_1191 = vector.shape_cast %parallel_loop3A_1190 : vector<1x1x16xf32> to vector<16xf32>
        %parallel_loop3A_1192 = arith.constant 0 : i32
        %parallel_loop3A_1193 = arith.constant 27 : i32
        %parallel_loop3A_1194 = arith.index_cast %parallel_loop3A_1192 : i32 to index
        %parallel_loop3A_1195 = arith.index_cast %parallel_loop3A_1193 : i32 to index
        %parallel_loop3A_1196 = arith.index_cast %parallel_loop3A_208 : i32 to index
        %parallel_loop3A_1197 = tpu.vector_load %arg8[%parallel_loop3A_1194, %parallel_loop3A_1195, %parallel_loop3A_1196] {strides = array<i32>} : memref<2x32x768xf32, #tpu.memory_space<vmem>>, vector<1x1x16xf32>,
        %parallel_loop3A_1198 = vector.shape_cast %parallel_loop3A_1197 : vector<1x1x16xf32> to vector<16xf32>
        %parallel_loop3A_1199 = arith.constant 0 : i32
        %parallel_loop3A_1200 = arith.constant 24 : i32
        %parallel_loop3A_1201 = arith.index_cast %parallel_loop3A_1199 : i32 to index
        %parallel_loop3A_1202 = arith.index_cast %parallel_loop3A_1200 : i32 to index
        %parallel_loop3A_1203 = arith.index_cast %parallel_loop3A_214 : i32 to index
        %parallel_loop3A_1204 = tpu.vector_load %arg8[%parallel_loop3A_1201, %parallel_loop3A_1202, %parallel_loop3A_1203] {strides = array<i32>} : memref<2x32x768xf32, #tpu.memory_space<vmem>>, vector<1x1x16xf32>,
        %parallel_loop3A_1205 = vector.shape_cast %parallel_loop3A_1204 : vector<1x1x16xf32> to vector<16xf32>
        %parallel_loop3A_1206 = arith.constant 0 : i32
        %parallel_loop3A_1207 = arith.constant 25 : i32
        %parallel_loop3A_1208 = arith.index_cast %parallel_loop3A_1206 : i32 to index
        %parallel_loop3A_1209 = arith.index_cast %parallel_loop3A_1207 : i32 to index
        %parallel_loop3A_1210 = arith.index_cast %parallel_loop3A_214 : i32 to index
        %parallel_loop3A_1211 = tpu.vector_load %arg8[%parallel_loop3A_1208, %parallel_loop3A_1209, %parallel_loop3A_1210] {strides = array<i32>} : memref<2x32x768xf32, #tpu.memory_space<vmem>>, vector<1x1x16xf32>,
        %parallel_loop3A_1212 = vector.shape_cast %parallel_loop3A_1211 : vector<1x1x16xf32> to vector<16xf32>
        %parallel_loop3A_1213 = arith.constant 0 : i32
        %parallel_loop3A_1214 = arith.constant 26 : i32
        %parallel_loop3A_1215 = arith.index_cast %parallel_loop3A_1213 : i32 to index
        %parallel_loop3A_1216 = arith.index_cast %parallel_loop3A_1214 : i32 to index
        %parallel_loop3A_1217 = arith.index_cast %parallel_loop3A_214 : i32 to index
        %parallel_loop3A_1218 = tpu.vector_load %arg8[%parallel_loop3A_1215, %parallel_loop3A_1216, %parallel_loop3A_1217] {strides = array<i32>} : memref<2x32x768xf32, #tpu.memory_space<vmem>>, vector<1x1x16xf32>,
        %parallel_loop3A_1219 = vector.shape_cast %parallel_loop3A_1218 : vector<1x1x16xf32> to vector<16xf32>
        %parallel_loop3A_1220 = arith.constant 0 : i32
        %parallel_loop3A_1221 = arith.constant 27 : i32
        %parallel_loop3A_1222 = arith.index_cast %parallel_loop3A_1220 : i32 to index
        %parallel_loop3A_1223 = arith.index_cast %parallel_loop3A_1221 : i32 to index
        %parallel_loop3A_1224 = arith.index_cast %parallel_loop3A_214 : i32 to index
        %parallel_loop3A_1225 = tpu.vector_load %arg8[%parallel_loop3A_1222, %parallel_loop3A_1223, %parallel_loop3A_1224] {strides = array<i32>} : memref<2x32x768xf32, #tpu.memory_space<vmem>>, vector<1x1x16xf32>,
        %parallel_loop3A_1226 = vector.shape_cast %parallel_loop3A_1225 : vector<1x1x16xf32> to vector<16xf32>
        %parallel_loop3A_1227 = arith.constant 16 : i32
        %parallel_loop3A_1228 = vector.broadcast %parallel_loop3A_1227 : i32 to vector<16xi32>
        %parallel_loop3A_1229 = arith.shli %parallel_loop3A_761, %parallel_loop3A_1228 : vector<16xi32>
        %parallel_loop3A_1230 = tpu.bitcast %parallel_loop3A_1229 : vector<16xi32> -> vector<16xf32>
        %parallel_loop3A_1231 = arith.constant -65536 : i32
        %parallel_loop3A_1232 = vector.broadcast %parallel_loop3A_1231 : i32 to vector<16xi32>
        %parallel_loop3A_1233 = arith.andi %parallel_loop3A_761, %parallel_loop3A_1232 : vector<16xi32>
        %parallel_loop3A_1234 = tpu.bitcast %parallel_loop3A_1233 : vector<16xi32> -> vector<16xf32>
        %parallel_loop3A_1235 = arith.constant 16 : i32
        %parallel_loop3A_1236 = vector.broadcast %parallel_loop3A_1235 : i32 to vector<16xi32>
        %parallel_loop3A_1237 = arith.shli %parallel_loop3A_766, %parallel_loop3A_1236 : vector<16xi32>
        %parallel_loop3A_1238 = tpu.bitcast %parallel_loop3A_1237 : vector<16xi32> -> vector<16xf32>
        %parallel_loop3A_1239 = arith.constant -65536 : i32
        %parallel_loop3A_1240 = vector.broadcast %parallel_loop3A_1239 : i32 to vector<16xi32>
        %parallel_loop3A_1241 = arith.andi %parallel_loop3A_766, %parallel_loop3A_1240 : vector<16xi32>
        %parallel_loop3A_1242 = tpu.bitcast %parallel_loop3A_1241 : vector<16xi32> -> vector<16xf32>
        %parallel_loop3A_1243 = arith.mulf %parallel_loop3A_185, %parallel_loop3A_1230 : vector<16xf32>
        %parallel_loop3A_1244 = arith.mulf %parallel_loop3A_200, %parallel_loop3A_1238 : vector<16xf32>
        %parallel_loop3A_1245 = arith.addf %parallel_loop3A_1243, %parallel_loop3A_1244 : vector<16xf32>
        %parallel_loop3A_1246 = arith.mulf %parallel_loop3A_189, %parallel_loop3A_1234 : vector<16xf32>
        %parallel_loop3A_1247 = arith.mulf %parallel_loop3A_204, %parallel_loop3A_1242 : vector<16xf32>
        %parallel_loop3A_1248 = arith.addf %parallel_loop3A_1246, %parallel_loop3A_1247 : vector<16xf32>
        %parallel_loop3A_1249 = arith.constant 27.7128124 : f32
        %parallel_loop3A_1250 = vector.broadcast %parallel_loop3A_1249 : f32 to vector<16xf32>
        %parallel_loop3A_1251 = arith.mulf %parallel_loop3A_773, %parallel_loop3A_1250 : vector<16xf32>
        %parallel_loop3A_1252 = arith.addf %parallel_loop3A_1251, %parallel_loop3A_1245 : vector<16xf32>
        %parallel_loop3A_1253 = arith.constant 0 : i32
        %parallel_loop3A_1254 = arith.constant 4 : i32
        %parallel_loop3A_1255 = arith.constant 0 : i32
        %parallel_loop3A_1256 = arith.index_cast %parallel_loop3A_1253 : i32 to index
        %parallel_loop3A_1257 = arith.index_cast %parallel_loop3A_1254 : i32 to index
        %parallel_loop3A_1258 = arith.index_cast %parallel_loop3A_1255 : i32 to index
        %parallel_loop3A_1259 = arith.index_cast %parallel_loop3A_208 : i32 to index
        %parallel_loop3A_1260 = tpu.vector_load %arg9[%parallel_loop3A_1256, %parallel_loop3A_1257, %parallel_loop3A_1258, %parallel_loop3A_1259] {strides = array<i32>} : memref<2x8x4x768xf32, #tpu.memory_space<vmem>>, vector<1x1x1x16xf32>,
        %parallel_loop3A_1261 = vector.shape_cast %parallel_loop3A_1260 : vector<1x1x1x16xf32> to vector<16xf32>
        %parallel_loop3A_1262 = vector.shape_cast %parallel_loop3A_1252 : vector<16xf32> to vector<1x1x1x16xf32>
        tpu.vector_store %arg9[%parallel_loop3A_1256, %parallel_loop3A_1257, %parallel_loop3A_1258, %parallel_loop3A_1259], %parallel_loop3A_1262 {strides = array<i32>} : memref<2x8x4x768xf32, #tpu.memory_space<vmem>>, vector<1x1x1x16xf32>,
        %parallel_loop3A_1263 = arith.constant 27.7128124 : f32
        %parallel_loop3A_1264 = vector.broadcast %parallel_loop3A_1263 : f32 to vector<16xf32>
        %parallel_loop3A_1265 = arith.mulf %parallel_loop3A_801, %parallel_loop3A_1264 : vector<16xf32>
        %parallel_loop3A_1266 = arith.addf %parallel_loop3A_1265, %parallel_loop3A_1248 : vector<16xf32>
        %parallel_loop3A_1267 = arith.constant 0 : i32
        %parallel_loop3A_1268 = arith.constant 4 : i32
        %parallel_loop3A_1269 = arith.constant 0 : i32
        %parallel_loop3A_1270 = arith.index_cast %parallel_loop3A_1267 : i32 to index
        %parallel_loop3A_1271 = arith.index_cast %parallel_loop3A_1268 : i32 to index
        %parallel_loop3A_1272 = arith.index_cast %parallel_loop3A_1269 : i32 to index
        %parallel_loop3A_1273 = arith.index_cast %parallel_loop3A_214 : i32 to index
        %parallel_loop3A_1274 = tpu.vector_load %arg9[%parallel_loop3A_1270, %parallel_loop3A_1271, %parallel_loop3A_1272, %parallel_loop3A_1273] {strides = array<i32>} : memref<2x8x4x768xf32, #tpu.memory_space<vmem>>, vector<1x1x1x16xf32>,
        %parallel_loop3A_1275 = vector.shape_cast %parallel_loop3A_1274 : vector<1x1x1x16xf32> to vector<16xf32>
        %parallel_loop3A_1276 = vector.shape_cast %parallel_loop3A_1266 : vector<16xf32> to vector<1x1x1x16xf32>
        tpu.vector_store %arg9[%parallel_loop3A_1270, %parallel_loop3A_1271, %parallel_loop3A_1272, %parallel_loop3A_1273], %parallel_loop3A_1276 {strides = array<i32>} : memref<2x8x4x768xf32, #tpu.memory_space<vmem>>, vector<1x1x1x16xf32>,
        %parallel_loop3A_1277 = arith.constant 27.7128124 : f32
        %parallel_loop3A_1278 = vector.broadcast %parallel_loop3A_1277 : f32 to vector<16xf32>
        %parallel_loop3A_1279 = arith.mulf %parallel_loop3A_780, %parallel_loop3A_1278 : vector<16xf32>
        %parallel_loop3A_1280 = arith.addf %parallel_loop3A_1279, %parallel_loop3A_1245 : vector<16xf32>
        %parallel_loop3A_1281 = arith.constant 0 : i32
        %parallel_loop3A_1282 = arith.constant 4 : i32
        %parallel_loop3A_1283 = arith.constant 1 : i32
        %parallel_loop3A_1284 = arith.index_cast %parallel_loop3A_1281 : i32 to index
        %parallel_loop3A_1285 = arith.index_cast %parallel_loop3A_1282 : i32 to index
        %parallel_loop3A_1286 = arith.index_cast %parallel_loop3A_1283 : i32 to index
        %parallel_loop3A_1287 = arith.index_cast %parallel_loop3A_208 : i32 to index
        %parallel_loop3A_1288 = tpu.vector_load %arg9[%parallel_loop3A_1284, %parallel_loop3A_1285, %parallel_loop3A_1286, %parallel_loop3A_1287] {strides = array<i32>} : memref<2x8x4x768xf32, #tpu.memory_space<vmem>>, vector<1x1x1x16xf32>,
        %parallel_loop3A_1289 = vector.shape_cast %parallel_loop3A_1288 : vector<1x1x1x16xf32> to vector<16xf32>
        %parallel_loop3A_1290 = vector.shape_cast %parallel_loop3A_1280 : vector<16xf32> to vector<1x1x1x16xf32>
        tpu.vector_store %arg9[%parallel_loop3A_1284, %parallel_loop3A_1285, %parallel_loop3A_1286, %parallel_loop3A_1287], %parallel_loop3A_1290 {strides = array<i32>} : memref<2x8x4x768xf32, #tpu.memory_space<vmem>>, vector<1x1x1x16xf32>,
        %parallel_loop3A_1291 = arith.constant 27.7128124 : f32
        %parallel_loop3A_1292 = vector.broadcast %parallel_loop3A_1291 : f32 to vector<16xf32>
        %parallel_loop3A_1293 = arith.mulf %parallel_loop3A_808, %parallel_loop3A_1292 : vector<16xf32>
        %parallel_loop3A_1294 = arith.addf %parallel_loop3A_1293, %parallel_loop3A_1248 : vector<16xf32>
        %parallel_loop3A_1295 = arith.constant 0 : i32
        %parallel_loop3A_1296 = arith.constant 4 : i32
        %parallel_loop3A_1297 = arith.constant 1 : i32
        %parallel_loop3A_1298 = arith.index_cast %parallel_loop3A_1295 : i32 to index
        %parallel_loop3A_1299 = arith.index_cast %parallel_loop3A_1296 : i32 to index
        %parallel_loop3A_1300 = arith.index_cast %parallel_loop3A_1297 : i32 to index
        %parallel_loop3A_1301 = arith.index_cast %parallel_loop3A_214 : i32 to index
        %parallel_loop3A_1302 = tpu.vector_load %arg9[%parallel_loop3A_1298, %parallel_loop3A_1299, %parallel_loop3A_1300, %parallel_loop3A_1301] {strides = array<i32>} : memref<2x8x4x768xf32, #tpu.memory_space<vmem>>, vector<1x1x1x16xf32>,
        %parallel_loop3A_1303 = vector.shape_cast %parallel_loop3A_1302 : vector<1x1x1x16xf32> to vector<16xf32>
        %parallel_loop3A_1304 = vector.shape_cast %parallel_loop3A_1294 : vector<16xf32> to vector<1x1x1x16xf32>
        tpu.vector_store %arg9[%parallel_loop3A_1298, %parallel_loop3A_1299, %parallel_loop3A_1300, %parallel_loop3A_1301], %parallel_loop3A_1304 {strides = array<i32>} : memref<2x8x4x768xf32, #tpu.memory_space<vmem>>, vector<1x1x1x16xf32>,
        %parallel_loop3A_1305 = arith.constant 27.7128124 : f32
        %parallel_loop3A_1306 = vector.broadcast %parallel_loop3A_1305 : f32 to vector<16xf32>
        %parallel_loop3A_1307 = arith.mulf %parallel_loop3A_787, %parallel_loop3A_1306 : vector<16xf32>
        %parallel_loop3A_1308 = arith.addf %parallel_loop3A_1307, %parallel_loop3A_1245 : vector<16xf32>
        %parallel_loop3A_1309 = arith.constant 0 : i32
        %parallel_loop3A_1310 = arith.constant 4 : i32
        %parallel_loop3A_1311 = arith.constant 2 : i32
        %parallel_loop3A_1312 = arith.index_cast %parallel_loop3A_1309 : i32 to index
        %parallel_loop3A_1313 = arith.index_cast %parallel_loop3A_1310 : i32 to index
        %parallel_loop3A_1314 = arith.index_cast %parallel_loop3A_1311 : i32 to index
        %parallel_loop3A_1315 = arith.index_cast %parallel_loop3A_208 : i32 to index
        %parallel_loop3A_1316 = tpu.vector_load %arg9[%parallel_loop3A_1312, %parallel_loop3A_1313, %parallel_loop3A_1314, %parallel_loop3A_1315] {strides = array<i32>} : memref<2x8x4x768xf32, #tpu.memory_space<vmem>>, vector<1x1x1x16xf32>,
        %parallel_loop3A_1317 = vector.shape_cast %parallel_loop3A_1316 : vector<1x1x1x16xf32> to vector<16xf32>
        %parallel_loop3A_1318 = vector.shape_cast %parallel_loop3A_1308 : vector<16xf32> to vector<1x1x1x16xf32>
        tpu.vector_store %arg9[%parallel_loop3A_1312, %parallel_loop3A_1313, %parallel_loop3A_1314, %parallel_loop3A_1315], %parallel_loop3A_1318 {strides = array<i32>} : memref<2x8x4x768xf32, #tpu.memory_space<vmem>>, vector<1x1x1x16xf32>,
        %parallel_loop3A_1319 = arith.constant 27.7128124 : f32
        %parallel_loop3A_1320 = vector.broadcast %parallel_loop3A_1319 : f32 to vector<16xf32>
        %parallel_loop3A_1321 = arith.mulf %parallel_loop3A_815, %parallel_loop3A_1320 : vector<16xf32>
        %parallel_loop3A_1322 = arith.addf %parallel_loop3A_1321, %parallel_loop3A_1248 : vector<16xf32>
        %parallel_loop3A_1323 = arith.constant 0 : i32
        %parallel_loop3A_1324 = arith.constant 4 : i32
        %parallel_loop3A_1325 = arith.constant 2 : i32
        %parallel_loop3A_1326 = arith.index_cast %parallel_loop3A_1323 : i32 to index
        %parallel_loop3A_1327 = arith.index_cast %parallel_loop3A_1324 : i32 to index
        %parallel_loop3A_1328 = arith.index_cast %parallel_loop3A_1325 : i32 to index
        %parallel_loop3A_1329 = arith.index_cast %parallel_loop3A_214 : i32 to index
        %parallel_loop3A_1330 = tpu.vector_load %arg9[%parallel_loop3A_1326, %parallel_loop3A_1327, %parallel_loop3A_1328, %parallel_loop3A_1329] {strides = array<i32>} : memref<2x8x4x768xf32, #tpu.memory_space<vmem>>, vector<1x1x1x16xf32>,
        %parallel_loop3A_1331 = vector.shape_cast %parallel_loop3A_1330 : vector<1x1x1x16xf32> to vector<16xf32>
        %parallel_loop3A_1332 = vector.shape_cast %parallel_loop3A_1322 : vector<16xf32> to vector<1x1x1x16xf32>
        tpu.vector_store %arg9[%parallel_loop3A_1326, %parallel_loop3A_1327, %parallel_loop3A_1328, %parallel_loop3A_1329], %parallel_loop3A_1332 {strides = array<i32>} : memref<2x8x4x768xf32, #tpu.memory_space<vmem>>, vector<1x1x1x16xf32>,
        %parallel_loop3A_1333 = arith.constant 27.7128124 : f32
        %parallel_loop3A_1334 = vector.broadcast %parallel_loop3A_1333 : f32 to vector<16xf32>
        %parallel_loop3A_1335 = arith.mulf %parallel_loop3A_794, %parallel_loop3A_1334 : vector<16xf32>
        %parallel_loop3A_1336 = arith.addf %parallel_loop3A_1335, %parallel_loop3A_1245 : vector<16xf32>
        %parallel_loop3A_1337 = arith.constant 0 : i32
        %parallel_loop3A_1338 = arith.constant 4 : i32
        %parallel_loop3A_1339 = arith.constant 3 : i32
        %parallel_loop3A_1340 = arith.index_cast %parallel_loop3A_1337 : i32 to index
        %parallel_loop3A_1341 = arith.index_cast %parallel_loop3A_1338 : i32 to index
        %parallel_loop3A_1342 = arith.index_cast %parallel_loop3A_1339 : i32 to index
        %parallel_loop3A_1343 = arith.index_cast %parallel_loop3A_208 : i32 to index
        %parallel_loop3A_1344 = tpu.vector_load %arg9[%parallel_loop3A_1340, %parallel_loop3A_1341, %parallel_loop3A_1342, %parallel_loop3A_1343] {strides = array<i32>} : memref<2x8x4x768xf32, #tpu.memory_space<vmem>>, vector<1x1x1x16xf32>,
        %parallel_loop3A_1345 = vector.shape_cast %parallel_loop3A_1344 : vector<1x1x1x16xf32> to vector<16xf32>
        %parallel_loop3A_1346 = vector.shape_cast %parallel_loop3A_1336 : vector<16xf32> to vector<1x1x1x16xf32>
        tpu.vector_store %arg9[%parallel_loop3A_1340, %parallel_loop3A_1341, %parallel_loop3A_1342, %parallel_loop3A_1343], %parallel_loop3A_1346 {strides = array<i32>} : memref<2x8x4x768xf32, #tpu.memory_space<vmem>>, vector<1x1x1x16xf32>,
        %parallel_loop3A_1347 = arith.constant 27.7128124 : f32
        %parallel_loop3A_1348 = vector.broadcast %parallel_loop3A_1347 : f32 to vector<16xf32>
        %parallel_loop3A_1349 = arith.mulf %parallel_loop3A_822, %parallel_loop3A_1348 : vector<16xf32>
        %parallel_loop3A_1350 = arith.addf %parallel_loop3A_1349, %parallel_loop3A_1248 : vector<16xf32>
        %parallel_loop3A_1351 = arith.constant 0 : i32
        %parallel_loop3A_1352 = arith.constant 4 : i32
        %parallel_loop3A_1353 = arith.constant 3 : i32
        %parallel_loop3A_1354 = arith.index_cast %parallel_loop3A_1351 : i32 to index
        %parallel_loop3A_1355 = arith.index_cast %parallel_loop3A_1352 : i32 to index
        %parallel_loop3A_1356 = arith.index_cast %parallel_loop3A_1353 : i32 to index
        %parallel_loop3A_1357 = arith.index_cast %parallel_loop3A_214 : i32 to index
        %parallel_loop3A_1358 = tpu.vector_load %arg9[%parallel_loop3A_1354, %parallel_loop3A_1355, %parallel_loop3A_1356, %parallel_loop3A_1357] {strides = array<i32>} : memref<2x8x4x768xf32, #tpu.memory_space<vmem>>, vector<1x1x1x16xf32>,
        %parallel_loop3A_1359 = vector.shape_cast %parallel_loop3A_1358 : vector<1x1x1x16xf32> to vector<16xf32>
        %parallel_loop3A_1360 = vector.shape_cast %parallel_loop3A_1350 : vector<16xf32> to vector<1x1x1x16xf32>
        tpu.vector_store %arg9[%parallel_loop3A_1354, %parallel_loop3A_1355, %parallel_loop3A_1356, %parallel_loop3A_1357], %parallel_loop3A_1360 {strides = array<i32>} : memref<2x8x4x768xf32, #tpu.memory_space<vmem>>, vector<1x1x1x16xf32>,
        %parallel_loop3A_1361 = arith.constant 16 : i32
        %parallel_loop3A_1362 = arith.muli %parallel_loop3A_176, %parallel_loop3A_1361 : i32
        %parallel_loop3A_1363 = arith.constant 2688 : i32
        %parallel_loop3A_1364 = arith.addi %parallel_loop3A_1363, %parallel_loop3A_1362 : i32
        %parallel_loop3A_1365 = arith.index_cast %parallel_loop3A_1364 : i32 to index
        %parallel_loop3A_1366 = tpu.vector_load %arg12[%parallel_loop3A_1365] {strides = array<i32>} : memref<6144xi32, #tpu.memory_space<vmem>>, vector<16xi32>,
        %parallel_loop3A_1367 = vector.shape_cast %parallel_loop3A_1366 : vector<16xi32> to vector<16xi32>
        %parallel_loop3A_1368 = arith.constant 3072 : i32
        %parallel_loop3A_1369 = arith.addi %parallel_loop3A_1368, %parallel_loop3A_1364 : i32
        %parallel_loop3A_1370 = arith.index_cast %parallel_loop3A_1369 : i32 to index
        %parallel_loop3A_1371 = tpu.vector_load %arg12[%parallel_loop3A_1370] {strides = array<i32>} : memref<6144xi32, #tpu.memory_space<vmem>>, vector<16xi32>,
        %parallel_loop3A_1372 = vector.shape_cast %parallel_loop3A_1371 : vector<16xi32> to vector<16xi32>
        %parallel_loop3A_1373 = arith.constant 0 : i32
        %parallel_loop3A_1374 = arith.constant 28 : i32
        %parallel_loop3A_1375 = arith.index_cast %parallel_loop3A_1373 : i32 to index
        %parallel_loop3A_1376 = arith.index_cast %parallel_loop3A_1374 : i32 to index
        %parallel_loop3A_1377 = arith.index_cast %parallel_loop3A_208 : i32 to index
        %parallel_loop3A_1378 = tpu.vector_load %arg8[%parallel_loop3A_1375, %parallel_loop3A_1376, %parallel_loop3A_1377] {strides = array<i32>} : memref<2x32x768xf32, #tpu.memory_space<vmem>>, vector<1x1x16xf32>,
        %parallel_loop3A_1379 = vector.shape_cast %parallel_loop3A_1378 : vector<1x1x16xf32> to vector<16xf32>
        %parallel_loop3A_1380 = arith.constant 0 : i32
        %parallel_loop3A_1381 = arith.constant 29 : i32
        %parallel_loop3A_1382 = arith.index_cast %parallel_loop3A_1380 : i32 to index
        %parallel_loop3A_1383 = arith.index_cast %parallel_loop3A_1381 : i32 to index
        %parallel_loop3A_1384 = arith.index_cast %parallel_loop3A_208 : i32 to index
        %parallel_loop3A_1385 = tpu.vector_load %arg8[%parallel_loop3A_1382, %parallel_loop3A_1383, %parallel_loop3A_1384] {strides = array<i32>} : memref<2x32x768xf32, #tpu.memory_space<vmem>>, vector<1x1x16xf32>,
        %parallel_loop3A_1386 = vector.shape_cast %parallel_loop3A_1385 : vector<1x1x16xf32> to vector<16xf32>
        %parallel_loop3A_1387 = arith.constant 0 : i32
        %parallel_loop3A_1388 = arith.constant 30 : i32
        %parallel_loop3A_1389 = arith.index_cast %parallel_loop3A_1387 : i32 to index
        %parallel_loop3A_1390 = arith.index_cast %parallel_loop3A_1388 : i32 to index
        %parallel_loop3A_1391 = arith.index_cast %parallel_loop3A_208 : i32 to index
        %parallel_loop3A_1392 = tpu.vector_load %arg8[%parallel_loop3A_1389, %parallel_loop3A_1390, %parallel_loop3A_1391] {strides = array<i32>} : memref<2x32x768xf32, #tpu.memory_space<vmem>>, vector<1x1x16xf32>,
        %parallel_loop3A_1393 = vector.shape_cast %parallel_loop3A_1392 : vector<1x1x16xf32> to vector<16xf32>
        %parallel_loop3A_1394 = arith.constant 0 : i32
        %parallel_loop3A_1395 = arith.constant 31 : i32
        %parallel_loop3A_1396 = arith.index_cast %parallel_loop3A_1394 : i32 to index
        %parallel_loop3A_1397 = arith.index_cast %parallel_loop3A_1395 : i32 to index
        %parallel_loop3A_1398 = arith.index_cast %parallel_loop3A_208 : i32 to index
        %parallel_loop3A_1399 = tpu.vector_load %arg8[%parallel_loop3A_1396, %parallel_loop3A_1397, %parallel_loop3A_1398] {strides = array<i32>} : memref<2x32x768xf32, #tpu.memory_space<vmem>>, vector<1x1x16xf32>,
        %parallel_loop3A_1400 = vector.shape_cast %parallel_loop3A_1399 : vector<1x1x16xf32> to vector<16xf32>
        %parallel_loop3A_1401 = arith.constant 0 : i32
        %parallel_loop3A_1402 = arith.constant 28 : i32
        %parallel_loop3A_1403 = arith.index_cast %parallel_loop3A_1401 : i32 to index
        %parallel_loop3A_1404 = arith.index_cast %parallel_loop3A_1402 : i32 to index
        %parallel_loop3A_1405 = arith.index_cast %parallel_loop3A_214 : i32 to index
        %parallel_loop3A_1406 = tpu.vector_load %arg8[%parallel_loop3A_1403, %parallel_loop3A_1404, %parallel_loop3A_1405] {strides = array<i32>} : memref<2x32x768xf32, #tpu.memory_space<vmem>>, vector<1x1x16xf32>,
        %parallel_loop3A_1407 = vector.shape_cast %parallel_loop3A_1406 : vector<1x1x16xf32> to vector<16xf32>
        %parallel_loop3A_1408 = arith.constant 0 : i32
        %parallel_loop3A_1409 = arith.constant 29 : i32
        %parallel_loop3A_1410 = arith.index_cast %parallel_loop3A_1408 : i32 to index
        %parallel_loop3A_1411 = arith.index_cast %parallel_loop3A_1409 : i32 to index
        %parallel_loop3A_1412 = arith.index_cast %parallel_loop3A_214 : i32 to index
        %parallel_loop3A_1413 = tpu.vector_load %arg8[%parallel_loop3A_1410, %parallel_loop3A_1411, %parallel_loop3A_1412] {strides = array<i32>} : memref<2x32x768xf32, #tpu.memory_space<vmem>>, vector<1x1x16xf32>,
        %parallel_loop3A_1414 = vector.shape_cast %parallel_loop3A_1413 : vector<1x1x16xf32> to vector<16xf32>
        %parallel_loop3A_1415 = arith.constant 0 : i32
        %parallel_loop3A_1416 = arith.constant 30 : i32
        %parallel_loop3A_1417 = arith.index_cast %parallel_loop3A_1415 : i32 to index
        %parallel_loop3A_1418 = arith.index_cast %parallel_loop3A_1416 : i32 to index
        %parallel_loop3A_1419 = arith.index_cast %parallel_loop3A_214 : i32 to index
        %parallel_loop3A_1420 = tpu.vector_load %arg8[%parallel_loop3A_1417, %parallel_loop3A_1418, %parallel_loop3A_1419] {strides = array<i32>} : memref<2x32x768xf32, #tpu.memory_space<vmem>>, vector<1x1x16xf32>,
        %parallel_loop3A_1421 = vector.shape_cast %parallel_loop3A_1420 : vector<1x1x16xf32> to vector<16xf32>
        %parallel_loop3A_1422 = arith.constant 0 : i32
        %parallel_loop3A_1423 = arith.constant 31 : i32
        %parallel_loop3A_1424 = arith.index_cast %parallel_loop3A_1422 : i32 to index
        %parallel_loop3A_1425 = arith.index_cast %parallel_loop3A_1423 : i32 to index
        %parallel_loop3A_1426 = arith.index_cast %parallel_loop3A_214 : i32 to index
        %parallel_loop3A_1427 = tpu.vector_load %arg8[%parallel_loop3A_1424, %parallel_loop3A_1425, %parallel_loop3A_1426] {strides = array<i32>} : memref<2x32x768xf32, #tpu.memory_space<vmem>>, vector<1x1x16xf32>,
        %parallel_loop3A_1428 = vector.shape_cast %parallel_loop3A_1427 : vector<1x1x16xf32> to vector<16xf32>
        %parallel_loop3A_1429 = arith.constant 16 : i32
        %parallel_loop3A_1430 = vector.broadcast %parallel_loop3A_1429 : i32 to vector<16xi32>
        %parallel_loop3A_1431 = arith.shli %parallel_loop3A_963, %parallel_loop3A_1430 : vector<16xi32>
        %parallel_loop3A_1432 = tpu.bitcast %parallel_loop3A_1431 : vector<16xi32> -> vector<16xf32>
        %parallel_loop3A_1433 = arith.constant -65536 : i32
        %parallel_loop3A_1434 = vector.broadcast %parallel_loop3A_1433 : i32 to vector<16xi32>
        %parallel_loop3A_1435 = arith.andi %parallel_loop3A_963, %parallel_loop3A_1434 : vector<16xi32>
        %parallel_loop3A_1436 = tpu.bitcast %parallel_loop3A_1435 : vector<16xi32> -> vector<16xf32>
        %parallel_loop3A_1437 = arith.constant 16 : i32
        %parallel_loop3A_1438 = vector.broadcast %parallel_loop3A_1437 : i32 to vector<16xi32>
        %parallel_loop3A_1439 = arith.shli %parallel_loop3A_968, %parallel_loop3A_1438 : vector<16xi32>
        %parallel_loop3A_1440 = tpu.bitcast %parallel_loop3A_1439 : vector<16xi32> -> vector<16xf32>
        %parallel_loop3A_1441 = arith.constant -65536 : i32
        %parallel_loop3A_1442 = vector.broadcast %parallel_loop3A_1441 : i32 to vector<16xi32>
        %parallel_loop3A_1443 = arith.andi %parallel_loop3A_968, %parallel_loop3A_1442 : vector<16xi32>
        %parallel_loop3A_1444 = tpu.bitcast %parallel_loop3A_1443 : vector<16xi32> -> vector<16xf32>
        %parallel_loop3A_1445 = arith.mulf %parallel_loop3A_185, %parallel_loop3A_1432 : vector<16xf32>
        %parallel_loop3A_1446 = arith.mulf %parallel_loop3A_200, %parallel_loop3A_1440 : vector<16xf32>
        %parallel_loop3A_1447 = arith.addf %parallel_loop3A_1445, %parallel_loop3A_1446 : vector<16xf32>
        %parallel_loop3A_1448 = arith.mulf %parallel_loop3A_189, %parallel_loop3A_1436 : vector<16xf32>
        %parallel_loop3A_1449 = arith.mulf %parallel_loop3A_204, %parallel_loop3A_1444 : vector<16xf32>
        %parallel_loop3A_1450 = arith.addf %parallel_loop3A_1448, %parallel_loop3A_1449 : vector<16xf32>
        %parallel_loop3A_1451 = arith.constant 27.7128124 : f32
        %parallel_loop3A_1452 = vector.broadcast %parallel_loop3A_1451 : f32 to vector<16xf32>
        %parallel_loop3A_1453 = arith.mulf %parallel_loop3A_975, %parallel_loop3A_1452 : vector<16xf32>
        %parallel_loop3A_1454 = arith.addf %parallel_loop3A_1453, %parallel_loop3A_1447 : vector<16xf32>
        %parallel_loop3A_1455 = arith.constant 0 : i32
        %parallel_loop3A_1456 = arith.constant 5 : i32
        %parallel_loop3A_1457 = arith.constant 0 : i32
        %parallel_loop3A_1458 = arith.index_cast %parallel_loop3A_1455 : i32 to index
        %parallel_loop3A_1459 = arith.index_cast %parallel_loop3A_1456 : i32 to index
        %parallel_loop3A_1460 = arith.index_cast %parallel_loop3A_1457 : i32 to index
        %parallel_loop3A_1461 = arith.index_cast %parallel_loop3A_208 : i32 to index
        %parallel_loop3A_1462 = tpu.vector_load %arg9[%parallel_loop3A_1458, %parallel_loop3A_1459, %parallel_loop3A_1460, %parallel_loop3A_1461] {strides = array<i32>} : memref<2x8x4x768xf32, #tpu.memory_space<vmem>>, vector<1x1x1x16xf32>,
        %parallel_loop3A_1463 = vector.shape_cast %parallel_loop3A_1462 : vector<1x1x1x16xf32> to vector<16xf32>
        %parallel_loop3A_1464 = vector.shape_cast %parallel_loop3A_1454 : vector<16xf32> to vector<1x1x1x16xf32>
        tpu.vector_store %arg9[%parallel_loop3A_1458, %parallel_loop3A_1459, %parallel_loop3A_1460, %parallel_loop3A_1461], %parallel_loop3A_1464 {strides = array<i32>} : memref<2x8x4x768xf32, #tpu.memory_space<vmem>>, vector<1x1x1x16xf32>,
        %parallel_loop3A_1465 = arith.constant 27.7128124 : f32
        %parallel_loop3A_1466 = vector.broadcast %parallel_loop3A_1465 : f32 to vector<16xf32>
        %parallel_loop3A_1467 = arith.mulf %parallel_loop3A_1003, %parallel_loop3A_1466 : vector<16xf32>
        %parallel_loop3A_1468 = arith.addf %parallel_loop3A_1467, %parallel_loop3A_1450 : vector<16xf32>
        %parallel_loop3A_1469 = arith.constant 0 : i32
        %parallel_loop3A_1470 = arith.constant 5 : i32
        %parallel_loop3A_1471 = arith.constant 0 : i32
        %parallel_loop3A_1472 = arith.index_cast %parallel_loop3A_1469 : i32 to index
        %parallel_loop3A_1473 = arith.index_cast %parallel_loop3A_1470 : i32 to index
        %parallel_loop3A_1474 = arith.index_cast %parallel_loop3A_1471 : i32 to index
        %parallel_loop3A_1475 = arith.index_cast %parallel_loop3A_214 : i32 to index
        %parallel_loop3A_1476 = tpu.vector_load %arg9[%parallel_loop3A_1472, %parallel_loop3A_1473, %parallel_loop3A_1474, %parallel_loop3A_1475] {strides = array<i32>} : memref<2x8x4x768xf32, #tpu.memory_space<vmem>>, vector<1x1x1x16xf32>,
        %parallel_loop3A_1477 = vector.shape_cast %parallel_loop3A_1476 : vector<1x1x1x16xf32> to vector<16xf32>
        %parallel_loop3A_1478 = vector.shape_cast %parallel_loop3A_1468 : vector<16xf32> to vector<1x1x1x16xf32>
        tpu.vector_store %arg9[%parallel_loop3A_1472, %parallel_loop3A_1473, %parallel_loop3A_1474, %parallel_loop3A_1475], %parallel_loop3A_1478 {strides = array<i32>} : memref<2x8x4x768xf32, #tpu.memory_space<vmem>>, vector<1x1x1x16xf32>,
        %parallel_loop3A_1479 = arith.constant 27.7128124 : f32
        %parallel_loop3A_1480 = vector.broadcast %parallel_loop3A_1479 : f32 to vector<16xf32>
        %parallel_loop3A_1481 = arith.mulf %parallel_loop3A_982, %parallel_loop3A_1480 : vector<16xf32>
        %parallel_loop3A_1482 = arith.addf %parallel_loop3A_1481, %parallel_loop3A_1447 : vector<16xf32>
        %parallel_loop3A_1483 = arith.constant 0 : i32
        %parallel_loop3A_1484 = arith.constant 5 : i32
        %parallel_loop3A_1485 = arith.constant 1 : i32
        %parallel_loop3A_1486 = arith.index_cast %parallel_loop3A_1483 : i32 to index
        %parallel_loop3A_1487 = arith.index_cast %parallel_loop3A_1484 : i32 to index
        %parallel_loop3A_1488 = arith.index_cast %parallel_loop3A_1485 : i32 to index
        %parallel_loop3A_1489 = arith.index_cast %parallel_loop3A_208 : i32 to index
        %parallel_loop3A_1490 = tpu.vector_load %arg9[%parallel_loop3A_1486, %parallel_loop3A_1487, %parallel_loop3A_1488, %parallel_loop3A_1489] {strides = array<i32>} : memref<2x8x4x768xf32, #tpu.memory_space<vmem>>, vector<1x1x1x16xf32>,
        %parallel_loop3A_1491 = vector.shape_cast %parallel_loop3A_1490 : vector<1x1x1x16xf32> to vector<16xf32>
        %parallel_loop3A_1492 = vector.shape_cast %parallel_loop3A_1482 : vector<16xf32> to vector<1x1x1x16xf32>
        tpu.vector_store %arg9[%parallel_loop3A_1486, %parallel_loop3A_1487, %parallel_loop3A_1488, %parallel_loop3A_1489], %parallel_loop3A_1492 {strides = array<i32>} : memref<2x8x4x768xf32, #tpu.memory_space<vmem>>, vector<1x1x1x16xf32>,
        %parallel_loop3A_1493 = arith.constant 27.7128124 : f32
        %parallel_loop3A_1494 = vector.broadcast %parallel_loop3A_1493 : f32 to vector<16xf32>
        %parallel_loop3A_1495 = arith.mulf %parallel_loop3A_1010, %parallel_loop3A_1494 : vector<16xf32>
        %parallel_loop3A_1496 = arith.addf %parallel_loop3A_1495, %parallel_loop3A_1450 : vector<16xf32>
        %parallel_loop3A_1497 = arith.constant 0 : i32
        %parallel_loop3A_1498 = arith.constant 5 : i32
        %parallel_loop3A_1499 = arith.constant 1 : i32
        %parallel_loop3A_1500 = arith.index_cast %parallel_loop3A_1497 : i32 to index
        %parallel_loop3A_1501 = arith.index_cast %parallel_loop3A_1498 : i32 to index
        %parallel_loop3A_1502 = arith.index_cast %parallel_loop3A_1499 : i32 to index
        %parallel_loop3A_1503 = arith.index_cast %parallel_loop3A_214 : i32 to index
        %parallel_loop3A_1504 = tpu.vector_load %arg9[%parallel_loop3A_1500, %parallel_loop3A_1501, %parallel_loop3A_1502, %parallel_loop3A_1503] {strides = array<i32>} : memref<2x8x4x768xf32, #tpu.memory_space<vmem>>, vector<1x1x1x16xf32>,
        %parallel_loop3A_1505 = vector.shape_cast %parallel_loop3A_1504 : vector<1x1x1x16xf32> to vector<16xf32>
        %parallel_loop3A_1506 = vector.shape_cast %parallel_loop3A_1496 : vector<16xf32> to vector<1x1x1x16xf32>
        tpu.vector_store %arg9[%parallel_loop3A_1500, %parallel_loop3A_1501, %parallel_loop3A_1502, %parallel_loop3A_1503], %parallel_loop3A_1506 {strides = array<i32>} : memref<2x8x4x768xf32, #tpu.memory_space<vmem>>, vector<1x1x1x16xf32>,
        %parallel_loop3A_1507 = arith.constant 27.7128124 : f32
        %parallel_loop3A_1508 = vector.broadcast %parallel_loop3A_1507 : f32 to vector<16xf32>
        %parallel_loop3A_1509 = arith.mulf %parallel_loop3A_989, %parallel_loop3A_1508 : vector<16xf32>
        %parallel_loop3A_1510 = arith.addf %parallel_loop3A_1509, %parallel_loop3A_1447 : vector<16xf32>
        %parallel_loop3A_1511 = arith.constant 0 : i32
        %parallel_loop3A_1512 = arith.constant 5 : i32
        %parallel_loop3A_1513 = arith.constant 2 : i32
        %parallel_loop3A_1514 = arith.index_cast %parallel_loop3A_1511 : i32 to index
        %parallel_loop3A_1515 = arith.index_cast %parallel_loop3A_1512 : i32 to index
        %parallel_loop3A_1516 = arith.index_cast %parallel_loop3A_1513 : i32 to index
        %parallel_loop3A_1517 = arith.index_cast %parallel_loop3A_208 : i32 to index
        %parallel_loop3A_1518 = tpu.vector_load %arg9[%parallel_loop3A_1514, %parallel_loop3A_1515, %parallel_loop3A_1516, %parallel_loop3A_1517] {strides = array<i32>} : memref<2x8x4x768xf32, #tpu.memory_space<vmem>>, vector<1x1x1x16xf32>,
        %parallel_loop3A_1519 = vector.shape_cast %parallel_loop3A_1518 : vector<1x1x1x16xf32> to vector<16xf32>
        %parallel_loop3A_1520 = vector.shape_cast %parallel_loop3A_1510 : vector<16xf32> to vector<1x1x1x16xf32>
        tpu.vector_store %arg9[%parallel_loop3A_1514, %parallel_loop3A_1515, %parallel_loop3A_1516, %parallel_loop3A_1517], %parallel_loop3A_1520 {strides = array<i32>} : memref<2x8x4x768xf32, #tpu.memory_space<vmem>>, vector<1x1x1x16xf32>,
        %parallel_loop3A_1521 = arith.constant 27.7128124 : f32
        %parallel_loop3A_1522 = vector.broadcast %parallel_loop3A_1521 : f32 to vector<16xf32>
        %parallel_loop3A_1523 = arith.mulf %parallel_loop3A_1017, %parallel_loop3A_1522 : vector<16xf32>
        %parallel_loop3A_1524 = arith.addf %parallel_loop3A_1523, %parallel_loop3A_1450 : vector<16xf32>
        %parallel_loop3A_1525 = arith.constant 0 : i32
        %parallel_loop3A_1526 = arith.constant 5 : i32
        %parallel_loop3A_1527 = arith.constant 2 : i32
        %parallel_loop3A_1528 = arith.index_cast %parallel_loop3A_1525 : i32 to index
        %parallel_loop3A_1529 = arith.index_cast %parallel_loop3A_1526 : i32 to index
        %parallel_loop3A_1530 = arith.index_cast %parallel_loop3A_1527 : i32 to index
        %parallel_loop3A_1531 = arith.index_cast %parallel_loop3A_214 : i32 to index
        %parallel_loop3A_1532 = tpu.vector_load %arg9[%parallel_loop3A_1528, %parallel_loop3A_1529, %parallel_loop3A_1530, %parallel_loop3A_1531] {strides = array<i32>} : memref<2x8x4x768xf32, #tpu.memory_space<vmem>>, vector<1x1x1x16xf32>,
        %parallel_loop3A_1533 = vector.shape_cast %parallel_loop3A_1532 : vector<1x1x1x16xf32> to vector<16xf32>
        %parallel_loop3A_1534 = vector.shape_cast %parallel_loop3A_1524 : vector<16xf32> to vector<1x1x1x16xf32>
        tpu.vector_store %arg9[%parallel_loop3A_1528, %parallel_loop3A_1529, %parallel_loop3A_1530, %parallel_loop3A_1531], %parallel_loop3A_1534 {strides = array<i32>} : memref<2x8x4x768xf32, #tpu.memory_space<vmem>>, vector<1x1x1x16xf32>,
        %parallel_loop3A_1535 = arith.constant 27.7128124 : f32
        %parallel_loop3A_1536 = vector.broadcast %parallel_loop3A_1535 : f32 to vector<16xf32>
        %parallel_loop3A_1537 = arith.mulf %parallel_loop3A_996, %parallel_loop3A_1536 : vector<16xf32>
        %parallel_loop3A_1538 = arith.addf %parallel_loop3A_1537, %parallel_loop3A_1447 : vector<16xf32>
        %parallel_loop3A_1539 = arith.constant 0 : i32
        %parallel_loop3A_1540 = arith.constant 5 : i32
        %parallel_loop3A_1541 = arith.constant 3 : i32
        %parallel_loop3A_1542 = arith.index_cast %parallel_loop3A_1539 : i32 to index
        %parallel_loop3A_1543 = arith.index_cast %parallel_loop3A_1540 : i32 to index
        %parallel_loop3A_1544 = arith.index_cast %parallel_loop3A_1541 : i32 to index
        %parallel_loop3A_1545 = arith.index_cast %parallel_loop3A_208 : i32 to index
        %parallel_loop3A_1546 = tpu.vector_load %arg9[%parallel_loop3A_1542, %parallel_loop3A_1543, %parallel_loop3A_1544, %parallel_loop3A_1545] {strides = array<i32>} : memref<2x8x4x768xf32, #tpu.memory_space<vmem>>, vector<1x1x1x16xf32>,
        %parallel_loop3A_1547 = vector.shape_cast %parallel_loop3A_1546 : vector<1x1x1x16xf32> to vector<16xf32>
        %parallel_loop3A_1548 = vector.shape_cast %parallel_loop3A_1538 : vector<16xf32> to vector<1x1x1x16xf32>
        tpu.vector_store %arg9[%parallel_loop3A_1542, %parallel_loop3A_1543, %parallel_loop3A_1544, %parallel_loop3A_1545], %parallel_loop3A_1548 {strides = array<i32>} : memref<2x8x4x768xf32, #tpu.memory_space<vmem>>, vector<1x1x1x16xf32>,
        %parallel_loop3A_1549 = arith.constant 27.7128124 : f32
        %parallel_loop3A_1550 = vector.broadcast %parallel_loop3A_1549 : f32 to vector<16xf32>
        %parallel_loop3A_1551 = arith.mulf %parallel_loop3A_1024, %parallel_loop3A_1550 : vector<16xf32>
        %parallel_loop3A_1552 = arith.addf %parallel_loop3A_1551, %parallel_loop3A_1450 : vector<16xf32>
        %parallel_loop3A_1553 = arith.constant 0 : i32
        %parallel_loop3A_1554 = arith.constant 5 : i32
        %parallel_loop3A_1555 = arith.constant 3 : i32
        %parallel_loop3A_1556 = arith.index_cast %parallel_loop3A_1553 : i32 to index
        %parallel_loop3A_1557 = arith.index_cast %parallel_loop3A_1554 : i32 to index
        %parallel_loop3A_1558 = arith.index_cast %parallel_loop3A_1555 : i32 to index
        %parallel_loop3A_1559 = arith.index_cast %parallel_loop3A_214 : i32 to index
        %parallel_loop3A_1560 = tpu.vector_load %arg9[%parallel_loop3A_1556, %parallel_loop3A_1557, %parallel_loop3A_1558, %parallel_loop3A_1559] {strides = array<i32>} : memref<2x8x4x768xf32, #tpu.memory_space<vmem>>, vector<1x1x1x16xf32>,
        %parallel_loop3A_1561 = vector.shape_cast %parallel_loop3A_1560 : vector<1x1x1x16xf32> to vector<16xf32>
        %parallel_loop3A_1562 = vector.shape_cast %parallel_loop3A_1552 : vector<16xf32> to vector<1x1x1x16xf32>
        tpu.vector_store %arg9[%parallel_loop3A_1556, %parallel_loop3A_1557, %parallel_loop3A_1558, %parallel_loop3A_1559], %parallel_loop3A_1562 {strides = array<i32>} : memref<2x8x4x768xf32, #tpu.memory_space<vmem>>, vector<1x1x1x16xf32>,
        %parallel_loop3A_1563 = arith.constant 16 : i32
        %parallel_loop3A_1564 = vector.broadcast %parallel_loop3A_1563 : i32 to vector<16xi32>
        %parallel_loop3A_1565 = arith.shli %parallel_loop3A_1165, %parallel_loop3A_1564 : vector<16xi32>
        %parallel_loop3A_1566 = tpu.bitcast %parallel_loop3A_1565 : vector<16xi32> -> vector<16xf32>
        %parallel_loop3A_1567 = arith.constant -65536 : i32
        %parallel_loop3A_1568 = vector.broadcast %parallel_loop3A_1567 : i32 to vector<16xi32>
        %parallel_loop3A_1569 = arith.andi %parallel_loop3A_1165, %parallel_loop3A_1568 : vector<16xi32>
        %parallel_loop3A_1570 = tpu.bitcast %parallel_loop3A_1569 : vector<16xi32> -> vector<16xf32>
        %parallel_loop3A_1571 = arith.constant 16 : i32
        %parallel_loop3A_1572 = vector.broadcast %parallel_loop3A_1571 : i32 to vector<16xi32>
        %parallel_loop3A_1573 = arith.shli %parallel_loop3A_1170, %parallel_loop3A_1572 : vector<16xi32>
        %parallel_loop3A_1574 = tpu.bitcast %parallel_loop3A_1573 : vector<16xi32> -> vector<16xf32>
        %parallel_loop3A_1575 = arith.constant -65536 : i32
        %parallel_loop3A_1576 = vector.broadcast %parallel_loop3A_1575 : i32 to vector<16xi32>
        %parallel_loop3A_1577 = arith.andi %parallel_loop3A_1170, %parallel_loop3A_1576 : vector<16xi32>
        %parallel_loop3A_1578 = tpu.bitcast %parallel_loop3A_1577 : vector<16xi32> -> vector<16xf32>
        %parallel_loop3A_1579 = arith.mulf %parallel_loop3A_185, %parallel_loop3A_1566 : vector<16xf32>
        %parallel_loop3A_1580 = arith.mulf %parallel_loop3A_200, %parallel_loop3A_1574 : vector<16xf32>
        %parallel_loop3A_1581 = arith.addf %parallel_loop3A_1579, %parallel_loop3A_1580 : vector<16xf32>
        %parallel_loop3A_1582 = arith.mulf %parallel_loop3A_189, %parallel_loop3A_1570 : vector<16xf32>
        %parallel_loop3A_1583 = arith.mulf %parallel_loop3A_204, %parallel_loop3A_1578 : vector<16xf32>
        %parallel_loop3A_1584 = arith.addf %parallel_loop3A_1582, %parallel_loop3A_1583 : vector<16xf32>
        %parallel_loop3A_1585 = arith.constant 27.7128124 : f32
        %parallel_loop3A_1586 = vector.broadcast %parallel_loop3A_1585 : f32 to vector<16xf32>
        %parallel_loop3A_1587 = arith.mulf %parallel_loop3A_1177, %parallel_loop3A_1586 : vector<16xf32>
        %parallel_loop3A_1588 = arith.addf %parallel_loop3A_1587, %parallel_loop3A_1581 : vector<16xf32>
        %parallel_loop3A_1589 = arith.constant 0 : i32
        %parallel_loop3A_1590 = arith.constant 6 : i32
        %parallel_loop3A_1591 = arith.constant 0 : i32
        %parallel_loop3A_1592 = arith.index_cast %parallel_loop3A_1589 : i32 to index
        %parallel_loop3A_1593 = arith.index_cast %parallel_loop3A_1590 : i32 to index
        %parallel_loop3A_1594 = arith.index_cast %parallel_loop3A_1591 : i32 to index
        %parallel_loop3A_1595 = arith.index_cast %parallel_loop3A_208 : i32 to index
        %parallel_loop3A_1596 = tpu.vector_load %arg9[%parallel_loop3A_1592, %parallel_loop3A_1593, %parallel_loop3A_1594, %parallel_loop3A_1595] {strides = array<i32>} : memref<2x8x4x768xf32, #tpu.memory_space<vmem>>, vector<1x1x1x16xf32>,
        %parallel_loop3A_1597 = vector.shape_cast %parallel_loop3A_1596 : vector<1x1x1x16xf32> to vector<16xf32>
        %parallel_loop3A_1598 = vector.shape_cast %parallel_loop3A_1588 : vector<16xf32> to vector<1x1x1x16xf32>
        tpu.vector_store %arg9[%parallel_loop3A_1592, %parallel_loop3A_1593, %parallel_loop3A_1594, %parallel_loop3A_1595], %parallel_loop3A_1598 {strides = array<i32>} : memref<2x8x4x768xf32, #tpu.memory_space<vmem>>, vector<1x1x1x16xf32>,
        %parallel_loop3A_1599 = arith.constant 27.7128124 : f32
        %parallel_loop3A_1600 = vector.broadcast %parallel_loop3A_1599 : f32 to vector<16xf32>
        %parallel_loop3A_1601 = arith.mulf %parallel_loop3A_1205, %parallel_loop3A_1600 : vector<16xf32>
        %parallel_loop3A_1602 = arith.addf %parallel_loop3A_1601, %parallel_loop3A_1584 : vector<16xf32>
        %parallel_loop3A_1603 = arith.constant 0 : i32
        %parallel_loop3A_1604 = arith.constant 6 : i32
        %parallel_loop3A_1605 = arith.constant 0 : i32
        %parallel_loop3A_1606 = arith.index_cast %parallel_loop3A_1603 : i32 to index
        %parallel_loop3A_1607 = arith.index_cast %parallel_loop3A_1604 : i32 to index
        %parallel_loop3A_1608 = arith.index_cast %parallel_loop3A_1605 : i32 to index
        %parallel_loop3A_1609 = arith.index_cast %parallel_loop3A_214 : i32 to index
        %parallel_loop3A_1610 = tpu.vector_load %arg9[%parallel_loop3A_1606, %parallel_loop3A_1607, %parallel_loop3A_1608, %parallel_loop3A_1609] {strides = array<i32>} : memref<2x8x4x768xf32, #tpu.memory_space<vmem>>, vector<1x1x1x16xf32>,
        %parallel_loop3A_1611 = vector.shape_cast %parallel_loop3A_1610 : vector<1x1x1x16xf32> to vector<16xf32>
        %parallel_loop3A_1612 = vector.shape_cast %parallel_loop3A_1602 : vector<16xf32> to vector<1x1x1x16xf32>
        tpu.vector_store %arg9[%parallel_loop3A_1606, %parallel_loop3A_1607, %parallel_loop3A_1608, %parallel_loop3A_1609], %parallel_loop3A_1612 {strides = array<i32>} : memref<2x8x4x768xf32, #tpu.memory_space<vmem>>, vector<1x1x1x16xf32>,
        %parallel_loop3A_1613 = arith.constant 27.7128124 : f32
        %parallel_loop3A_1614 = vector.broadcast %parallel_loop3A_1613 : f32 to vector<16xf32>
        %parallel_loop3A_1615 = arith.mulf %parallel_loop3A_1184, %parallel_loop3A_1614 : vector<16xf32>
        %parallel_loop3A_1616 = arith.addf %parallel_loop3A_1615, %parallel_loop3A_1581 : vector<16xf32>
        %parallel_loop3A_1617 = arith.constant 0 : i32
        %parallel_loop3A_1618 = arith.constant 6 : i32
        %parallel_loop3A_1619 = arith.constant 1 : i32
        %parallel_loop3A_1620 = arith.index_cast %parallel_loop3A_1617 : i32 to index
        %parallel_loop3A_1621 = arith.index_cast %parallel_loop3A_1618 : i32 to index
        %parallel_loop3A_1622 = arith.index_cast %parallel_loop3A_1619 : i32 to index
        %parallel_loop3A_1623 = arith.index_cast %parallel_loop3A_208 : i32 to index
        %parallel_loop3A_1624 = tpu.vector_load %arg9[%parallel_loop3A_1620, %parallel_loop3A_1621, %parallel_loop3A_1622, %parallel_loop3A_1623] {strides = array<i32>} : memref<2x8x4x768xf32, #tpu.memory_space<vmem>>, vector<1x1x1x16xf32>,
        %parallel_loop3A_1625 = vector.shape_cast %parallel_loop3A_1624 : vector<1x1x1x16xf32> to vector<16xf32>
        %parallel_loop3A_1626 = vector.shape_cast %parallel_loop3A_1616 : vector<16xf32> to vector<1x1x1x16xf32>
        tpu.vector_store %arg9[%parallel_loop3A_1620, %parallel_loop3A_1621, %parallel_loop3A_1622, %parallel_loop3A_1623], %parallel_loop3A_1626 {strides = array<i32>} : memref<2x8x4x768xf32, #tpu.memory_space<vmem>>, vector<1x1x1x16xf32>,
        %parallel_loop3A_1627 = arith.constant 27.7128124 : f32
        %parallel_loop3A_1628 = vector.broadcast %parallel_loop3A_1627 : f32 to vector<16xf32>
        %parallel_loop3A_1629 = arith.mulf %parallel_loop3A_1212, %parallel_loop3A_1628 : vector<16xf32>
        %parallel_loop3A_1630 = arith.addf %parallel_loop3A_1629, %parallel_loop3A_1584 : vector<16xf32>
        %parallel_loop3A_1631 = arith.constant 0 : i32
        %parallel_loop3A_1632 = arith.constant 6 : i32
        %parallel_loop3A_1633 = arith.constant 1 : i32
        %parallel_loop3A_1634 = arith.index_cast %parallel_loop3A_1631 : i32 to index
        %parallel_loop3A_1635 = arith.index_cast %parallel_loop3A_1632 : i32 to index
        %parallel_loop3A_1636 = arith.index_cast %parallel_loop3A_1633 : i32 to index
        %parallel_loop3A_1637 = arith.index_cast %parallel_loop3A_214 : i32 to index
        %parallel_loop3A_1638 = tpu.vector_load %arg9[%parallel_loop3A_1634, %parallel_loop3A_1635, %parallel_loop3A_1636, %parallel_loop3A_1637] {strides = array<i32>} : memref<2x8x4x768xf32, #tpu.memory_space<vmem>>, vector<1x1x1x16xf32>,
        %parallel_loop3A_1639 = vector.shape_cast %parallel_loop3A_1638 : vector<1x1x1x16xf32> to vector<16xf32>
        %parallel_loop3A_1640 = vector.shape_cast %parallel_loop3A_1630 : vector<16xf32> to vector<1x1x1x16xf32>
        tpu.vector_store %arg9[%parallel_loop3A_1634, %parallel_loop3A_1635, %parallel_loop3A_1636, %parallel_loop3A_1637], %parallel_loop3A_1640 {strides = array<i32>} : memref<2x8x4x768xf32, #tpu.memory_space<vmem>>, vector<1x1x1x16xf32>,
        %parallel_loop3A_1641 = arith.constant 27.7128124 : f32
        %parallel_loop3A_1642 = vector.broadcast %parallel_loop3A_1641 : f32 to vector<16xf32>
        %parallel_loop3A_1643 = arith.mulf %parallel_loop3A_1191, %parallel_loop3A_1642 : vector<16xf32>
        %parallel_loop3A_1644 = arith.addf %parallel_loop3A_1643, %parallel_loop3A_1581 : vector<16xf32>
        %parallel_loop3A_1645 = arith.constant 0 : i32
        %parallel_loop3A_1646 = arith.constant 6 : i32
        %parallel_loop3A_1647 = arith.constant 2 : i32
        %parallel_loop3A_1648 = arith.index_cast %parallel_loop3A_1645 : i32 to index
        %parallel_loop3A_1649 = arith.index_cast %parallel_loop3A_1646 : i32 to index
        %parallel_loop3A_1650 = arith.index_cast %parallel_loop3A_1647 : i32 to index
        %parallel_loop3A_1651 = arith.index_cast %parallel_loop3A_208 : i32 to index
        %parallel_loop3A_1652 = tpu.vector_load %arg9[%parallel_loop3A_1648, %parallel_loop3A_1649, %parallel_loop3A_1650, %parallel_loop3A_1651] {strides = array<i32>} : memref<2x8x4x768xf32, #tpu.memory_space<vmem>>, vector<1x1x1x16xf32>,
        %parallel_loop3A_1653 = vector.shape_cast %parallel_loop3A_1652 : vector<1x1x1x16xf32> to vector<16xf32>
        %parallel_loop3A_1654 = vector.shape_cast %parallel_loop3A_1644 : vector<16xf32> to vector<1x1x1x16xf32>
        tpu.vector_store %arg9[%parallel_loop3A_1648, %parallel_loop3A_1649, %parallel_loop3A_1650, %parallel_loop3A_1651], %parallel_loop3A_1654 {strides = array<i32>} : memref<2x8x4x768xf32, #tpu.memory_space<vmem>>, vector<1x1x1x16xf32>,
        %parallel_loop3A_1655 = arith.constant 27.7128124 : f32
        %parallel_loop3A_1656 = vector.broadcast %parallel_loop3A_1655 : f32 to vector<16xf32>
        %parallel_loop3A_1657 = arith.mulf %parallel_loop3A_1219, %parallel_loop3A_1656 : vector<16xf32>
        %parallel_loop3A_1658 = arith.addf %parallel_loop3A_1657, %parallel_loop3A_1584 : vector<16xf32>
        %parallel_loop3A_1659 = arith.constant 0 : i32
        %parallel_loop3A_1660 = arith.constant 6 : i32
        %parallel_loop3A_1661 = arith.constant 2 : i32
        %parallel_loop3A_1662 = arith.index_cast %parallel_loop3A_1659 : i32 to index
        %parallel_loop3A_1663 = arith.index_cast %parallel_loop3A_1660 : i32 to index
        %parallel_loop3A_1664 = arith.index_cast %parallel_loop3A_1661 : i32 to index
        %parallel_loop3A_1665 = arith.index_cast %parallel_loop3A_214 : i32 to index
        %parallel_loop3A_1666 = tpu.vector_load %arg9[%parallel_loop3A_1662, %parallel_loop3A_1663, %parallel_loop3A_1664, %parallel_loop3A_1665] {strides = array<i32>} : memref<2x8x4x768xf32, #tpu.memory_space<vmem>>, vector<1x1x1x16xf32>,
        %parallel_loop3A_1667 = vector.shape_cast %parallel_loop3A_1666 : vector<1x1x1x16xf32> to vector<16xf32>
        %parallel_loop3A_1668 = vector.shape_cast %parallel_loop3A_1658 : vector<16xf32> to vector<1x1x1x16xf32>
        tpu.vector_store %arg9[%parallel_loop3A_1662, %parallel_loop3A_1663, %parallel_loop3A_1664, %parallel_loop3A_1665], %parallel_loop3A_1668 {strides = array<i32>} : memref<2x8x4x768xf32, #tpu.memory_space<vmem>>, vector<1x1x1x16xf32>,
        %parallel_loop3A_1669 = arith.constant 27.7128124 : f32
        %parallel_loop3A_1670 = vector.broadcast %parallel_loop3A_1669 : f32 to vector<16xf32>
        %parallel_loop3A_1671 = arith.mulf %parallel_loop3A_1198, %parallel_loop3A_1670 : vector<16xf32>
        %parallel_loop3A_1672 = arith.addf %parallel_loop3A_1671, %parallel_loop3A_1581 : vector<16xf32>
        %parallel_loop3A_1673 = arith.constant 0 : i32
        %parallel_loop3A_1674 = arith.constant 6 : i32
        %parallel_loop3A_1675 = arith.constant 3 : i32
        %parallel_loop3A_1676 = arith.index_cast %parallel_loop3A_1673 : i32 to index
        %parallel_loop3A_1677 = arith.index_cast %parallel_loop3A_1674 : i32 to index
        %parallel_loop3A_1678 = arith.index_cast %parallel_loop3A_1675 : i32 to index
        %parallel_loop3A_1679 = arith.index_cast %parallel_loop3A_208 : i32 to index
        %parallel_loop3A_1680 = tpu.vector_load %arg9[%parallel_loop3A_1676, %parallel_loop3A_1677, %parallel_loop3A_1678, %parallel_loop3A_1679] {strides = array<i32>} : memref<2x8x4x768xf32, #tpu.memory_space<vmem>>, vector<1x1x1x16xf32>,
        %parallel_loop3A_1681 = vector.shape_cast %parallel_loop3A_1680 : vector<1x1x1x16xf32> to vector<16xf32>
        %parallel_loop3A_1682 = vector.shape_cast %parallel_loop3A_1672 : vector<16xf32> to vector<1x1x1x16xf32>
        tpu.vector_store %arg9[%parallel_loop3A_1676, %parallel_loop3A_1677, %parallel_loop3A_1678, %parallel_loop3A_1679], %parallel_loop3A_1682 {strides = array<i32>} : memref<2x8x4x768xf32, #tpu.memory_space<vmem>>, vector<1x1x1x16xf32>,
        %parallel_loop3A_1683 = arith.constant 27.7128124 : f32
        %parallel_loop3A_1684 = vector.broadcast %parallel_loop3A_1683 : f32 to vector<16xf32>
        %parallel_loop3A_1685 = arith.mulf %parallel_loop3A_1226, %parallel_loop3A_1684 : vector<16xf32>
        %parallel_loop3A_1686 = arith.addf %parallel_loop3A_1685, %parallel_loop3A_1584 : vector<16xf32>
        %parallel_loop3A_1687 = arith.constant 0 : i32
        %parallel_loop3A_1688 = arith.constant 6 : i32
        %parallel_loop3A_1689 = arith.constant 3 : i32
        %parallel_loop3A_1690 = arith.index_cast %parallel_loop3A_1687 : i32 to index
        %parallel_loop3A_1691 = arith.index_cast %parallel_loop3A_1688 : i32 to index
        %parallel_loop3A_1692 = arith.index_cast %parallel_loop3A_1689 : i32 to index
        %parallel_loop3A_1693 = arith.index_cast %parallel_loop3A_214 : i32 to index
        %parallel_loop3A_1694 = tpu.vector_load %arg9[%parallel_loop3A_1690, %parallel_loop3A_1691, %parallel_loop3A_1692, %parallel_loop3A_1693] {strides = array<i32>} : memref<2x8x4x768xf32, #tpu.memory_space<vmem>>, vector<1x1x1x16xf32>,
        %parallel_loop3A_1695 = vector.shape_cast %parallel_loop3A_1694 : vector<1x1x1x16xf32> to vector<16xf32>
        %parallel_loop3A_1696 = vector.shape_cast %parallel_loop3A_1686 : vector<16xf32> to vector<1x1x1x16xf32>
        tpu.vector_store %arg9[%parallel_loop3A_1690, %parallel_loop3A_1691, %parallel_loop3A_1692, %parallel_loop3A_1693], %parallel_loop3A_1696 {strides = array<i32>} : memref<2x8x4x768xf32, #tpu.memory_space<vmem>>, vector<1x1x1x16xf32>,
        %parallel_loop3A_1697 = arith.constant 16 : i32
        %parallel_loop3A_1698 = vector.broadcast %parallel_loop3A_1697 : i32 to vector<16xi32>
        %parallel_loop3A_1699 = arith.shli %parallel_loop3A_1367, %parallel_loop3A_1698 : vector<16xi32>
        %parallel_loop3A_1700 = tpu.bitcast %parallel_loop3A_1699 : vector<16xi32> -> vector<16xf32>
        %parallel_loop3A_1701 = arith.constant -65536 : i32
        %parallel_loop3A_1702 = vector.broadcast %parallel_loop3A_1701 : i32 to vector<16xi32>
        %parallel_loop3A_1703 = arith.andi %parallel_loop3A_1367, %parallel_loop3A_1702 : vector<16xi32>
        %parallel_loop3A_1704 = tpu.bitcast %parallel_loop3A_1703 : vector<16xi32> -> vector<16xf32>
        %parallel_loop3A_1705 = arith.constant 16 : i32
        %parallel_loop3A_1706 = vector.broadcast %parallel_loop3A_1705 : i32 to vector<16xi32>
        %parallel_loop3A_1707 = arith.shli %parallel_loop3A_1372, %parallel_loop3A_1706 : vector<16xi32>
        %parallel_loop3A_1708 = tpu.bitcast %parallel_loop3A_1707 : vector<16xi32> -> vector<16xf32>
        %parallel_loop3A_1709 = arith.constant -65536 : i32
        %parallel_loop3A_1710 = vector.broadcast %parallel_loop3A_1709 : i32 to vector<16xi32>
        %parallel_loop3A_1711 = arith.andi %parallel_loop3A_1372, %parallel_loop3A_1710 : vector<16xi32>
        %parallel_loop3A_1712 = tpu.bitcast %parallel_loop3A_1711 : vector<16xi32> -> vector<16xf32>
        %parallel_loop3A_1713 = arith.mulf %parallel_loop3A_185, %parallel_loop3A_1700 : vector<16xf32>
        %parallel_loop3A_1714 = arith.mulf %parallel_loop3A_200, %parallel_loop3A_1708 : vector<16xf32>
        %parallel_loop3A_1715 = arith.addf %parallel_loop3A_1713, %parallel_loop3A_1714 : vector<16xf32>
        %parallel_loop3A_1716 = arith.mulf %parallel_loop3A_189, %parallel_loop3A_1704 : vector<16xf32>
        %parallel_loop3A_1717 = arith.mulf %parallel_loop3A_204, %parallel_loop3A_1712 : vector<16xf32>
        %parallel_loop3A_1718 = arith.addf %parallel_loop3A_1716, %parallel_loop3A_1717 : vector<16xf32>
        %parallel_loop3A_1719 = arith.constant 27.7128124 : f32
        %parallel_loop3A_1720 = vector.broadcast %parallel_loop3A_1719 : f32 to vector<16xf32>
        %parallel_loop3A_1721 = arith.mulf %parallel_loop3A_1379, %parallel_loop3A_1720 : vector<16xf32>
        %parallel_loop3A_1722 = arith.addf %parallel_loop3A_1721, %parallel_loop3A_1715 : vector<16xf32>
        %parallel_loop3A_1723 = arith.constant 0 : i32
        %parallel_loop3A_1724 = arith.constant 7 : i32
        %parallel_loop3A_1725 = arith.constant 0 : i32
        %parallel_loop3A_1726 = arith.index_cast %parallel_loop3A_1723 : i32 to index
        %parallel_loop3A_1727 = arith.index_cast %parallel_loop3A_1724 : i32 to index
        %parallel_loop3A_1728 = arith.index_cast %parallel_loop3A_1725 : i32 to index
        %parallel_loop3A_1729 = arith.index_cast %parallel_loop3A_208 : i32 to index
        %parallel_loop3A_1730 = tpu.vector_load %arg9[%parallel_loop3A_1726, %parallel_loop3A_1727, %parallel_loop3A_1728, %parallel_loop3A_1729] {strides = array<i32>} : memref<2x8x4x768xf32, #tpu.memory_space<vmem>>, vector<1x1x1x16xf32>,
        %parallel_loop3A_1731 = vector.shape_cast %parallel_loop3A_1730 : vector<1x1x1x16xf32> to vector<16xf32>
        %parallel_loop3A_1732 = vector.shape_cast %parallel_loop3A_1722 : vector<16xf32> to vector<1x1x1x16xf32>
        tpu.vector_store %arg9[%parallel_loop3A_1726, %parallel_loop3A_1727, %parallel_loop3A_1728, %parallel_loop3A_1729], %parallel_loop3A_1732 {strides = array<i32>} : memref<2x8x4x768xf32, #tpu.memory_space<vmem>>, vector<1x1x1x16xf32>,
        %parallel_loop3A_1733 = arith.constant 27.7128124 : f32
        %parallel_loop3A_1734 = vector.broadcast %parallel_loop3A_1733 : f32 to vector<16xf32>
        %parallel_loop3A_1735 = arith.mulf %parallel_loop3A_1407, %parallel_loop3A_1734 : vector<16xf32>
        %parallel_loop3A_1736 = arith.addf %parallel_loop3A_1735, %parallel_loop3A_1718 : vector<16xf32>
        %parallel_loop3A_1737 = arith.constant 0 : i32
        %parallel_loop3A_1738 = arith.constant 7 : i32
        %parallel_loop3A_1739 = arith.constant 0 : i32
        %parallel_loop3A_1740 = arith.index_cast %parallel_loop3A_1737 : i32 to index
        %parallel_loop3A_1741 = arith.index_cast %parallel_loop3A_1738 : i32 to index
        %parallel_loop3A_1742 = arith.index_cast %parallel_loop3A_1739 : i32 to index
        %parallel_loop3A_1743 = arith.index_cast %parallel_loop3A_214 : i32 to index
        %parallel_loop3A_1744 = tpu.vector_load %arg9[%parallel_loop3A_1740, %parallel_loop3A_1741, %parallel_loop3A_1742, %parallel_loop3A_1743] {strides = array<i32>} : memref<2x8x4x768xf32, #tpu.memory_space<vmem>>, vector<1x1x1x16xf32>,
        %parallel_loop3A_1745 = vector.shape_cast %parallel_loop3A_1744 : vector<1x1x1x16xf32> to vector<16xf32>
        %parallel_loop3A_1746 = vector.shape_cast %parallel_loop3A_1736 : vector<16xf32> to vector<1x1x1x16xf32>
        tpu.vector_store %arg9[%parallel_loop3A_1740, %parallel_loop3A_1741, %parallel_loop3A_1742, %parallel_loop3A_1743], %parallel_loop3A_1746 {strides = array<i32>} : memref<2x8x4x768xf32, #tpu.memory_space<vmem>>, vector<1x1x1x16xf32>,
        %parallel_loop3A_1747 = arith.constant 27.7128124 : f32
        %parallel_loop3A_1748 = vector.broadcast %parallel_loop3A_1747 : f32 to vector<16xf32>
        %parallel_loop3A_1749 = arith.mulf %parallel_loop3A_1386, %parallel_loop3A_1748 : vector<16xf32>
        %parallel_loop3A_1750 = arith.addf %parallel_loop3A_1749, %parallel_loop3A_1715 : vector<16xf32>
        %parallel_loop3A_1751 = arith.constant 0 : i32
        %parallel_loop3A_1752 = arith.constant 7 : i32
        %parallel_loop3A_1753 = arith.constant 1 : i32
        %parallel_loop3A_1754 = arith.index_cast %parallel_loop3A_1751 : i32 to index
        %parallel_loop3A_1755 = arith.index_cast %parallel_loop3A_1752 : i32 to index
        %parallel_loop3A_1756 = arith.index_cast %parallel_loop3A_1753 : i32 to index
        %parallel_loop3A_1757 = arith.index_cast %parallel_loop3A_208 : i32 to index
        %parallel_loop3A_1758 = tpu.vector_load %arg9[%parallel_loop3A_1754, %parallel_loop3A_1755, %parallel_loop3A_1756, %parallel_loop3A_1757] {strides = array<i32>} : memref<2x8x4x768xf32, #tpu.memory_space<vmem>>, vector<1x1x1x16xf32>,
        %parallel_loop3A_1759 = vector.shape_cast %parallel_loop3A_1758 : vector<1x1x1x16xf32> to vector<16xf32>
        %parallel_loop3A_1760 = vector.shape_cast %parallel_loop3A_1750 : vector<16xf32> to vector<1x1x1x16xf32>
        tpu.vector_store %arg9[%parallel_loop3A_1754, %parallel_loop3A_1755, %parallel_loop3A_1756, %parallel_loop3A_1757], %parallel_loop3A_1760 {strides = array<i32>} : memref<2x8x4x768xf32, #tpu.memory_space<vmem>>, vector<1x1x1x16xf32>,
        %parallel_loop3A_1761 = arith.constant 27.7128124 : f32
        %parallel_loop3A_1762 = vector.broadcast %parallel_loop3A_1761 : f32 to vector<16xf32>
        %parallel_loop3A_1763 = arith.mulf %parallel_loop3A_1414, %parallel_loop3A_1762 : vector<16xf32>
        %parallel_loop3A_1764 = arith.addf %parallel_loop3A_1763, %parallel_loop3A_1718 : vector<16xf32>
        %parallel_loop3A_1765 = arith.constant 0 : i32
        %parallel_loop3A_1766 = arith.constant 7 : i32
        %parallel_loop3A_1767 = arith.constant 1 : i32
        %parallel_loop3A_1768 = arith.index_cast %parallel_loop3A_1765 : i32 to index
        %parallel_loop3A_1769 = arith.index_cast %parallel_loop3A_1766 : i32 to index
        %parallel_loop3A_1770 = arith.index_cast %parallel_loop3A_1767 : i32 to index
        %parallel_loop3A_1771 = arith.index_cast %parallel_loop3A_214 : i32 to index
        %parallel_loop3A_1772 = tpu.vector_load %arg9[%parallel_loop3A_1768, %parallel_loop3A_1769, %parallel_loop3A_1770, %parallel_loop3A_1771] {strides = array<i32>} : memref<2x8x4x768xf32, #tpu.memory_space<vmem>>, vector<1x1x1x16xf32>,
        %parallel_loop3A_1773 = vector.shape_cast %parallel_loop3A_1772 : vector<1x1x1x16xf32> to vector<16xf32>
        %parallel_loop3A_1774 = vector.shape_cast %parallel_loop3A_1764 : vector<16xf32> to vector<1x1x1x16xf32>
        tpu.vector_store %arg9[%parallel_loop3A_1768, %parallel_loop3A_1769, %parallel_loop3A_1770, %parallel_loop3A_1771], %parallel_loop3A_1774 {strides = array<i32>} : memref<2x8x4x768xf32, #tpu.memory_space<vmem>>, vector<1x1x1x16xf32>,
        %parallel_loop3A_1775 = arith.constant 27.7128124 : f32
        %parallel_loop3A_1776 = vector.broadcast %parallel_loop3A_1775 : f32 to vector<16xf32>
        %parallel_loop3A_1777 = arith.mulf %parallel_loop3A_1393, %parallel_loop3A_1776 : vector<16xf32>
        %parallel_loop3A_1778 = arith.addf %parallel_loop3A_1777, %parallel_loop3A_1715 : vector<16xf32>
        %parallel_loop3A_1779 = arith.constant 0 : i32
        %parallel_loop3A_1780 = arith.constant 7 : i32
        %parallel_loop3A_1781 = arith.constant 2 : i32
        %parallel_loop3A_1782 = arith.index_cast %parallel_loop3A_1779 : i32 to index
        %parallel_loop3A_1783 = arith.index_cast %parallel_loop3A_1780 : i32 to index
        %parallel_loop3A_1784 = arith.index_cast %parallel_loop3A_1781 : i32 to index
        %parallel_loop3A_1785 = arith.index_cast %parallel_loop3A_208 : i32 to index
        %parallel_loop3A_1786 = tpu.vector_load %arg9[%parallel_loop3A_1782, %parallel_loop3A_1783, %parallel_loop3A_1784, %parallel_loop3A_1785] {strides = array<i32>} : memref<2x8x4x768xf32, #tpu.memory_space<vmem>>, vector<1x1x1x16xf32>,
        %parallel_loop3A_1787 = vector.shape_cast %parallel_loop3A_1786 : vector<1x1x1x16xf32> to vector<16xf32>
        %parallel_loop3A_1788 = vector.shape_cast %parallel_loop3A_1778 : vector<16xf32> to vector<1x1x1x16xf32>
        tpu.vector_store %arg9[%parallel_loop3A_1782, %parallel_loop3A_1783, %parallel_loop3A_1784, %parallel_loop3A_1785], %parallel_loop3A_1788 {strides = array<i32>} : memref<2x8x4x768xf32, #tpu.memory_space<vmem>>, vector<1x1x1x16xf32>,
        %parallel_loop3A_1789 = arith.constant 27.7128124 : f32
        %parallel_loop3A_1790 = vector.broadcast %parallel_loop3A_1789 : f32 to vector<16xf32>
        %parallel_loop3A_1791 = arith.mulf %parallel_loop3A_1421, %parallel_loop3A_1790 : vector<16xf32>
        %parallel_loop3A_1792 = arith.addf %parallel_loop3A_1791, %parallel_loop3A_1718 : vector<16xf32>
        %parallel_loop3A_1793 = arith.constant 0 : i32
        %parallel_loop3A_1794 = arith.constant 7 : i32
        %parallel_loop3A_1795 = arith.constant 2 : i32
        %parallel_loop3A_1796 = arith.index_cast %parallel_loop3A_1793 : i32 to index
        %parallel_loop3A_1797 = arith.index_cast %parallel_loop3A_1794 : i32 to index
        %parallel_loop3A_1798 = arith.index_cast %parallel_loop3A_1795 : i32 to index
        %parallel_loop3A_1799 = arith.index_cast %parallel_loop3A_214 : i32 to index
        %parallel_loop3A_1800 = tpu.vector_load %arg9[%parallel_loop3A_1796, %parallel_loop3A_1797, %parallel_loop3A_1798, %parallel_loop3A_1799] {strides = array<i32>} : memref<2x8x4x768xf32, #tpu.memory_space<vmem>>, vector<1x1x1x16xf32>,
        %parallel_loop3A_1801 = vector.shape_cast %parallel_loop3A_1800 : vector<1x1x1x16xf32> to vector<16xf32>
        %parallel_loop3A_1802 = vector.shape_cast %parallel_loop3A_1792 : vector<16xf32> to vector<1x1x1x16xf32>
        tpu.vector_store %arg9[%parallel_loop3A_1796, %parallel_loop3A_1797, %parallel_loop3A_1798, %parallel_loop3A_1799], %parallel_loop3A_1802 {strides = array<i32>} : memref<2x8x4x768xf32, #tpu.memory_space<vmem>>, vector<1x1x1x16xf32>,
        %parallel_loop3A_1803 = arith.constant 27.7128124 : f32
        %parallel_loop3A_1804 = vector.broadcast %parallel_loop3A_1803 : f32 to vector<16xf32>
        %parallel_loop3A_1805 = arith.mulf %parallel_loop3A_1400, %parallel_loop3A_1804 : vector<16xf32>
        %parallel_loop3A_1806 = arith.addf %parallel_loop3A_1805, %parallel_loop3A_1715 : vector<16xf32>
        %parallel_loop3A_1807 = arith.constant 0 : i32
        %parallel_loop3A_1808 = arith.constant 7 : i32
        %parallel_loop3A_1809 = arith.constant 3 : i32
        %parallel_loop3A_1810 = arith.index_cast %parallel_loop3A_1807 : i32 to index
        %parallel_loop3A_1811 = arith.index_cast %parallel_loop3A_1808 : i32 to index
        %parallel_loop3A_1812 = arith.index_cast %parallel_loop3A_1809 : i32 to index
        %parallel_loop3A_1813 = arith.index_cast %parallel_loop3A_208 : i32 to index
        %parallel_loop3A_1814 = tpu.vector_load %arg9[%parallel_loop3A_1810, %parallel_loop3A_1811, %parallel_loop3A_1812, %parallel_loop3A_1813] {strides = array<i32>} : memref<2x8x4x768xf32, #tpu.memory_space<vmem>>, vector<1x1x1x16xf32>,
        %parallel_loop3A_1815 = vector.shape_cast %parallel_loop3A_1814 : vector<1x1x1x16xf32> to vector<16xf32>
        %parallel_loop3A_1816 = vector.shape_cast %parallel_loop3A_1806 : vector<16xf32> to vector<1x1x1x16xf32>
        tpu.vector_store %arg9[%parallel_loop3A_1810, %parallel_loop3A_1811, %parallel_loop3A_1812, %parallel_loop3A_1813], %parallel_loop3A_1816 {strides = array<i32>} : memref<2x8x4x768xf32, #tpu.memory_space<vmem>>, vector<1x1x1x16xf32>,
        %parallel_loop3A_1817 = arith.constant 27.7128124 : f32
        %parallel_loop3A_1818 = vector.broadcast %parallel_loop3A_1817 : f32 to vector<16xf32>
        %parallel_loop3A_1819 = arith.mulf %parallel_loop3A_1428, %parallel_loop3A_1818 : vector<16xf32>
        %parallel_loop3A_1820 = arith.addf %parallel_loop3A_1819, %parallel_loop3A_1718 : vector<16xf32>
        %parallel_loop3A_1821 = arith.constant 0 : i32
        %parallel_loop3A_1822 = arith.constant 7 : i32
        %parallel_loop3A_1823 = arith.constant 3 : i32
        %parallel_loop3A_1824 = arith.index_cast %parallel_loop3A_1821 : i32 to index
        %parallel_loop3A_1825 = arith.index_cast %parallel_loop3A_1822 : i32 to index
        %parallel_loop3A_1826 = arith.index_cast %parallel_loop3A_1823 : i32 to index
        %parallel_loop3A_1827 = arith.index_cast %parallel_loop3A_214 : i32 to index
        %parallel_loop3A_1828 = tpu.vector_load %arg9[%parallel_loop3A_1824, %parallel_loop3A_1825, %parallel_loop3A_1826, %parallel_loop3A_1827] {strides = array<i32>} : memref<2x8x4x768xf32, #tpu.memory_space<vmem>>, vector<1x1x1x16xf32>,
        %parallel_loop3A_1829 = vector.shape_cast %parallel_loop3A_1828 : vector<1x1x1x16xf32> to vector<16xf32>
        %parallel_loop3A_1830 = vector.shape_cast %parallel_loop3A_1820 : vector<16xf32> to vector<1x1x1x16xf32>
        tpu.vector_store %arg9[%parallel_loop3A_1824, %parallel_loop3A_1825, %parallel_loop3A_1826, %parallel_loop3A_1827], %parallel_loop3A_1830 {strides = array<i32>} : memref<2x8x4x768xf32, #tpu.memory_space<vmem>>, vector<1x1x1x16xf32>,
      } {sc.loop_unroll_factor = 1 : i64, sc.parallel_access}
      %mul3A_98 = arith.constant 8 : i32
      %mul3A_99 = arith.muli %mul3A_68, %mul3A_98 : i32
      %add3A_100 = arith.addi %mul3A_2, %mul3A_99 : i32
      %dma_start3A_101 = arith.constant 0 : i32
      %dma_start3A_102 = arith.constant 0 : i32
      %dma_start3A_103 = arith.constant 0 : i32
      %dma_start3A_104 = arith.constant 0 : i32
      %dma_start3A_105 = tpu.memref_slice %arg9[%dma_start3A_101, %dma_start3A_102, %dma_start3A_103, %dma_start3A_104] : memref<2x8x4x768xf32, #tpu.memory_space<vmem>> -> memref<1x8x4x768xf32, #tpu.memory_space<vmem>>
      %dma_start3A_106 = tpu.memref_squeeze %dma_start3A_105 : memref<1x8x4x768xf32, #tpu.memory_space<vmem>> -> memref<8x4x768xf32, #tpu.memory_space<vmem>>
      %dma_start3A_107 = arith.constant 0 : i32
      %dma_start3A_108 = arith.constant 0 : i32
      %dma_start3A_109 = tpu.memref_slice %arg6[%add3A_100, %dma_start3A_107, %dma_start3A_108] : memref<4096x4x768xf32, #tpu.memory_space<hbm>> -> memref<8x4x768xf32, #tpu.memory_space<hbm>>
      %dma_start3A_110 = arith.constant 0 : i32
      %dma_start3A_111 = arith.constant 0 : i32
      %dma_start3A_112 = tpu.memref_slice %arg6[%add3A_100, %dma_start3A_110, %dma_start3A_111] : memref<4096x4x768xf32, #tpu.memory_space<hbm>> -> memref<8x4x768xf32, #tpu.memory_space<hbm>>
      %dma_start3A_113 = arith.constant 0 : i32
      %dma_start3A_114 = arith.constant 0 : i32
      %dma_start3A_115 = arith.constant 0 : i32
      %dma_start3A_116 = tpu.memref_slice %arg9[%dma_start3A_101, %dma_start3A_113, %dma_start3A_114, %dma_start3A_115] : memref<2x8x4x768xf32, #tpu.memory_space<vmem>> -> memref<1x8x4x768xf32, #tpu.memory_space<vmem>>
      %dma_start3A_117 = tpu.memref_squeeze %dma_start3A_116 : memref<1x8x4x768xf32, #tpu.memory_space<vmem>> -> memref<8x4x768xf32, #tpu.memory_space<vmem>>
      tpu.enqueue_dma source(%dma_start3A_117 : memref<8x4x768xf32, #tpu.memory_space<vmem>>) target(%dma_start3A_112 : memref<8x4x768xf32, #tpu.memory_space<hbm>>) target_semaphore(%arg17 : memref<!tpu.dma_semaphore, #tpu.memory_space<semaphore_mem>>)
      %mul3A_118 = arith.constant 2 : i32
      %mul3A_119 = arith.muli %mul3A_118, %scan3A_66 : i32
      %add3A_120 = arith.constant 1 : i32
      %add3A_121 = arith.addi %mul3A_119, %add3A_120 : i32
      %add3A_122 = arith.constant 1 : i32
      %add3A_123 = arith.addi %add3A_121, %add3A_122 : i32
      %lt3A_124 = arith.constant 16 : i32
      %lt3A_125 = arith.cmpi slt, %add3A_123, %lt3A_124 : i32
      %convert_element_type3A_126 = arith.extui %lt3A_125 : i1 to i32
      %cond3A_127 = arith.constant 0 : i32
      %cond3A_128 = arith.cmpi ne, %convert_element_type3A_126, %cond3A_127 : i32
      scf.if %cond3A_128 {
        %add3A_176 = arith.constant 1 : i32
        %add3A_177 = arith.addi %add3A_121, %add3A_176 : i32
        %mul3A_178 = arith.constant 16 : i32
        %mul3A_179 = arith.muli %add3A, %mul3A_178 : i32
        %add3A_180 = arith.addi %mul3A_179, %add3A_177 : i32
        %mul3A_181 = arith.constant 768 : i32
        %mul3A_182 = arith.muli %add3A_180, %mul3A_181 : i32
        %dma_start3A_183 = tpu.memref_slice %arg4[%mul3A_182] : memref<393216xi32, #tpu.memory_space<hbm>> -> memref<768xi32, #tpu.memory_space<hbm>>
        %dma_start3A_184 = tpu.memref_slice %arg4[%mul3A_182] : memref<393216xi32, #tpu.memory_space<hbm>> -> memref<768xi32, #tpu.memory_space<hbm>>
        tpu.enqueue_dma source(%dma_start3A_184 : memref<768xi32, #tpu.memory_space<hbm>>) target(%arg10 : memref<768xi32, #tpu.memory_space<vmem>>) target_semaphore(%arg15 : memref<!tpu.dma_semaphore, #tpu.memory_space<semaphore_mem>>)
        %dma_start3A_185 = arith.constant 0 : i32
        %dma_start3A_186 = arith.constant 0 : i32
        %dma_start3A_187 = arith.constant 0 : i32
        %dma_start3A_188 = tpu.memref_slice %arg8[%dma_start3A_185, %dma_start3A_186, %dma_start3A_187] : memref<2x32x768xf32, #tpu.memory_space<vmem>> -> memref<1x32x768xf32, #tpu.memory_space<vmem>>
        %dma_start3A_189 = tpu.memref_squeeze %dma_start3A_188 : memref<1x32x768xf32, #tpu.memory_space<vmem>> -> memref<32x768xf32, #tpu.memory_space<vmem>>
        %dma_start3A_190 = arith.constant 0 : i32
        %dma_start3A_191 = tpu.memref_slice %arg7[%add3A_177, %dma_start3A_190] : memref<16x32xi32, #tpu.memory_space<vmem>> -> memref<1x32xi32, #tpu.memory_space<vmem>>
        %dma_start3A_192 = tpu.memref_squeeze %dma_start3A_191 : memref<1x32xi32, #tpu.memory_space<vmem>> -> memref<32xi32, #tpu.memory_space<vmem>>
        %dma_start3A_193 = arith.constant 0 : i32
        %dma_start3A_194 = arith.constant 0 : i32
        %dma_start3A_195 = tpu.memref_slice %arg2[%dma_start3A_193, %dma_start3A_194] : memref<100000x768xf32, #tpu.memory_space<hbm>> -> memref<100000x768xf32, #tpu.memory_space<hbm>>
        tpu.enqueue_indirect_dma source(%dma_start3A_195 : memref<100000x768xf32, #tpu.memory_space<hbm>>) target(%dma_start3A_189 : memref<32x768xf32, #tpu.memory_space<vmem>>) offsets(%dma_start3A_192 : memref<32xi32, #tpu.memory_space<vmem>>) semaphore(%arg13 : memref<!tpu.dma_semaphore, #tpu.memory_space<semaphore_mem>>)
      } else {
      }
      %dma_wait3A_129 = arith.constant 0 : i32
      %dma_wait3A_130 = tpu.memref_slice %arg4[%dma_wait3A_129] : memref<393216xi32, #tpu.memory_space<hbm>> -> memref<768xi32, #tpu.memory_space<hbm>>
      %dma_wait3A_131 = arith.constant 0 : i32
      %dma_wait3A_132 = tpu.memref_slice %arg4[%dma_wait3A_131] : memref<393216xi32, #tpu.memory_space<hbm>> -> memref<768xi32, #tpu.memory_space<hbm>>
      tpu.wait_dma2 semaphore(%arg16 : memref<!tpu.dma_semaphore, #tpu.memory_space<semaphore_mem>>) src(%dma_wait3A_132 : memref<768xi32, #tpu.memory_space<hbm>>) dst(%arg11 : memref<768xi32, #tpu.memory_space<vmem>>)
      %dma_wait3A_133 = arith.constant 1 : i32
      %dma_wait3A_134 = arith.constant 0 : i32
      %dma_wait3A_135 = arith.constant 0 : i32
      %dma_wait3A_136 = tpu.memref_slice %arg8[%dma_wait3A_133, %dma_wait3A_134, %dma_wait3A_135] : memref<2x32x768xf32, #tpu.memory_space<vmem>> -> memref<1x32x768xf32, #tpu.memory_space<vmem>>
      %dma_wait3A_137 = tpu.memref_squeeze %dma_wait3A_136 : memref<1x32x768xf32, #tpu.memory_space<vmem>> -> memref<32x768xf32, #tpu.memory_space<vmem>>
      %dma_wait3A_138 = arith.constant 0 : i32
      %dma_wait3A_139 = arith.constant 0 : i32
      %dma_wait3A_140 = tpu.memref_slice %arg2[%dma_wait3A_138, %dma_wait3A_139] : memref<100000x768xf32, #tpu.memory_space<hbm>> -> memref<32x768xf32, #tpu.memory_space<hbm>>
      %dma_wait3A_141 = arith.constant 0 : i32
      %dma_wait3A_142 = arith.constant 0 : i32
      %dma_wait3A_143 = tpu.memref_slice %arg8[%dma_wait3A_133, %dma_wait3A_141, %dma_wait3A_142] : memref<2x32x768xf32, #tpu.memory_space<vmem>> -> memref<1x32x768xf32, #tpu.memory_space<vmem>>
      %dma_wait3A_144 = tpu.memref_squeeze %dma_wait3A_143 : memref<1x32x768xf32, #tpu.memory_space<vmem>> -> memref<32x768xf32, #tpu.memory_space<vmem>>
      %dma_wait3A_145 = arith.constant 0 : i32
      %dma_wait3A_146 = arith.constant 0 : i32
      %dma_wait3A_147 = tpu.memref_slice %arg2[%dma_wait3A_145, %dma_wait3A_146] : memref<100000x768xf32, #tpu.memory_space<hbm>> -> memref<32x768xf32, #tpu.memory_space<hbm>>
      tpu.wait_dma2 semaphore(%arg14 : memref<!tpu.dma_semaphore, #tpu.memory_space<semaphore_mem>>) src(%dma_wait3A_147 : memref<32x768xf32, #tpu.memory_space<hbm>>) dst(%dma_wait3A_144 : memref<32x768xf32, #tpu.memory_space<vmem>>)
      %ge3A_148 = arith.constant 2 : i32
      %ge3A_149 = arith.cmpi sge, %add3A_121, %ge3A_148 : i32
      %convert_element_type3A_150 = arith.extui %ge3A_149 : i1 to i32
      %cond3A_151 = arith.constant 0 : i32
      %cond3A_152 = arith.cmpi ne, %convert_element_type3A_150, %cond3A_151 : i32
      scf.if %cond3A_152 {
        %dma_wait3A_176 = arith.constant 1 : i32
        %dma_wait3A_177 = arith.constant 0 : i32
        %dma_wait3A_178 = arith.constant 0 : i32
        %dma_wait3A_179 = arith.constant 0 : i32
        %dma_wait3A_180 = tpu.memref_slice %arg9[%dma_wait3A_176, %dma_wait3A_177, %dma_wait3A_178, %dma_wait3A_179] : memref<2x8x4x768xf32, #tpu.memory_space<vmem>> -> memref<1x8x4x768xf32, #tpu.memory_space<vmem>>
        %dma_wait3A_181 = tpu.memref_squeeze %dma_wait3A_180 : memref<1x8x4x768xf32, #tpu.memory_space<vmem>> -> memref<8x4x768xf32, #tpu.memory_space<vmem>>
        %dma_wait3A_182 = arith.constant 0 : i32
        %dma_wait3A_183 = arith.constant 0 : i32
        %dma_wait3A_184 = arith.constant 0 : i32
        %dma_wait3A_185 = tpu.memref_slice %arg6[%dma_wait3A_182, %dma_wait3A_183, %dma_wait3A_184] : memref<4096x4x768xf32, #tpu.memory_space<hbm>> -> memref<8x4x768xf32, #tpu.memory_space<hbm>>
        %dma_wait3A_186 = arith.constant 0 : i32
        %dma_wait3A_187 = arith.constant 0 : i32
        %dma_wait3A_188 = arith.constant 0 : i32
        %dma_wait3A_189 = tpu.memref_slice %arg9[%dma_wait3A_176, %dma_wait3A_186, %dma_wait3A_187, %dma_wait3A_188] : memref<2x8x4x768xf32, #tpu.memory_space<vmem>> -> memref<1x8x4x768xf32, #tpu.memory_space<vmem>>
        %dma_wait3A_190 = tpu.memref_squeeze %dma_wait3A_189 : memref<1x8x4x768xf32, #tpu.memory_space<vmem>> -> memref<8x4x768xf32, #tpu.memory_space<vmem>>
        %dma_wait3A_191 = arith.constant 0 : i32
        %dma_wait3A_192 = arith.constant 0 : i32
        %dma_wait3A_193 = arith.constant 0 : i32
        %dma_wait3A_194 = tpu.memref_slice %arg6[%dma_wait3A_191, %dma_wait3A_192, %dma_wait3A_193] : memref<4096x4x768xf32, #tpu.memory_space<hbm>> -> memref<8x4x768xf32, #tpu.memory_space<hbm>>
        tpu.wait_dma2 semaphore(%arg18 : memref<!tpu.dma_semaphore, #tpu.memory_space<semaphore_mem>>) src(%dma_wait3A_194 : memref<8x4x768xf32, #tpu.memory_space<hbm>>) dst(%dma_wait3A_190 : memref<8x4x768xf32, #tpu.memory_space<vmem>>)
      } else {
      }
      %parallel_loop3A_153 = arith.constant 0 : i32
      %parallel_loop3A_154 = arith.constant 24 : i32
      %parallel_loop3A_155 = arith.constant 1 : i32
      scf.for %parallel_loop3A_176 = %parallel_loop3A_153 to %parallel_loop3A_154 step %parallel_loop3A_155  : i32 {
        %parallel_loop3A_177 = arith.constant 16 : i32
        %parallel_loop3A_178 = arith.muli %parallel_loop3A_176, %parallel_loop3A_177 : i32
        %parallel_loop3A_179 = arith.index_cast %parallel_loop3A_178 : i32 to index
        %parallel_loop3A_180 = tpu.vector_load %arg11[%parallel_loop3A_179] {strides = array<i32>} : memref<768xi32, #tpu.memory_space<vmem>>, vector<16xi32>,
        %parallel_loop3A_181 = vector.shape_cast %parallel_loop3A_180 : vector<16xi32> to vector<16xi32>
        %parallel_loop3A_182 = arith.constant 16 : i32
        %parallel_loop3A_183 = vector.broadcast %parallel_loop3A_182 : i32 to vector<16xi32>
        %parallel_loop3A_184 = arith.shli %parallel_loop3A_181, %parallel_loop3A_183 : vector<16xi32>
        %parallel_loop3A_185 = tpu.bitcast %parallel_loop3A_184 : vector<16xi32> -> vector<16xf32>
        %parallel_loop3A_186 = arith.constant -65536 : i32
        %parallel_loop3A_187 = vector.broadcast %parallel_loop3A_186 : i32 to vector<16xi32>
        %parallel_loop3A_188 = arith.andi %parallel_loop3A_181, %parallel_loop3A_187 : vector<16xi32>
        %parallel_loop3A_189 = tpu.bitcast %parallel_loop3A_188 : vector<16xi32> -> vector<16xf32>
        %parallel_loop3A_190 = arith.constant 16 : i32
        %parallel_loop3A_191 = arith.muli %parallel_loop3A_176, %parallel_loop3A_190 : i32
        %parallel_loop3A_192 = arith.constant 384 : i32
        %parallel_loop3A_193 = arith.addi %parallel_loop3A_192, %parallel_loop3A_191 : i32
        %parallel_loop3A_194 = arith.index_cast %parallel_loop3A_193 : i32 to index
        %parallel_loop3A_195 = tpu.vector_load %arg11[%parallel_loop3A_194] {strides = array<i32>} : memref<768xi32, #tpu.memory_space<vmem>>, vector<16xi32>,
        %parallel_loop3A_196 = vector.shape_cast %parallel_loop3A_195 : vector<16xi32> to vector<16xi32>
        %parallel_loop3A_197 = arith.constant 16 : i32
        %parallel_loop3A_198 = vector.broadcast %parallel_loop3A_197 : i32 to vector<16xi32>
        %parallel_loop3A_199 = arith.shli %parallel_loop3A_196, %parallel_loop3A_198 : vector<16xi32>
        %parallel_loop3A_200 = tpu.bitcast %parallel_loop3A_199 : vector<16xi32> -> vector<16xf32>
        %parallel_loop3A_201 = arith.constant -65536 : i32
        %parallel_loop3A_202 = vector.broadcast %parallel_loop3A_201 : i32 to vector<16xi32>
        %parallel_loop3A_203 = arith.andi %parallel_loop3A_196, %parallel_loop3A_202 : vector<16xi32>
        %parallel_loop3A_204 = tpu.bitcast %parallel_loop3A_203 : vector<16xi32> -> vector<16xf32>
        %parallel_loop3A_205 = arith.constant 2 : i32
        %parallel_loop3A_206 = arith.muli %parallel_loop3A_205, %parallel_loop3A_176 : i32
        %parallel_loop3A_207 = arith.constant 16 : i32
        %parallel_loop3A_208 = arith.muli %parallel_loop3A_206, %parallel_loop3A_207 : i32
        %parallel_loop3A_209 = arith.constant 2 : i32
        %parallel_loop3A_210 = arith.muli %parallel_loop3A_209, %parallel_loop3A_176 : i32
        %parallel_loop3A_211 = arith.constant 1 : i32
        %parallel_loop3A_212 = arith.addi %parallel_loop3A_210, %parallel_loop3A_211 : i32
        %parallel_loop3A_213 = arith.constant 16 : i32
        %parallel_loop3A_214 = arith.muli %parallel_loop3A_212, %parallel_loop3A_213 : i32
        %parallel_loop3A_215 = arith.constant 16 : i32
        %parallel_loop3A_216 = arith.muli %parallel_loop3A_176, %parallel_loop3A_215 : i32
        %parallel_loop3A_217 = arith.constant 0 : i32
        %parallel_loop3A_218 = arith.addi %parallel_loop3A_217, %parallel_loop3A_216 : i32
        %parallel_loop3A_219 = arith.index_cast %parallel_loop3A_218 : i32 to index
        %parallel_loop3A_220 = tpu.vector_load %arg12[%parallel_loop3A_219] {strides = array<i32>} : memref<6144xi32, #tpu.memory_space<vmem>>, vector<16xi32>,
        %parallel_loop3A_221 = vector.shape_cast %parallel_loop3A_220 : vector<16xi32> to vector<16xi32>
        %parallel_loop3A_222 = arith.constant 3072 : i32
        %parallel_loop3A_223 = arith.addi %parallel_loop3A_222, %parallel_loop3A_218 : i32
        %parallel_loop3A_224 = arith.index_cast %parallel_loop3A_223 : i32 to index
        %parallel_loop3A_225 = tpu.vector_load %arg12[%parallel_loop3A_224] {strides = array<i32>} : memref<6144xi32, #tpu.memory_space<vmem>>, vector<16xi32>,
        %parallel_loop3A_226 = vector.shape_cast %parallel_loop3A_225 : vector<16xi32> to vector<16xi32>
        %parallel_loop3A_227 = arith.constant 1 : i32
        %parallel_loop3A_228 = arith.constant 0 : i32
        %parallel_loop3A_229 = arith.index_cast %parallel_loop3A_227 : i32 to index
        %parallel_loop3A_230 = arith.index_cast %parallel_loop3A_228 : i32 to index
        %parallel_loop3A_231 = arith.index_cast %parallel_loop3A_208 : i32 to index
        %parallel_loop3A_232 = tpu.vector_load %arg8[%parallel_loop3A_229, %parallel_loop3A_230, %parallel_loop3A_231] {strides = array<i32>} : memref<2x32x768xf32, #tpu.memory_space<vmem>>, vector<1x1x16xf32>,
        %parallel_loop3A_233 = vector.shape_cast %parallel_loop3A_232 : vector<1x1x16xf32> to vector<16xf32>
        %parallel_loop3A_234 = arith.constant 1 : i32
        %parallel_loop3A_235 = arith.constant 1 : i32
        %parallel_loop3A_236 = arith.index_cast %parallel_loop3A_234 : i32 to index
        %parallel_loop3A_237 = arith.index_cast %parallel_loop3A_235 : i32 to index
        %parallel_loop3A_238 = arith.index_cast %parallel_loop3A_208 : i32 to index
        %parallel_loop3A_239 = tpu.vector_load %arg8[%parallel_loop3A_236, %parallel_loop3A_237, %parallel_loop3A_238] {strides = array<i32>} : memref<2x32x768xf32, #tpu.memory_space<vmem>>, vector<1x1x16xf32>,
        %parallel_loop3A_240 = vector.shape_cast %parallel_loop3A_239 : vector<1x1x16xf32> to vector<16xf32>
        %parallel_loop3A_241 = arith.constant 1 : i32
        %parallel_loop3A_242 = arith.constant 2 : i32
        %parallel_loop3A_243 = arith.index_cast %parallel_loop3A_241 : i32 to index
        %parallel_loop3A_244 = arith.index_cast %parallel_loop3A_242 : i32 to index
        %parallel_loop3A_245 = arith.index_cast %parallel_loop3A_208 : i32 to index
        %parallel_loop3A_246 = tpu.vector_load %arg8[%parallel_loop3A_243, %parallel_loop3A_244, %parallel_loop3A_245] {strides = array<i32>} : memref<2x32x768xf32, #tpu.memory_space<vmem>>, vector<1x1x16xf32>,
        %parallel_loop3A_247 = vector.shape_cast %parallel_loop3A_246 : vector<1x1x16xf32> to vector<16xf32>
        %parallel_loop3A_248 = arith.constant 1 : i32
        %parallel_loop3A_249 = arith.constant 3 : i32
        %parallel_loop3A_250 = arith.index_cast %parallel_loop3A_248 : i32 to index
        %parallel_loop3A_251 = arith.index_cast %parallel_loop3A_249 : i32 to index
        %parallel_loop3A_252 = arith.index_cast %parallel_loop3A_208 : i32 to index
        %parallel_loop3A_253 = tpu.vector_load %arg8[%parallel_loop3A_250, %parallel_loop3A_251, %parallel_loop3A_252] {strides = array<i32>} : memref<2x32x768xf32, #tpu.memory_space<vmem>>, vector<1x1x16xf32>,
        %parallel_loop3A_254 = vector.shape_cast %parallel_loop3A_253 : vector<1x1x16xf32> to vector<16xf32>
        %parallel_loop3A_255 = arith.constant 1 : i32
        %parallel_loop3A_256 = arith.constant 0 : i32
        %parallel_loop3A_257 = arith.index_cast %parallel_loop3A_255 : i32 to index
        %parallel_loop3A_258 = arith.index_cast %parallel_loop3A_256 : i32 to index
        %parallel_loop3A_259 = arith.index_cast %parallel_loop3A_214 : i32 to index
        %parallel_loop3A_260 = tpu.vector_load %arg8[%parallel_loop3A_257, %parallel_loop3A_258, %parallel_loop3A_259] {strides = array<i32>} : memref<2x32x768xf32, #tpu.memory_space<vmem>>, vector<1x1x16xf32>,
        %parallel_loop3A_261 = vector.shape_cast %parallel_loop3A_260 : vector<1x1x16xf32> to vector<16xf32>
        %parallel_loop3A_262 = arith.constant 1 : i32
        %parallel_loop3A_263 = arith.constant 1 : i32
        %parallel_loop3A_264 = arith.index_cast %parallel_loop3A_262 : i32 to index
        %parallel_loop3A_265 = arith.index_cast %parallel_loop3A_263 : i32 to index
        %parallel_loop3A_266 = arith.index_cast %parallel_loop3A_214 : i32 to index
        %parallel_loop3A_267 = tpu.vector_load %arg8[%parallel_loop3A_264, %parallel_loop3A_265, %parallel_loop3A_266] {strides = array<i32>} : memref<2x32x768xf32, #tpu.memory_space<vmem>>, vector<1x1x16xf32>,
        %parallel_loop3A_268 = vector.shape_cast %parallel_loop3A_267 : vector<1x1x16xf32> to vector<16xf32>
        %parallel_loop3A_269 = arith.constant 1 : i32
        %parallel_loop3A_270 = arith.constant 2 : i32
        %parallel_loop3A_271 = arith.index_cast %parallel_loop3A_269 : i32 to index
        %parallel_loop3A_272 = arith.index_cast %parallel_loop3A_270 : i32 to index
        %parallel_loop3A_273 = arith.index_cast %parallel_loop3A_214 : i32 to index
        %parallel_loop3A_274 = tpu.vector_load %arg8[%parallel_loop3A_271, %parallel_loop3A_272, %parallel_loop3A_273] {strides = array<i32>} : memref<2x32x768xf32, #tpu.memory_space<vmem>>, vector<1x1x16xf32>,
        %parallel_loop3A_275 = vector.shape_cast %parallel_loop3A_274 : vector<1x1x16xf32> to vector<16xf32>
        %parallel_loop3A_276 = arith.constant 1 : i32
        %parallel_loop3A_277 = arith.constant 3 : i32
        %parallel_loop3A_278 = arith.index_cast %parallel_loop3A_276 : i32 to index
        %parallel_loop3A_279 = arith.index_cast %parallel_loop3A_277 : i32 to index
        %parallel_loop3A_280 = arith.index_cast %parallel_loop3A_214 : i32 to index
        %parallel_loop3A_281 = tpu.vector_load %arg8[%parallel_loop3A_278, %parallel_loop3A_279, %parallel_loop3A_280] {strides = array<i32>} : memref<2x32x768xf32, #tpu.memory_space<vmem>>, vector<1x1x16xf32>,
        %parallel_loop3A_282 = vector.shape_cast %parallel_loop3A_281 : vector<1x1x16xf32> to vector<16xf32>
        %parallel_loop3A_283 = arith.constant 16 : i32
        %parallel_loop3A_284 = arith.muli %parallel_loop3A_176, %parallel_loop3A_283 : i32
        %parallel_loop3A_285 = arith.constant 384 : i32
        %parallel_loop3A_286 = arith.addi %parallel_loop3A_285, %parallel_loop3A_284 : i32
        %parallel_loop3A_287 = arith.index_cast %parallel_loop3A_286 : i32 to index
        %parallel_loop3A_288 = tpu.vector_load %arg12[%parallel_loop3A_287] {strides = array<i32>} : memref<6144xi32, #tpu.memory_space<vmem>>, vector<16xi32>,
        %parallel_loop3A_289 = vector.shape_cast %parallel_loop3A_288 : vector<16xi32> to vector<16xi32>
        %parallel_loop3A_290 = arith.constant 3072 : i32
        %parallel_loop3A_291 = arith.addi %parallel_loop3A_290, %parallel_loop3A_286 : i32
        %parallel_loop3A_292 = arith.index_cast %parallel_loop3A_291 : i32 to index
        %parallel_loop3A_293 = tpu.vector_load %arg12[%parallel_loop3A_292] {strides = array<i32>} : memref<6144xi32, #tpu.memory_space<vmem>>, vector<16xi32>,
        %parallel_loop3A_294 = vector.shape_cast %parallel_loop3A_293 : vector<16xi32> to vector<16xi32>
        %parallel_loop3A_295 = arith.constant 1 : i32
        %parallel_loop3A_296 = arith.constant 4 : i32
        %parallel_loop3A_297 = arith.index_cast %parallel_loop3A_295 : i32 to index
        %parallel_loop3A_298 = arith.index_cast %parallel_loop3A_296 : i32 to index
        %parallel_loop3A_299 = arith.index_cast %parallel_loop3A_208 : i32 to index
        %parallel_loop3A_300 = tpu.vector_load %arg8[%parallel_loop3A_297, %parallel_loop3A_298, %parallel_loop3A_299] {strides = array<i32>} : memref<2x32x768xf32, #tpu.memory_space<vmem>>, vector<1x1x16xf32>,
        %parallel_loop3A_301 = vector.shape_cast %parallel_loop3A_300 : vector<1x1x16xf32> to vector<16xf32>
        %parallel_loop3A_302 = arith.constant 1 : i32
        %parallel_loop3A_303 = arith.constant 5 : i32
        %parallel_loop3A_304 = arith.index_cast %parallel_loop3A_302 : i32 to index
        %parallel_loop3A_305 = arith.index_cast %parallel_loop3A_303 : i32 to index
        %parallel_loop3A_306 = arith.index_cast %parallel_loop3A_208 : i32 to index
        %parallel_loop3A_307 = tpu.vector_load %arg8[%parallel_loop3A_304, %parallel_loop3A_305, %parallel_loop3A_306] {strides = array<i32>} : memref<2x32x768xf32, #tpu.memory_space<vmem>>, vector<1x1x16xf32>,
        %parallel_loop3A_308 = vector.shape_cast %parallel_loop3A_307 : vector<1x1x16xf32> to vector<16xf32>
        %parallel_loop3A_309 = arith.constant 1 : i32
        %parallel_loop3A_310 = arith.constant 6 : i32
        %parallel_loop3A_311 = arith.index_cast %parallel_loop3A_309 : i32 to index
        %parallel_loop3A_312 = arith.index_cast %parallel_loop3A_310 : i32 to index
        %parallel_loop3A_313 = arith.index_cast %parallel_loop3A_208 : i32 to index
        %parallel_loop3A_314 = tpu.vector_load %arg8[%parallel_loop3A_311, %parallel_loop3A_312, %parallel_loop3A_313] {strides = array<i32>} : memref<2x32x768xf32, #tpu.memory_space<vmem>>, vector<1x1x16xf32>,
        %parallel_loop3A_315 = vector.shape_cast %parallel_loop3A_314 : vector<1x1x16xf32> to vector<16xf32>
        %parallel_loop3A_316 = arith.constant 1 : i32
        %parallel_loop3A_317 = arith.constant 7 : i32
        %parallel_loop3A_318 = arith.index_cast %parallel_loop3A_316 : i32 to index
        %parallel_loop3A_319 = arith.index_cast %parallel_loop3A_317 : i32 to index
        %parallel_loop3A_320 = arith.index_cast %parallel_loop3A_208 : i32 to index
        %parallel_loop3A_321 = tpu.vector_load %arg8[%parallel_loop3A_318, %parallel_loop3A_319, %parallel_loop3A_320] {strides = array<i32>} : memref<2x32x768xf32, #tpu.memory_space<vmem>>, vector<1x1x16xf32>,
        %parallel_loop3A_322 = vector.shape_cast %parallel_loop3A_321 : vector<1x1x16xf32> to vector<16xf32>
        %parallel_loop3A_323 = arith.constant 1 : i32
        %parallel_loop3A_324 = arith.constant 4 : i32
        %parallel_loop3A_325 = arith.index_cast %parallel_loop3A_323 : i32 to index
        %parallel_loop3A_326 = arith.index_cast %parallel_loop3A_324 : i32 to index
        %parallel_loop3A_327 = arith.index_cast %parallel_loop3A_214 : i32 to index
        %parallel_loop3A_328 = tpu.vector_load %arg8[%parallel_loop3A_325, %parallel_loop3A_326, %parallel_loop3A_327] {strides = array<i32>} : memref<2x32x768xf32, #tpu.memory_space<vmem>>, vector<1x1x16xf32>,
        %parallel_loop3A_329 = vector.shape_cast %parallel_loop3A_328 : vector<1x1x16xf32> to vector<16xf32>
        %parallel_loop3A_330 = arith.constant 1 : i32
        %parallel_loop3A_331 = arith.constant 5 : i32
        %parallel_loop3A_332 = arith.index_cast %parallel_loop3A_330 : i32 to index
        %parallel_loop3A_333 = arith.index_cast %parallel_loop3A_331 : i32 to index
        %parallel_loop3A_334 = arith.index_cast %parallel_loop3A_214 : i32 to index
        %parallel_loop3A_335 = tpu.vector_load %arg8[%parallel_loop3A_332, %parallel_loop3A_333, %parallel_loop3A_334] {strides = array<i32>} : memref<2x32x768xf32, #tpu.memory_space<vmem>>, vector<1x1x16xf32>,
        %parallel_loop3A_336 = vector.shape_cast %parallel_loop3A_335 : vector<1x1x16xf32> to vector<16xf32>
        %parallel_loop3A_337 = arith.constant 1 : i32
        %parallel_loop3A_338 = arith.constant 6 : i32
        %parallel_loop3A_339 = arith.index_cast %parallel_loop3A_337 : i32 to index
        %parallel_loop3A_340 = arith.index_cast %parallel_loop3A_338 : i32 to index
        %parallel_loop3A_341 = arith.index_cast %parallel_loop3A_214 : i32 to index
        %parallel_loop3A_342 = tpu.vector_load %arg8[%parallel_loop3A_339, %parallel_loop3A_340, %parallel_loop3A_341] {strides = array<i32>} : memref<2x32x768xf32, #tpu.memory_space<vmem>>, vector<1x1x16xf32>,
        %parallel_loop3A_343 = vector.shape_cast %parallel_loop3A_342 : vector<1x1x16xf32> to vector<16xf32>
        %parallel_loop3A_344 = arith.constant 1 : i32
        %parallel_loop3A_345 = arith.constant 7 : i32
        %parallel_loop3A_346 = arith.index_cast %parallel_loop3A_344 : i32 to index
        %parallel_loop3A_347 = arith.index_cast %parallel_loop3A_345 : i32 to index
        %parallel_loop3A_348 = arith.index_cast %parallel_loop3A_214 : i32 to index
        %parallel_loop3A_349 = tpu.vector_load %arg8[%parallel_loop3A_346, %parallel_loop3A_347, %parallel_loop3A_348] {strides = array<i32>} : memref<2x32x768xf32, #tpu.memory_space<vmem>>, vector<1x1x16xf32>,
        %parallel_loop3A_350 = vector.shape_cast %parallel_loop3A_349 : vector<1x1x16xf32> to vector<16xf32>
        %parallel_loop3A_351 = arith.constant 16 : i32
        %parallel_loop3A_352 = arith.muli %parallel_loop3A_176, %parallel_loop3A_351 : i32
        %parallel_loop3A_353 = arith.constant 768 : i32
        %parallel_loop3A_354 = arith.addi %parallel_loop3A_353, %parallel_loop3A_352 : i32
        %parallel_loop3A_355 = arith.index_cast %parallel_loop3A_354 : i32 to index
        %parallel_loop3A_356 = tpu.vector_load %arg12[%parallel_loop3A_355] {strides = array<i32>} : memref<6144xi32, #tpu.memory_space<vmem>>, vector<16xi32>,
        %parallel_loop3A_357 = vector.shape_cast %parallel_loop3A_356 : vector<16xi32> to vector<16xi32>
        %parallel_loop3A_358 = arith.constant 3072 : i32
        %parallel_loop3A_359 = arith.addi %parallel_loop3A_358, %parallel_loop3A_354 : i32
        %parallel_loop3A_360 = arith.index_cast %parallel_loop3A_359 : i32 to index
        %parallel_loop3A_361 = tpu.vector_load %arg12[%parallel_loop3A_360] {strides = array<i32>} : memref<6144xi32, #tpu.memory_space<vmem>>, vector<16xi32>,
        %parallel_loop3A_362 = vector.shape_cast %parallel_loop3A_361 : vector<16xi32> to vector<16xi32>
        %parallel_loop3A_363 = arith.constant 1 : i32
        %parallel_loop3A_364 = arith.constant 8 : i32
        %parallel_loop3A_365 = arith.index_cast %parallel_loop3A_363 : i32 to index
        %parallel_loop3A_366 = arith.index_cast %parallel_loop3A_364 : i32 to index
        %parallel_loop3A_367 = arith.index_cast %parallel_loop3A_208 : i32 to index
        %parallel_loop3A_368 = tpu.vector_load %arg8[%parallel_loop3A_365, %parallel_loop3A_366, %parallel_loop3A_367] {strides = array<i32>} : memref<2x32x768xf32, #tpu.memory_space<vmem>>, vector<1x1x16xf32>,
        %parallel_loop3A_369 = vector.shape_cast %parallel_loop3A_368 : vector<1x1x16xf32> to vector<16xf32>
        %parallel_loop3A_370 = arith.constant 1 : i32
        %parallel_loop3A_371 = arith.constant 9 : i32
        %parallel_loop3A_372 = arith.index_cast %parallel_loop3A_370 : i32 to index
        %parallel_loop3A_373 = arith.index_cast %parallel_loop3A_371 : i32 to index
        %parallel_loop3A_374 = arith.index_cast %parallel_loop3A_208 : i32 to index
        %parallel_loop3A_375 = tpu.vector_load %arg8[%parallel_loop3A_372, %parallel_loop3A_373, %parallel_loop3A_374] {strides = array<i32>} : memref<2x32x768xf32, #tpu.memory_space<vmem>>, vector<1x1x16xf32>,
        %parallel_loop3A_376 = vector.shape_cast %parallel_loop3A_375 : vector<1x1x16xf32> to vector<16xf32>
        %parallel_loop3A_377 = arith.constant 1 : i32
        %parallel_loop3A_378 = arith.constant 10 : i32
        %parallel_loop3A_379 = arith.index_cast %parallel_loop3A_377 : i32 to index
        %parallel_loop3A_380 = arith.index_cast %parallel_loop3A_378 : i32 to index
        %parallel_loop3A_381 = arith.index_cast %parallel_loop3A_208 : i32 to index
        %parallel_loop3A_382 = tpu.vector_load %arg8[%parallel_loop3A_379, %parallel_loop3A_380, %parallel_loop3A_381] {strides = array<i32>} : memref<2x32x768xf32, #tpu.memory_space<vmem>>, vector<1x1x16xf32>,
        %parallel_loop3A_383 = vector.shape_cast %parallel_loop3A_382 : vector<1x1x16xf32> to vector<16xf32>
        %parallel_loop3A_384 = arith.constant 1 : i32
        %parallel_loop3A_385 = arith.constant 11 : i32
        %parallel_loop3A_386 = arith.index_cast %parallel_loop3A_384 : i32 to index
        %parallel_loop3A_387 = arith.index_cast %parallel_loop3A_385 : i32 to index
        %parallel_loop3A_388 = arith.index_cast %parallel_loop3A_208 : i32 to index
        %parallel_loop3A_389 = tpu.vector_load %arg8[%parallel_loop3A_386, %parallel_loop3A_387, %parallel_loop3A_388] {strides = array<i32>} : memref<2x32x768xf32, #tpu.memory_space<vmem>>, vector<1x1x16xf32>,
        %parallel_loop3A_390 = vector.shape_cast %parallel_loop3A_389 : vector<1x1x16xf32> to vector<16xf32>
        %parallel_loop3A_391 = arith.constant 1 : i32
        %parallel_loop3A_392 = arith.constant 8 : i32
        %parallel_loop3A_393 = arith.index_cast %parallel_loop3A_391 : i32 to index
        %parallel_loop3A_394 = arith.index_cast %parallel_loop3A_392 : i32 to index
        %parallel_loop3A_395 = arith.index_cast %parallel_loop3A_214 : i32 to index
        %parallel_loop3A_396 = tpu.vector_load %arg8[%parallel_loop3A_393, %parallel_loop3A_394, %parallel_loop3A_395] {strides = array<i32>} : memref<2x32x768xf32, #tpu.memory_space<vmem>>, vector<1x1x16xf32>,
        %parallel_loop3A_397 = vector.shape_cast %parallel_loop3A_396 : vector<1x1x16xf32> to vector<16xf32>
        %parallel_loop3A_398 = arith.constant 1 : i32
        %parallel_loop3A_399 = arith.constant 9 : i32
        %parallel_loop3A_400 = arith.index_cast %parallel_loop3A_398 : i32 to index
        %parallel_loop3A_401 = arith.index_cast %parallel_loop3A_399 : i32 to index
        %parallel_loop3A_402 = arith.index_cast %parallel_loop3A_214 : i32 to index
        %parallel_loop3A_403 = tpu.vector_load %arg8[%parallel_loop3A_400, %parallel_loop3A_401, %parallel_loop3A_402] {strides = array<i32>} : memref<2x32x768xf32, #tpu.memory_space<vmem>>, vector<1x1x16xf32>,
        %parallel_loop3A_404 = vector.shape_cast %parallel_loop3A_403 : vector<1x1x16xf32> to vector<16xf32>
        %parallel_loop3A_405 = arith.constant 1 : i32
        %parallel_loop3A_406 = arith.constant 10 : i32
        %parallel_loop3A_407 = arith.index_cast %parallel_loop3A_405 : i32 to index
        %parallel_loop3A_408 = arith.index_cast %parallel_loop3A_406 : i32 to index
        %parallel_loop3A_409 = arith.index_cast %parallel_loop3A_214 : i32 to index
        %parallel_loop3A_410 = tpu.vector_load %arg8[%parallel_loop3A_407, %parallel_loop3A_408, %parallel_loop3A_409] {strides = array<i32>} : memref<2x32x768xf32, #tpu.memory_space<vmem>>, vector<1x1x16xf32>,
        %parallel_loop3A_411 = vector.shape_cast %parallel_loop3A_410 : vector<1x1x16xf32> to vector<16xf32>
        %parallel_loop3A_412 = arith.constant 1 : i32
        %parallel_loop3A_413 = arith.constant 11 : i32
        %parallel_loop3A_414 = arith.index_cast %parallel_loop3A_412 : i32 to index
        %parallel_loop3A_415 = arith.index_cast %parallel_loop3A_413 : i32 to index
        %parallel_loop3A_416 = arith.index_cast %parallel_loop3A_214 : i32 to index
        %parallel_loop3A_417 = tpu.vector_load %arg8[%parallel_loop3A_414, %parallel_loop3A_415, %parallel_loop3A_416] {strides = array<i32>} : memref<2x32x768xf32, #tpu.memory_space<vmem>>, vector<1x1x16xf32>,
        %parallel_loop3A_418 = vector.shape_cast %parallel_loop3A_417 : vector<1x1x16xf32> to vector<16xf32>
        %parallel_loop3A_419 = arith.constant 16 : i32
        %parallel_loop3A_420 = vector.broadcast %parallel_loop3A_419 : i32 to vector<16xi32>
        %parallel_loop3A_421 = arith.shli %parallel_loop3A_221, %parallel_loop3A_420 : vector<16xi32>
        %parallel_loop3A_422 = tpu.bitcast %parallel_loop3A_421 : vector<16xi32> -> vector<16xf32>
        %parallel_loop3A_423 = arith.constant -65536 : i32
        %parallel_loop3A_424 = vector.broadcast %parallel_loop3A_423 : i32 to vector<16xi32>
        %parallel_loop3A_425 = arith.andi %parallel_loop3A_221, %parallel_loop3A_424 : vector<16xi32>
        %parallel_loop3A_426 = tpu.bitcast %parallel_loop3A_425 : vector<16xi32> -> vector<16xf32>
        %parallel_loop3A_427 = arith.constant 16 : i32
        %parallel_loop3A_428 = vector.broadcast %parallel_loop3A_427 : i32 to vector<16xi32>
        %parallel_loop3A_429 = arith.shli %parallel_loop3A_226, %parallel_loop3A_428 : vector<16xi32>
        %parallel_loop3A_430 = tpu.bitcast %parallel_loop3A_429 : vector<16xi32> -> vector<16xf32>
        %parallel_loop3A_431 = arith.constant -65536 : i32
        %parallel_loop3A_432 = vector.broadcast %parallel_loop3A_431 : i32 to vector<16xi32>
        %parallel_loop3A_433 = arith.andi %parallel_loop3A_226, %parallel_loop3A_432 : vector<16xi32>
        %parallel_loop3A_434 = tpu.bitcast %parallel_loop3A_433 : vector<16xi32> -> vector<16xf32>
        %parallel_loop3A_435 = arith.mulf %parallel_loop3A_185, %parallel_loop3A_422 : vector<16xf32>
        %parallel_loop3A_436 = arith.mulf %parallel_loop3A_200, %parallel_loop3A_430 : vector<16xf32>
        %parallel_loop3A_437 = arith.addf %parallel_loop3A_435, %parallel_loop3A_436 : vector<16xf32>
        %parallel_loop3A_438 = arith.mulf %parallel_loop3A_189, %parallel_loop3A_426 : vector<16xf32>
        %parallel_loop3A_439 = arith.mulf %parallel_loop3A_204, %parallel_loop3A_434 : vector<16xf32>
        %parallel_loop3A_440 = arith.addf %parallel_loop3A_438, %parallel_loop3A_439 : vector<16xf32>
        %parallel_loop3A_441 = arith.constant 27.7128124 : f32
        %parallel_loop3A_442 = vector.broadcast %parallel_loop3A_441 : f32 to vector<16xf32>
        %parallel_loop3A_443 = arith.mulf %parallel_loop3A_233, %parallel_loop3A_442 : vector<16xf32>
        %parallel_loop3A_444 = arith.addf %parallel_loop3A_443, %parallel_loop3A_437 : vector<16xf32>
        %parallel_loop3A_445 = arith.constant 1 : i32
        %parallel_loop3A_446 = arith.constant 0 : i32
        %parallel_loop3A_447 = arith.constant 0 : i32
        %parallel_loop3A_448 = arith.index_cast %parallel_loop3A_445 : i32 to index
        %parallel_loop3A_449 = arith.index_cast %parallel_loop3A_446 : i32 to index
        %parallel_loop3A_450 = arith.index_cast %parallel_loop3A_447 : i32 to index
        %parallel_loop3A_451 = arith.index_cast %parallel_loop3A_208 : i32 to index
        %parallel_loop3A_452 = tpu.vector_load %arg9[%parallel_loop3A_448, %parallel_loop3A_449, %parallel_loop3A_450, %parallel_loop3A_451] {strides = array<i32>} : memref<2x8x4x768xf32, #tpu.memory_space<vmem>>, vector<1x1x1x16xf32>,
        %parallel_loop3A_453 = vector.shape_cast %parallel_loop3A_452 : vector<1x1x1x16xf32> to vector<16xf32>
        %parallel_loop3A_454 = vector.shape_cast %parallel_loop3A_444 : vector<16xf32> to vector<1x1x1x16xf32>
        tpu.vector_store %arg9[%parallel_loop3A_448, %parallel_loop3A_449, %parallel_loop3A_450, %parallel_loop3A_451], %parallel_loop3A_454 {strides = array<i32>} : memref<2x8x4x768xf32, #tpu.memory_space<vmem>>, vector<1x1x1x16xf32>,
        %parallel_loop3A_455 = arith.constant 27.7128124 : f32
        %parallel_loop3A_456 = vector.broadcast %parallel_loop3A_455 : f32 to vector<16xf32>
        %parallel_loop3A_457 = arith.mulf %parallel_loop3A_261, %parallel_loop3A_456 : vector<16xf32>
        %parallel_loop3A_458 = arith.addf %parallel_loop3A_457, %parallel_loop3A_440 : vector<16xf32>
        %parallel_loop3A_459 = arith.constant 1 : i32
        %parallel_loop3A_460 = arith.constant 0 : i32
        %parallel_loop3A_461 = arith.constant 0 : i32
        %parallel_loop3A_462 = arith.index_cast %parallel_loop3A_459 : i32 to index
        %parallel_loop3A_463 = arith.index_cast %parallel_loop3A_460 : i32 to index
        %parallel_loop3A_464 = arith.index_cast %parallel_loop3A_461 : i32 to index
        %parallel_loop3A_465 = arith.index_cast %parallel_loop3A_214 : i32 to index
        %parallel_loop3A_466 = tpu.vector_load %arg9[%parallel_loop3A_462, %parallel_loop3A_463, %parallel_loop3A_464, %parallel_loop3A_465] {strides = array<i32>} : memref<2x8x4x768xf32, #tpu.memory_space<vmem>>, vector<1x1x1x16xf32>,
        %parallel_loop3A_467 = vector.shape_cast %parallel_loop3A_466 : vector<1x1x1x16xf32> to vector<16xf32>
        %parallel_loop3A_468 = vector.shape_cast %parallel_loop3A_458 : vector<16xf32> to vector<1x1x1x16xf32>
        tpu.vector_store %arg9[%parallel_loop3A_462, %parallel_loop3A_463, %parallel_loop3A_464, %parallel_loop3A_465], %parallel_loop3A_468 {strides = array<i32>} : memref<2x8x4x768xf32, #tpu.memory_space<vmem>>, vector<1x1x1x16xf32>,
        %parallel_loop3A_469 = arith.constant 27.7128124 : f32
        %parallel_loop3A_470 = vector.broadcast %parallel_loop3A_469 : f32 to vector<16xf32>
        %parallel_loop3A_471 = arith.mulf %parallel_loop3A_240, %parallel_loop3A_470 : vector<16xf32>
        %parallel_loop3A_472 = arith.addf %parallel_loop3A_471, %parallel_loop3A_437 : vector<16xf32>
        %parallel_loop3A_473 = arith.constant 1 : i32
        %parallel_loop3A_474 = arith.constant 0 : i32
        %parallel_loop3A_475 = arith.constant 1 : i32
        %parallel_loop3A_476 = arith.index_cast %parallel_loop3A_473 : i32 to index
        %parallel_loop3A_477 = arith.index_cast %parallel_loop3A_474 : i32 to index
        %parallel_loop3A_478 = arith.index_cast %parallel_loop3A_475 : i32 to index
        %parallel_loop3A_479 = arith.index_cast %parallel_loop3A_208 : i32 to index
        %parallel_loop3A_480 = tpu.vector_load %arg9[%parallel_loop3A_476, %parallel_loop3A_477, %parallel_loop3A_478, %parallel_loop3A_479] {strides = array<i32>} : memref<2x8x4x768xf32, #tpu.memory_space<vmem>>, vector<1x1x1x16xf32>,
        %parallel_loop3A_481 = vector.shape_cast %parallel_loop3A_480 : vector<1x1x1x16xf32> to vector<16xf32>
        %parallel_loop3A_482 = vector.shape_cast %parallel_loop3A_472 : vector<16xf32> to vector<1x1x1x16xf32>
        tpu.vector_store %arg9[%parallel_loop3A_476, %parallel_loop3A_477, %parallel_loop3A_478, %parallel_loop3A_479], %parallel_loop3A_482 {strides = array<i32>} : memref<2x8x4x768xf32, #tpu.memory_space<vmem>>, vector<1x1x1x16xf32>,
        %parallel_loop3A_483 = arith.constant 27.7128124 : f32
        %parallel_loop3A_484 = vector.broadcast %parallel_loop3A_483 : f32 to vector<16xf32>
        %parallel_loop3A_485 = arith.mulf %parallel_loop3A_268, %parallel_loop3A_484 : vector<16xf32>
        %parallel_loop3A_486 = arith.addf %parallel_loop3A_485, %parallel_loop3A_440 : vector<16xf32>
        %parallel_loop3A_487 = arith.constant 1 : i32
        %parallel_loop3A_488 = arith.constant 0 : i32
        %parallel_loop3A_489 = arith.constant 1 : i32
        %parallel_loop3A_490 = arith.index_cast %parallel_loop3A_487 : i32 to index
        %parallel_loop3A_491 = arith.index_cast %parallel_loop3A_488 : i32 to index
        %parallel_loop3A_492 = arith.index_cast %parallel_loop3A_489 : i32 to index
        %parallel_loop3A_493 = arith.index_cast %parallel_loop3A_214 : i32 to index
        %parallel_loop3A_494 = tpu.vector_load %arg9[%parallel_loop3A_490, %parallel_loop3A_491, %parallel_loop3A_492, %parallel_loop3A_493] {strides = array<i32>} : memref<2x8x4x768xf32, #tpu.memory_space<vmem>>, vector<1x1x1x16xf32>,
        %parallel_loop3A_495 = vector.shape_cast %parallel_loop3A_494 : vector<1x1x1x16xf32> to vector<16xf32>
        %parallel_loop3A_496 = vector.shape_cast %parallel_loop3A_486 : vector<16xf32> to vector<1x1x1x16xf32>
        tpu.vector_store %arg9[%parallel_loop3A_490, %parallel_loop3A_491, %parallel_loop3A_492, %parallel_loop3A_493], %parallel_loop3A_496 {strides = array<i32>} : memref<2x8x4x768xf32, #tpu.memory_space<vmem>>, vector<1x1x1x16xf32>,
        %parallel_loop3A_497 = arith.constant 27.7128124 : f32
        %parallel_loop3A_498 = vector.broadcast %parallel_loop3A_497 : f32 to vector<16xf32>
        %parallel_loop3A_499 = arith.mulf %parallel_loop3A_247, %parallel_loop3A_498 : vector<16xf32>
        %parallel_loop3A_500 = arith.addf %parallel_loop3A_499, %parallel_loop3A_437 : vector<16xf32>
        %parallel_loop3A_501 = arith.constant 1 : i32
        %parallel_loop3A_502 = arith.constant 0 : i32
        %parallel_loop3A_503 = arith.constant 2 : i32
        %parallel_loop3A_504 = arith.index_cast %parallel_loop3A_501 : i32 to index
        %parallel_loop3A_505 = arith.index_cast %parallel_loop3A_502 : i32 to index
        %parallel_loop3A_506 = arith.index_cast %parallel_loop3A_503 : i32 to index
        %parallel_loop3A_507 = arith.index_cast %parallel_loop3A_208 : i32 to index
        %parallel_loop3A_508 = tpu.vector_load %arg9[%parallel_loop3A_504, %parallel_loop3A_505, %parallel_loop3A_506, %parallel_loop3A_507] {strides = array<i32>} : memref<2x8x4x768xf32, #tpu.memory_space<vmem>>, vector<1x1x1x16xf32>,
        %parallel_loop3A_509 = vector.shape_cast %parallel_loop3A_508 : vector<1x1x1x16xf32> to vector<16xf32>
        %parallel_loop3A_510 = vector.shape_cast %parallel_loop3A_500 : vector<16xf32> to vector<1x1x1x16xf32>
        tpu.vector_store %arg9[%parallel_loop3A_504, %parallel_loop3A_505, %parallel_loop3A_506, %parallel_loop3A_507], %parallel_loop3A_510 {strides = array<i32>} : memref<2x8x4x768xf32, #tpu.memory_space<vmem>>, vector<1x1x1x16xf32>,
        %parallel_loop3A_511 = arith.constant 27.7128124 : f32
        %parallel_loop3A_512 = vector.broadcast %parallel_loop3A_511 : f32 to vector<16xf32>
        %parallel_loop3A_513 = arith.mulf %parallel_loop3A_275, %parallel_loop3A_512 : vector<16xf32>
        %parallel_loop3A_514 = arith.addf %parallel_loop3A_513, %parallel_loop3A_440 : vector<16xf32>
        %parallel_loop3A_515 = arith.constant 1 : i32
        %parallel_loop3A_516 = arith.constant 0 : i32
        %parallel_loop3A_517 = arith.constant 2 : i32
        %parallel_loop3A_518 = arith.index_cast %parallel_loop3A_515 : i32 to index
        %parallel_loop3A_519 = arith.index_cast %parallel_loop3A_516 : i32 to index
        %parallel_loop3A_520 = arith.index_cast %parallel_loop3A_517 : i32 to index
        %parallel_loop3A_521 = arith.index_cast %parallel_loop3A_214 : i32 to index
        %parallel_loop3A_522 = tpu.vector_load %arg9[%parallel_loop3A_518, %parallel_loop3A_519, %parallel_loop3A_520, %parallel_loop3A_521] {strides = array<i32>} : memref<2x8x4x768xf32, #tpu.memory_space<vmem>>, vector<1x1x1x16xf32>,
        %parallel_loop3A_523 = vector.shape_cast %parallel_loop3A_522 : vector<1x1x1x16xf32> to vector<16xf32>
        %parallel_loop3A_524 = vector.shape_cast %parallel_loop3A_514 : vector<16xf32> to vector<1x1x1x16xf32>
        tpu.vector_store %arg9[%parallel_loop3A_518, %parallel_loop3A_519, %parallel_loop3A_520, %parallel_loop3A_521], %parallel_loop3A_524 {strides = array<i32>} : memref<2x8x4x768xf32, #tpu.memory_space<vmem>>, vector<1x1x1x16xf32>,
        %parallel_loop3A_525 = arith.constant 27.7128124 : f32
        %parallel_loop3A_526 = vector.broadcast %parallel_loop3A_525 : f32 to vector<16xf32>
        %parallel_loop3A_527 = arith.mulf %parallel_loop3A_254, %parallel_loop3A_526 : vector<16xf32>
        %parallel_loop3A_528 = arith.addf %parallel_loop3A_527, %parallel_loop3A_437 : vector<16xf32>
        %parallel_loop3A_529 = arith.constant 1 : i32
        %parallel_loop3A_530 = arith.constant 0 : i32
        %parallel_loop3A_531 = arith.constant 3 : i32
        %parallel_loop3A_532 = arith.index_cast %parallel_loop3A_529 : i32 to index
        %parallel_loop3A_533 = arith.index_cast %parallel_loop3A_530 : i32 to index
        %parallel_loop3A_534 = arith.index_cast %parallel_loop3A_531 : i32 to index
        %parallel_loop3A_535 = arith.index_cast %parallel_loop3A_208 : i32 to index
        %parallel_loop3A_536 = tpu.vector_load %arg9[%parallel_loop3A_532, %parallel_loop3A_533, %parallel_loop3A_534, %parallel_loop3A_535] {strides = array<i32>} : memref<2x8x4x768xf32, #tpu.memory_space<vmem>>, vector<1x1x1x16xf32>,
        %parallel_loop3A_537 = vector.shape_cast %parallel_loop3A_536 : vector<1x1x1x16xf32> to vector<16xf32>
        %parallel_loop3A_538 = vector.shape_cast %parallel_loop3A_528 : vector<16xf32> to vector<1x1x1x16xf32>
        tpu.vector_store %arg9[%parallel_loop3A_532, %parallel_loop3A_533, %parallel_loop3A_534, %parallel_loop3A_535], %parallel_loop3A_538 {strides = array<i32>} : memref<2x8x4x768xf32, #tpu.memory_space<vmem>>, vector<1x1x1x16xf32>,
        %parallel_loop3A_539 = arith.constant 27.7128124 : f32
        %parallel_loop3A_540 = vector.broadcast %parallel_loop3A_539 : f32 to vector<16xf32>
        %parallel_loop3A_541 = arith.mulf %parallel_loop3A_282, %parallel_loop3A_540 : vector<16xf32>
        %parallel_loop3A_542 = arith.addf %parallel_loop3A_541, %parallel_loop3A_440 : vector<16xf32>
        %parallel_loop3A_543 = arith.constant 1 : i32
        %parallel_loop3A_544 = arith.constant 0 : i32
        %parallel_loop3A_545 = arith.constant 3 : i32
        %parallel_loop3A_546 = arith.index_cast %parallel_loop3A_543 : i32 to index
        %parallel_loop3A_547 = arith.index_cast %parallel_loop3A_544 : i32 to index
        %parallel_loop3A_548 = arith.index_cast %parallel_loop3A_545 : i32 to index
        %parallel_loop3A_549 = arith.index_cast %parallel_loop3A_214 : i32 to index
        %parallel_loop3A_550 = tpu.vector_load %arg9[%parallel_loop3A_546, %parallel_loop3A_547, %parallel_loop3A_548, %parallel_loop3A_549] {strides = array<i32>} : memref<2x8x4x768xf32, #tpu.memory_space<vmem>>, vector<1x1x1x16xf32>,
        %parallel_loop3A_551 = vector.shape_cast %parallel_loop3A_550 : vector<1x1x1x16xf32> to vector<16xf32>
        %parallel_loop3A_552 = vector.shape_cast %parallel_loop3A_542 : vector<16xf32> to vector<1x1x1x16xf32>
        tpu.vector_store %arg9[%parallel_loop3A_546, %parallel_loop3A_547, %parallel_loop3A_548, %parallel_loop3A_549], %parallel_loop3A_552 {strides = array<i32>} : memref<2x8x4x768xf32, #tpu.memory_space<vmem>>, vector<1x1x1x16xf32>,
        %parallel_loop3A_553 = arith.constant 16 : i32
        %parallel_loop3A_554 = arith.muli %parallel_loop3A_176, %parallel_loop3A_553 : i32
        %parallel_loop3A_555 = arith.constant 1152 : i32
        %parallel_loop3A_556 = arith.addi %parallel_loop3A_555, %parallel_loop3A_554 : i32
        %parallel_loop3A_557 = arith.index_cast %parallel_loop3A_556 : i32 to index
        %parallel_loop3A_558 = tpu.vector_load %arg12[%parallel_loop3A_557] {strides = array<i32>} : memref<6144xi32, #tpu.memory_space<vmem>>, vector<16xi32>,
        %parallel_loop3A_559 = vector.shape_cast %parallel_loop3A_558 : vector<16xi32> to vector<16xi32>
        %parallel_loop3A_560 = arith.constant 3072 : i32
        %parallel_loop3A_561 = arith.addi %parallel_loop3A_560, %parallel_loop3A_556 : i32
        %parallel_loop3A_562 = arith.index_cast %parallel_loop3A_561 : i32 to index
        %parallel_loop3A_563 = tpu.vector_load %arg12[%parallel_loop3A_562] {strides = array<i32>} : memref<6144xi32, #tpu.memory_space<vmem>>, vector<16xi32>,
        %parallel_loop3A_564 = vector.shape_cast %parallel_loop3A_563 : vector<16xi32> to vector<16xi32>
        %parallel_loop3A_565 = arith.constant 1 : i32
        %parallel_loop3A_566 = arith.constant 12 : i32
        %parallel_loop3A_567 = arith.index_cast %parallel_loop3A_565 : i32 to index
        %parallel_loop3A_568 = arith.index_cast %parallel_loop3A_566 : i32 to index
        %parallel_loop3A_569 = arith.index_cast %parallel_loop3A_208 : i32 to index
        %parallel_loop3A_570 = tpu.vector_load %arg8[%parallel_loop3A_567, %parallel_loop3A_568, %parallel_loop3A_569] {strides = array<i32>} : memref<2x32x768xf32, #tpu.memory_space<vmem>>, vector<1x1x16xf32>,
        %parallel_loop3A_571 = vector.shape_cast %parallel_loop3A_570 : vector<1x1x16xf32> to vector<16xf32>
        %parallel_loop3A_572 = arith.constant 1 : i32
        %parallel_loop3A_573 = arith.constant 13 : i32
        %parallel_loop3A_574 = arith.index_cast %parallel_loop3A_572 : i32 to index
        %parallel_loop3A_575 = arith.index_cast %parallel_loop3A_573 : i32 to index
        %parallel_loop3A_576 = arith.index_cast %parallel_loop3A_208 : i32 to index
        %parallel_loop3A_577 = tpu.vector_load %arg8[%parallel_loop3A_574, %parallel_loop3A_575, %parallel_loop3A_576] {strides = array<i32>} : memref<2x32x768xf32, #tpu.memory_space<vmem>>, vector<1x1x16xf32>,
        %parallel_loop3A_578 = vector.shape_cast %parallel_loop3A_577 : vector<1x1x16xf32> to vector<16xf32>
        %parallel_loop3A_579 = arith.constant 1 : i32
        %parallel_loop3A_580 = arith.constant 14 : i32
        %parallel_loop3A_581 = arith.index_cast %parallel_loop3A_579 : i32 to index
        %parallel_loop3A_582 = arith.index_cast %parallel_loop3A_580 : i32 to index
        %parallel_loop3A_583 = arith.index_cast %parallel_loop3A_208 : i32 to index
        %parallel_loop3A_584 = tpu.vector_load %arg8[%parallel_loop3A_581, %parallel_loop3A_582, %parallel_loop3A_583] {strides = array<i32>} : memref<2x32x768xf32, #tpu.memory_space<vmem>>, vector<1x1x16xf32>,
        %parallel_loop3A_585 = vector.shape_cast %parallel_loop3A_584 : vector<1x1x16xf32> to vector<16xf32>
        %parallel_loop3A_586 = arith.constant 1 : i32
        %parallel_loop3A_587 = arith.constant 15 : i32
        %parallel_loop3A_588 = arith.index_cast %parallel_loop3A_586 : i32 to index
        %parallel_loop3A_589 = arith.index_cast %parallel_loop3A_587 : i32 to index
        %parallel_loop3A_590 = arith.index_cast %parallel_loop3A_208 : i32 to index
        %parallel_loop3A_591 = tpu.vector_load %arg8[%parallel_loop3A_588, %parallel_loop3A_589, %parallel_loop3A_590] {strides = array<i32>} : memref<2x32x768xf32, #tpu.memory_space<vmem>>, vector<1x1x16xf32>,
        %parallel_loop3A_592 = vector.shape_cast %parallel_loop3A_591 : vector<1x1x16xf32> to vector<16xf32>
        %parallel_loop3A_593 = arith.constant 1 : i32
        %parallel_loop3A_594 = arith.constant 12 : i32
        %parallel_loop3A_595 = arith.index_cast %parallel_loop3A_593 : i32 to index
        %parallel_loop3A_596 = arith.index_cast %parallel_loop3A_594 : i32 to index
        %parallel_loop3A_597 = arith.index_cast %parallel_loop3A_214 : i32 to index
        %parallel_loop3A_598 = tpu.vector_load %arg8[%parallel_loop3A_595, %parallel_loop3A_596, %parallel_loop3A_597] {strides = array<i32>} : memref<2x32x768xf32, #tpu.memory_space<vmem>>, vector<1x1x16xf32>,
        %parallel_loop3A_599 = vector.shape_cast %parallel_loop3A_598 : vector<1x1x16xf32> to vector<16xf32>
        %parallel_loop3A_600 = arith.constant 1 : i32
        %parallel_loop3A_601 = arith.constant 13 : i32
        %parallel_loop3A_602 = arith.index_cast %parallel_loop3A_600 : i32 to index
        %parallel_loop3A_603 = arith.index_cast %parallel_loop3A_601 : i32 to index
        %parallel_loop3A_604 = arith.index_cast %parallel_loop3A_214 : i32 to index
        %parallel_loop3A_605 = tpu.vector_load %arg8[%parallel_loop3A_602, %parallel_loop3A_603, %parallel_loop3A_604] {strides = array<i32>} : memref<2x32x768xf32, #tpu.memory_space<vmem>>, vector<1x1x16xf32>,
        %parallel_loop3A_606 = vector.shape_cast %parallel_loop3A_605 : vector<1x1x16xf32> to vector<16xf32>
        %parallel_loop3A_607 = arith.constant 1 : i32
        %parallel_loop3A_608 = arith.constant 14 : i32
        %parallel_loop3A_609 = arith.index_cast %parallel_loop3A_607 : i32 to index
        %parallel_loop3A_610 = arith.index_cast %parallel_loop3A_608 : i32 to index
        %parallel_loop3A_611 = arith.index_cast %parallel_loop3A_214 : i32 to index
        %parallel_loop3A_612 = tpu.vector_load %arg8[%parallel_loop3A_609, %parallel_loop3A_610, %parallel_loop3A_611] {strides = array<i32>} : memref<2x32x768xf32, #tpu.memory_space<vmem>>, vector<1x1x16xf32>,
        %parallel_loop3A_613 = vector.shape_cast %parallel_loop3A_612 : vector<1x1x16xf32> to vector<16xf32>
        %parallel_loop3A_614 = arith.constant 1 : i32
        %parallel_loop3A_615 = arith.constant 15 : i32
        %parallel_loop3A_616 = arith.index_cast %parallel_loop3A_614 : i32 to index
        %parallel_loop3A_617 = arith.index_cast %parallel_loop3A_615 : i32 to index
        %parallel_loop3A_618 = arith.index_cast %parallel_loop3A_214 : i32 to index
        %parallel_loop3A_619 = tpu.vector_load %arg8[%parallel_loop3A_616, %parallel_loop3A_617, %parallel_loop3A_618] {strides = array<i32>} : memref<2x32x768xf32, #tpu.memory_space<vmem>>, vector<1x1x16xf32>,
        %parallel_loop3A_620 = vector.shape_cast %parallel_loop3A_619 : vector<1x1x16xf32> to vector<16xf32>
        %parallel_loop3A_621 = arith.constant 16 : i32
        %parallel_loop3A_622 = vector.broadcast %parallel_loop3A_621 : i32 to vector<16xi32>
        %parallel_loop3A_623 = arith.shli %parallel_loop3A_289, %parallel_loop3A_622 : vector<16xi32>
        %parallel_loop3A_624 = tpu.bitcast %parallel_loop3A_623 : vector<16xi32> -> vector<16xf32>
        %parallel_loop3A_625 = arith.constant -65536 : i32
        %parallel_loop3A_626 = vector.broadcast %parallel_loop3A_625 : i32 to vector<16xi32>
        %parallel_loop3A_627 = arith.andi %parallel_loop3A_289, %parallel_loop3A_626 : vector<16xi32>
        %parallel_loop3A_628 = tpu.bitcast %parallel_loop3A_627 : vector<16xi32> -> vector<16xf32>
        %parallel_loop3A_629 = arith.constant 16 : i32
        %parallel_loop3A_630 = vector.broadcast %parallel_loop3A_629 : i32 to vector<16xi32>
        %parallel_loop3A_631 = arith.shli %parallel_loop3A_294, %parallel_loop3A_630 : vector<16xi32>
        %parallel_loop3A_632 = tpu.bitcast %parallel_loop3A_631 : vector<16xi32> -> vector<16xf32>
        %parallel_loop3A_633 = arith.constant -65536 : i32
        %parallel_loop3A_634 = vector.broadcast %parallel_loop3A_633 : i32 to vector<16xi32>
        %parallel_loop3A_635 = arith.andi %parallel_loop3A_294, %parallel_loop3A_634 : vector<16xi32>
        %parallel_loop3A_636 = tpu.bitcast %parallel_loop3A_635 : vector<16xi32> -> vector<16xf32>
        %parallel_loop3A_637 = arith.mulf %parallel_loop3A_185, %parallel_loop3A_624 : vector<16xf32>
        %parallel_loop3A_638 = arith.mulf %parallel_loop3A_200, %parallel_loop3A_632 : vector<16xf32>
        %parallel_loop3A_639 = arith.addf %parallel_loop3A_637, %parallel_loop3A_638 : vector<16xf32>
        %parallel_loop3A_640 = arith.mulf %parallel_loop3A_189, %parallel_loop3A_628 : vector<16xf32>
        %parallel_loop3A_641 = arith.mulf %parallel_loop3A_204, %parallel_loop3A_636 : vector<16xf32>
        %parallel_loop3A_642 = arith.addf %parallel_loop3A_640, %parallel_loop3A_641 : vector<16xf32>
        %parallel_loop3A_643 = arith.constant 27.7128124 : f32
        %parallel_loop3A_644 = vector.broadcast %parallel_loop3A_643 : f32 to vector<16xf32>
        %parallel_loop3A_645 = arith.mulf %parallel_loop3A_301, %parallel_loop3A_644 : vector<16xf32>
        %parallel_loop3A_646 = arith.addf %parallel_loop3A_645, %parallel_loop3A_639 : vector<16xf32>
        %parallel_loop3A_647 = arith.constant 1 : i32
        %parallel_loop3A_648 = arith.constant 1 : i32
        %parallel_loop3A_649 = arith.constant 0 : i32
        %parallel_loop3A_650 = arith.index_cast %parallel_loop3A_647 : i32 to index
        %parallel_loop3A_651 = arith.index_cast %parallel_loop3A_648 : i32 to index
        %parallel_loop3A_652 = arith.index_cast %parallel_loop3A_649 : i32 to index
        %parallel_loop3A_653 = arith.index_cast %parallel_loop3A_208 : i32 to index
        %parallel_loop3A_654 = tpu.vector_load %arg9[%parallel_loop3A_650, %parallel_loop3A_651, %parallel_loop3A_652, %parallel_loop3A_653] {strides = array<i32>} : memref<2x8x4x768xf32, #tpu.memory_space<vmem>>, vector<1x1x1x16xf32>,
        %parallel_loop3A_655 = vector.shape_cast %parallel_loop3A_654 : vector<1x1x1x16xf32> to vector<16xf32>
        %parallel_loop3A_656 = vector.shape_cast %parallel_loop3A_646 : vector<16xf32> to vector<1x1x1x16xf32>
        tpu.vector_store %arg9[%parallel_loop3A_650, %parallel_loop3A_651, %parallel_loop3A_652, %parallel_loop3A_653], %parallel_loop3A_656 {strides = array<i32>} : memref<2x8x4x768xf32, #tpu.memory_space<vmem>>, vector<1x1x1x16xf32>,
        %parallel_loop3A_657 = arith.constant 27.7128124 : f32
        %parallel_loop3A_658 = vector.broadcast %parallel_loop3A_657 : f32 to vector<16xf32>
        %parallel_loop3A_659 = arith.mulf %parallel_loop3A_329, %parallel_loop3A_658 : vector<16xf32>
        %parallel_loop3A_660 = arith.addf %parallel_loop3A_659, %parallel_loop3A_642 : vector<16xf32>
        %parallel_loop3A_661 = arith.constant 1 : i32
        %parallel_loop3A_662 = arith.constant 1 : i32
        %parallel_loop3A_663 = arith.constant 0 : i32
        %parallel_loop3A_664 = arith.index_cast %parallel_loop3A_661 : i32 to index
        %parallel_loop3A_665 = arith.index_cast %parallel_loop3A_662 : i32 to index
        %parallel_loop3A_666 = arith.index_cast %parallel_loop3A_663 : i32 to index
        %parallel_loop3A_667 = arith.index_cast %parallel_loop3A_214 : i32 to index
        %parallel_loop3A_668 = tpu.vector_load %arg9[%parallel_loop3A_664, %parallel_loop3A_665, %parallel_loop3A_666, %parallel_loop3A_667] {strides = array<i32>} : memref<2x8x4x768xf32, #tpu.memory_space<vmem>>, vector<1x1x1x16xf32>,
        %parallel_loop3A_669 = vector.shape_cast %parallel_loop3A_668 : vector<1x1x1x16xf32> to vector<16xf32>
        %parallel_loop3A_670 = vector.shape_cast %parallel_loop3A_660 : vector<16xf32> to vector<1x1x1x16xf32>
        tpu.vector_store %arg9[%parallel_loop3A_664, %parallel_loop3A_665, %parallel_loop3A_666, %parallel_loop3A_667], %parallel_loop3A_670 {strides = array<i32>} : memref<2x8x4x768xf32, #tpu.memory_space<vmem>>, vector<1x1x1x16xf32>,
        %parallel_loop3A_671 = arith.constant 27.7128124 : f32
        %parallel_loop3A_672 = vector.broadcast %parallel_loop3A_671 : f32 to vector<16xf32>
        %parallel_loop3A_673 = arith.mulf %parallel_loop3A_308, %parallel_loop3A_672 : vector<16xf32>
        %parallel_loop3A_674 = arith.addf %parallel_loop3A_673, %parallel_loop3A_639 : vector<16xf32>
        %parallel_loop3A_675 = arith.constant 1 : i32
        %parallel_loop3A_676 = arith.constant 1 : i32
        %parallel_loop3A_677 = arith.constant 1 : i32
        %parallel_loop3A_678 = arith.index_cast %parallel_loop3A_675 : i32 to index
        %parallel_loop3A_679 = arith.index_cast %parallel_loop3A_676 : i32 to index
        %parallel_loop3A_680 = arith.index_cast %parallel_loop3A_677 : i32 to index
        %parallel_loop3A_681 = arith.index_cast %parallel_loop3A_208 : i32 to index
        %parallel_loop3A_682 = tpu.vector_load %arg9[%parallel_loop3A_678, %parallel_loop3A_679, %parallel_loop3A_680, %parallel_loop3A_681] {strides = array<i32>} : memref<2x8x4x768xf32, #tpu.memory_space<vmem>>, vector<1x1x1x16xf32>,
        %parallel_loop3A_683 = vector.shape_cast %parallel_loop3A_682 : vector<1x1x1x16xf32> to vector<16xf32>
        %parallel_loop3A_684 = vector.shape_cast %parallel_loop3A_674 : vector<16xf32> to vector<1x1x1x16xf32>
        tpu.vector_store %arg9[%parallel_loop3A_678, %parallel_loop3A_679, %parallel_loop3A_680, %parallel_loop3A_681], %parallel_loop3A_684 {strides = array<i32>} : memref<2x8x4x768xf32, #tpu.memory_space<vmem>>, vector<1x1x1x16xf32>,
        %parallel_loop3A_685 = arith.constant 27.7128124 : f32
        %parallel_loop3A_686 = vector.broadcast %parallel_loop3A_685 : f32 to vector<16xf32>
        %parallel_loop3A_687 = arith.mulf %parallel_loop3A_336, %parallel_loop3A_686 : vector<16xf32>
        %parallel_loop3A_688 = arith.addf %parallel_loop3A_687, %parallel_loop3A_642 : vector<16xf32>
        %parallel_loop3A_689 = arith.constant 1 : i32
        %parallel_loop3A_690 = arith.constant 1 : i32
        %parallel_loop3A_691 = arith.constant 1 : i32
        %parallel_loop3A_692 = arith.index_cast %parallel_loop3A_689 : i32 to index
        %parallel_loop3A_693 = arith.index_cast %parallel_loop3A_690 : i32 to index
        %parallel_loop3A_694 = arith.index_cast %parallel_loop3A_691 : i32 to index
        %parallel_loop3A_695 = arith.index_cast %parallel_loop3A_214 : i32 to index
        %parallel_loop3A_696 = tpu.vector_load %arg9[%parallel_loop3A_692, %parallel_loop3A_693, %parallel_loop3A_694, %parallel_loop3A_695] {strides = array<i32>} : memref<2x8x4x768xf32, #tpu.memory_space<vmem>>, vector<1x1x1x16xf32>,
        %parallel_loop3A_697 = vector.shape_cast %parallel_loop3A_696 : vector<1x1x1x16xf32> to vector<16xf32>
        %parallel_loop3A_698 = vector.shape_cast %parallel_loop3A_688 : vector<16xf32> to vector<1x1x1x16xf32>
        tpu.vector_store %arg9[%parallel_loop3A_692, %parallel_loop3A_693, %parallel_loop3A_694, %parallel_loop3A_695], %parallel_loop3A_698 {strides = array<i32>} : memref<2x8x4x768xf32, #tpu.memory_space<vmem>>, vector<1x1x1x16xf32>,
        %parallel_loop3A_699 = arith.constant 27.7128124 : f32
        %parallel_loop3A_700 = vector.broadcast %parallel_loop3A_699 : f32 to vector<16xf32>
        %parallel_loop3A_701 = arith.mulf %parallel_loop3A_315, %parallel_loop3A_700 : vector<16xf32>
        %parallel_loop3A_702 = arith.addf %parallel_loop3A_701, %parallel_loop3A_639 : vector<16xf32>
        %parallel_loop3A_703 = arith.constant 1 : i32
        %parallel_loop3A_704 = arith.constant 1 : i32
        %parallel_loop3A_705 = arith.constant 2 : i32
        %parallel_loop3A_706 = arith.index_cast %parallel_loop3A_703 : i32 to index
        %parallel_loop3A_707 = arith.index_cast %parallel_loop3A_704 : i32 to index
        %parallel_loop3A_708 = arith.index_cast %parallel_loop3A_705 : i32 to index
        %parallel_loop3A_709 = arith.index_cast %parallel_loop3A_208 : i32 to index
        %parallel_loop3A_710 = tpu.vector_load %arg9[%parallel_loop3A_706, %parallel_loop3A_707, %parallel_loop3A_708, %parallel_loop3A_709] {strides = array<i32>} : memref<2x8x4x768xf32, #tpu.memory_space<vmem>>, vector<1x1x1x16xf32>,
        %parallel_loop3A_711 = vector.shape_cast %parallel_loop3A_710 : vector<1x1x1x16xf32> to vector<16xf32>
        %parallel_loop3A_712 = vector.shape_cast %parallel_loop3A_702 : vector<16xf32> to vector<1x1x1x16xf32>
        tpu.vector_store %arg9[%parallel_loop3A_706, %parallel_loop3A_707, %parallel_loop3A_708, %parallel_loop3A_709], %parallel_loop3A_712 {strides = array<i32>} : memref<2x8x4x768xf32, #tpu.memory_space<vmem>>, vector<1x1x1x16xf32>,
        %parallel_loop3A_713 = arith.constant 27.7128124 : f32
        %parallel_loop3A_714 = vector.broadcast %parallel_loop3A_713 : f32 to vector<16xf32>
        %parallel_loop3A_715 = arith.mulf %parallel_loop3A_343, %parallel_loop3A_714 : vector<16xf32>
        %parallel_loop3A_716 = arith.addf %parallel_loop3A_715, %parallel_loop3A_642 : vector<16xf32>
        %parallel_loop3A_717 = arith.constant 1 : i32
        %parallel_loop3A_718 = arith.constant 1 : i32
        %parallel_loop3A_719 = arith.constant 2 : i32
        %parallel_loop3A_720 = arith.index_cast %parallel_loop3A_717 : i32 to index
        %parallel_loop3A_721 = arith.index_cast %parallel_loop3A_718 : i32 to index
        %parallel_loop3A_722 = arith.index_cast %parallel_loop3A_719 : i32 to index
        %parallel_loop3A_723 = arith.index_cast %parallel_loop3A_214 : i32 to index
        %parallel_loop3A_724 = tpu.vector_load %arg9[%parallel_loop3A_720, %parallel_loop3A_721, %parallel_loop3A_722, %parallel_loop3A_723] {strides = array<i32>} : memref<2x8x4x768xf32, #tpu.memory_space<vmem>>, vector<1x1x1x16xf32>,
        %parallel_loop3A_725 = vector.shape_cast %parallel_loop3A_724 : vector<1x1x1x16xf32> to vector<16xf32>
        %parallel_loop3A_726 = vector.shape_cast %parallel_loop3A_716 : vector<16xf32> to vector<1x1x1x16xf32>
        tpu.vector_store %arg9[%parallel_loop3A_720, %parallel_loop3A_721, %parallel_loop3A_722, %parallel_loop3A_723], %parallel_loop3A_726 {strides = array<i32>} : memref<2x8x4x768xf32, #tpu.memory_space<vmem>>, vector<1x1x1x16xf32>,
        %parallel_loop3A_727 = arith.constant 27.7128124 : f32
        %parallel_loop3A_728 = vector.broadcast %parallel_loop3A_727 : f32 to vector<16xf32>
        %parallel_loop3A_729 = arith.mulf %parallel_loop3A_322, %parallel_loop3A_728 : vector<16xf32>
        %parallel_loop3A_730 = arith.addf %parallel_loop3A_729, %parallel_loop3A_639 : vector<16xf32>
        %parallel_loop3A_731 = arith.constant 1 : i32
        %parallel_loop3A_732 = arith.constant 1 : i32
        %parallel_loop3A_733 = arith.constant 3 : i32
        %parallel_loop3A_734 = arith.index_cast %parallel_loop3A_731 : i32 to index
        %parallel_loop3A_735 = arith.index_cast %parallel_loop3A_732 : i32 to index
        %parallel_loop3A_736 = arith.index_cast %parallel_loop3A_733 : i32 to index
        %parallel_loop3A_737 = arith.index_cast %parallel_loop3A_208 : i32 to index
        %parallel_loop3A_738 = tpu.vector_load %arg9[%parallel_loop3A_734, %parallel_loop3A_735, %parallel_loop3A_736, %parallel_loop3A_737] {strides = array<i32>} : memref<2x8x4x768xf32, #tpu.memory_space<vmem>>, vector<1x1x1x16xf32>,
        %parallel_loop3A_739 = vector.shape_cast %parallel_loop3A_738 : vector<1x1x1x16xf32> to vector<16xf32>
        %parallel_loop3A_740 = vector.shape_cast %parallel_loop3A_730 : vector<16xf32> to vector<1x1x1x16xf32>
        tpu.vector_store %arg9[%parallel_loop3A_734, %parallel_loop3A_735, %parallel_loop3A_736, %parallel_loop3A_737], %parallel_loop3A_740 {strides = array<i32>} : memref<2x8x4x768xf32, #tpu.memory_space<vmem>>, vector<1x1x1x16xf32>,
        %parallel_loop3A_741 = arith.constant 27.7128124 : f32
        %parallel_loop3A_742 = vector.broadcast %parallel_loop3A_741 : f32 to vector<16xf32>
        %parallel_loop3A_743 = arith.mulf %parallel_loop3A_350, %parallel_loop3A_742 : vector<16xf32>
        %parallel_loop3A_744 = arith.addf %parallel_loop3A_743, %parallel_loop3A_642 : vector<16xf32>
        %parallel_loop3A_745 = arith.constant 1 : i32
        %parallel_loop3A_746 = arith.constant 1 : i32
        %parallel_loop3A_747 = arith.constant 3 : i32
        %parallel_loop3A_748 = arith.index_cast %parallel_loop3A_745 : i32 to index
        %parallel_loop3A_749 = arith.index_cast %parallel_loop3A_746 : i32 to index
        %parallel_loop3A_750 = arith.index_cast %parallel_loop3A_747 : i32 to index
        %parallel_loop3A_751 = arith.index_cast %parallel_loop3A_214 : i32 to index
        %parallel_loop3A_752 = tpu.vector_load %arg9[%parallel_loop3A_748, %parallel_loop3A_749, %parallel_loop3A_750, %parallel_loop3A_751] {strides = array<i32>} : memref<2x8x4x768xf32, #tpu.memory_space<vmem>>, vector<1x1x1x16xf32>,
        %parallel_loop3A_753 = vector.shape_cast %parallel_loop3A_752 : vector<1x1x1x16xf32> to vector<16xf32>
        %parallel_loop3A_754 = vector.shape_cast %parallel_loop3A_744 : vector<16xf32> to vector<1x1x1x16xf32>
        tpu.vector_store %arg9[%parallel_loop3A_748, %parallel_loop3A_749, %parallel_loop3A_750, %parallel_loop3A_751], %parallel_loop3A_754 {strides = array<i32>} : memref<2x8x4x768xf32, #tpu.memory_space<vmem>>, vector<1x1x1x16xf32>,
        %parallel_loop3A_755 = arith.constant 16 : i32
        %parallel_loop3A_756 = arith.muli %parallel_loop3A_176, %parallel_loop3A_755 : i32
        %parallel_loop3A_757 = arith.constant 1536 : i32
        %parallel_loop3A_758 = arith.addi %parallel_loop3A_757, %parallel_loop3A_756 : i32
        %parallel_loop3A_759 = arith.index_cast %parallel_loop3A_758 : i32 to index
        %parallel_loop3A_760 = tpu.vector_load %arg12[%parallel_loop3A_759] {strides = array<i32>} : memref<6144xi32, #tpu.memory_space<vmem>>, vector<16xi32>,
        %parallel_loop3A_761 = vector.shape_cast %parallel_loop3A_760 : vector<16xi32> to vector<16xi32>
        %parallel_loop3A_762 = arith.constant 3072 : i32
        %parallel_loop3A_763 = arith.addi %parallel_loop3A_762, %parallel_loop3A_758 : i32
        %parallel_loop3A_764 = arith.index_cast %parallel_loop3A_763 : i32 to index
        %parallel_loop3A_765 = tpu.vector_load %arg12[%parallel_loop3A_764] {strides = array<i32>} : memref<6144xi32, #tpu.memory_space<vmem>>, vector<16xi32>,
        %parallel_loop3A_766 = vector.shape_cast %parallel_loop3A_765 : vector<16xi32> to vector<16xi32>
        %parallel_loop3A_767 = arith.constant 1 : i32
        %parallel_loop3A_768 = arith.constant 16 : i32
        %parallel_loop3A_769 = arith.index_cast %parallel_loop3A_767 : i32 to index
        %parallel_loop3A_770 = arith.index_cast %parallel_loop3A_768 : i32 to index
        %parallel_loop3A_771 = arith.index_cast %parallel_loop3A_208 : i32 to index
        %parallel_loop3A_772 = tpu.vector_load %arg8[%parallel_loop3A_769, %parallel_loop3A_770, %parallel_loop3A_771] {strides = array<i32>} : memref<2x32x768xf32, #tpu.memory_space<vmem>>, vector<1x1x16xf32>,
        %parallel_loop3A_773 = vector.shape_cast %parallel_loop3A_772 : vector<1x1x16xf32> to vector<16xf32>
        %parallel_loop3A_774 = arith.constant 1 : i32
        %parallel_loop3A_775 = arith.constant 17 : i32
        %parallel_loop3A_776 = arith.index_cast %parallel_loop3A_774 : i32 to index
        %parallel_loop3A_777 = arith.index_cast %parallel_loop3A_775 : i32 to index
        %parallel_loop3A_778 = arith.index_cast %parallel_loop3A_208 : i32 to index
        %parallel_loop3A_779 = tpu.vector_load %arg8[%parallel_loop3A_776, %parallel_loop3A_777, %parallel_loop3A_778] {strides = array<i32>} : memref<2x32x768xf32, #tpu.memory_space<vmem>>, vector<1x1x16xf32>,
        %parallel_loop3A_780 = vector.shape_cast %parallel_loop3A_779 : vector<1x1x16xf32> to vector<16xf32>
        %parallel_loop3A_781 = arith.constant 1 : i32
        %parallel_loop3A_782 = arith.constant 18 : i32
        %parallel_loop3A_783 = arith.index_cast %parallel_loop3A_781 : i32 to index
        %parallel_loop3A_784 = arith.index_cast %parallel_loop3A_782 : i32 to index
        %parallel_loop3A_785 = arith.index_cast %parallel_loop3A_208 : i32 to index
        %parallel_loop3A_786 = tpu.vector_load %arg8[%parallel_loop3A_783, %parallel_loop3A_784, %parallel_loop3A_785] {strides = array<i32>} : memref<2x32x768xf32, #tpu.memory_space<vmem>>, vector<1x1x16xf32>,
        %parallel_loop3A_787 = vector.shape_cast %parallel_loop3A_786 : vector<1x1x16xf32> to vector<16xf32>
        %parallel_loop3A_788 = arith.constant 1 : i32
        %parallel_loop3A_789 = arith.constant 19 : i32
        %parallel_loop3A_790 = arith.index_cast %parallel_loop3A_788 : i32 to index
        %parallel_loop3A_791 = arith.index_cast %parallel_loop3A_789 : i32 to index
        %parallel_loop3A_792 = arith.index_cast %parallel_loop3A_208 : i32 to index
        %parallel_loop3A_793 = tpu.vector_load %arg8[%parallel_loop3A_790, %parallel_loop3A_791, %parallel_loop3A_792] {strides = array<i32>} : memref<2x32x768xf32, #tpu.memory_space<vmem>>, vector<1x1x16xf32>,
        %parallel_loop3A_794 = vector.shape_cast %parallel_loop3A_793 : vector<1x1x16xf32> to vector<16xf32>
        %parallel_loop3A_795 = arith.constant 1 : i32
        %parallel_loop3A_796 = arith.constant 16 : i32
        %parallel_loop3A_797 = arith.index_cast %parallel_loop3A_795 : i32 to index
        %parallel_loop3A_798 = arith.index_cast %parallel_loop3A_796 : i32 to index
        %parallel_loop3A_799 = arith.index_cast %parallel_loop3A_214 : i32 to index
        %parallel_loop3A_800 = tpu.vector_load %arg8[%parallel_loop3A_797, %parallel_loop3A_798, %parallel_loop3A_799] {strides = array<i32>} : memref<2x32x768xf32, #tpu.memory_space<vmem>>, vector<1x1x16xf32>,
        %parallel_loop3A_801 = vector.shape_cast %parallel_loop3A_800 : vector<1x1x16xf32> to vector<16xf32>
        %parallel_loop3A_802 = arith.constant 1 : i32
        %parallel_loop3A_803 = arith.constant 17 : i32
        %parallel_loop3A_804 = arith.index_cast %parallel_loop3A_802 : i32 to index
        %parallel_loop3A_805 = arith.index_cast %parallel_loop3A_803 : i32 to index
        %parallel_loop3A_806 = arith.index_cast %parallel_loop3A_214 : i32 to index
        %parallel_loop3A_807 = tpu.vector_load %arg8[%parallel_loop3A_804, %parallel_loop3A_805, %parallel_loop3A_806] {strides = array<i32>} : memref<2x32x768xf32, #tpu.memory_space<vmem>>, vector<1x1x16xf32>,
        %parallel_loop3A_808 = vector.shape_cast %parallel_loop3A_807 : vector<1x1x16xf32> to vector<16xf32>
        %parallel_loop3A_809 = arith.constant 1 : i32
        %parallel_loop3A_810 = arith.constant 18 : i32
        %parallel_loop3A_811 = arith.index_cast %parallel_loop3A_809 : i32 to index
        %parallel_loop3A_812 = arith.index_cast %parallel_loop3A_810 : i32 to index
        %parallel_loop3A_813 = arith.index_cast %parallel_loop3A_214 : i32 to index
        %parallel_loop3A_814 = tpu.vector_load %arg8[%parallel_loop3A_811, %parallel_loop3A_812, %parallel_loop3A_813] {strides = array<i32>} : memref<2x32x768xf32, #tpu.memory_space<vmem>>, vector<1x1x16xf32>,
        %parallel_loop3A_815 = vector.shape_cast %parallel_loop3A_814 : vector<1x1x16xf32> to vector<16xf32>
        %parallel_loop3A_816 = arith.constant 1 : i32
        %parallel_loop3A_817 = arith.constant 19 : i32
        %parallel_loop3A_818 = arith.index_cast %parallel_loop3A_816 : i32 to index
        %parallel_loop3A_819 = arith.index_cast %parallel_loop3A_817 : i32 to index
        %parallel_loop3A_820 = arith.index_cast %parallel_loop3A_214 : i32 to index
        %parallel_loop3A_821 = tpu.vector_load %arg8[%parallel_loop3A_818, %parallel_loop3A_819, %parallel_loop3A_820] {strides = array<i32>} : memref<2x32x768xf32, #tpu.memory_space<vmem>>, vector<1x1x16xf32>,
        %parallel_loop3A_822 = vector.shape_cast %parallel_loop3A_821 : vector<1x1x16xf32> to vector<16xf32>
        %parallel_loop3A_823 = arith.constant 16 : i32
        %parallel_loop3A_824 = vector.broadcast %parallel_loop3A_823 : i32 to vector<16xi32>
        %parallel_loop3A_825 = arith.shli %parallel_loop3A_357, %parallel_loop3A_824 : vector<16xi32>
        %parallel_loop3A_826 = tpu.bitcast %parallel_loop3A_825 : vector<16xi32> -> vector<16xf32>
        %parallel_loop3A_827 = arith.constant -65536 : i32
        %parallel_loop3A_828 = vector.broadcast %parallel_loop3A_827 : i32 to vector<16xi32>
        %parallel_loop3A_829 = arith.andi %parallel_loop3A_357, %parallel_loop3A_828 : vector<16xi32>
        %parallel_loop3A_830 = tpu.bitcast %parallel_loop3A_829 : vector<16xi32> -> vector<16xf32>
        %parallel_loop3A_831 = arith.constant 16 : i32
        %parallel_loop3A_832 = vector.broadcast %parallel_loop3A_831 : i32 to vector<16xi32>
        %parallel_loop3A_833 = arith.shli %parallel_loop3A_362, %parallel_loop3A_832 : vector<16xi32>
        %parallel_loop3A_834 = tpu.bitcast %parallel_loop3A_833 : vector<16xi32> -> vector<16xf32>
        %parallel_loop3A_835 = arith.constant -65536 : i32
        %parallel_loop3A_836 = vector.broadcast %parallel_loop3A_835 : i32 to vector<16xi32>
        %parallel_loop3A_837 = arith.andi %parallel_loop3A_362, %parallel_loop3A_836 : vector<16xi32>
        %parallel_loop3A_838 = tpu.bitcast %parallel_loop3A_837 : vector<16xi32> -> vector<16xf32>
        %parallel_loop3A_839 = arith.mulf %parallel_loop3A_185, %parallel_loop3A_826 : vector<16xf32>
        %parallel_loop3A_840 = arith.mulf %parallel_loop3A_200, %parallel_loop3A_834 : vector<16xf32>
        %parallel_loop3A_841 = arith.addf %parallel_loop3A_839, %parallel_loop3A_840 : vector<16xf32>
        %parallel_loop3A_842 = arith.mulf %parallel_loop3A_189, %parallel_loop3A_830 : vector<16xf32>
        %parallel_loop3A_843 = arith.mulf %parallel_loop3A_204, %parallel_loop3A_838 : vector<16xf32>
        %parallel_loop3A_844 = arith.addf %parallel_loop3A_842, %parallel_loop3A_843 : vector<16xf32>
        %parallel_loop3A_845 = arith.constant 27.7128124 : f32
        %parallel_loop3A_846 = vector.broadcast %parallel_loop3A_845 : f32 to vector<16xf32>
        %parallel_loop3A_847 = arith.mulf %parallel_loop3A_369, %parallel_loop3A_846 : vector<16xf32>
        %parallel_loop3A_848 = arith.addf %parallel_loop3A_847, %parallel_loop3A_841 : vector<16xf32>
        %parallel_loop3A_849 = arith.constant 1 : i32
        %parallel_loop3A_850 = arith.constant 2 : i32
        %parallel_loop3A_851 = arith.constant 0 : i32
        %parallel_loop3A_852 = arith.index_cast %parallel_loop3A_849 : i32 to index
        %parallel_loop3A_853 = arith.index_cast %parallel_loop3A_850 : i32 to index
        %parallel_loop3A_854 = arith.index_cast %parallel_loop3A_851 : i32 to index
        %parallel_loop3A_855 = arith.index_cast %parallel_loop3A_208 : i32 to index
        %parallel_loop3A_856 = tpu.vector_load %arg9[%parallel_loop3A_852, %parallel_loop3A_853, %parallel_loop3A_854, %parallel_loop3A_855] {strides = array<i32>} : memref<2x8x4x768xf32, #tpu.memory_space<vmem>>, vector<1x1x1x16xf32>,
        %parallel_loop3A_857 = vector.shape_cast %parallel_loop3A_856 : vector<1x1x1x16xf32> to vector<16xf32>
        %parallel_loop3A_858 = vector.shape_cast %parallel_loop3A_848 : vector<16xf32> to vector<1x1x1x16xf32>
        tpu.vector_store %arg9[%parallel_loop3A_852, %parallel_loop3A_853, %parallel_loop3A_854, %parallel_loop3A_855], %parallel_loop3A_858 {strides = array<i32>} : memref<2x8x4x768xf32, #tpu.memory_space<vmem>>, vector<1x1x1x16xf32>,
        %parallel_loop3A_859 = arith.constant 27.7128124 : f32
        %parallel_loop3A_860 = vector.broadcast %parallel_loop3A_859 : f32 to vector<16xf32>
        %parallel_loop3A_861 = arith.mulf %parallel_loop3A_397, %parallel_loop3A_860 : vector<16xf32>
        %parallel_loop3A_862 = arith.addf %parallel_loop3A_861, %parallel_loop3A_844 : vector<16xf32>
        %parallel_loop3A_863 = arith.constant 1 : i32
        %parallel_loop3A_864 = arith.constant 2 : i32
        %parallel_loop3A_865 = arith.constant 0 : i32
        %parallel_loop3A_866 = arith.index_cast %parallel_loop3A_863 : i32 to index
        %parallel_loop3A_867 = arith.index_cast %parallel_loop3A_864 : i32 to index
        %parallel_loop3A_868 = arith.index_cast %parallel_loop3A_865 : i32 to index
        %parallel_loop3A_869 = arith.index_cast %parallel_loop3A_214 : i32 to index
        %parallel_loop3A_870 = tpu.vector_load %arg9[%parallel_loop3A_866, %parallel_loop3A_867, %parallel_loop3A_868, %parallel_loop3A_869] {strides = array<i32>} : memref<2x8x4x768xf32, #tpu.memory_space<vmem>>, vector<1x1x1x16xf32>,
        %parallel_loop3A_871 = vector.shape_cast %parallel_loop3A_870 : vector<1x1x1x16xf32> to vector<16xf32>
        %parallel_loop3A_872 = vector.shape_cast %parallel_loop3A_862 : vector<16xf32> to vector<1x1x1x16xf32>
        tpu.vector_store %arg9[%parallel_loop3A_866, %parallel_loop3A_867, %parallel_loop3A_868, %parallel_loop3A_869], %parallel_loop3A_872 {strides = array<i32>} : memref<2x8x4x768xf32, #tpu.memory_space<vmem>>, vector<1x1x1x16xf32>,
        %parallel_loop3A_873 = arith.constant 27.7128124 : f32
        %parallel_loop3A_874 = vector.broadcast %parallel_loop3A_873 : f32 to vector<16xf32>
        %parallel_loop3A_875 = arith.mulf %parallel_loop3A_376, %parallel_loop3A_874 : vector<16xf32>
        %parallel_loop3A_876 = arith.addf %parallel_loop3A_875, %parallel_loop3A_841 : vector<16xf32>
        %parallel_loop3A_877 = arith.constant 1 : i32
        %parallel_loop3A_878 = arith.constant 2 : i32
        %parallel_loop3A_879 = arith.constant 1 : i32
        %parallel_loop3A_880 = arith.index_cast %parallel_loop3A_877 : i32 to index
        %parallel_loop3A_881 = arith.index_cast %parallel_loop3A_878 : i32 to index
        %parallel_loop3A_882 = arith.index_cast %parallel_loop3A_879 : i32 to index
        %parallel_loop3A_883 = arith.index_cast %parallel_loop3A_208 : i32 to index
        %parallel_loop3A_884 = tpu.vector_load %arg9[%parallel_loop3A_880, %parallel_loop3A_881, %parallel_loop3A_882, %parallel_loop3A_883] {strides = array<i32>} : memref<2x8x4x768xf32, #tpu.memory_space<vmem>>, vector<1x1x1x16xf32>,
        %parallel_loop3A_885 = vector.shape_cast %parallel_loop3A_884 : vector<1x1x1x16xf32> to vector<16xf32>
        %parallel_loop3A_886 = vector.shape_cast %parallel_loop3A_876 : vector<16xf32> to vector<1x1x1x16xf32>
        tpu.vector_store %arg9[%parallel_loop3A_880, %parallel_loop3A_881, %parallel_loop3A_882, %parallel_loop3A_883], %parallel_loop3A_886 {strides = array<i32>} : memref<2x8x4x768xf32, #tpu.memory_space<vmem>>, vector<1x1x1x16xf32>,
        %parallel_loop3A_887 = arith.constant 27.7128124 : f32
        %parallel_loop3A_888 = vector.broadcast %parallel_loop3A_887 : f32 to vector<16xf32>
        %parallel_loop3A_889 = arith.mulf %parallel_loop3A_404, %parallel_loop3A_888 : vector<16xf32>
        %parallel_loop3A_890 = arith.addf %parallel_loop3A_889, %parallel_loop3A_844 : vector<16xf32>
        %parallel_loop3A_891 = arith.constant 1 : i32
        %parallel_loop3A_892 = arith.constant 2 : i32
        %parallel_loop3A_893 = arith.constant 1 : i32
        %parallel_loop3A_894 = arith.index_cast %parallel_loop3A_891 : i32 to index
        %parallel_loop3A_895 = arith.index_cast %parallel_loop3A_892 : i32 to index
        %parallel_loop3A_896 = arith.index_cast %parallel_loop3A_893 : i32 to index
        %parallel_loop3A_897 = arith.index_cast %parallel_loop3A_214 : i32 to index
        %parallel_loop3A_898 = tpu.vector_load %arg9[%parallel_loop3A_894, %parallel_loop3A_895, %parallel_loop3A_896, %parallel_loop3A_897] {strides = array<i32>} : memref<2x8x4x768xf32, #tpu.memory_space<vmem>>, vector<1x1x1x16xf32>,
        %parallel_loop3A_899 = vector.shape_cast %parallel_loop3A_898 : vector<1x1x1x16xf32> to vector<16xf32>
        %parallel_loop3A_900 = vector.shape_cast %parallel_loop3A_890 : vector<16xf32> to vector<1x1x1x16xf32>
        tpu.vector_store %arg9[%parallel_loop3A_894, %parallel_loop3A_895, %parallel_loop3A_896, %parallel_loop3A_897], %parallel_loop3A_900 {strides = array<i32>} : memref<2x8x4x768xf32, #tpu.memory_space<vmem>>, vector<1x1x1x16xf32>,
        %parallel_loop3A_901 = arith.constant 27.7128124 : f32
        %parallel_loop3A_902 = vector.broadcast %parallel_loop3A_901 : f32 to vector<16xf32>
        %parallel_loop3A_903 = arith.mulf %parallel_loop3A_383, %parallel_loop3A_902 : vector<16xf32>
        %parallel_loop3A_904 = arith.addf %parallel_loop3A_903, %parallel_loop3A_841 : vector<16xf32>
        %parallel_loop3A_905 = arith.constant 1 : i32
        %parallel_loop3A_906 = arith.constant 2 : i32
        %parallel_loop3A_907 = arith.constant 2 : i32
        %parallel_loop3A_908 = arith.index_cast %parallel_loop3A_905 : i32 to index
        %parallel_loop3A_909 = arith.index_cast %parallel_loop3A_906 : i32 to index
        %parallel_loop3A_910 = arith.index_cast %parallel_loop3A_907 : i32 to index
        %parallel_loop3A_911 = arith.index_cast %parallel_loop3A_208 : i32 to index
        %parallel_loop3A_912 = tpu.vector_load %arg9[%parallel_loop3A_908, %parallel_loop3A_909, %parallel_loop3A_910, %parallel_loop3A_911] {strides = array<i32>} : memref<2x8x4x768xf32, #tpu.memory_space<vmem>>, vector<1x1x1x16xf32>,
        %parallel_loop3A_913 = vector.shape_cast %parallel_loop3A_912 : vector<1x1x1x16xf32> to vector<16xf32>
        %parallel_loop3A_914 = vector.shape_cast %parallel_loop3A_904 : vector<16xf32> to vector<1x1x1x16xf32>
        tpu.vector_store %arg9[%parallel_loop3A_908, %parallel_loop3A_909, %parallel_loop3A_910, %parallel_loop3A_911], %parallel_loop3A_914 {strides = array<i32>} : memref<2x8x4x768xf32, #tpu.memory_space<vmem>>, vector<1x1x1x16xf32>,
        %parallel_loop3A_915 = arith.constant 27.7128124 : f32
        %parallel_loop3A_916 = vector.broadcast %parallel_loop3A_915 : f32 to vector<16xf32>
        %parallel_loop3A_917 = arith.mulf %parallel_loop3A_411, %parallel_loop3A_916 : vector<16xf32>
        %parallel_loop3A_918 = arith.addf %parallel_loop3A_917, %parallel_loop3A_844 : vector<16xf32>
        %parallel_loop3A_919 = arith.constant 1 : i32
        %parallel_loop3A_920 = arith.constant 2 : i32
        %parallel_loop3A_921 = arith.constant 2 : i32
        %parallel_loop3A_922 = arith.index_cast %parallel_loop3A_919 : i32 to index
        %parallel_loop3A_923 = arith.index_cast %parallel_loop3A_920 : i32 to index
        %parallel_loop3A_924 = arith.index_cast %parallel_loop3A_921 : i32 to index
        %parallel_loop3A_925 = arith.index_cast %parallel_loop3A_214 : i32 to index
        %parallel_loop3A_926 = tpu.vector_load %arg9[%parallel_loop3A_922, %parallel_loop3A_923, %parallel_loop3A_924, %parallel_loop3A_925] {strides = array<i32>} : memref<2x8x4x768xf32, #tpu.memory_space<vmem>>, vector<1x1x1x16xf32>,
        %parallel_loop3A_927 = vector.shape_cast %parallel_loop3A_926 : vector<1x1x1x16xf32> to vector<16xf32>
        %parallel_loop3A_928 = vector.shape_cast %parallel_loop3A_918 : vector<16xf32> to vector<1x1x1x16xf32>
        tpu.vector_store %arg9[%parallel_loop3A_922, %parallel_loop3A_923, %parallel_loop3A_924, %parallel_loop3A_925], %parallel_loop3A_928 {strides = array<i32>} : memref<2x8x4x768xf32, #tpu.memory_space<vmem>>, vector<1x1x1x16xf32>,
        %parallel_loop3A_929 = arith.constant 27.7128124 : f32
        %parallel_loop3A_930 = vector.broadcast %parallel_loop3A_929 : f32 to vector<16xf32>
        %parallel_loop3A_931 = arith.mulf %parallel_loop3A_390, %parallel_loop3A_930 : vector<16xf32>
        %parallel_loop3A_932 = arith.addf %parallel_loop3A_931, %parallel_loop3A_841 : vector<16xf32>
        %parallel_loop3A_933 = arith.constant 1 : i32
        %parallel_loop3A_934 = arith.constant 2 : i32
        %parallel_loop3A_935 = arith.constant 3 : i32
        %parallel_loop3A_936 = arith.index_cast %parallel_loop3A_933 : i32 to index
        %parallel_loop3A_937 = arith.index_cast %parallel_loop3A_934 : i32 to index
        %parallel_loop3A_938 = arith.index_cast %parallel_loop3A_935 : i32 to index
        %parallel_loop3A_939 = arith.index_cast %parallel_loop3A_208 : i32 to index
        %parallel_loop3A_940 = tpu.vector_load %arg9[%parallel_loop3A_936, %parallel_loop3A_937, %parallel_loop3A_938, %parallel_loop3A_939] {strides = array<i32>} : memref<2x8x4x768xf32, #tpu.memory_space<vmem>>, vector<1x1x1x16xf32>,
        %parallel_loop3A_941 = vector.shape_cast %parallel_loop3A_940 : vector<1x1x1x16xf32> to vector<16xf32>
        %parallel_loop3A_942 = vector.shape_cast %parallel_loop3A_932 : vector<16xf32> to vector<1x1x1x16xf32>
        tpu.vector_store %arg9[%parallel_loop3A_936, %parallel_loop3A_937, %parallel_loop3A_938, %parallel_loop3A_939], %parallel_loop3A_942 {strides = array<i32>} : memref<2x8x4x768xf32, #tpu.memory_space<vmem>>, vector<1x1x1x16xf32>,
        %parallel_loop3A_943 = arith.constant 27.7128124 : f32
        %parallel_loop3A_944 = vector.broadcast %parallel_loop3A_943 : f32 to vector<16xf32>
        %parallel_loop3A_945 = arith.mulf %parallel_loop3A_418, %parallel_loop3A_944 : vector<16xf32>
        %parallel_loop3A_946 = arith.addf %parallel_loop3A_945, %parallel_loop3A_844 : vector<16xf32>
        %parallel_loop3A_947 = arith.constant 1 : i32
        %parallel_loop3A_948 = arith.constant 2 : i32
        %parallel_loop3A_949 = arith.constant 3 : i32
        %parallel_loop3A_950 = arith.index_cast %parallel_loop3A_947 : i32 to index
        %parallel_loop3A_951 = arith.index_cast %parallel_loop3A_948 : i32 to index
        %parallel_loop3A_952 = arith.index_cast %parallel_loop3A_949 : i32 to index
        %parallel_loop3A_953 = arith.index_cast %parallel_loop3A_214 : i32 to index
        %parallel_loop3A_954 = tpu.vector_load %arg9[%parallel_loop3A_950, %parallel_loop3A_951, %parallel_loop3A_952, %parallel_loop3A_953] {strides = array<i32>} : memref<2x8x4x768xf32, #tpu.memory_space<vmem>>, vector<1x1x1x16xf32>,
        %parallel_loop3A_955 = vector.shape_cast %parallel_loop3A_954 : vector<1x1x1x16xf32> to vector<16xf32>
        %parallel_loop3A_956 = vector.shape_cast %parallel_loop3A_946 : vector<16xf32> to vector<1x1x1x16xf32>
        tpu.vector_store %arg9[%parallel_loop3A_950, %parallel_loop3A_951, %parallel_loop3A_952, %parallel_loop3A_953], %parallel_loop3A_956 {strides = array<i32>} : memref<2x8x4x768xf32, #tpu.memory_space<vmem>>, vector<1x1x1x16xf32>,
        %parallel_loop3A_957 = arith.constant 16 : i32
        %parallel_loop3A_958 = arith.muli %parallel_loop3A_176, %parallel_loop3A_957 : i32
        %parallel_loop3A_959 = arith.constant 1920 : i32
        %parallel_loop3A_960 = arith.addi %parallel_loop3A_959, %parallel_loop3A_958 : i32
        %parallel_loop3A_961 = arith.index_cast %parallel_loop3A_960 : i32 to index
        %parallel_loop3A_962 = tpu.vector_load %arg12[%parallel_loop3A_961] {strides = array<i32>} : memref<6144xi32, #tpu.memory_space<vmem>>, vector<16xi32>,
        %parallel_loop3A_963 = vector.shape_cast %parallel_loop3A_962 : vector<16xi32> to vector<16xi32>
        %parallel_loop3A_964 = arith.constant 3072 : i32
        %parallel_loop3A_965 = arith.addi %parallel_loop3A_964, %parallel_loop3A_960 : i32
        %parallel_loop3A_966 = arith.index_cast %parallel_loop3A_965 : i32 to index
        %parallel_loop3A_967 = tpu.vector_load %arg12[%parallel_loop3A_966] {strides = array<i32>} : memref<6144xi32, #tpu.memory_space<vmem>>, vector<16xi32>,
        %parallel_loop3A_968 = vector.shape_cast %parallel_loop3A_967 : vector<16xi32> to vector<16xi32>
        %parallel_loop3A_969 = arith.constant 1 : i32
        %parallel_loop3A_970 = arith.constant 20 : i32
        %parallel_loop3A_971 = arith.index_cast %parallel_loop3A_969 : i32 to index
        %parallel_loop3A_972 = arith.index_cast %parallel_loop3A_970 : i32 to index
        %parallel_loop3A_973 = arith.index_cast %parallel_loop3A_208 : i32 to index
        %parallel_loop3A_974 = tpu.vector_load %arg8[%parallel_loop3A_971, %parallel_loop3A_972, %parallel_loop3A_973] {strides = array<i32>} : memref<2x32x768xf32, #tpu.memory_space<vmem>>, vector<1x1x16xf32>,
        %parallel_loop3A_975 = vector.shape_cast %parallel_loop3A_974 : vector<1x1x16xf32> to vector<16xf32>
        %parallel_loop3A_976 = arith.constant 1 : i32
        %parallel_loop3A_977 = arith.constant 21 : i32
        %parallel_loop3A_978 = arith.index_cast %parallel_loop3A_976 : i32 to index
        %parallel_loop3A_979 = arith.index_cast %parallel_loop3A_977 : i32 to index
        %parallel_loop3A_980 = arith.index_cast %parallel_loop3A_208 : i32 to index
        %parallel_loop3A_981 = tpu.vector_load %arg8[%parallel_loop3A_978, %parallel_loop3A_979, %parallel_loop3A_980] {strides = array<i32>} : memref<2x32x768xf32, #tpu.memory_space<vmem>>, vector<1x1x16xf32>,
        %parallel_loop3A_982 = vector.shape_cast %parallel_loop3A_981 : vector<1x1x16xf32> to vector<16xf32>
        %parallel_loop3A_983 = arith.constant 1 : i32
        %parallel_loop3A_984 = arith.constant 22 : i32
        %parallel_loop3A_985 = arith.index_cast %parallel_loop3A_983 : i32 to index
        %parallel_loop3A_986 = arith.index_cast %parallel_loop3A_984 : i32 to index
        %parallel_loop3A_987 = arith.index_cast %parallel_loop3A_208 : i32 to index
        %parallel_loop3A_988 = tpu.vector_load %arg8[%parallel_loop3A_985, %parallel_loop3A_986, %parallel_loop3A_987] {strides = array<i32>} : memref<2x32x768xf32, #tpu.memory_space<vmem>>, vector<1x1x16xf32>,
        %parallel_loop3A_989 = vector.shape_cast %parallel_loop3A_988 : vector<1x1x16xf32> to vector<16xf32>
        %parallel_loop3A_990 = arith.constant 1 : i32
        %parallel_loop3A_991 = arith.constant 23 : i32
        %parallel_loop3A_992 = arith.index_cast %parallel_loop3A_990 : i32 to index
        %parallel_loop3A_993 = arith.index_cast %parallel_loop3A_991 : i32 to index
        %parallel_loop3A_994 = arith.index_cast %parallel_loop3A_208 : i32 to index
        %parallel_loop3A_995 = tpu.vector_load %arg8[%parallel_loop3A_992, %parallel_loop3A_993, %parallel_loop3A_994] {strides = array<i32>} : memref<2x32x768xf32, #tpu.memory_space<vmem>>, vector<1x1x16xf32>,
        %parallel_loop3A_996 = vector.shape_cast %parallel_loop3A_995 : vector<1x1x16xf32> to vector<16xf32>
        %parallel_loop3A_997 = arith.constant 1 : i32
        %parallel_loop3A_998 = arith.constant 20 : i32
        %parallel_loop3A_999 = arith.index_cast %parallel_loop3A_997 : i32 to index
        %parallel_loop3A_1000 = arith.index_cast %parallel_loop3A_998 : i32 to index
        %parallel_loop3A_1001 = arith.index_cast %parallel_loop3A_214 : i32 to index
        %parallel_loop3A_1002 = tpu.vector_load %arg8[%parallel_loop3A_999, %parallel_loop3A_1000, %parallel_loop3A_1001] {strides = array<i32>} : memref<2x32x768xf32, #tpu.memory_space<vmem>>, vector<1x1x16xf32>,
        %parallel_loop3A_1003 = vector.shape_cast %parallel_loop3A_1002 : vector<1x1x16xf32> to vector<16xf32>
        %parallel_loop3A_1004 = arith.constant 1 : i32
        %parallel_loop3A_1005 = arith.constant 21 : i32
        %parallel_loop3A_1006 = arith.index_cast %parallel_loop3A_1004 : i32 to index
        %parallel_loop3A_1007 = arith.index_cast %parallel_loop3A_1005 : i32 to index
        %parallel_loop3A_1008 = arith.index_cast %parallel_loop3A_214 : i32 to index
        %parallel_loop3A_1009 = tpu.vector_load %arg8[%parallel_loop3A_1006, %parallel_loop3A_1007, %parallel_loop3A_1008] {strides = array<i32>} : memref<2x32x768xf32, #tpu.memory_space<vmem>>, vector<1x1x16xf32>,
        %parallel_loop3A_1010 = vector.shape_cast %parallel_loop3A_1009 : vector<1x1x16xf32> to vector<16xf32>
        %parallel_loop3A_1011 = arith.constant 1 : i32
        %parallel_loop3A_1012 = arith.constant 22 : i32
        %parallel_loop3A_1013 = arith.index_cast %parallel_loop3A_1011 : i32 to index
        %parallel_loop3A_1014 = arith.index_cast %parallel_loop3A_1012 : i32 to index
        %parallel_loop3A_1015 = arith.index_cast %parallel_loop3A_214 : i32 to index
        %parallel_loop3A_1016 = tpu.vector_load %arg8[%parallel_loop3A_1013, %parallel_loop3A_1014, %parallel_loop3A_1015] {strides = array<i32>} : memref<2x32x768xf32, #tpu.memory_space<vmem>>, vector<1x1x16xf32>,
        %parallel_loop3A_1017 = vector.shape_cast %parallel_loop3A_1016 : vector<1x1x16xf32> to vector<16xf32>
        %parallel_loop3A_1018 = arith.constant 1 : i32
        %parallel_loop3A_1019 = arith.constant 23 : i32
        %parallel_loop3A_1020 = arith.index_cast %parallel_loop3A_1018 : i32 to index
        %parallel_loop3A_1021 = arith.index_cast %parallel_loop3A_1019 : i32 to index
        %parallel_loop3A_1022 = arith.index_cast %parallel_loop3A_214 : i32 to index
        %parallel_loop3A_1023 = tpu.vector_load %arg8[%parallel_loop3A_1020, %parallel_loop3A_1021, %parallel_loop3A_1022] {strides = array<i32>} : memref<2x32x768xf32, #tpu.memory_space<vmem>>, vector<1x1x16xf32>,
        %parallel_loop3A_1024 = vector.shape_cast %parallel_loop3A_1023 : vector<1x1x16xf32> to vector<16xf32>
        %parallel_loop3A_1025 = arith.constant 16 : i32
        %parallel_loop3A_1026 = vector.broadcast %parallel_loop3A_1025 : i32 to vector<16xi32>
        %parallel_loop3A_1027 = arith.shli %parallel_loop3A_559, %parallel_loop3A_1026 : vector<16xi32>
        %parallel_loop3A_1028 = tpu.bitcast %parallel_loop3A_1027 : vector<16xi32> -> vector<16xf32>
        %parallel_loop3A_1029 = arith.constant -65536 : i32
        %parallel_loop3A_1030 = vector.broadcast %parallel_loop3A_1029 : i32 to vector<16xi32>
        %parallel_loop3A_1031 = arith.andi %parallel_loop3A_559, %parallel_loop3A_1030 : vector<16xi32>
        %parallel_loop3A_1032 = tpu.bitcast %parallel_loop3A_1031 : vector<16xi32> -> vector<16xf32>
        %parallel_loop3A_1033 = arith.constant 16 : i32
        %parallel_loop3A_1034 = vector.broadcast %parallel_loop3A_1033 : i32 to vector<16xi32>
        %parallel_loop3A_1035 = arith.shli %parallel_loop3A_564, %parallel_loop3A_1034 : vector<16xi32>
        %parallel_loop3A_1036 = tpu.bitcast %parallel_loop3A_1035 : vector<16xi32> -> vector<16xf32>
        %parallel_loop3A_1037 = arith.constant -65536 : i32
        %parallel_loop3A_1038 = vector.broadcast %parallel_loop3A_1037 : i32 to vector<16xi32>
        %parallel_loop3A_1039 = arith.andi %parallel_loop3A_564, %parallel_loop3A_1038 : vector<16xi32>
        %parallel_loop3A_1040 = tpu.bitcast %parallel_loop3A_1039 : vector<16xi32> -> vector<16xf32>
        %parallel_loop3A_1041 = arith.mulf %parallel_loop3A_185, %parallel_loop3A_1028 : vector<16xf32>
        %parallel_loop3A_1042 = arith.mulf %parallel_loop3A_200, %parallel_loop3A_1036 : vector<16xf32>
        %parallel_loop3A_1043 = arith.addf %parallel_loop3A_1041, %parallel_loop3A_1042 : vector<16xf32>
        %parallel_loop3A_1044 = arith.mulf %parallel_loop3A_189, %parallel_loop3A_1032 : vector<16xf32>
        %parallel_loop3A_1045 = arith.mulf %parallel_loop3A_204, %parallel_loop3A_1040 : vector<16xf32>
        %parallel_loop3A_1046 = arith.addf %parallel_loop3A_1044, %parallel_loop3A_1045 : vector<16xf32>
        %parallel_loop3A_1047 = arith.constant 27.7128124 : f32
        %parallel_loop3A_1048 = vector.broadcast %parallel_loop3A_1047 : f32 to vector<16xf32>
        %parallel_loop3A_1049 = arith.mulf %parallel_loop3A_571, %parallel_loop3A_1048 : vector<16xf32>
        %parallel_loop3A_1050 = arith.addf %parallel_loop3A_1049, %parallel_loop3A_1043 : vector<16xf32>
        %parallel_loop3A_1051 = arith.constant 1 : i32
        %parallel_loop3A_1052 = arith.constant 3 : i32
        %parallel_loop3A_1053 = arith.constant 0 : i32
        %parallel_loop3A_1054 = arith.index_cast %parallel_loop3A_1051 : i32 to index
        %parallel_loop3A_1055 = arith.index_cast %parallel_loop3A_1052 : i32 to index
        %parallel_loop3A_1056 = arith.index_cast %parallel_loop3A_1053 : i32 to index
        %parallel_loop3A_1057 = arith.index_cast %parallel_loop3A_208 : i32 to index
        %parallel_loop3A_1058 = tpu.vector_load %arg9[%parallel_loop3A_1054, %parallel_loop3A_1055, %parallel_loop3A_1056, %parallel_loop3A_1057] {strides = array<i32>} : memref<2x8x4x768xf32, #tpu.memory_space<vmem>>, vector<1x1x1x16xf32>,
        %parallel_loop3A_1059 = vector.shape_cast %parallel_loop3A_1058 : vector<1x1x1x16xf32> to vector<16xf32>
        %parallel_loop3A_1060 = vector.shape_cast %parallel_loop3A_1050 : vector<16xf32> to vector<1x1x1x16xf32>
        tpu.vector_store %arg9[%parallel_loop3A_1054, %parallel_loop3A_1055, %parallel_loop3A_1056, %parallel_loop3A_1057], %parallel_loop3A_1060 {strides = array<i32>} : memref<2x8x4x768xf32, #tpu.memory_space<vmem>>, vector<1x1x1x16xf32>,
        %parallel_loop3A_1061 = arith.constant 27.7128124 : f32
        %parallel_loop3A_1062 = vector.broadcast %parallel_loop3A_1061 : f32 to vector<16xf32>
        %parallel_loop3A_1063 = arith.mulf %parallel_loop3A_599, %parallel_loop3A_1062 : vector<16xf32>
        %parallel_loop3A_1064 = arith.addf %parallel_loop3A_1063, %parallel_loop3A_1046 : vector<16xf32>
        %parallel_loop3A_1065 = arith.constant 1 : i32
        %parallel_loop3A_1066 = arith.constant 3 : i32
        %parallel_loop3A_1067 = arith.constant 0 : i32
        %parallel_loop3A_1068 = arith.index_cast %parallel_loop3A_1065 : i32 to index
        %parallel_loop3A_1069 = arith.index_cast %parallel_loop3A_1066 : i32 to index
        %parallel_loop3A_1070 = arith.index_cast %parallel_loop3A_1067 : i32 to index
        %parallel_loop3A_1071 = arith.index_cast %parallel_loop3A_214 : i32 to index
        %parallel_loop3A_1072 = tpu.vector_load %arg9[%parallel_loop3A_1068, %parallel_loop3A_1069, %parallel_loop3A_1070, %parallel_loop3A_1071] {strides = array<i32>} : memref<2x8x4x768xf32, #tpu.memory_space<vmem>>, vector<1x1x1x16xf32>,
        %parallel_loop3A_1073 = vector.shape_cast %parallel_loop3A_1072 : vector<1x1x1x16xf32> to vector<16xf32>
        %parallel_loop3A_1074 = vector.shape_cast %parallel_loop3A_1064 : vector<16xf32> to vector<1x1x1x16xf32>
        tpu.vector_store %arg9[%parallel_loop3A_1068, %parallel_loop3A_1069, %parallel_loop3A_1070, %parallel_loop3A_1071], %parallel_loop3A_1074 {strides = array<i32>} : memref<2x8x4x768xf32, #tpu.memory_space<vmem>>, vector<1x1x1x16xf32>,
        %parallel_loop3A_1075 = arith.constant 27.7128124 : f32
        %parallel_loop3A_1076 = vector.broadcast %parallel_loop3A_1075 : f32 to vector<16xf32>
        %parallel_loop3A_1077 = arith.mulf %parallel_loop3A_578, %parallel_loop3A_1076 : vector<16xf32>
        %parallel_loop3A_1078 = arith.addf %parallel_loop3A_1077, %parallel_loop3A_1043 : vector<16xf32>
        %parallel_loop3A_1079 = arith.constant 1 : i32
        %parallel_loop3A_1080 = arith.constant 3 : i32
        %parallel_loop3A_1081 = arith.constant 1 : i32
        %parallel_loop3A_1082 = arith.index_cast %parallel_loop3A_1079 : i32 to index
        %parallel_loop3A_1083 = arith.index_cast %parallel_loop3A_1080 : i32 to index
        %parallel_loop3A_1084 = arith.index_cast %parallel_loop3A_1081 : i32 to index
        %parallel_loop3A_1085 = arith.index_cast %parallel_loop3A_208 : i32 to index
        %parallel_loop3A_1086 = tpu.vector_load %arg9[%parallel_loop3A_1082, %parallel_loop3A_1083, %parallel_loop3A_1084, %parallel_loop3A_1085] {strides = array<i32>} : memref<2x8x4x768xf32, #tpu.memory_space<vmem>>, vector<1x1x1x16xf32>,
        %parallel_loop3A_1087 = vector.shape_cast %parallel_loop3A_1086 : vector<1x1x1x16xf32> to vector<16xf32>
        %parallel_loop3A_1088 = vector.shape_cast %parallel_loop3A_1078 : vector<16xf32> to vector<1x1x1x16xf32>
        tpu.vector_store %arg9[%parallel_loop3A_1082, %parallel_loop3A_1083, %parallel_loop3A_1084, %parallel_loop3A_1085], %parallel_loop3A_1088 {strides = array<i32>} : memref<2x8x4x768xf32, #tpu.memory_space<vmem>>, vector<1x1x1x16xf32>,
        %parallel_loop3A_1089 = arith.constant 27.7128124 : f32
        %parallel_loop3A_1090 = vector.broadcast %parallel_loop3A_1089 : f32 to vector<16xf32>
        %parallel_loop3A_1091 = arith.mulf %parallel_loop3A_606, %parallel_loop3A_1090 : vector<16xf32>
        %parallel_loop3A_1092 = arith.addf %parallel_loop3A_1091, %parallel_loop3A_1046 : vector<16xf32>
        %parallel_loop3A_1093 = arith.constant 1 : i32
        %parallel_loop3A_1094 = arith.constant 3 : i32
        %parallel_loop3A_1095 = arith.constant 1 : i32
        %parallel_loop3A_1096 = arith.index_cast %parallel_loop3A_1093 : i32 to index
        %parallel_loop3A_1097 = arith.index_cast %parallel_loop3A_1094 : i32 to index
        %parallel_loop3A_1098 = arith.index_cast %parallel_loop3A_1095 : i32 to index
        %parallel_loop3A_1099 = arith.index_cast %parallel_loop3A_214 : i32 to index
        %parallel_loop3A_1100 = tpu.vector_load %arg9[%parallel_loop3A_1096, %parallel_loop3A_1097, %parallel_loop3A_1098, %parallel_loop3A_1099] {strides = array<i32>} : memref<2x8x4x768xf32, #tpu.memory_space<vmem>>, vector<1x1x1x16xf32>,
        %parallel_loop3A_1101 = vector.shape_cast %parallel_loop3A_1100 : vector<1x1x1x16xf32> to vector<16xf32>
        %parallel_loop3A_1102 = vector.shape_cast %parallel_loop3A_1092 : vector<16xf32> to vector<1x1x1x16xf32>
        tpu.vector_store %arg9[%parallel_loop3A_1096, %parallel_loop3A_1097, %parallel_loop3A_1098, %parallel_loop3A_1099], %parallel_loop3A_1102 {strides = array<i32>} : memref<2x8x4x768xf32, #tpu.memory_space<vmem>>, vector<1x1x1x16xf32>,
        %parallel_loop3A_1103 = arith.constant 27.7128124 : f32
        %parallel_loop3A_1104 = vector.broadcast %parallel_loop3A_1103 : f32 to vector<16xf32>
        %parallel_loop3A_1105 = arith.mulf %parallel_loop3A_585, %parallel_loop3A_1104 : vector<16xf32>
        %parallel_loop3A_1106 = arith.addf %parallel_loop3A_1105, %parallel_loop3A_1043 : vector<16xf32>
        %parallel_loop3A_1107 = arith.constant 1 : i32
        %parallel_loop3A_1108 = arith.constant 3 : i32
        %parallel_loop3A_1109 = arith.constant 2 : i32
        %parallel_loop3A_1110 = arith.index_cast %parallel_loop3A_1107 : i32 to index
        %parallel_loop3A_1111 = arith.index_cast %parallel_loop3A_1108 : i32 to index
        %parallel_loop3A_1112 = arith.index_cast %parallel_loop3A_1109 : i32 to index
        %parallel_loop3A_1113 = arith.index_cast %parallel_loop3A_208 : i32 to index
        %parallel_loop3A_1114 = tpu.vector_load %arg9[%parallel_loop3A_1110, %parallel_loop3A_1111, %parallel_loop3A_1112, %parallel_loop3A_1113] {strides = array<i32>} : memref<2x8x4x768xf32, #tpu.memory_space<vmem>>, vector<1x1x1x16xf32>,
        %parallel_loop3A_1115 = vector.shape_cast %parallel_loop3A_1114 : vector<1x1x1x16xf32> to vector<16xf32>
        %parallel_loop3A_1116 = vector.shape_cast %parallel_loop3A_1106 : vector<16xf32> to vector<1x1x1x16xf32>
        tpu.vector_store %arg9[%parallel_loop3A_1110, %parallel_loop3A_1111, %parallel_loop3A_1112, %parallel_loop3A_1113], %parallel_loop3A_1116 {strides = array<i32>} : memref<2x8x4x768xf32, #tpu.memory_space<vmem>>, vector<1x1x1x16xf32>,
        %parallel_loop3A_1117 = arith.constant 27.7128124 : f32
        %parallel_loop3A_1118 = vector.broadcast %parallel_loop3A_1117 : f32 to vector<16xf32>
        %parallel_loop3A_1119 = arith.mulf %parallel_loop3A_613, %parallel_loop3A_1118 : vector<16xf32>
        %parallel_loop3A_1120 = arith.addf %parallel_loop3A_1119, %parallel_loop3A_1046 : vector<16xf32>
        %parallel_loop3A_1121 = arith.constant 1 : i32
        %parallel_loop3A_1122 = arith.constant 3 : i32
        %parallel_loop3A_1123 = arith.constant 2 : i32
        %parallel_loop3A_1124 = arith.index_cast %parallel_loop3A_1121 : i32 to index
        %parallel_loop3A_1125 = arith.index_cast %parallel_loop3A_1122 : i32 to index
        %parallel_loop3A_1126 = arith.index_cast %parallel_loop3A_1123 : i32 to index
        %parallel_loop3A_1127 = arith.index_cast %parallel_loop3A_214 : i32 to index
        %parallel_loop3A_1128 = tpu.vector_load %arg9[%parallel_loop3A_1124, %parallel_loop3A_1125, %parallel_loop3A_1126, %parallel_loop3A_1127] {strides = array<i32>} : memref<2x8x4x768xf32, #tpu.memory_space<vmem>>, vector<1x1x1x16xf32>,
        %parallel_loop3A_1129 = vector.shape_cast %parallel_loop3A_1128 : vector<1x1x1x16xf32> to vector<16xf32>
        %parallel_loop3A_1130 = vector.shape_cast %parallel_loop3A_1120 : vector<16xf32> to vector<1x1x1x16xf32>
        tpu.vector_store %arg9[%parallel_loop3A_1124, %parallel_loop3A_1125, %parallel_loop3A_1126, %parallel_loop3A_1127], %parallel_loop3A_1130 {strides = array<i32>} : memref<2x8x4x768xf32, #tpu.memory_space<vmem>>, vector<1x1x1x16xf32>,
        %parallel_loop3A_1131 = arith.constant 27.7128124 : f32
        %parallel_loop3A_1132 = vector.broadcast %parallel_loop3A_1131 : f32 to vector<16xf32>
        %parallel_loop3A_1133 = arith.mulf %parallel_loop3A_592, %parallel_loop3A_1132 : vector<16xf32>
        %parallel_loop3A_1134 = arith.addf %parallel_loop3A_1133, %parallel_loop3A_1043 : vector<16xf32>
        %parallel_loop3A_1135 = arith.constant 1 : i32
        %parallel_loop3A_1136 = arith.constant 3 : i32
        %parallel_loop3A_1137 = arith.constant 3 : i32
        %parallel_loop3A_1138 = arith.index_cast %parallel_loop3A_1135 : i32 to index
        %parallel_loop3A_1139 = arith.index_cast %parallel_loop3A_1136 : i32 to index
        %parallel_loop3A_1140 = arith.index_cast %parallel_loop3A_1137 : i32 to index
        %parallel_loop3A_1141 = arith.index_cast %parallel_loop3A_208 : i32 to index
        %parallel_loop3A_1142 = tpu.vector_load %arg9[%parallel_loop3A_1138, %parallel_loop3A_1139, %parallel_loop3A_1140, %parallel_loop3A_1141] {strides = array<i32>} : memref<2x8x4x768xf32, #tpu.memory_space<vmem>>, vector<1x1x1x16xf32>,
        %parallel_loop3A_1143 = vector.shape_cast %parallel_loop3A_1142 : vector<1x1x1x16xf32> to vector<16xf32>
        %parallel_loop3A_1144 = vector.shape_cast %parallel_loop3A_1134 : vector<16xf32> to vector<1x1x1x16xf32>
        tpu.vector_store %arg9[%parallel_loop3A_1138, %parallel_loop3A_1139, %parallel_loop3A_1140, %parallel_loop3A_1141], %parallel_loop3A_1144 {strides = array<i32>} : memref<2x8x4x768xf32, #tpu.memory_space<vmem>>, vector<1x1x1x16xf32>,
        %parallel_loop3A_1145 = arith.constant 27.7128124 : f32
        %parallel_loop3A_1146 = vector.broadcast %parallel_loop3A_1145 : f32 to vector<16xf32>
        %parallel_loop3A_1147 = arith.mulf %parallel_loop3A_620, %parallel_loop3A_1146 : vector<16xf32>
        %parallel_loop3A_1148 = arith.addf %parallel_loop3A_1147, %parallel_loop3A_1046 : vector<16xf32>
        %parallel_loop3A_1149 = arith.constant 1 : i32
        %parallel_loop3A_1150 = arith.constant 3 : i32
        %parallel_loop3A_1151 = arith.constant 3 : i32
        %parallel_loop3A_1152 = arith.index_cast %parallel_loop3A_1149 : i32 to index
        %parallel_loop3A_1153 = arith.index_cast %parallel_loop3A_1150 : i32 to index
        %parallel_loop3A_1154 = arith.index_cast %parallel_loop3A_1151 : i32 to index
        %parallel_loop3A_1155 = arith.index_cast %parallel_loop3A_214 : i32 to index
        %parallel_loop3A_1156 = tpu.vector_load %arg9[%parallel_loop3A_1152, %parallel_loop3A_1153, %parallel_loop3A_1154, %parallel_loop3A_1155] {strides = array<i32>} : memref<2x8x4x768xf32, #tpu.memory_space<vmem>>, vector<1x1x1x16xf32>,
        %parallel_loop3A_1157 = vector.shape_cast %parallel_loop3A_1156 : vector<1x1x1x16xf32> to vector<16xf32>
        %parallel_loop3A_1158 = vector.shape_cast %parallel_loop3A_1148 : vector<16xf32> to vector<1x1x1x16xf32>
        tpu.vector_store %arg9[%parallel_loop3A_1152, %parallel_loop3A_1153, %parallel_loop3A_1154, %parallel_loop3A_1155], %parallel_loop3A_1158 {strides = array<i32>} : memref<2x8x4x768xf32, #tpu.memory_space<vmem>>, vector<1x1x1x16xf32>,
        %parallel_loop3A_1159 = arith.constant 16 : i32
        %parallel_loop3A_1160 = arith.muli %parallel_loop3A_176, %parallel_loop3A_1159 : i32
        %parallel_loop3A_1161 = arith.constant 2304 : i32
        %parallel_loop3A_1162 = arith.addi %parallel_loop3A_1161, %parallel_loop3A_1160 : i32
        %parallel_loop3A_1163 = arith.index_cast %parallel_loop3A_1162 : i32 to index
        %parallel_loop3A_1164 = tpu.vector_load %arg12[%parallel_loop3A_1163] {strides = array<i32>} : memref<6144xi32, #tpu.memory_space<vmem>>, vector<16xi32>,
        %parallel_loop3A_1165 = vector.shape_cast %parallel_loop3A_1164 : vector<16xi32> to vector<16xi32>
        %parallel_loop3A_1166 = arith.constant 3072 : i32
        %parallel_loop3A_1167 = arith.addi %parallel_loop3A_1166, %parallel_loop3A_1162 : i32
        %parallel_loop3A_1168 = arith.index_cast %parallel_loop3A_1167 : i32 to index
        %parallel_loop3A_1169 = tpu.vector_load %arg12[%parallel_loop3A_1168] {strides = array<i32>} : memref<6144xi32, #tpu.memory_space<vmem>>, vector<16xi32>,
        %parallel_loop3A_1170 = vector.shape_cast %parallel_loop3A_1169 : vector<16xi32> to vector<16xi32>
        %parallel_loop3A_1171 = arith.constant 1 : i32
        %parallel_loop3A_1172 = arith.constant 24 : i32
        %parallel_loop3A_1173 = arith.index_cast %parallel_loop3A_1171 : i32 to index
        %parallel_loop3A_1174 = arith.index_cast %parallel_loop3A_1172 : i32 to index
        %parallel_loop3A_1175 = arith.index_cast %parallel_loop3A_208 : i32 to index
        %parallel_loop3A_1176 = tpu.vector_load %arg8[%parallel_loop3A_1173, %parallel_loop3A_1174, %parallel_loop3A_1175] {strides = array<i32>} : memref<2x32x768xf32, #tpu.memory_space<vmem>>, vector<1x1x16xf32>,
        %parallel_loop3A_1177 = vector.shape_cast %parallel_loop3A_1176 : vector<1x1x16xf32> to vector<16xf32>
        %parallel_loop3A_1178 = arith.constant 1 : i32
        %parallel_loop3A_1179 = arith.constant 25 : i32
        %parallel_loop3A_1180 = arith.index_cast %parallel_loop3A_1178 : i32 to index
        %parallel_loop3A_1181 = arith.index_cast %parallel_loop3A_1179 : i32 to index
        %parallel_loop3A_1182 = arith.index_cast %parallel_loop3A_208 : i32 to index
        %parallel_loop3A_1183 = tpu.vector_load %arg8[%parallel_loop3A_1180, %parallel_loop3A_1181, %parallel_loop3A_1182] {strides = array<i32>} : memref<2x32x768xf32, #tpu.memory_space<vmem>>, vector<1x1x16xf32>,
        %parallel_loop3A_1184 = vector.shape_cast %parallel_loop3A_1183 : vector<1x1x16xf32> to vector<16xf32>
        %parallel_loop3A_1185 = arith.constant 1 : i32
        %parallel_loop3A_1186 = arith.constant 26 : i32
        %parallel_loop3A_1187 = arith.index_cast %parallel_loop3A_1185 : i32 to index
        %parallel_loop3A_1188 = arith.index_cast %parallel_loop3A_1186 : i32 to index
        %parallel_loop3A_1189 = arith.index_cast %parallel_loop3A_208 : i32 to index
        %parallel_loop3A_1190 = tpu.vector_load %arg8[%parallel_loop3A_1187, %parallel_loop3A_1188, %parallel_loop3A_1189] {strides = array<i32>} : memref<2x32x768xf32, #tpu.memory_space<vmem>>, vector<1x1x16xf32>,
        %parallel_loop3A_1191 = vector.shape_cast %parallel_loop3A_1190 : vector<1x1x16xf32> to vector<16xf32>
        %parallel_loop3A_1192 = arith.constant 1 : i32
        %parallel_loop3A_1193 = arith.constant 27 : i32
        %parallel_loop3A_1194 = arith.index_cast %parallel_loop3A_1192 : i32 to index
        %parallel_loop3A_1195 = arith.index_cast %parallel_loop3A_1193 : i32 to index
        %parallel_loop3A_1196 = arith.index_cast %parallel_loop3A_208 : i32 to index
        %parallel_loop3A_1197 = tpu.vector_load %arg8[%parallel_loop3A_1194, %parallel_loop3A_1195, %parallel_loop3A_1196] {strides = array<i32>} : memref<2x32x768xf32, #tpu.memory_space<vmem>>, vector<1x1x16xf32>,
        %parallel_loop3A_1198 = vector.shape_cast %parallel_loop3A_1197 : vector<1x1x16xf32> to vector<16xf32>
        %parallel_loop3A_1199 = arith.constant 1 : i32
        %parallel_loop3A_1200 = arith.constant 24 : i32
        %parallel_loop3A_1201 = arith.index_cast %parallel_loop3A_1199 : i32 to index
        %parallel_loop3A_1202 = arith.index_cast %parallel_loop3A_1200 : i32 to index
        %parallel_loop3A_1203 = arith.index_cast %parallel_loop3A_214 : i32 to index
        %parallel_loop3A_1204 = tpu.vector_load %arg8[%parallel_loop3A_1201, %parallel_loop3A_1202, %parallel_loop3A_1203] {strides = array<i32>} : memref<2x32x768xf32, #tpu.memory_space<vmem>>, vector<1x1x16xf32>,
        %parallel_loop3A_1205 = vector.shape_cast %parallel_loop3A_1204 : vector<1x1x16xf32> to vector<16xf32>
        %parallel_loop3A_1206 = arith.constant 1 : i32
        %parallel_loop3A_1207 = arith.constant 25 : i32
        %parallel_loop3A_1208 = arith.index_cast %parallel_loop3A_1206 : i32 to index
        %parallel_loop3A_1209 = arith.index_cast %parallel_loop3A_1207 : i32 to index
        %parallel_loop3A_1210 = arith.index_cast %parallel_loop3A_214 : i32 to index
        %parallel_loop3A_1211 = tpu.vector_load %arg8[%parallel_loop3A_1208, %parallel_loop3A_1209, %parallel_loop3A_1210] {strides = array<i32>} : memref<2x32x768xf32, #tpu.memory_space<vmem>>, vector<1x1x16xf32>,
        %parallel_loop3A_1212 = vector.shape_cast %parallel_loop3A_1211 : vector<1x1x16xf32> to vector<16xf32>
        %parallel_loop3A_1213 = arith.constant 1 : i32
        %parallel_loop3A_1214 = arith.constant 26 : i32
        %parallel_loop3A_1215 = arith.index_cast %parallel_loop3A_1213 : i32 to index
        %parallel_loop3A_1216 = arith.index_cast %parallel_loop3A_1214 : i32 to index
        %parallel_loop3A_1217 = arith.index_cast %parallel_loop3A_214 : i32 to index
        %parallel_loop3A_1218 = tpu.vector_load %arg8[%parallel_loop3A_1215, %parallel_loop3A_1216, %parallel_loop3A_1217] {strides = array<i32>} : memref<2x32x768xf32, #tpu.memory_space<vmem>>, vector<1x1x16xf32>,
        %parallel_loop3A_1219 = vector.shape_cast %parallel_loop3A_1218 : vector<1x1x16xf32> to vector<16xf32>
        %parallel_loop3A_1220 = arith.constant 1 : i32
        %parallel_loop3A_1221 = arith.constant 27 : i32
        %parallel_loop3A_1222 = arith.index_cast %parallel_loop3A_1220 : i32 to index
        %parallel_loop3A_1223 = arith.index_cast %parallel_loop3A_1221 : i32 to index
        %parallel_loop3A_1224 = arith.index_cast %parallel_loop3A_214 : i32 to index
        %parallel_loop3A_1225 = tpu.vector_load %arg8[%parallel_loop3A_1222, %parallel_loop3A_1223, %parallel_loop3A_1224] {strides = array<i32>} : memref<2x32x768xf32, #tpu.memory_space<vmem>>, vector<1x1x16xf32>,
        %parallel_loop3A_1226 = vector.shape_cast %parallel_loop3A_1225 : vector<1x1x16xf32> to vector<16xf32>
        %parallel_loop3A_1227 = arith.constant 16 : i32
        %parallel_loop3A_1228 = vector.broadcast %parallel_loop3A_1227 : i32 to vector<16xi32>
        %parallel_loop3A_1229 = arith.shli %parallel_loop3A_761, %parallel_loop3A_1228 : vector<16xi32>
        %parallel_loop3A_1230 = tpu.bitcast %parallel_loop3A_1229 : vector<16xi32> -> vector<16xf32>
        %parallel_loop3A_1231 = arith.constant -65536 : i32
        %parallel_loop3A_1232 = vector.broadcast %parallel_loop3A_1231 : i32 to vector<16xi32>
        %parallel_loop3A_1233 = arith.andi %parallel_loop3A_761, %parallel_loop3A_1232 : vector<16xi32>
        %parallel_loop3A_1234 = tpu.bitcast %parallel_loop3A_1233 : vector<16xi32> -> vector<16xf32>
        %parallel_loop3A_1235 = arith.constant 16 : i32
        %parallel_loop3A_1236 = vector.broadcast %parallel_loop3A_1235 : i32 to vector<16xi32>
        %parallel_loop3A_1237 = arith.shli %parallel_loop3A_766, %parallel_loop3A_1236 : vector<16xi32>
        %parallel_loop3A_1238 = tpu.bitcast %parallel_loop3A_1237 : vector<16xi32> -> vector<16xf32>
        %parallel_loop3A_1239 = arith.constant -65536 : i32
        %parallel_loop3A_1240 = vector.broadcast %parallel_loop3A_1239 : i32 to vector<16xi32>
        %parallel_loop3A_1241 = arith.andi %parallel_loop3A_766, %parallel_loop3A_1240 : vector<16xi32>
        %parallel_loop3A_1242 = tpu.bitcast %parallel_loop3A_1241 : vector<16xi32> -> vector<16xf32>
        %parallel_loop3A_1243 = arith.mulf %parallel_loop3A_185, %parallel_loop3A_1230 : vector<16xf32>
        %parallel_loop3A_1244 = arith.mulf %parallel_loop3A_200, %parallel_loop3A_1238 : vector<16xf32>
        %parallel_loop3A_1245 = arith.addf %parallel_loop3A_1243, %parallel_loop3A_1244 : vector<16xf32>
        %parallel_loop3A_1246 = arith.mulf %parallel_loop3A_189, %parallel_loop3A_1234 : vector<16xf32>
        %parallel_loop3A_1247 = arith.mulf %parallel_loop3A_204, %parallel_loop3A_1242 : vector<16xf32>
        %parallel_loop3A_1248 = arith.addf %parallel_loop3A_1246, %parallel_loop3A_1247 : vector<16xf32>
        %parallel_loop3A_1249 = arith.constant 27.7128124 : f32
        %parallel_loop3A_1250 = vector.broadcast %parallel_loop3A_1249 : f32 to vector<16xf32>
        %parallel_loop3A_1251 = arith.mulf %parallel_loop3A_773, %parallel_loop3A_1250 : vector<16xf32>
        %parallel_loop3A_1252 = arith.addf %parallel_loop3A_1251, %parallel_loop3A_1245 : vector<16xf32>
        %parallel_loop3A_1253 = arith.constant 1 : i32
        %parallel_loop3A_1254 = arith.constant 4 : i32
        %parallel_loop3A_1255 = arith.constant 0 : i32
        %parallel_loop3A_1256 = arith.index_cast %parallel_loop3A_1253 : i32 to index
        %parallel_loop3A_1257 = arith.index_cast %parallel_loop3A_1254 : i32 to index
        %parallel_loop3A_1258 = arith.index_cast %parallel_loop3A_1255 : i32 to index
        %parallel_loop3A_1259 = arith.index_cast %parallel_loop3A_208 : i32 to index
        %parallel_loop3A_1260 = tpu.vector_load %arg9[%parallel_loop3A_1256, %parallel_loop3A_1257, %parallel_loop3A_1258, %parallel_loop3A_1259] {strides = array<i32>} : memref<2x8x4x768xf32, #tpu.memory_space<vmem>>, vector<1x1x1x16xf32>,
        %parallel_loop3A_1261 = vector.shape_cast %parallel_loop3A_1260 : vector<1x1x1x16xf32> to vector<16xf32>
        %parallel_loop3A_1262 = vector.shape_cast %parallel_loop3A_1252 : vector<16xf32> to vector<1x1x1x16xf32>
        tpu.vector_store %arg9[%parallel_loop3A_1256, %parallel_loop3A_1257, %parallel_loop3A_1258, %parallel_loop3A_1259], %parallel_loop3A_1262 {strides = array<i32>} : memref<2x8x4x768xf32, #tpu.memory_space<vmem>>, vector<1x1x1x16xf32>,
        %parallel_loop3A_1263 = arith.constant 27.7128124 : f32
        %parallel_loop3A_1264 = vector.broadcast %parallel_loop3A_1263 : f32 to vector<16xf32>
        %parallel_loop3A_1265 = arith.mulf %parallel_loop3A_801, %parallel_loop3A_1264 : vector<16xf32>
        %parallel_loop3A_1266 = arith.addf %parallel_loop3A_1265, %parallel_loop3A_1248 : vector<16xf32>
        %parallel_loop3A_1267 = arith.constant 1 : i32
        %parallel_loop3A_1268 = arith.constant 4 : i32
        %parallel_loop3A_1269 = arith.constant 0 : i32
        %parallel_loop3A_1270 = arith.index_cast %parallel_loop3A_1267 : i32 to index
        %parallel_loop3A_1271 = arith.index_cast %parallel_loop3A_1268 : i32 to index
        %parallel_loop3A_1272 = arith.index_cast %parallel_loop3A_1269 : i32 to index
        %parallel_loop3A_1273 = arith.index_cast %parallel_loop3A_214 : i32 to index
        %parallel_loop3A_1274 = tpu.vector_load %arg9[%parallel_loop3A_1270, %parallel_loop3A_1271, %parallel_loop3A_1272, %parallel_loop3A_1273] {strides = array<i32>} : memref<2x8x4x768xf32, #tpu.memory_space<vmem>>, vector<1x1x1x16xf32>,
        %parallel_loop3A_1275 = vector.shape_cast %parallel_loop3A_1274 : vector<1x1x1x16xf32> to vector<16xf32>
        %parallel_loop3A_1276 = vector.shape_cast %parallel_loop3A_1266 : vector<16xf32> to vector<1x1x1x16xf32>
        tpu.vector_store %arg9[%parallel_loop3A_1270, %parallel_loop3A_1271, %parallel_loop3A_1272, %parallel_loop3A_1273], %parallel_loop3A_1276 {strides = array<i32>} : memref<2x8x4x768xf32, #tpu.memory_space<vmem>>, vector<1x1x1x16xf32>,
        %parallel_loop3A_1277 = arith.constant 27.7128124 : f32
        %parallel_loop3A_1278 = vector.broadcast %parallel_loop3A_1277 : f32 to vector<16xf32>
        %parallel_loop3A_1279 = arith.mulf %parallel_loop3A_780, %parallel_loop3A_1278 : vector<16xf32>
        %parallel_loop3A_1280 = arith.addf %parallel_loop3A_1279, %parallel_loop3A_1245 : vector<16xf32>
        %parallel_loop3A_1281 = arith.constant 1 : i32
        %parallel_loop3A_1282 = arith.constant 4 : i32
        %parallel_loop3A_1283 = arith.constant 1 : i32
        %parallel_loop3A_1284 = arith.index_cast %parallel_loop3A_1281 : i32 to index
        %parallel_loop3A_1285 = arith.index_cast %parallel_loop3A_1282 : i32 to index
        %parallel_loop3A_1286 = arith.index_cast %parallel_loop3A_1283 : i32 to index
        %parallel_loop3A_1287 = arith.index_cast %parallel_loop3A_208 : i32 to index
        %parallel_loop3A_1288 = tpu.vector_load %arg9[%parallel_loop3A_1284, %parallel_loop3A_1285, %parallel_loop3A_1286, %parallel_loop3A_1287] {strides = array<i32>} : memref<2x8x4x768xf32, #tpu.memory_space<vmem>>, vector<1x1x1x16xf32>,
        %parallel_loop3A_1289 = vector.shape_cast %parallel_loop3A_1288 : vector<1x1x1x16xf32> to vector<16xf32>
        %parallel_loop3A_1290 = vector.shape_cast %parallel_loop3A_1280 : vector<16xf32> to vector<1x1x1x16xf32>
        tpu.vector_store %arg9[%parallel_loop3A_1284, %parallel_loop3A_1285, %parallel_loop3A_1286, %parallel_loop3A_1287], %parallel_loop3A_1290 {strides = array<i32>} : memref<2x8x4x768xf32, #tpu.memory_space<vmem>>, vector<1x1x1x16xf32>,
        %parallel_loop3A_1291 = arith.constant 27.7128124 : f32
        %parallel_loop3A_1292 = vector.broadcast %parallel_loop3A_1291 : f32 to vector<16xf32>
        %parallel_loop3A_1293 = arith.mulf %parallel_loop3A_808, %parallel_loop3A_1292 : vector<16xf32>
        %parallel_loop3A_1294 = arith.addf %parallel_loop3A_1293, %parallel_loop3A_1248 : vector<16xf32>
        %parallel_loop3A_1295 = arith.constant 1 : i32
        %parallel_loop3A_1296 = arith.constant 4 : i32
        %parallel_loop3A_1297 = arith.constant 1 : i32
        %parallel_loop3A_1298 = arith.index_cast %parallel_loop3A_1295 : i32 to index
        %parallel_loop3A_1299 = arith.index_cast %parallel_loop3A_1296 : i32 to index
        %parallel_loop3A_1300 = arith.index_cast %parallel_loop3A_1297 : i32 to index
        %parallel_loop3A_1301 = arith.index_cast %parallel_loop3A_214 : i32 to index
        %parallel_loop3A_1302 = tpu.vector_load %arg9[%parallel_loop3A_1298, %parallel_loop3A_1299, %parallel_loop3A_1300, %parallel_loop3A_1301] {strides = array<i32>} : memref<2x8x4x768xf32, #tpu.memory_space<vmem>>, vector<1x1x1x16xf32>,
        %parallel_loop3A_1303 = vector.shape_cast %parallel_loop3A_1302 : vector<1x1x1x16xf32> to vector<16xf32>
        %parallel_loop3A_1304 = vector.shape_cast %parallel_loop3A_1294 : vector<16xf32> to vector<1x1x1x16xf32>
        tpu.vector_store %arg9[%parallel_loop3A_1298, %parallel_loop3A_1299, %parallel_loop3A_1300, %parallel_loop3A_1301], %parallel_loop3A_1304 {strides = array<i32>} : memref<2x8x4x768xf32, #tpu.memory_space<vmem>>, vector<1x1x1x16xf32>,
        %parallel_loop3A_1305 = arith.constant 27.7128124 : f32
        %parallel_loop3A_1306 = vector.broadcast %parallel_loop3A_1305 : f32 to vector<16xf32>
        %parallel_loop3A_1307 = arith.mulf %parallel_loop3A_787, %parallel_loop3A_1306 : vector<16xf32>
        %parallel_loop3A_1308 = arith.addf %parallel_loop3A_1307, %parallel_loop3A_1245 : vector<16xf32>
        %parallel_loop3A_1309 = arith.constant 1 : i32
        %parallel_loop3A_1310 = arith.constant 4 : i32
        %parallel_loop3A_1311 = arith.constant 2 : i32
        %parallel_loop3A_1312 = arith.index_cast %parallel_loop3A_1309 : i32 to index
        %parallel_loop3A_1313 = arith.index_cast %parallel_loop3A_1310 : i32 to index
        %parallel_loop3A_1314 = arith.index_cast %parallel_loop3A_1311 : i32 to index
        %parallel_loop3A_1315 = arith.index_cast %parallel_loop3A_208 : i32 to index
        %parallel_loop3A_1316 = tpu.vector_load %arg9[%parallel_loop3A_1312, %parallel_loop3A_1313, %parallel_loop3A_1314, %parallel_loop3A_1315] {strides = array<i32>} : memref<2x8x4x768xf32, #tpu.memory_space<vmem>>, vector<1x1x1x16xf32>,
        %parallel_loop3A_1317 = vector.shape_cast %parallel_loop3A_1316 : vector<1x1x1x16xf32> to vector<16xf32>
        %parallel_loop3A_1318 = vector.shape_cast %parallel_loop3A_1308 : vector<16xf32> to vector<1x1x1x16xf32>
        tpu.vector_store %arg9[%parallel_loop3A_1312, %parallel_loop3A_1313, %parallel_loop3A_1314, %parallel_loop3A_1315], %parallel_loop3A_1318 {strides = array<i32>} : memref<2x8x4x768xf32, #tpu.memory_space<vmem>>, vector<1x1x1x16xf32>,
        %parallel_loop3A_1319 = arith.constant 27.7128124 : f32
        %parallel_loop3A_1320 = vector.broadcast %parallel_loop3A_1319 : f32 to vector<16xf32>
        %parallel_loop3A_1321 = arith.mulf %parallel_loop3A_815, %parallel_loop3A_1320 : vector<16xf32>
        %parallel_loop3A_1322 = arith.addf %parallel_loop3A_1321, %parallel_loop3A_1248 : vector<16xf32>
        %parallel_loop3A_1323 = arith.constant 1 : i32
        %parallel_loop3A_1324 = arith.constant 4 : i32
        %parallel_loop3A_1325 = arith.constant 2 : i32
        %parallel_loop3A_1326 = arith.index_cast %parallel_loop3A_1323 : i32 to index
        %parallel_loop3A_1327 = arith.index_cast %parallel_loop3A_1324 : i32 to index
        %parallel_loop3A_1328 = arith.index_cast %parallel_loop3A_1325 : i32 to index
        %parallel_loop3A_1329 = arith.index_cast %parallel_loop3A_214 : i32 to index
        %parallel_loop3A_1330 = tpu.vector_load %arg9[%parallel_loop3A_1326, %parallel_loop3A_1327, %parallel_loop3A_1328, %parallel_loop3A_1329] {strides = array<i32>} : memref<2x8x4x768xf32, #tpu.memory_space<vmem>>, vector<1x1x1x16xf32>,
        %parallel_loop3A_1331 = vector.shape_cast %parallel_loop3A_1330 : vector<1x1x1x16xf32> to vector<16xf32>
        %parallel_loop3A_1332 = vector.shape_cast %parallel_loop3A_1322 : vector<16xf32> to vector<1x1x1x16xf32>
        tpu.vector_store %arg9[%parallel_loop3A_1326, %parallel_loop3A_1327, %parallel_loop3A_1328, %parallel_loop3A_1329], %parallel_loop3A_1332 {strides = array<i32>} : memref<2x8x4x768xf32, #tpu.memory_space<vmem>>, vector<1x1x1x16xf32>,
        %parallel_loop3A_1333 = arith.constant 27.7128124 : f32
        %parallel_loop3A_1334 = vector.broadcast %parallel_loop3A_1333 : f32 to vector<16xf32>
        %parallel_loop3A_1335 = arith.mulf %parallel_loop3A_794, %parallel_loop3A_1334 : vector<16xf32>
        %parallel_loop3A_1336 = arith.addf %parallel_loop3A_1335, %parallel_loop3A_1245 : vector<16xf32>
        %parallel_loop3A_1337 = arith.constant 1 : i32
        %parallel_loop3A_1338 = arith.constant 4 : i32
        %parallel_loop3A_1339 = arith.constant 3 : i32
        %parallel_loop3A_1340 = arith.index_cast %parallel_loop3A_1337 : i32 to index
        %parallel_loop3A_1341 = arith.index_cast %parallel_loop3A_1338 : i32 to index
        %parallel_loop3A_1342 = arith.index_cast %parallel_loop3A_1339 : i32 to index
        %parallel_loop3A_1343 = arith.index_cast %parallel_loop3A_208 : i32 to index
        %parallel_loop3A_1344 = tpu.vector_load %arg9[%parallel_loop3A_1340, %parallel_loop3A_1341, %parallel_loop3A_1342, %parallel_loop3A_1343] {strides = array<i32>} : memref<2x8x4x768xf32, #tpu.memory_space<vmem>>, vector<1x1x1x16xf32>,
        %parallel_loop3A_1345 = vector.shape_cast %parallel_loop3A_1344 : vector<1x1x1x16xf32> to vector<16xf32>
        %parallel_loop3A_1346 = vector.shape_cast %parallel_loop3A_1336 : vector<16xf32> to vector<1x1x1x16xf32>
        tpu.vector_store %arg9[%parallel_loop3A_1340, %parallel_loop3A_1341, %parallel_loop3A_1342, %parallel_loop3A_1343], %parallel_loop3A_1346 {strides = array<i32>} : memref<2x8x4x768xf32, #tpu.memory_space<vmem>>, vector<1x1x1x16xf32>,
        %parallel_loop3A_1347 = arith.constant 27.7128124 : f32
        %parallel_loop3A_1348 = vector.broadcast %parallel_loop3A_1347 : f32 to vector<16xf32>
        %parallel_loop3A_1349 = arith.mulf %parallel_loop3A_822, %parallel_loop3A_1348 : vector<16xf32>
        %parallel_loop3A_1350 = arith.addf %parallel_loop3A_1349, %parallel_loop3A_1248 : vector<16xf32>
        %parallel_loop3A_1351 = arith.constant 1 : i32
        %parallel_loop3A_1352 = arith.constant 4 : i32
        %parallel_loop3A_1353 = arith.constant 3 : i32
        %parallel_loop3A_1354 = arith.index_cast %parallel_loop3A_1351 : i32 to index
        %parallel_loop3A_1355 = arith.index_cast %parallel_loop3A_1352 : i32 to index
        %parallel_loop3A_1356 = arith.index_cast %parallel_loop3A_1353 : i32 to index
        %parallel_loop3A_1357 = arith.index_cast %parallel_loop3A_214 : i32 to index
        %parallel_loop3A_1358 = tpu.vector_load %arg9[%parallel_loop3A_1354, %parallel_loop3A_1355, %parallel_loop3A_1356, %parallel_loop3A_1357] {strides = array<i32>} : memref<2x8x4x768xf32, #tpu.memory_space<vmem>>, vector<1x1x1x16xf32>,
        %parallel_loop3A_1359 = vector.shape_cast %parallel_loop3A_1358 : vector<1x1x1x16xf32> to vector<16xf32>
        %parallel_loop3A_1360 = vector.shape_cast %parallel_loop3A_1350 : vector<16xf32> to vector<1x1x1x16xf32>
        tpu.vector_store %arg9[%parallel_loop3A_1354, %parallel_loop3A_1355, %parallel_loop3A_1356, %parallel_loop3A_1357], %parallel_loop3A_1360 {strides = array<i32>} : memref<2x8x4x768xf32, #tpu.memory_space<vmem>>, vector<1x1x1x16xf32>,
        %parallel_loop3A_1361 = arith.constant 16 : i32
        %parallel_loop3A_1362 = arith.muli %parallel_loop3A_176, %parallel_loop3A_1361 : i32
        %parallel_loop3A_1363 = arith.constant 2688 : i32
        %parallel_loop3A_1364 = arith.addi %parallel_loop3A_1363, %parallel_loop3A_1362 : i32
        %parallel_loop3A_1365 = arith.index_cast %parallel_loop3A_1364 : i32 to index
        %parallel_loop3A_1366 = tpu.vector_load %arg12[%parallel_loop3A_1365] {strides = array<i32>} : memref<6144xi32, #tpu.memory_space<vmem>>, vector<16xi32>,
        %parallel_loop3A_1367 = vector.shape_cast %parallel_loop3A_1366 : vector<16xi32> to vector<16xi32>
        %parallel_loop3A_1368 = arith.constant 3072 : i32
        %parallel_loop3A_1369 = arith.addi %parallel_loop3A_1368, %parallel_loop3A_1364 : i32
        %parallel_loop3A_1370 = arith.index_cast %parallel_loop3A_1369 : i32 to index
        %parallel_loop3A_1371 = tpu.vector_load %arg12[%parallel_loop3A_1370] {strides = array<i32>} : memref<6144xi32, #tpu.memory_space<vmem>>, vector<16xi32>,
        %parallel_loop3A_1372 = vector.shape_cast %parallel_loop3A_1371 : vector<16xi32> to vector<16xi32>
        %parallel_loop3A_1373 = arith.constant 1 : i32
        %parallel_loop3A_1374 = arith.constant 28 : i32
        %parallel_loop3A_1375 = arith.index_cast %parallel_loop3A_1373 : i32 to index
        %parallel_loop3A_1376 = arith.index_cast %parallel_loop3A_1374 : i32 to index
        %parallel_loop3A_1377 = arith.index_cast %parallel_loop3A_208 : i32 to index
        %parallel_loop3A_1378 = tpu.vector_load %arg8[%parallel_loop3A_1375, %parallel_loop3A_1376, %parallel_loop3A_1377] {strides = array<i32>} : memref<2x32x768xf32, #tpu.memory_space<vmem>>, vector<1x1x16xf32>,
        %parallel_loop3A_1379 = vector.shape_cast %parallel_loop3A_1378 : vector<1x1x16xf32> to vector<16xf32>
        %parallel_loop3A_1380 = arith.constant 1 : i32
        %parallel_loop3A_1381 = arith.constant 29 : i32
        %parallel_loop3A_1382 = arith.index_cast %parallel_loop3A_1380 : i32 to index
        %parallel_loop3A_1383 = arith.index_cast %parallel_loop3A_1381 : i32 to index
        %parallel_loop3A_1384 = arith.index_cast %parallel_loop3A_208 : i32 to index
        %parallel_loop3A_1385 = tpu.vector_load %arg8[%parallel_loop3A_1382, %parallel_loop3A_1383, %parallel_loop3A_1384] {strides = array<i32>} : memref<2x32x768xf32, #tpu.memory_space<vmem>>, vector<1x1x16xf32>,
        %parallel_loop3A_1386 = vector.shape_cast %parallel_loop3A_1385 : vector<1x1x16xf32> to vector<16xf32>
        %parallel_loop3A_1387 = arith.constant 1 : i32
        %parallel_loop3A_1388 = arith.constant 30 : i32
        %parallel_loop3A_1389 = arith.index_cast %parallel_loop3A_1387 : i32 to index
        %parallel_loop3A_1390 = arith.index_cast %parallel_loop3A_1388 : i32 to index
        %parallel_loop3A_1391 = arith.index_cast %parallel_loop3A_208 : i32 to index
        %parallel_loop3A_1392 = tpu.vector_load %arg8[%parallel_loop3A_1389, %parallel_loop3A_1390, %parallel_loop3A_1391] {strides = array<i32>} : memref<2x32x768xf32, #tpu.memory_space<vmem>>, vector<1x1x16xf32>,
        %parallel_loop3A_1393 = vector.shape_cast %parallel_loop3A_1392 : vector<1x1x16xf32> to vector<16xf32>
        %parallel_loop3A_1394 = arith.constant 1 : i32
        %parallel_loop3A_1395 = arith.constant 31 : i32
        %parallel_loop3A_1396 = arith.index_cast %parallel_loop3A_1394 : i32 to index
        %parallel_loop3A_1397 = arith.index_cast %parallel_loop3A_1395 : i32 to index
        %parallel_loop3A_1398 = arith.index_cast %parallel_loop3A_208 : i32 to index
        %parallel_loop3A_1399 = tpu.vector_load %arg8[%parallel_loop3A_1396, %parallel_loop3A_1397, %parallel_loop3A_1398] {strides = array<i32>} : memref<2x32x768xf32, #tpu.memory_space<vmem>>, vector<1x1x16xf32>,
        %parallel_loop3A_1400 = vector.shape_cast %parallel_loop3A_1399 : vector<1x1x16xf32> to vector<16xf32>
        %parallel_loop3A_1401 = arith.constant 1 : i32
        %parallel_loop3A_1402 = arith.constant 28 : i32
        %parallel_loop3A_1403 = arith.index_cast %parallel_loop3A_1401 : i32 to index
        %parallel_loop3A_1404 = arith.index_cast %parallel_loop3A_1402 : i32 to index
        %parallel_loop3A_1405 = arith.index_cast %parallel_loop3A_214 : i32 to index
        %parallel_loop3A_1406 = tpu.vector_load %arg8[%parallel_loop3A_1403, %parallel_loop3A_1404, %parallel_loop3A_1405] {strides = array<i32>} : memref<2x32x768xf32, #tpu.memory_space<vmem>>, vector<1x1x16xf32>,
        %parallel_loop3A_1407 = vector.shape_cast %parallel_loop3A_1406 : vector<1x1x16xf32> to vector<16xf32>
        %parallel_loop3A_1408 = arith.constant 1 : i32
        %parallel_loop3A_1409 = arith.constant 29 : i32
        %parallel_loop3A_1410 = arith.index_cast %parallel_loop3A_1408 : i32 to index
        %parallel_loop3A_1411 = arith.index_cast %parallel_loop3A_1409 : i32 to index
        %parallel_loop3A_1412 = arith.index_cast %parallel_loop3A_214 : i32 to index
        %parallel_loop3A_1413 = tpu.vector_load %arg8[%parallel_loop3A_1410, %parallel_loop3A_1411, %parallel_loop3A_1412] {strides = array<i32>} : memref<2x32x768xf32, #tpu.memory_space<vmem>>, vector<1x1x16xf32>,
        %parallel_loop3A_1414 = vector.shape_cast %parallel_loop3A_1413 : vector<1x1x16xf32> to vector<16xf32>
        %parallel_loop3A_1415 = arith.constant 1 : i32
        %parallel_loop3A_1416 = arith.constant 30 : i32
        %parallel_loop3A_1417 = arith.index_cast %parallel_loop3A_1415 : i32 to index
        %parallel_loop3A_1418 = arith.index_cast %parallel_loop3A_1416 : i32 to index
        %parallel_loop3A_1419 = arith.index_cast %parallel_loop3A_214 : i32 to index
        %parallel_loop3A_1420 = tpu.vector_load %arg8[%parallel_loop3A_1417, %parallel_loop3A_1418, %parallel_loop3A_1419] {strides = array<i32>} : memref<2x32x768xf32, #tpu.memory_space<vmem>>, vector<1x1x16xf32>,
        %parallel_loop3A_1421 = vector.shape_cast %parallel_loop3A_1420 : vector<1x1x16xf32> to vector<16xf32>
        %parallel_loop3A_1422 = arith.constant 1 : i32
        %parallel_loop3A_1423 = arith.constant 31 : i32
        %parallel_loop3A_1424 = arith.index_cast %parallel_loop3A_1422 : i32 to index
        %parallel_loop3A_1425 = arith.index_cast %parallel_loop3A_1423 : i32 to index
        %parallel_loop3A_1426 = arith.index_cast %parallel_loop3A_214 : i32 to index
        %parallel_loop3A_1427 = tpu.vector_load %arg8[%parallel_loop3A_1424, %parallel_loop3A_1425, %parallel_loop3A_1426] {strides = array<i32>} : memref<2x32x768xf32, #tpu.memory_space<vmem>>, vector<1x1x16xf32>,
        %parallel_loop3A_1428 = vector.shape_cast %parallel_loop3A_1427 : vector<1x1x16xf32> to vector<16xf32>
        %parallel_loop3A_1429 = arith.constant 16 : i32
        %parallel_loop3A_1430 = vector.broadcast %parallel_loop3A_1429 : i32 to vector<16xi32>
        %parallel_loop3A_1431 = arith.shli %parallel_loop3A_963, %parallel_loop3A_1430 : vector<16xi32>
        %parallel_loop3A_1432 = tpu.bitcast %parallel_loop3A_1431 : vector<16xi32> -> vector<16xf32>
        %parallel_loop3A_1433 = arith.constant -65536 : i32
        %parallel_loop3A_1434 = vector.broadcast %parallel_loop3A_1433 : i32 to vector<16xi32>
        %parallel_loop3A_1435 = arith.andi %parallel_loop3A_963, %parallel_loop3A_1434 : vector<16xi32>
        %parallel_loop3A_1436 = tpu.bitcast %parallel_loop3A_1435 : vector<16xi32> -> vector<16xf32>
        %parallel_loop3A_1437 = arith.constant 16 : i32
        %parallel_loop3A_1438 = vector.broadcast %parallel_loop3A_1437 : i32 to vector<16xi32>
        %parallel_loop3A_1439 = arith.shli %parallel_loop3A_968, %parallel_loop3A_1438 : vector<16xi32>
        %parallel_loop3A_1440 = tpu.bitcast %parallel_loop3A_1439 : vector<16xi32> -> vector<16xf32>
        %parallel_loop3A_1441 = arith.constant -65536 : i32
        %parallel_loop3A_1442 = vector.broadcast %parallel_loop3A_1441 : i32 to vector<16xi32>
        %parallel_loop3A_1443 = arith.andi %parallel_loop3A_968, %parallel_loop3A_1442 : vector<16xi32>
        %parallel_loop3A_1444 = tpu.bitcast %parallel_loop3A_1443 : vector<16xi32> -> vector<16xf32>
        %parallel_loop3A_1445 = arith.mulf %parallel_loop3A_185, %parallel_loop3A_1432 : vector<16xf32>
        %parallel_loop3A_1446 = arith.mulf %parallel_loop3A_200, %parallel_loop3A_1440 : vector<16xf32>
        %parallel_loop3A_1447 = arith.addf %parallel_loop3A_1445, %parallel_loop3A_1446 : vector<16xf32>
        %parallel_loop3A_1448 = arith.mulf %parallel_loop3A_189, %parallel_loop3A_1436 : vector<16xf32>
        %parallel_loop3A_1449 = arith.mulf %parallel_loop3A_204, %parallel_loop3A_1444 : vector<16xf32>
        %parallel_loop3A_1450 = arith.addf %parallel_loop3A_1448, %parallel_loop3A_1449 : vector<16xf32>
        %parallel_loop3A_1451 = arith.constant 27.7128124 : f32
        %parallel_loop3A_1452 = vector.broadcast %parallel_loop3A_1451 : f32 to vector<16xf32>
        %parallel_loop3A_1453 = arith.mulf %parallel_loop3A_975, %parallel_loop3A_1452 : vector<16xf32>
        %parallel_loop3A_1454 = arith.addf %parallel_loop3A_1453, %parallel_loop3A_1447 : vector<16xf32>
        %parallel_loop3A_1455 = arith.constant 1 : i32
        %parallel_loop3A_1456 = arith.constant 5 : i32
        %parallel_loop3A_1457 = arith.constant 0 : i32
        %parallel_loop3A_1458 = arith.index_cast %parallel_loop3A_1455 : i32 to index
        %parallel_loop3A_1459 = arith.index_cast %parallel_loop3A_1456 : i32 to index
        %parallel_loop3A_1460 = arith.index_cast %parallel_loop3A_1457 : i32 to index
        %parallel_loop3A_1461 = arith.index_cast %parallel_loop3A_208 : i32 to index
        %parallel_loop3A_1462 = tpu.vector_load %arg9[%parallel_loop3A_1458, %parallel_loop3A_1459, %parallel_loop3A_1460, %parallel_loop3A_1461] {strides = array<i32>} : memref<2x8x4x768xf32, #tpu.memory_space<vmem>>, vector<1x1x1x16xf32>,
        %parallel_loop3A_1463 = vector.shape_cast %parallel_loop3A_1462 : vector<1x1x1x16xf32> to vector<16xf32>
        %parallel_loop3A_1464 = vector.shape_cast %parallel_loop3A_1454 : vector<16xf32> to vector<1x1x1x16xf32>
        tpu.vector_store %arg9[%parallel_loop3A_1458, %parallel_loop3A_1459, %parallel_loop3A_1460, %parallel_loop3A_1461], %parallel_loop3A_1464 {strides = array<i32>} : memref<2x8x4x768xf32, #tpu.memory_space<vmem>>, vector<1x1x1x16xf32>,
        %parallel_loop3A_1465 = arith.constant 27.7128124 : f32
        %parallel_loop3A_1466 = vector.broadcast %parallel_loop3A_1465 : f32 to vector<16xf32>
        %parallel_loop3A_1467 = arith.mulf %parallel_loop3A_1003, %parallel_loop3A_1466 : vector<16xf32>
        %parallel_loop3A_1468 = arith.addf %parallel_loop3A_1467, %parallel_loop3A_1450 : vector<16xf32>
        %parallel_loop3A_1469 = arith.constant 1 : i32
        %parallel_loop3A_1470 = arith.constant 5 : i32
        %parallel_loop3A_1471 = arith.constant 0 : i32
        %parallel_loop3A_1472 = arith.index_cast %parallel_loop3A_1469 : i32 to index
        %parallel_loop3A_1473 = arith.index_cast %parallel_loop3A_1470 : i32 to index
        %parallel_loop3A_1474 = arith.index_cast %parallel_loop3A_1471 : i32 to index
        %parallel_loop3A_1475 = arith.index_cast %parallel_loop3A_214 : i32 to index
        %parallel_loop3A_1476 = tpu.vector_load %arg9[%parallel_loop3A_1472, %parallel_loop3A_1473, %parallel_loop3A_1474, %parallel_loop3A_1475] {strides = array<i32>} : memref<2x8x4x768xf32, #tpu.memory_space<vmem>>, vector<1x1x1x16xf32>,
        %parallel_loop3A_1477 = vector.shape_cast %parallel_loop3A_1476 : vector<1x1x1x16xf32> to vector<16xf32>
        %parallel_loop3A_1478 = vector.shape_cast %parallel_loop3A_1468 : vector<16xf32> to vector<1x1x1x16xf32>
        tpu.vector_store %arg9[%parallel_loop3A_1472, %parallel_loop3A_1473, %parallel_loop3A_1474, %parallel_loop3A_1475], %parallel_loop3A_1478 {strides = array<i32>} : memref<2x8x4x768xf32, #tpu.memory_space<vmem>>, vector<1x1x1x16xf32>,
        %parallel_loop3A_1479 = arith.constant 27.7128124 : f32
        %parallel_loop3A_1480 = vector.broadcast %parallel_loop3A_1479 : f32 to vector<16xf32>
        %parallel_loop3A_1481 = arith.mulf %parallel_loop3A_982, %parallel_loop3A_1480 : vector<16xf32>
        %parallel_loop3A_1482 = arith.addf %parallel_loop3A_1481, %parallel_loop3A_1447 : vector<16xf32>
        %parallel_loop3A_1483 = arith.constant 1 : i32
        %parallel_loop3A_1484 = arith.constant 5 : i32
        %parallel_loop3A_1485 = arith.constant 1 : i32
        %parallel_loop3A_1486 = arith.index_cast %parallel_loop3A_1483 : i32 to index
        %parallel_loop3A_1487 = arith.index_cast %parallel_loop3A_1484 : i32 to index
        %parallel_loop3A_1488 = arith.index_cast %parallel_loop3A_1485 : i32 to index
        %parallel_loop3A_1489 = arith.index_cast %parallel_loop3A_208 : i32 to index
        %parallel_loop3A_1490 = tpu.vector_load %arg9[%parallel_loop3A_1486, %parallel_loop3A_1487, %parallel_loop3A_1488, %parallel_loop3A_1489] {strides = array<i32>} : memref<2x8x4x768xf32, #tpu.memory_space<vmem>>, vector<1x1x1x16xf32>,
        %parallel_loop3A_1491 = vector.shape_cast %parallel_loop3A_1490 : vector<1x1x1x16xf32> to vector<16xf32>
        %parallel_loop3A_1492 = vector.shape_cast %parallel_loop3A_1482 : vector<16xf32> to vector<1x1x1x16xf32>
        tpu.vector_store %arg9[%parallel_loop3A_1486, %parallel_loop3A_1487, %parallel_loop3A_1488, %parallel_loop3A_1489], %parallel_loop3A_1492 {strides = array<i32>} : memref<2x8x4x768xf32, #tpu.memory_space<vmem>>, vector<1x1x1x16xf32>,
        %parallel_loop3A_1493 = arith.constant 27.7128124 : f32
        %parallel_loop3A_1494 = vector.broadcast %parallel_loop3A_1493 : f32 to vector<16xf32>
        %parallel_loop3A_1495 = arith.mulf %parallel_loop3A_1010, %parallel_loop3A_1494 : vector<16xf32>
        %parallel_loop3A_1496 = arith.addf %parallel_loop3A_1495, %parallel_loop3A_1450 : vector<16xf32>
        %parallel_loop3A_1497 = arith.constant 1 : i32
        %parallel_loop3A_1498 = arith.constant 5 : i32
        %parallel_loop3A_1499 = arith.constant 1 : i32
        %parallel_loop3A_1500 = arith.index_cast %parallel_loop3A_1497 : i32 to index
        %parallel_loop3A_1501 = arith.index_cast %parallel_loop3A_1498 : i32 to index
        %parallel_loop3A_1502 = arith.index_cast %parallel_loop3A_1499 : i32 to index
        %parallel_loop3A_1503 = arith.index_cast %parallel_loop3A_214 : i32 to index
        %parallel_loop3A_1504 = tpu.vector_load %arg9[%parallel_loop3A_1500, %parallel_loop3A_1501, %parallel_loop3A_1502, %parallel_loop3A_1503] {strides = array<i32>} : memref<2x8x4x768xf32, #tpu.memory_space<vmem>>, vector<1x1x1x16xf32>,
        %parallel_loop3A_1505 = vector.shape_cast %parallel_loop3A_1504 : vector<1x1x1x16xf32> to vector<16xf32>
        %parallel_loop3A_1506 = vector.shape_cast %parallel_loop3A_1496 : vector<16xf32> to vector<1x1x1x16xf32>
        tpu.vector_store %arg9[%parallel_loop3A_1500, %parallel_loop3A_1501, %parallel_loop3A_1502, %parallel_loop3A_1503], %parallel_loop3A_1506 {strides = array<i32>} : memref<2x8x4x768xf32, #tpu.memory_space<vmem>>, vector<1x1x1x16xf32>,
        %parallel_loop3A_1507 = arith.constant 27.7128124 : f32
        %parallel_loop3A_1508 = vector.broadcast %parallel_loop3A_1507 : f32 to vector<16xf32>
        %parallel_loop3A_1509 = arith.mulf %parallel_loop3A_989, %parallel_loop3A_1508 : vector<16xf32>
        %parallel_loop3A_1510 = arith.addf %parallel_loop3A_1509, %parallel_loop3A_1447 : vector<16xf32>
        %parallel_loop3A_1511 = arith.constant 1 : i32
        %parallel_loop3A_1512 = arith.constant 5 : i32
        %parallel_loop3A_1513 = arith.constant 2 : i32
        %parallel_loop3A_1514 = arith.index_cast %parallel_loop3A_1511 : i32 to index
        %parallel_loop3A_1515 = arith.index_cast %parallel_loop3A_1512 : i32 to index
        %parallel_loop3A_1516 = arith.index_cast %parallel_loop3A_1513 : i32 to index
        %parallel_loop3A_1517 = arith.index_cast %parallel_loop3A_208 : i32 to index
        %parallel_loop3A_1518 = tpu.vector_load %arg9[%parallel_loop3A_1514, %parallel_loop3A_1515, %parallel_loop3A_1516, %parallel_loop3A_1517] {strides = array<i32>} : memref<2x8x4x768xf32, #tpu.memory_space<vmem>>, vector<1x1x1x16xf32>,
        %parallel_loop3A_1519 = vector.shape_cast %parallel_loop3A_1518 : vector<1x1x1x16xf32> to vector<16xf32>
        %parallel_loop3A_1520 = vector.shape_cast %parallel_loop3A_1510 : vector<16xf32> to vector<1x1x1x16xf32>
        tpu.vector_store %arg9[%parallel_loop3A_1514, %parallel_loop3A_1515, %parallel_loop3A_1516, %parallel_loop3A_1517], %parallel_loop3A_1520 {strides = array<i32>} : memref<2x8x4x768xf32, #tpu.memory_space<vmem>>, vector<1x1x1x16xf32>,
        %parallel_loop3A_1521 = arith.constant 27.7128124 : f32
        %parallel_loop3A_1522 = vector.broadcast %parallel_loop3A_1521 : f32 to vector<16xf32>
        %parallel_loop3A_1523 = arith.mulf %parallel_loop3A_1017, %parallel_loop3A_1522 : vector<16xf32>
        %parallel_loop3A_1524 = arith.addf %parallel_loop3A_1523, %parallel_loop3A_1450 : vector<16xf32>
        %parallel_loop3A_1525 = arith.constant 1 : i32
        %parallel_loop3A_1526 = arith.constant 5 : i32
        %parallel_loop3A_1527 = arith.constant 2 : i32
        %parallel_loop3A_1528 = arith.index_cast %parallel_loop3A_1525 : i32 to index
        %parallel_loop3A_1529 = arith.index_cast %parallel_loop3A_1526 : i32 to index
        %parallel_loop3A_1530 = arith.index_cast %parallel_loop3A_1527 : i32 to index
        %parallel_loop3A_1531 = arith.index_cast %parallel_loop3A_214 : i32 to index
        %parallel_loop3A_1532 = tpu.vector_load %arg9[%parallel_loop3A_1528, %parallel_loop3A_1529, %parallel_loop3A_1530, %parallel_loop3A_1531] {strides = array<i32>} : memref<2x8x4x768xf32, #tpu.memory_space<vmem>>, vector<1x1x1x16xf32>,
        %parallel_loop3A_1533 = vector.shape_cast %parallel_loop3A_1532 : vector<1x1x1x16xf32> to vector<16xf32>
        %parallel_loop3A_1534 = vector.shape_cast %parallel_loop3A_1524 : vector<16xf32> to vector<1x1x1x16xf32>
        tpu.vector_store %arg9[%parallel_loop3A_1528, %parallel_loop3A_1529, %parallel_loop3A_1530, %parallel_loop3A_1531], %parallel_loop3A_1534 {strides = array<i32>} : memref<2x8x4x768xf32, #tpu.memory_space<vmem>>, vector<1x1x1x16xf32>,
        %parallel_loop3A_1535 = arith.constant 27.7128124 : f32
        %parallel_loop3A_1536 = vector.broadcast %parallel_loop3A_1535 : f32 to vector<16xf32>
        %parallel_loop3A_1537 = arith.mulf %parallel_loop3A_996, %parallel_loop3A_1536 : vector<16xf32>
        %parallel_loop3A_1538 = arith.addf %parallel_loop3A_1537, %parallel_loop3A_1447 : vector<16xf32>
        %parallel_loop3A_1539 = arith.constant 1 : i32
        %parallel_loop3A_1540 = arith.constant 5 : i32
        %parallel_loop3A_1541 = arith.constant 3 : i32
        %parallel_loop3A_1542 = arith.index_cast %parallel_loop3A_1539 : i32 to index
        %parallel_loop3A_1543 = arith.index_cast %parallel_loop3A_1540 : i32 to index
        %parallel_loop3A_1544 = arith.index_cast %parallel_loop3A_1541 : i32 to index
        %parallel_loop3A_1545 = arith.index_cast %parallel_loop3A_208 : i32 to index
        %parallel_loop3A_1546 = tpu.vector_load %arg9[%parallel_loop3A_1542, %parallel_loop3A_1543, %parallel_loop3A_1544, %parallel_loop3A_1545] {strides = array<i32>} : memref<2x8x4x768xf32, #tpu.memory_space<vmem>>, vector<1x1x1x16xf32>,
        %parallel_loop3A_1547 = vector.shape_cast %parallel_loop3A_1546 : vector<1x1x1x16xf32> to vector<16xf32>
        %parallel_loop3A_1548 = vector.shape_cast %parallel_loop3A_1538 : vector<16xf32> to vector<1x1x1x16xf32>
        tpu.vector_store %arg9[%parallel_loop3A_1542, %parallel_loop3A_1543, %parallel_loop3A_1544, %parallel_loop3A_1545], %parallel_loop3A_1548 {strides = array<i32>} : memref<2x8x4x768xf32, #tpu.memory_space<vmem>>, vector<1x1x1x16xf32>,
        %parallel_loop3A_1549 = arith.constant 27.7128124 : f32
        %parallel_loop3A_1550 = vector.broadcast %parallel_loop3A_1549 : f32 to vector<16xf32>
        %parallel_loop3A_1551 = arith.mulf %parallel_loop3A_1024, %parallel_loop3A_1550 : vector<16xf32>
        %parallel_loop3A_1552 = arith.addf %parallel_loop3A_1551, %parallel_loop3A_1450 : vector<16xf32>
        %parallel_loop3A_1553 = arith.constant 1 : i32
        %parallel_loop3A_1554 = arith.constant 5 : i32
        %parallel_loop3A_1555 = arith.constant 3 : i32
        %parallel_loop3A_1556 = arith.index_cast %parallel_loop3A_1553 : i32 to index
        %parallel_loop3A_1557 = arith.index_cast %parallel_loop3A_1554 : i32 to index
        %parallel_loop3A_1558 = arith.index_cast %parallel_loop3A_1555 : i32 to index
        %parallel_loop3A_1559 = arith.index_cast %parallel_loop3A_214 : i32 to index
        %parallel_loop3A_1560 = tpu.vector_load %arg9[%parallel_loop3A_1556, %parallel_loop3A_1557, %parallel_loop3A_1558, %parallel_loop3A_1559] {strides = array<i32>} : memref<2x8x4x768xf32, #tpu.memory_space<vmem>>, vector<1x1x1x16xf32>,
        %parallel_loop3A_1561 = vector.shape_cast %parallel_loop3A_1560 : vector<1x1x1x16xf32> to vector<16xf32>
        %parallel_loop3A_1562 = vector.shape_cast %parallel_loop3A_1552 : vector<16xf32> to vector<1x1x1x16xf32>
        tpu.vector_store %arg9[%parallel_loop3A_1556, %parallel_loop3A_1557, %parallel_loop3A_1558, %parallel_loop3A_1559], %parallel_loop3A_1562 {strides = array<i32>} : memref<2x8x4x768xf32, #tpu.memory_space<vmem>>, vector<1x1x1x16xf32>,
        %parallel_loop3A_1563 = arith.constant 16 : i32
        %parallel_loop3A_1564 = vector.broadcast %parallel_loop3A_1563 : i32 to vector<16xi32>
        %parallel_loop3A_1565 = arith.shli %parallel_loop3A_1165, %parallel_loop3A_1564 : vector<16xi32>
        %parallel_loop3A_1566 = tpu.bitcast %parallel_loop3A_1565 : vector<16xi32> -> vector<16xf32>
        %parallel_loop3A_1567 = arith.constant -65536 : i32
        %parallel_loop3A_1568 = vector.broadcast %parallel_loop3A_1567 : i32 to vector<16xi32>
        %parallel_loop3A_1569 = arith.andi %parallel_loop3A_1165, %parallel_loop3A_1568 : vector<16xi32>
        %parallel_loop3A_1570 = tpu.bitcast %parallel_loop3A_1569 : vector<16xi32> -> vector<16xf32>
        %parallel_loop3A_1571 = arith.constant 16 : i32
        %parallel_loop3A_1572 = vector.broadcast %parallel_loop3A_1571 : i32 to vector<16xi32>
        %parallel_loop3A_1573 = arith.shli %parallel_loop3A_1170, %parallel_loop3A_1572 : vector<16xi32>
        %parallel_loop3A_1574 = tpu.bitcast %parallel_loop3A_1573 : vector<16xi32> -> vector<16xf32>
        %parallel_loop3A_1575 = arith.constant -65536 : i32
        %parallel_loop3A_1576 = vector.broadcast %parallel_loop3A_1575 : i32 to vector<16xi32>
        %parallel_loop3A_1577 = arith.andi %parallel_loop3A_1170, %parallel_loop3A_1576 : vector<16xi32>
        %parallel_loop3A_1578 = tpu.bitcast %parallel_loop3A_1577 : vector<16xi32> -> vector<16xf32>
        %parallel_loop3A_1579 = arith.mulf %parallel_loop3A_185, %parallel_loop3A_1566 : vector<16xf32>
        %parallel_loop3A_1580 = arith.mulf %parallel_loop3A_200, %parallel_loop3A_1574 : vector<16xf32>
        %parallel_loop3A_1581 = arith.addf %parallel_loop3A_1579, %parallel_loop3A_1580 : vector<16xf32>
        %parallel_loop3A_1582 = arith.mulf %parallel_loop3A_189, %parallel_loop3A_1570 : vector<16xf32>
        %parallel_loop3A_1583 = arith.mulf %parallel_loop3A_204, %parallel_loop3A_1578 : vector<16xf32>
        %parallel_loop3A_1584 = arith.addf %parallel_loop3A_1582, %parallel_loop3A_1583 : vector<16xf32>
        %parallel_loop3A_1585 = arith.constant 27.7128124 : f32
        %parallel_loop3A_1586 = vector.broadcast %parallel_loop3A_1585 : f32 to vector<16xf32>
        %parallel_loop3A_1587 = arith.mulf %parallel_loop3A_1177, %parallel_loop3A_1586 : vector<16xf32>
        %parallel_loop3A_1588 = arith.addf %parallel_loop3A_1587, %parallel_loop3A_1581 : vector<16xf32>
        %parallel_loop3A_1589 = arith.constant 1 : i32
        %parallel_loop3A_1590 = arith.constant 6 : i32
        %parallel_loop3A_1591 = arith.constant 0 : i32
        %parallel_loop3A_1592 = arith.index_cast %parallel_loop3A_1589 : i32 to index
        %parallel_loop3A_1593 = arith.index_cast %parallel_loop3A_1590 : i32 to index
        %parallel_loop3A_1594 = arith.index_cast %parallel_loop3A_1591 : i32 to index
        %parallel_loop3A_1595 = arith.index_cast %parallel_loop3A_208 : i32 to index
        %parallel_loop3A_1596 = tpu.vector_load %arg9[%parallel_loop3A_1592, %parallel_loop3A_1593, %parallel_loop3A_1594, %parallel_loop3A_1595] {strides = array<i32>} : memref<2x8x4x768xf32, #tpu.memory_space<vmem>>, vector<1x1x1x16xf32>,
        %parallel_loop3A_1597 = vector.shape_cast %parallel_loop3A_1596 : vector<1x1x1x16xf32> to vector<16xf32>
        %parallel_loop3A_1598 = vector.shape_cast %parallel_loop3A_1588 : vector<16xf32> to vector<1x1x1x16xf32>
        tpu.vector_store %arg9[%parallel_loop3A_1592, %parallel_loop3A_1593, %parallel_loop3A_1594, %parallel_loop3A_1595], %parallel_loop3A_1598 {strides = array<i32>} : memref<2x8x4x768xf32, #tpu.memory_space<vmem>>, vector<1x1x1x16xf32>,
        %parallel_loop3A_1599 = arith.constant 27.7128124 : f32
        %parallel_loop3A_1600 = vector.broadcast %parallel_loop3A_1599 : f32 to vector<16xf32>
        %parallel_loop3A_1601 = arith.mulf %parallel_loop3A_1205, %parallel_loop3A_1600 : vector<16xf32>
        %parallel_loop3A_1602 = arith.addf %parallel_loop3A_1601, %parallel_loop3A_1584 : vector<16xf32>
        %parallel_loop3A_1603 = arith.constant 1 : i32
        %parallel_loop3A_1604 = arith.constant 6 : i32
        %parallel_loop3A_1605 = arith.constant 0 : i32
        %parallel_loop3A_1606 = arith.index_cast %parallel_loop3A_1603 : i32 to index
        %parallel_loop3A_1607 = arith.index_cast %parallel_loop3A_1604 : i32 to index
        %parallel_loop3A_1608 = arith.index_cast %parallel_loop3A_1605 : i32 to index
        %parallel_loop3A_1609 = arith.index_cast %parallel_loop3A_214 : i32 to index
        %parallel_loop3A_1610 = tpu.vector_load %arg9[%parallel_loop3A_1606, %parallel_loop3A_1607, %parallel_loop3A_1608, %parallel_loop3A_1609] {strides = array<i32>} : memref<2x8x4x768xf32, #tpu.memory_space<vmem>>, vector<1x1x1x16xf32>,
        %parallel_loop3A_1611 = vector.shape_cast %parallel_loop3A_1610 : vector<1x1x1x16xf32> to vector<16xf32>
        %parallel_loop3A_1612 = vector.shape_cast %parallel_loop3A_1602 : vector<16xf32> to vector<1x1x1x16xf32>
        tpu.vector_store %arg9[%parallel_loop3A_1606, %parallel_loop3A_1607, %parallel_loop3A_1608, %parallel_loop3A_1609], %parallel_loop3A_1612 {strides = array<i32>} : memref<2x8x4x768xf32, #tpu.memory_space<vmem>>, vector<1x1x1x16xf32>,
        %parallel_loop3A_1613 = arith.constant 27.7128124 : f32
        %parallel_loop3A_1614 = vector.broadcast %parallel_loop3A_1613 : f32 to vector<16xf32>
        %parallel_loop3A_1615 = arith.mulf %parallel_loop3A_1184, %parallel_loop3A_1614 : vector<16xf32>
        %parallel_loop3A_1616 = arith.addf %parallel_loop3A_1615, %parallel_loop3A_1581 : vector<16xf32>
        %parallel_loop3A_1617 = arith.constant 1 : i32
        %parallel_loop3A_1618 = arith.constant 6 : i32
        %parallel_loop3A_1619 = arith.constant 1 : i32
        %parallel_loop3A_1620 = arith.index_cast %parallel_loop3A_1617 : i32 to index
        %parallel_loop3A_1621 = arith.index_cast %parallel_loop3A_1618 : i32 to index
        %parallel_loop3A_1622 = arith.index_cast %parallel_loop3A_1619 : i32 to index
        %parallel_loop3A_1623 = arith.index_cast %parallel_loop3A_208 : i32 to index
        %parallel_loop3A_1624 = tpu.vector_load %arg9[%parallel_loop3A_1620, %parallel_loop3A_1621, %parallel_loop3A_1622, %parallel_loop3A_1623] {strides = array<i32>} : memref<2x8x4x768xf32, #tpu.memory_space<vmem>>, vector<1x1x1x16xf32>,
        %parallel_loop3A_1625 = vector.shape_cast %parallel_loop3A_1624 : vector<1x1x1x16xf32> to vector<16xf32>
        %parallel_loop3A_1626 = vector.shape_cast %parallel_loop3A_1616 : vector<16xf32> to vector<1x1x1x16xf32>
        tpu.vector_store %arg9[%parallel_loop3A_1620, %parallel_loop3A_1621, %parallel_loop3A_1622, %parallel_loop3A_1623], %parallel_loop3A_1626 {strides = array<i32>} : memref<2x8x4x768xf32, #tpu.memory_space<vmem>>, vector<1x1x1x16xf32>,
        %parallel_loop3A_1627 = arith.constant 27.7128124 : f32
        %parallel_loop3A_1628 = vector.broadcast %parallel_loop3A_1627 : f32 to vector<16xf32>
        %parallel_loop3A_1629 = arith.mulf %parallel_loop3A_1212, %parallel_loop3A_1628 : vector<16xf32>
        %parallel_loop3A_1630 = arith.addf %parallel_loop3A_1629, %parallel_loop3A_1584 : vector<16xf32>
        %parallel_loop3A_1631 = arith.constant 1 : i32
        %parallel_loop3A_1632 = arith.constant 6 : i32
        %parallel_loop3A_1633 = arith.constant 1 : i32
        %parallel_loop3A_1634 = arith.index_cast %parallel_loop3A_1631 : i32 to index
        %parallel_loop3A_1635 = arith.index_cast %parallel_loop3A_1632 : i32 to index
        %parallel_loop3A_1636 = arith.index_cast %parallel_loop3A_1633 : i32 to index
        %parallel_loop3A_1637 = arith.index_cast %parallel_loop3A_214 : i32 to index
        %parallel_loop3A_1638 = tpu.vector_load %arg9[%parallel_loop3A_1634, %parallel_loop3A_1635, %parallel_loop3A_1636, %parallel_loop3A_1637] {strides = array<i32>} : memref<2x8x4x768xf32, #tpu.memory_space<vmem>>, vector<1x1x1x16xf32>,
        %parallel_loop3A_1639 = vector.shape_cast %parallel_loop3A_1638 : vector<1x1x1x16xf32> to vector<16xf32>
        %parallel_loop3A_1640 = vector.shape_cast %parallel_loop3A_1630 : vector<16xf32> to vector<1x1x1x16xf32>
        tpu.vector_store %arg9[%parallel_loop3A_1634, %parallel_loop3A_1635, %parallel_loop3A_1636, %parallel_loop3A_1637], %parallel_loop3A_1640 {strides = array<i32>} : memref<2x8x4x768xf32, #tpu.memory_space<vmem>>, vector<1x1x1x16xf32>,
        %parallel_loop3A_1641 = arith.constant 27.7128124 : f32
        %parallel_loop3A_1642 = vector.broadcast %parallel_loop3A_1641 : f32 to vector<16xf32>
        %parallel_loop3A_1643 = arith.mulf %parallel_loop3A_1191, %parallel_loop3A_1642 : vector<16xf32>
        %parallel_loop3A_1644 = arith.addf %parallel_loop3A_1643, %parallel_loop3A_1581 : vector<16xf32>
        %parallel_loop3A_1645 = arith.constant 1 : i32
        %parallel_loop3A_1646 = arith.constant 6 : i32
        %parallel_loop3A_1647 = arith.constant 2 : i32
        %parallel_loop3A_1648 = arith.index_cast %parallel_loop3A_1645 : i32 to index
        %parallel_loop3A_1649 = arith.index_cast %parallel_loop3A_1646 : i32 to index
        %parallel_loop3A_1650 = arith.index_cast %parallel_loop3A_1647 : i32 to index
        %parallel_loop3A_1651 = arith.index_cast %parallel_loop3A_208 : i32 to index
        %parallel_loop3A_1652 = tpu.vector_load %arg9[%parallel_loop3A_1648, %parallel_loop3A_1649, %parallel_loop3A_1650, %parallel_loop3A_1651] {strides = array<i32>} : memref<2x8x4x768xf32, #tpu.memory_space<vmem>>, vector<1x1x1x16xf32>,
        %parallel_loop3A_1653 = vector.shape_cast %parallel_loop3A_1652 : vector<1x1x1x16xf32> to vector<16xf32>
        %parallel_loop3A_1654 = vector.shape_cast %parallel_loop3A_1644 : vector<16xf32> to vector<1x1x1x16xf32>
        tpu.vector_store %arg9[%parallel_loop3A_1648, %parallel_loop3A_1649, %parallel_loop3A_1650, %parallel_loop3A_1651], %parallel_loop3A_1654 {strides = array<i32>} : memref<2x8x4x768xf32, #tpu.memory_space<vmem>>, vector<1x1x1x16xf32>,
        %parallel_loop3A_1655 = arith.constant 27.7128124 : f32
        %parallel_loop3A_1656 = vector.broadcast %parallel_loop3A_1655 : f32 to vector<16xf32>
        %parallel_loop3A_1657 = arith.mulf %parallel_loop3A_1219, %parallel_loop3A_1656 : vector<16xf32>
        %parallel_loop3A_1658 = arith.addf %parallel_loop3A_1657, %parallel_loop3A_1584 : vector<16xf32>
        %parallel_loop3A_1659 = arith.constant 1 : i32
        %parallel_loop3A_1660 = arith.constant 6 : i32
        %parallel_loop3A_1661 = arith.constant 2 : i32
        %parallel_loop3A_1662 = arith.index_cast %parallel_loop3A_1659 : i32 to index
        %parallel_loop3A_1663 = arith.index_cast %parallel_loop3A_1660 : i32 to index
        %parallel_loop3A_1664 = arith.index_cast %parallel_loop3A_1661 : i32 to index
        %parallel_loop3A_1665 = arith.index_cast %parallel_loop3A_214 : i32 to index
        %parallel_loop3A_1666 = tpu.vector_load %arg9[%parallel_loop3A_1662, %parallel_loop3A_1663, %parallel_loop3A_1664, %parallel_loop3A_1665] {strides = array<i32>} : memref<2x8x4x768xf32, #tpu.memory_space<vmem>>, vector<1x1x1x16xf32>,
        %parallel_loop3A_1667 = vector.shape_cast %parallel_loop3A_1666 : vector<1x1x1x16xf32> to vector<16xf32>
        %parallel_loop3A_1668 = vector.shape_cast %parallel_loop3A_1658 : vector<16xf32> to vector<1x1x1x16xf32>
        tpu.vector_store %arg9[%parallel_loop3A_1662, %parallel_loop3A_1663, %parallel_loop3A_1664, %parallel_loop3A_1665], %parallel_loop3A_1668 {strides = array<i32>} : memref<2x8x4x768xf32, #tpu.memory_space<vmem>>, vector<1x1x1x16xf32>,
        %parallel_loop3A_1669 = arith.constant 27.7128124 : f32
        %parallel_loop3A_1670 = vector.broadcast %parallel_loop3A_1669 : f32 to vector<16xf32>
        %parallel_loop3A_1671 = arith.mulf %parallel_loop3A_1198, %parallel_loop3A_1670 : vector<16xf32>
        %parallel_loop3A_1672 = arith.addf %parallel_loop3A_1671, %parallel_loop3A_1581 : vector<16xf32>
        %parallel_loop3A_1673 = arith.constant 1 : i32
        %parallel_loop3A_1674 = arith.constant 6 : i32
        %parallel_loop3A_1675 = arith.constant 3 : i32
        %parallel_loop3A_1676 = arith.index_cast %parallel_loop3A_1673 : i32 to index
        %parallel_loop3A_1677 = arith.index_cast %parallel_loop3A_1674 : i32 to index
        %parallel_loop3A_1678 = arith.index_cast %parallel_loop3A_1675 : i32 to index
        %parallel_loop3A_1679 = arith.index_cast %parallel_loop3A_208 : i32 to index
        %parallel_loop3A_1680 = tpu.vector_load %arg9[%parallel_loop3A_1676, %parallel_loop3A_1677, %parallel_loop3A_1678, %parallel_loop3A_1679] {strides = array<i32>} : memref<2x8x4x768xf32, #tpu.memory_space<vmem>>, vector<1x1x1x16xf32>,
        %parallel_loop3A_1681 = vector.shape_cast %parallel_loop3A_1680 : vector<1x1x1x16xf32> to vector<16xf32>
        %parallel_loop3A_1682 = vector.shape_cast %parallel_loop3A_1672 : vector<16xf32> to vector<1x1x1x16xf32>
        tpu.vector_store %arg9[%parallel_loop3A_1676, %parallel_loop3A_1677, %parallel_loop3A_1678, %parallel_loop3A_1679], %parallel_loop3A_1682 {strides = array<i32>} : memref<2x8x4x768xf32, #tpu.memory_space<vmem>>, vector<1x1x1x16xf32>,
        %parallel_loop3A_1683 = arith.constant 27.7128124 : f32
        %parallel_loop3A_1684 = vector.broadcast %parallel_loop3A_1683 : f32 to vector<16xf32>
        %parallel_loop3A_1685 = arith.mulf %parallel_loop3A_1226, %parallel_loop3A_1684 : vector<16xf32>
        %parallel_loop3A_1686 = arith.addf %parallel_loop3A_1685, %parallel_loop3A_1584 : vector<16xf32>
        %parallel_loop3A_1687 = arith.constant 1 : i32
        %parallel_loop3A_1688 = arith.constant 6 : i32
        %parallel_loop3A_1689 = arith.constant 3 : i32
        %parallel_loop3A_1690 = arith.index_cast %parallel_loop3A_1687 : i32 to index
        %parallel_loop3A_1691 = arith.index_cast %parallel_loop3A_1688 : i32 to index
        %parallel_loop3A_1692 = arith.index_cast %parallel_loop3A_1689 : i32 to index
        %parallel_loop3A_1693 = arith.index_cast %parallel_loop3A_214 : i32 to index
        %parallel_loop3A_1694 = tpu.vector_load %arg9[%parallel_loop3A_1690, %parallel_loop3A_1691, %parallel_loop3A_1692, %parallel_loop3A_1693] {strides = array<i32>} : memref<2x8x4x768xf32, #tpu.memory_space<vmem>>, vector<1x1x1x16xf32>,
        %parallel_loop3A_1695 = vector.shape_cast %parallel_loop3A_1694 : vector<1x1x1x16xf32> to vector<16xf32>
        %parallel_loop3A_1696 = vector.shape_cast %parallel_loop3A_1686 : vector<16xf32> to vector<1x1x1x16xf32>
        tpu.vector_store %arg9[%parallel_loop3A_1690, %parallel_loop3A_1691, %parallel_loop3A_1692, %parallel_loop3A_1693], %parallel_loop3A_1696 {strides = array<i32>} : memref<2x8x4x768xf32, #tpu.memory_space<vmem>>, vector<1x1x1x16xf32>,
        %parallel_loop3A_1697 = arith.constant 16 : i32
        %parallel_loop3A_1698 = vector.broadcast %parallel_loop3A_1697 : i32 to vector<16xi32>
        %parallel_loop3A_1699 = arith.shli %parallel_loop3A_1367, %parallel_loop3A_1698 : vector<16xi32>
        %parallel_loop3A_1700 = tpu.bitcast %parallel_loop3A_1699 : vector<16xi32> -> vector<16xf32>
        %parallel_loop3A_1701 = arith.constant -65536 : i32
        %parallel_loop3A_1702 = vector.broadcast %parallel_loop3A_1701 : i32 to vector<16xi32>
        %parallel_loop3A_1703 = arith.andi %parallel_loop3A_1367, %parallel_loop3A_1702 : vector<16xi32>
        %parallel_loop3A_1704 = tpu.bitcast %parallel_loop3A_1703 : vector<16xi32> -> vector<16xf32>
        %parallel_loop3A_1705 = arith.constant 16 : i32
        %parallel_loop3A_1706 = vector.broadcast %parallel_loop3A_1705 : i32 to vector<16xi32>
        %parallel_loop3A_1707 = arith.shli %parallel_loop3A_1372, %parallel_loop3A_1706 : vector<16xi32>
        %parallel_loop3A_1708 = tpu.bitcast %parallel_loop3A_1707 : vector<16xi32> -> vector<16xf32>
        %parallel_loop3A_1709 = arith.constant -65536 : i32
        %parallel_loop3A_1710 = vector.broadcast %parallel_loop3A_1709 : i32 to vector<16xi32>
        %parallel_loop3A_1711 = arith.andi %parallel_loop3A_1372, %parallel_loop3A_1710 : vector<16xi32>
        %parallel_loop3A_1712 = tpu.bitcast %parallel_loop3A_1711 : vector<16xi32> -> vector<16xf32>
        %parallel_loop3A_1713 = arith.mulf %parallel_loop3A_185, %parallel_loop3A_1700 : vector<16xf32>
        %parallel_loop3A_1714 = arith.mulf %parallel_loop3A_200, %parallel_loop3A_1708 : vector<16xf32>
        %parallel_loop3A_1715 = arith.addf %parallel_loop3A_1713, %parallel_loop3A_1714 : vector<16xf32>
        %parallel_loop3A_1716 = arith.mulf %parallel_loop3A_189, %parallel_loop3A_1704 : vector<16xf32>
        %parallel_loop3A_1717 = arith.mulf %parallel_loop3A_204, %parallel_loop3A_1712 : vector<16xf32>
        %parallel_loop3A_1718 = arith.addf %parallel_loop3A_1716, %parallel_loop3A_1717 : vector<16xf32>
        %parallel_loop3A_1719 = arith.constant 27.7128124 : f32
        %parallel_loop3A_1720 = vector.broadcast %parallel_loop3A_1719 : f32 to vector<16xf32>
        %parallel_loop3A_1721 = arith.mulf %parallel_loop3A_1379, %parallel_loop3A_1720 : vector<16xf32>
        %parallel_loop3A_1722 = arith.addf %parallel_loop3A_1721, %parallel_loop3A_1715 : vector<16xf32>
        %parallel_loop3A_1723 = arith.constant 1 : i32
        %parallel_loop3A_1724 = arith.constant 7 : i32
        %parallel_loop3A_1725 = arith.constant 0 : i32
        %parallel_loop3A_1726 = arith.index_cast %parallel_loop3A_1723 : i32 to index
        %parallel_loop3A_1727 = arith.index_cast %parallel_loop3A_1724 : i32 to index
        %parallel_loop3A_1728 = arith.index_cast %parallel_loop3A_1725 : i32 to index
        %parallel_loop3A_1729 = arith.index_cast %parallel_loop3A_208 : i32 to index
        %parallel_loop3A_1730 = tpu.vector_load %arg9[%parallel_loop3A_1726, %parallel_loop3A_1727, %parallel_loop3A_1728, %parallel_loop3A_1729] {strides = array<i32>} : memref<2x8x4x768xf32, #tpu.memory_space<vmem>>, vector<1x1x1x16xf32>,
        %parallel_loop3A_1731 = vector.shape_cast %parallel_loop3A_1730 : vector<1x1x1x16xf32> to vector<16xf32>
        %parallel_loop3A_1732 = vector.shape_cast %parallel_loop3A_1722 : vector<16xf32> to vector<1x1x1x16xf32>
        tpu.vector_store %arg9[%parallel_loop3A_1726, %parallel_loop3A_1727, %parallel_loop3A_1728, %parallel_loop3A_1729], %parallel_loop3A_1732 {strides = array<i32>} : memref<2x8x4x768xf32, #tpu.memory_space<vmem>>, vector<1x1x1x16xf32>,
        %parallel_loop3A_1733 = arith.constant 27.7128124 : f32
        %parallel_loop3A_1734 = vector.broadcast %parallel_loop3A_1733 : f32 to vector<16xf32>
        %parallel_loop3A_1735 = arith.mulf %parallel_loop3A_1407, %parallel_loop3A_1734 : vector<16xf32>
        %parallel_loop3A_1736 = arith.addf %parallel_loop3A_1735, %parallel_loop3A_1718 : vector<16xf32>
        %parallel_loop3A_1737 = arith.constant 1 : i32
        %parallel_loop3A_1738 = arith.constant 7 : i32
        %parallel_loop3A_1739 = arith.constant 0 : i32
        %parallel_loop3A_1740 = arith.index_cast %parallel_loop3A_1737 : i32 to index
        %parallel_loop3A_1741 = arith.index_cast %parallel_loop3A_1738 : i32 to index
        %parallel_loop3A_1742 = arith.index_cast %parallel_loop3A_1739 : i32 to index
        %parallel_loop3A_1743 = arith.index_cast %parallel_loop3A_214 : i32 to index
        %parallel_loop3A_1744 = tpu.vector_load %arg9[%parallel_loop3A_1740, %parallel_loop3A_1741, %parallel_loop3A_1742, %parallel_loop3A_1743] {strides = array<i32>} : memref<2x8x4x768xf32, #tpu.memory_space<vmem>>, vector<1x1x1x16xf32>,
        %parallel_loop3A_1745 = vector.shape_cast %parallel_loop3A_1744 : vector<1x1x1x16xf32> to vector<16xf32>
        %parallel_loop3A_1746 = vector.shape_cast %parallel_loop3A_1736 : vector<16xf32> to vector<1x1x1x16xf32>
        tpu.vector_store %arg9[%parallel_loop3A_1740, %parallel_loop3A_1741, %parallel_loop3A_1742, %parallel_loop3A_1743], %parallel_loop3A_1746 {strides = array<i32>} : memref<2x8x4x768xf32, #tpu.memory_space<vmem>>, vector<1x1x1x16xf32>,
        %parallel_loop3A_1747 = arith.constant 27.7128124 : f32
        %parallel_loop3A_1748 = vector.broadcast %parallel_loop3A_1747 : f32 to vector<16xf32>
        %parallel_loop3A_1749 = arith.mulf %parallel_loop3A_1386, %parallel_loop3A_1748 : vector<16xf32>
        %parallel_loop3A_1750 = arith.addf %parallel_loop3A_1749, %parallel_loop3A_1715 : vector<16xf32>
        %parallel_loop3A_1751 = arith.constant 1 : i32
        %parallel_loop3A_1752 = arith.constant 7 : i32
        %parallel_loop3A_1753 = arith.constant 1 : i32
        %parallel_loop3A_1754 = arith.index_cast %parallel_loop3A_1751 : i32 to index
        %parallel_loop3A_1755 = arith.index_cast %parallel_loop3A_1752 : i32 to index
        %parallel_loop3A_1756 = arith.index_cast %parallel_loop3A_1753 : i32 to index
        %parallel_loop3A_1757 = arith.index_cast %parallel_loop3A_208 : i32 to index
        %parallel_loop3A_1758 = tpu.vector_load %arg9[%parallel_loop3A_1754, %parallel_loop3A_1755, %parallel_loop3A_1756, %parallel_loop3A_1757] {strides = array<i32>} : memref<2x8x4x768xf32, #tpu.memory_space<vmem>>, vector<1x1x1x16xf32>,
        %parallel_loop3A_1759 = vector.shape_cast %parallel_loop3A_1758 : vector<1x1x1x16xf32> to vector<16xf32>
        %parallel_loop3A_1760 = vector.shape_cast %parallel_loop3A_1750 : vector<16xf32> to vector<1x1x1x16xf32>
        tpu.vector_store %arg9[%parallel_loop3A_1754, %parallel_loop3A_1755, %parallel_loop3A_1756, %parallel_loop3A_1757], %parallel_loop3A_1760 {strides = array<i32>} : memref<2x8x4x768xf32, #tpu.memory_space<vmem>>, vector<1x1x1x16xf32>,
        %parallel_loop3A_1761 = arith.constant 27.7128124 : f32
        %parallel_loop3A_1762 = vector.broadcast %parallel_loop3A_1761 : f32 to vector<16xf32>
        %parallel_loop3A_1763 = arith.mulf %parallel_loop3A_1414, %parallel_loop3A_1762 : vector<16xf32>
        %parallel_loop3A_1764 = arith.addf %parallel_loop3A_1763, %parallel_loop3A_1718 : vector<16xf32>
        %parallel_loop3A_1765 = arith.constant 1 : i32
        %parallel_loop3A_1766 = arith.constant 7 : i32
        %parallel_loop3A_1767 = arith.constant 1 : i32
        %parallel_loop3A_1768 = arith.index_cast %parallel_loop3A_1765 : i32 to index
        %parallel_loop3A_1769 = arith.index_cast %parallel_loop3A_1766 : i32 to index
        %parallel_loop3A_1770 = arith.index_cast %parallel_loop3A_1767 : i32 to index
        %parallel_loop3A_1771 = arith.index_cast %parallel_loop3A_214 : i32 to index
        %parallel_loop3A_1772 = tpu.vector_load %arg9[%parallel_loop3A_1768, %parallel_loop3A_1769, %parallel_loop3A_1770, %parallel_loop3A_1771] {strides = array<i32>} : memref<2x8x4x768xf32, #tpu.memory_space<vmem>>, vector<1x1x1x16xf32>,
        %parallel_loop3A_1773 = vector.shape_cast %parallel_loop3A_1772 : vector<1x1x1x16xf32> to vector<16xf32>
        %parallel_loop3A_1774 = vector.shape_cast %parallel_loop3A_1764 : vector<16xf32> to vector<1x1x1x16xf32>
        tpu.vector_store %arg9[%parallel_loop3A_1768, %parallel_loop3A_1769, %parallel_loop3A_1770, %parallel_loop3A_1771], %parallel_loop3A_1774 {strides = array<i32>} : memref<2x8x4x768xf32, #tpu.memory_space<vmem>>, vector<1x1x1x16xf32>,
        %parallel_loop3A_1775 = arith.constant 27.7128124 : f32
        %parallel_loop3A_1776 = vector.broadcast %parallel_loop3A_1775 : f32 to vector<16xf32>
        %parallel_loop3A_1777 = arith.mulf %parallel_loop3A_1393, %parallel_loop3A_1776 : vector<16xf32>
        %parallel_loop3A_1778 = arith.addf %parallel_loop3A_1777, %parallel_loop3A_1715 : vector<16xf32>
        %parallel_loop3A_1779 = arith.constant 1 : i32
        %parallel_loop3A_1780 = arith.constant 7 : i32
        %parallel_loop3A_1781 = arith.constant 2 : i32
        %parallel_loop3A_1782 = arith.index_cast %parallel_loop3A_1779 : i32 to index
        %parallel_loop3A_1783 = arith.index_cast %parallel_loop3A_1780 : i32 to index
        %parallel_loop3A_1784 = arith.index_cast %parallel_loop3A_1781 : i32 to index
        %parallel_loop3A_1785 = arith.index_cast %parallel_loop3A_208 : i32 to index
        %parallel_loop3A_1786 = tpu.vector_load %arg9[%parallel_loop3A_1782, %parallel_loop3A_1783, %parallel_loop3A_1784, %parallel_loop3A_1785] {strides = array<i32>} : memref<2x8x4x768xf32, #tpu.memory_space<vmem>>, vector<1x1x1x16xf32>,
        %parallel_loop3A_1787 = vector.shape_cast %parallel_loop3A_1786 : vector<1x1x1x16xf32> to vector<16xf32>
        %parallel_loop3A_1788 = vector.shape_cast %parallel_loop3A_1778 : vector<16xf32> to vector<1x1x1x16xf32>
        tpu.vector_store %arg9[%parallel_loop3A_1782, %parallel_loop3A_1783, %parallel_loop3A_1784, %parallel_loop3A_1785], %parallel_loop3A_1788 {strides = array<i32>} : memref<2x8x4x768xf32, #tpu.memory_space<vmem>>, vector<1x1x1x16xf32>,
        %parallel_loop3A_1789 = arith.constant 27.7128124 : f32
        %parallel_loop3A_1790 = vector.broadcast %parallel_loop3A_1789 : f32 to vector<16xf32>
        %parallel_loop3A_1791 = arith.mulf %parallel_loop3A_1421, %parallel_loop3A_1790 : vector<16xf32>
        %parallel_loop3A_1792 = arith.addf %parallel_loop3A_1791, %parallel_loop3A_1718 : vector<16xf32>
        %parallel_loop3A_1793 = arith.constant 1 : i32
        %parallel_loop3A_1794 = arith.constant 7 : i32
        %parallel_loop3A_1795 = arith.constant 2 : i32
        %parallel_loop3A_1796 = arith.index_cast %parallel_loop3A_1793 : i32 to index
        %parallel_loop3A_1797 = arith.index_cast %parallel_loop3A_1794 : i32 to index
        %parallel_loop3A_1798 = arith.index_cast %parallel_loop3A_1795 : i32 to index
        %parallel_loop3A_1799 = arith.index_cast %parallel_loop3A_214 : i32 to index
        %parallel_loop3A_1800 = tpu.vector_load %arg9[%parallel_loop3A_1796, %parallel_loop3A_1797, %parallel_loop3A_1798, %parallel_loop3A_1799] {strides = array<i32>} : memref<2x8x4x768xf32, #tpu.memory_space<vmem>>, vector<1x1x1x16xf32>,
        %parallel_loop3A_1801 = vector.shape_cast %parallel_loop3A_1800 : vector<1x1x1x16xf32> to vector<16xf32>
        %parallel_loop3A_1802 = vector.shape_cast %parallel_loop3A_1792 : vector<16xf32> to vector<1x1x1x16xf32>
        tpu.vector_store %arg9[%parallel_loop3A_1796, %parallel_loop3A_1797, %parallel_loop3A_1798, %parallel_loop3A_1799], %parallel_loop3A_1802 {strides = array<i32>} : memref<2x8x4x768xf32, #tpu.memory_space<vmem>>, vector<1x1x1x16xf32>,
        %parallel_loop3A_1803 = arith.constant 27.7128124 : f32
        %parallel_loop3A_1804 = vector.broadcast %parallel_loop3A_1803 : f32 to vector<16xf32>
        %parallel_loop3A_1805 = arith.mulf %parallel_loop3A_1400, %parallel_loop3A_1804 : vector<16xf32>
        %parallel_loop3A_1806 = arith.addf %parallel_loop3A_1805, %parallel_loop3A_1715 : vector<16xf32>
        %parallel_loop3A_1807 = arith.constant 1 : i32
        %parallel_loop3A_1808 = arith.constant 7 : i32
        %parallel_loop3A_1809 = arith.constant 3 : i32
        %parallel_loop3A_1810 = arith.index_cast %parallel_loop3A_1807 : i32 to index
        %parallel_loop3A_1811 = arith.index_cast %parallel_loop3A_1808 : i32 to index
        %parallel_loop3A_1812 = arith.index_cast %parallel_loop3A_1809 : i32 to index
        %parallel_loop3A_1813 = arith.index_cast %parallel_loop3A_208 : i32 to index
        %parallel_loop3A_1814 = tpu.vector_load %arg9[%parallel_loop3A_1810, %parallel_loop3A_1811, %parallel_loop3A_1812, %parallel_loop3A_1813] {strides = array<i32>} : memref<2x8x4x768xf32, #tpu.memory_space<vmem>>, vector<1x1x1x16xf32>,
        %parallel_loop3A_1815 = vector.shape_cast %parallel_loop3A_1814 : vector<1x1x1x16xf32> to vector<16xf32>
        %parallel_loop3A_1816 = vector.shape_cast %parallel_loop3A_1806 : vector<16xf32> to vector<1x1x1x16xf32>
        tpu.vector_store %arg9[%parallel_loop3A_1810, %parallel_loop3A_1811, %parallel_loop3A_1812, %parallel_loop3A_1813], %parallel_loop3A_1816 {strides = array<i32>} : memref<2x8x4x768xf32, #tpu.memory_space<vmem>>, vector<1x1x1x16xf32>,
        %parallel_loop3A_1817 = arith.constant 27.7128124 : f32
        %parallel_loop3A_1818 = vector.broadcast %parallel_loop3A_1817 : f32 to vector<16xf32>
        %parallel_loop3A_1819 = arith.mulf %parallel_loop3A_1428, %parallel_loop3A_1818 : vector<16xf32>
        %parallel_loop3A_1820 = arith.addf %parallel_loop3A_1819, %parallel_loop3A_1718 : vector<16xf32>
        %parallel_loop3A_1821 = arith.constant 1 : i32
        %parallel_loop3A_1822 = arith.constant 7 : i32
        %parallel_loop3A_1823 = arith.constant 3 : i32
        %parallel_loop3A_1824 = arith.index_cast %parallel_loop3A_1821 : i32 to index
        %parallel_loop3A_1825 = arith.index_cast %parallel_loop3A_1822 : i32 to index
        %parallel_loop3A_1826 = arith.index_cast %parallel_loop3A_1823 : i32 to index
        %parallel_loop3A_1827 = arith.index_cast %parallel_loop3A_214 : i32 to index
        %parallel_loop3A_1828 = tpu.vector_load %arg9[%parallel_loop3A_1824, %parallel_loop3A_1825, %parallel_loop3A_1826, %parallel_loop3A_1827] {strides = array<i32>} : memref<2x8x4x768xf32, #tpu.memory_space<vmem>>, vector<1x1x1x16xf32>,
        %parallel_loop3A_1829 = vector.shape_cast %parallel_loop3A_1828 : vector<1x1x1x16xf32> to vector<16xf32>
        %parallel_loop3A_1830 = vector.shape_cast %parallel_loop3A_1820 : vector<16xf32> to vector<1x1x1x16xf32>
        tpu.vector_store %arg9[%parallel_loop3A_1824, %parallel_loop3A_1825, %parallel_loop3A_1826, %parallel_loop3A_1827], %parallel_loop3A_1830 {strides = array<i32>} : memref<2x8x4x768xf32, #tpu.memory_space<vmem>>, vector<1x1x1x16xf32>,
      } {sc.loop_unroll_factor = 1 : i64, sc.parallel_access}
      %mul3A_156 = arith.constant 8 : i32
      %mul3A_157 = arith.muli %add3A_121, %mul3A_156 : i32
      %add3A_158 = arith.addi %mul3A_2, %mul3A_157 : i32
      %dma_start3A_159 = arith.constant 1 : i32
      %dma_start3A_160 = arith.constant 0 : i32
      %dma_start3A_161 = arith.constant 0 : i32
      %dma_start3A_162 = arith.constant 0 : i32
      %dma_start3A_163 = tpu.memref_slice %arg9[%dma_start3A_159, %dma_start3A_160, %dma_start3A_161, %dma_start3A_162] : memref<2x8x4x768xf32, #tpu.memory_space<vmem>> -> memref<1x8x4x768xf32, #tpu.memory_space<vmem>>
      %dma_start3A_164 = tpu.memref_squeeze %dma_start3A_163 : memref<1x8x4x768xf32, #tpu.memory_space<vmem>> -> memref<8x4x768xf32, #tpu.memory_space<vmem>>
      %dma_start3A_165 = arith.constant 0 : i32
      %dma_start3A_166 = arith.constant 0 : i32
      %dma_start3A_167 = tpu.memref_slice %arg6[%add3A_158, %dma_start3A_165, %dma_start3A_166] : memref<4096x4x768xf32, #tpu.memory_space<hbm>> -> memref<8x4x768xf32, #tpu.memory_space<hbm>>
      %dma_start3A_168 = arith.constant 0 : i32
      %dma_start3A_169 = arith.constant 0 : i32
      %dma_start3A_170 = tpu.memref_slice %arg6[%add3A_158, %dma_start3A_168, %dma_start3A_169] : memref<4096x4x768xf32, #tpu.memory_space<hbm>> -> memref<8x4x768xf32, #tpu.memory_space<hbm>>
      %dma_start3A_171 = arith.constant 0 : i32
      %dma_start3A_172 = arith.constant 0 : i32
      %dma_start3A_173 = arith.constant 0 : i32
      %dma_start3A_174 = tpu.memref_slice %arg9[%dma_start3A_159, %dma_start3A_171, %dma_start3A_172, %dma_start3A_173] : memref<2x8x4x768xf32, #tpu.memory_space<vmem>> -> memref<1x8x4x768xf32, #tpu.memory_space<vmem>>
      %dma_start3A_175 = tpu.memref_squeeze %dma_start3A_174 : memref<1x8x4x768xf32, #tpu.memory_space<vmem>> -> memref<8x4x768xf32, #tpu.memory_space<vmem>>
      tpu.enqueue_dma source(%dma_start3A_175 : memref<8x4x768xf32, #tpu.memory_space<vmem>>) target(%dma_start3A_170 : memref<8x4x768xf32, #tpu.memory_space<hbm>>) target_semaphore(%arg18 : memref<!tpu.dma_semaphore, #tpu.memory_space<semaphore_mem>>)
    }
    %scan3A_28 = arith.constant 8 : i32
    %dma_wait3A = arith.constant 0 : i32
    %dma_wait3A_29 = arith.constant 0 : i32
    %dma_wait3A_30 = arith.constant 0 : i32
    %dma_wait3A_31 = arith.constant 0 : i32
    %dma_wait3A_32 = tpu.memref_slice %arg9[%dma_wait3A, %dma_wait3A_29, %dma_wait3A_30, %dma_wait3A_31] : memref<2x8x4x768xf32, #tpu.memory_space<vmem>> -> memref<1x8x4x768xf32, #tpu.memory_space<vmem>>
    %dma_wait3A_33 = tpu.memref_squeeze %dma_wait3A_32 : memref<1x8x4x768xf32, #tpu.memory_space<vmem>> -> memref<8x4x768xf32, #tpu.memory_space<vmem>>
    %dma_wait3A_34 = arith.constant 0 : i32
    %dma_wait3A_35 = arith.constant 0 : i32
    %dma_wait3A_36 = arith.constant 0 : i32
    %dma_wait3A_37 = tpu.memref_slice %arg6[%dma_wait3A_34, %dma_wait3A_35, %dma_wait3A_36] : memref<4096x4x768xf32, #tpu.memory_space<hbm>> -> memref<8x4x768xf32, #tpu.memory_space<hbm>>
    %dma_wait3A_38 = arith.constant 0 : i32
    %dma_wait3A_39 = arith.constant 0 : i32
    %dma_wait3A_40 = arith.constant 0 : i32
    %dma_wait3A_41 = tpu.memref_slice %arg9[%dma_wait3A, %dma_wait3A_38, %dma_wait3A_39, %dma_wait3A_40] : memref<2x8x4x768xf32, #tpu.memory_space<vmem>> -> memref<1x8x4x768xf32, #tpu.memory_space<vmem>>
    %dma_wait3A_42 = tpu.memref_squeeze %dma_wait3A_41 : memref<1x8x4x768xf32, #tpu.memory_space<vmem>> -> memref<8x4x768xf32, #tpu.memory_space<vmem>>
    %dma_wait3A_43 = arith.constant 0 : i32
    %dma_wait3A_44 = arith.constant 0 : i32
    %dma_wait3A_45 = arith.constant 0 : i32
    %dma_wait3A_46 = tpu.memref_slice %arg6[%dma_wait3A_43, %dma_wait3A_44, %dma_wait3A_45] : memref<4096x4x768xf32, #tpu.memory_space<hbm>> -> memref<8x4x768xf32, #tpu.memory_space<hbm>>
    tpu.wait_dma2 semaphore(%arg17 : memref<!tpu.dma_semaphore, #tpu.memory_space<semaphore_mem>>) src(%dma_wait3A_46 : memref<8x4x768xf32, #tpu.memory_space<hbm>>) dst(%dma_wait3A_42 : memref<8x4x768xf32, #tpu.memory_space<vmem>>)
    %dma_wait3A_47 = arith.constant 1 : i32
    %dma_wait3A_48 = arith.constant 0 : i32
    %dma_wait3A_49 = arith.constant 0 : i32
    %dma_wait3A_50 = arith.constant 0 : i32
    %dma_wait3A_51 = tpu.memref_slice %arg9[%dma_wait3A_47, %dma_wait3A_48, %dma_wait3A_49, %dma_wait3A_50] : memref<2x8x4x768xf32, #tpu.memory_space<vmem>> -> memref<1x8x4x768xf32, #tpu.memory_space<vmem>>
    %dma_wait3A_52 = tpu.memref_squeeze %dma_wait3A_51 : memref<1x8x4x768xf32, #tpu.memory_space<vmem>> -> memref<8x4x768xf32, #tpu.memory_space<vmem>>
    %dma_wait3A_53 = arith.constant 0 : i32
    %dma_wait3A_54 = arith.constant 0 : i32
    %dma_wait3A_55 = arith.constant 0 : i32
    %dma_wait3A_56 = tpu.memref_slice %arg6[%dma_wait3A_53, %dma_wait3A_54, %dma_wait3A_55] : memref<4096x4x768xf32, #tpu.memory_space<hbm>> -> memref<8x4x768xf32, #tpu.memory_space<hbm>>
    %dma_wait3A_57 = arith.constant 0 : i32
    %dma_wait3A_58 = arith.constant 0 : i32
    %dma_wait3A_59 = arith.constant 0 : i32
    %dma_wait3A_60 = tpu.memref_slice %arg9[%dma_wait3A_47, %dma_wait3A_57, %dma_wait3A_58, %dma_wait3A_59] : memref<2x8x4x768xf32, #tpu.memory_space<vmem>> -> memref<1x8x4x768xf32, #tpu.memory_space<vmem>>
    %dma_wait3A_61 = tpu.memref_squeeze %dma_wait3A_60 : memref<1x8x4x768xf32, #tpu.memory_space<vmem>> -> memref<8x4x768xf32, #tpu.memory_space<vmem>>
    %dma_wait3A_62 = arith.constant 0 : i32
    %dma_wait3A_63 = arith.constant 0 : i32
    %dma_wait3A_64 = arith.constant 0 : i32
    %dma_wait3A_65 = tpu.memref_slice %arg6[%dma_wait3A_62, %dma_wait3A_63, %dma_wait3A_64] : memref<4096x4x768xf32, #tpu.memory_space<hbm>> -> memref<8x4x768xf32, #tpu.memory_space<hbm>>
    tpu.wait_dma2 semaphore(%arg18 : memref<!tpu.dma_semaphore, #tpu.memory_space<semaphore_mem>>) src(%dma_wait3A_65 : memref<8x4x768xf32, #tpu.memory_space<hbm>>) dst(%dma_wait3A_61 : memref<8x4x768xf32, #tpu.memory_space<vmem>>)
    return
  }
}

</mosaic_0001>

<sc_bundles>
// kernel: kernel.3.cloned.1.call-start
scs
__scs_entry_jumppad:
0x0: {  	(pc) =	sbr.rel $0x88, $3  }
0x1: {  	(tag) =	ssettag $0x0;
	lr =	simm.s32 $0x1  }
0x2: {  	[smem:$0x3F9F] =	sst lr;
	_ =	strace $0xD0000000  }
0x3: {  	_ = 	snop  }
0x4: {  	_ = 	snop  }
0x5: {  	_ = 	snop  }
0x6: {  	_ = 	snop  }
0x7: {  	_ = 	snop  }
__scs_overlays_trampoline_lowered:
0x8: {  	[smem:$0x3FAE] =	sst s0  }
0x9: {  	[smem:$0x3FAF] =	sst s1  }
0xa: {  	[smem:$0x3FB0] =	sst s2  }
0xb: {  	[smem:$0x3FB1] =	sst s3  }
0xc: {  	[smem:$0x3FB2] =	sst s4  }
0xd: {  	[smem:$0x3FB3] =	sst s5  }
0xe: {  	[smem:$0x3FB4] =	sst s6  }
0xf: {  	[smem:$0x3FB5] =	sst s7  }
0x10: {  	[smem:$0x3FB6] =	sst s8  }
0x11: {  	[smem:$0x3FB7] =	sst s9;
	s0 =	simm.s32 @!p0 $0x0  }
0x12: {  	s1 =	sld [smem:$0x3F9D];
	s0 =	simm.s32 @p0 $0x1  }
0x13: {  	[smem:$0x3FB8] =	sst s0;
	s0 =	simm.s32 @!p1 $0x0  }
0x14: {  	s2 =	sld [smem:$0x3F9C];
	s0 =	simm.s32 @p1 $0x1  }
0x15: {  	[smem:$0x3FB9] =	sst s0;
	s0 =	simm.s32 @!p2 $0x0  }
0x16: {  	s3 =	sld [smem:$0x3FDB];
	s0 =	simm.s32 @p2 $0x1  }
0x17: {  	s4 =	simm.s32 $0x1BF5;
	[smem:$0x3FBB] =	sst s0  }
0x18: {  	s0 =	sld [smem:$0x3F9E];
	_ =	swait.ge [sflag:s4], $0x0  }
0x19: {  	s7 =	sld [smem:$0x3F9F]  }
0x1a: {  	s8 =	sadd.s32 $0xFFFFE003, lr  }
0x1b: {  	s9 =	sadd.s32 $0xFFFFFEF7, lr;
	s5 =	simm.s32 $0xFFFFFFFF;
	p2 =	slt.u32 s8, $0xFFFFF086  }
0x1c: {  	p1 =	slt.u32 s9, $0xF7A;
	s5 =	simm.s32 @!p2 $0x0  }
0x1d: {  	s5 =	simm.s32 @p1 $0x1;
	p0 =	seq.s32 s7, s2  }
0x1e: {  	s7 =	smul.u32 @!p0 $0xF7A, s2;
	p2 =	seq.s32 @!p0 s5, $0x0  }
0x1f: {  	s9 =	smul.u32 $0xF7A, s1;
	s8 =	simm.s32 @!p0 $0x1BF5;
	p2 =	por !p2, p0  }
0x20: {  	[sflag:s8] =	ssyncset.s32 @!p0 $0xFFFFF086;
	s6 =	sadd.s32 @!p0 s3, s7;
	s7 =	simm.s32 @!p0 $0x108  }
0x21: {  	s3 =	sadd.s32 s3, s9;
	s6 =	sadd.s32 @!p0 $0x88, s6;
	s7 =	simm.s32 @p2 $0x1082  }
0x22: {  	[simem:s7], [sflag:s8] =	dma.local @!p0 [hbm:s6], $0xF7A  }
0x23: {  	s9 =	sor.u32 $0xD0000000, s2;
	s6 =	simm.s32 $0x108;
	_ =	swait.ge @!p0 [sflag:s8], $0x0  }
0x24: {  	s3 =	sadd.s32 $0x88, s3;
	s6 =	simm.s32 @!p1 $0x1082;
	[sflag:s4] =	ssyncset.s32 $0xFFFFF086  }
0x25: {  	[simem:s6], [sflag:s4] =	dma.local [hbm:s3], $0xF7A  }
0x26: {  	[smem:$0x3F9F] =	sst s1;
	(tag) =	ssettag s2;
	_ =	strace s9  }
0x27: {  	s1 =	sld [smem:$0x3FAF]  }
0x28: {  	s2 =	sld [smem:$0x3FB0]  }
0x29: {  	s4 =	sld [smem:$0x3FB2]  }
0x2a: {  	p0 =	seq.s32 s5, $0x0;
	s5 =	sld [smem:$0x3FB3]  }
0x2b: {  	s6 =	sld [smem:$0x3FB4]  }
0x2c: {  	s7 =	sld [smem:$0x3FB5]  }
0x2d: {  	s3 =	simm.s32 $0x108;
	s8 =	sld [smem:$0x3FB6]  }
0x2e: {  	s3 =	simm.s32 @!p0 $0x1082;
	s9 =	sld [smem:$0x3FB7]  }
0x2f: {  	lr =	sadd.s32 s0, s3;
	s0 =	sld [smem:$0x3FAE]  }
0x30: {  	s3 =	sld [smem:$0x3FB1]  }
0x31: {  	[smem:$0x3FBA] =	sst s10  }
0x32: {  	s10 =	sld [smem:$0x3FB8];
	_ =	sdelay $0x3  }
0x33: {  	p0 =	seq.s32 s10, $0x1;
	s10 =	sld [smem:$0x3FBA];
	_ =	sdelay $0x3  }
0x34: {  	[smem:$0x3FBA] =	sst s10  }
0x35: {  	s10 =	sld [smem:$0x3FB9];
	_ =	sdelay $0x3  }
0x36: {  	p1 =	seq.s32 s10, $0x1;
	s10 =	sld [smem:$0x3FBA];
	_ =	sdelay $0x3  }
0x37: {  	[smem:$0x3FBA] =	sst s10  }
0x38: {  	s10 =	sld [smem:$0x3FBB]  }
0x39: {  	_ = 	snop;
	(pc) =	sbr.ind lr, $3  }
0x3a: {  	_ = 	snop  }
0x3b: {  	_ = 	snop  }
0x3c: {  	p2 =	seq.s32 s10, $0x1;
	s10 =	sld [smem:$0x3FBA]  }
0x3d: {  	_ =	shalt  }
0x3e: {  	_ =	shalt  }
0x3f: {  	_ =	shalt  }
0x40: {  	_ =	shalt  }
0x41: {  	_ =	shalt  }
0x42: {  	_ =	shalt  }
0x43: {  	_ =	shalt  }
0x44: {  	_ =	shalt  }
0x45: {  	_ =	shalt  }
0x46: {  	_ =	shalt  }
0x47: {  	_ =	shalt  }
0x48: {  	_ =	shalt  }
0x49: {  	_ =	shalt  }
0x4a: {  	_ =	shalt  }
0x4b: {  	_ =	shalt  }
0x4c: {  	_ =	shalt  }
0x4d: {  	_ =	shalt  }
0x4e: {  	_ =	shalt  }
0x4f: {  	_ =	shalt  }
0x50: {  	_ =	shalt  }
0x51: {  	_ =	shalt  }
0x52: {  	_ =	shalt  }
0x53: {  	_ =	shalt  }
0x54: {  	_ =	shalt  }
0x55: {  	_ =	shalt  }
0x56: {  	_ =	shalt  }
0x57: {  	_ =	shalt  }
0x58: {  	_ =	shalt  }
0x59: {  	_ =	shalt  }
0x5a: {  	_ =	shalt  }
0x5b: {  	_ =	shalt  }
0x5c: {  	_ =	shalt  }
0x5d: {  	_ =	shalt  }
0x5e: {  	_ =	shalt  }
0x5f: {  	_ =	shalt  }
0x60: {  	_ =	shalt  }
0x61: {  	_ =	shalt  }
0x62: {  	_ =	shalt  }
0x63: {  	_ =	shalt  }
0x64: {  	_ =	shalt  }
0x65: {  	_ =	shalt  }
0x66: {  	_ =	shalt  }
0x67: {  	_ =	shalt  }
0x68: {  	_ =	shalt  }
0x69: {  	_ =	shalt  }
0x6a: {  	_ =	shalt  }
0x6b: {  	_ =	shalt  }
0x6c: {  	_ =	shalt  }
0x6d: {  	_ =	shalt  }
0x6e: {  	_ =	shalt  }
0x6f: {  	_ =	shalt  }
0x70: {  	_ =	shalt  }
0x71: {  	_ =	shalt  }
0x72: {  	_ =	shalt  }
0x73: {  	_ =	shalt  }
0x74: {  	_ =	shalt  }
0x75: {  	_ =	shalt  }
0x76: {  	_ =	shalt  }
0x77: {  	_ =	shalt  }
0x78: {  	_ =	shalt  }
0x79: {  	_ =	shalt  }
0x7a: {  	_ =	shalt  }
0x7b: {  	_ =	shalt  }
0x7c: {  	_ =	shalt  }
0x7d: {  	_ =	shalt  }
0x7e: {  	_ =	shalt  }
0x7f: {  	_ =	shalt  }
0x80: {  	_ =	shalt  }
0x81: {  	_ =	shalt  }
0x82: {  	_ =	shalt  }
0x83: {  	_ =	shalt  }
0x84: {  	_ =	shalt  }
0x85: {  	_ =	shalt  }
0x86: {  	_ =	shalt  }
0x87: {  	_ =	shalt  }
.Lfunc_end0:
.L_simem_size_0:
called_computation_lowered:
.L_overlay_start_0:
0x88: {  	s2 =	sld [smem:$0x3FD9]  }
0x89: {  	s3 =	sld [smem:$0x3FFE];
	_ =	sdelay $0x1  }
0x8a: {  	s1 =	srdreg.scid  }
0x8b: {  	s0 =	sand.u32 $0x1, s1  }
0x8c: {  	s17 =	sshll.u32 s0, $0xA;
	s2 =	sadd.s32 s3, s2  }
0x8d: {  	s2 =	sadd.s32 s2, s17  }
0x8e: {  	[smem:$0x3FC6] =	sst s2  }
0x8f: {  	_ = 	snop  }
0x90: {  	s2 =	sld [smem:$0x3FC8]  }
0x91: {  	s18 =	sld [smem:$0x3FD0];
	(tm) =	ssettm $0x1  }
0x92: {  	s4 =	sld [smem:$0x3FFB];
	_ =	sdelay $0x3  }
0x93: {  	_ =	strace s4  }
0x94: {  	s4 =	sld [smem:$0x3FFC];
	_ =	sdelay $0x3  }
0x95: {  	_ =	strace s4  }
0x96: {  	s4 =	sld [smem:$0x3FFD];
	_ =	sdelay $0x3  }
0x97: {  	_ =	strace s4  }
0x98: {  	_ =	strace $0x8FFFFFFF  }
0x99: {  	s19 =	sld [smem:$0x3FDB];
	_ =	sdelay $0x1  }
0x9a: {  	s5 =	simm.s32 $_scs_section_size  }
0x9b: {  	s6 =	simm.s32 $_size__tile_overlayer_lowered;
	s7 =	simm.s32 $_tile_overlayer_lowered  }
0x9c: {  	s22 =	simm.s32 $0x1BFF;
	s21 =	sshll.u32 s7, $0x1;
	s4 =	sadd.s32 s5, s19  }
0x9d: {  	s8 =	simm.s32 $0x0;
	s20 =	sshll.u32 s6, $0x1;
	s6 =	sadd.s32 s21, s4  }
0x9e: {  	[timem:s8], [sflag:s22] =	dma.local [hbm:s6], s20  }
0x9f: {  	_ =	swait.ge [sflag:s22], s20  }
0xa0: {  	s5 =	ssub.s32 $0x0, s20;
	[sflag:s22] =	ssyncset.done $0x0  }
0xa1: {  	[sflag:s22] =	ssyncadd.s32 s5;
	_ =	sdelay $0x1  }
0xa2: {  	s23 =	simm.s32 $0x1B8B  }
0xa3: {  	_ =	swait.ge [sflag:s23], $0x1  }
0xa4: {  	[sflag:s23] =	ssyncset.done $0x0  }
0xa5: {  	s25 =	simm.s32 $0x1B8E;
	s24 =	sld [smem:$0x3FFE];
	[sflag:s23] =	ssyncadd.s32 $0xFFFFFFFF  }
0xa6: {  	s26 =	simm.s32 $execute0_lowered;
	[smem:$0x3FD2] =	sst s25  }
0xa7: {  	s6 =	sshll.u32 s26, $0x1;
	_ =	strace $0x80000046;
	[dreg:$0x1] =	wrdreg $0xFFFFFFFF  }
0xa8: {  	s28 =	simm.s32 $_size_execute0_lowered;
	s4 =	sadd.s32 s4, s6;
	[dreg:$0x0] =	wrdreg $0x0  }
0xa9: {  	s6 =	sshll.u32 s28, $0x1;
	[dreg:$0x2] =	wrdreg s4  }
0xaa: {  	[dreg:$0x3] =	wrdreg s6  }
0xab: {  	[dreg:$0x4] =	wrdreg $0xC0  }
0xac: {  	_ =	task [dreg:s8], $0x5FFFF  }
0xad: {  	[dreg:$0x1] =	wrdreg $0xFFFFFFFF  }
0xae: {  	[dreg:$0x0] =	wrdreg $0x60  }
0xaf: {  	[dreg:$0x2] =	wrdreg s2  }
0xb0: {  	[dreg:$0x3] =	wrdreg s24  }
0xb1: {  	[dreg:$0x4] =	wrdreg s18  }
0xb2: {  	[dreg:$0x5] =	wrdreg $0x9  }
0xb3: {  	_ =	task.clear_ibuf [dreg:s8], $0x6FFFF;
	_ =	strace $0x90000046  }
0xb4: {  	s29 =	simm.s32 $0x9;
	_ =	strace $0x80000048  }
0xb5: {  	_ =	swait.ge [sflag:s29], $0x1  }
0xb6: {  	[sflag:s29] =	ssyncadd.s32 $0xFFFFFFFF  }
0xb7: {  	_ =	strace $0x90000048  }
0xb8: {  	_ =	sfence  }
0xb9: {  	s30 =	sld [smem:$0x0];
	_ =	sdelay $0x2  }
0xba: {  	s31 =	sshll.u32 s1, $0xD;
	s1 =	sshrl.u32 s1, $0x2  }
0xbb: {  	s3 =	sand.u32 $0x4000, s31;
	s1 =	sadd.s32 s1, s30  }
0xbc: {  	s0 =	sor.u32 s3, s0;
	s1 =	sshll.u32 s1, $0x11  }
0xbd: {  	s0 =	sor.u32 s1, s0  }
0xbe: {  	s0 =	sadd.s32 $0x8F2B, s0  }
0xbf: {  	[sflag:s0] =	ssyncadd.remote.s32 $0x1  }
0xc0: {  	_ =	sfence.sel $0xFFFF  }
0xc1: {  	[dreg:$0x0] =	wrdreg $0xFFFFFFFF;
	(pc) =	sbr.abs _section_cstart, $3  }
0xc2: {  	[dreg:$0x1] =	wrdreg $0xFFFFFFFF  }
0xc3: {  	_ =	task.clear_ibuf [dreg:s8], $0x2FFFF;
	_ =	strace $0x9FFFFFFF  }
0xc4: {  	(tm) =	ssettm $0x7FFFFFFF  }
0xc5: {  	_ =	shalt  }
tec
execute0_lowered:
.L_overlay_start_1:
0x0: {  	(tag) =	ssettag $0x1  }
0x1: {  	s1 =	rddreg [dreg:$0x0]  }
0x2: {  	s0 =	rddreg [dreg:$0x1]  }
0x3: {  	s29 =	rddreg [dreg:$0x2];
	s2 =	srdreg.scid  }
0x4: {  	s3 =	stileid.u32;
	s4 =	simm.s32 $0x0;
	s2 =	sand.u32 $0x1, s2  }
0x5: {  	s5 =	sshll.u32 s3, $0x1;
	[smem:$0x7FF] =	sst s4;
	s11 =	sadd.s32 $0x100, s1  }
0x6: {  	s12 =	sadd.s32 $0x200, s1;
	s6 =	sor.u32 s2, s5;
	_ =	strace $0x80000047  }
0x7: {  	s2 =	ssub.s32 $0x2, s2;
	s5 =	sshll.u32 s6, $0x8;
	s10 =	smul.u32 $0x600, s6  }
0x8: {  	s9 =	sadd.s32 s5, s0;
	s5 =	sadd.s32 $0x2C00, s0;
	s0 =	sadd.s32 $0x2800, s0  }
0x9: {  	s28 =	sshrl.u32 s2, $0x1;
	[dreg:$0x4] =	wrdreg s0;
	s30 =	sadd.s32 $0x800, s9  }
0xa: {  	v2 =	vlaneseq.u32;
	s0 =	ssub.s32 s2, s28;
	s31 =	sadd.s32 s5, s10;
	[dreg:$0x5] =	wrdreg s30  }
0xb: {  	vm0 =	vmmov $0xffff;
	v1 =	vshrl.u32 v2, $0x3;
	s3 =	simm.s32 $0x0;
	[dreg:$0x6] =	wrdreg s31;
	s0 =	smax.u32 s0, $0x1  }
0xc: {  	v0 =	vand.u32 $0x7, v2;
	v2 =	vor.u32 $0x8, v2;
	v1 =	vmul.u32 $0x8, v1;
	s7 =	sshll.u32 s6, $0x7;
	s8 =	sshll.u32 s6, $0x4;
	[dreg:$0x7] =	wrdreg s0  }
.LBB2_1:
0xd: {  	[dreg:$0x8] =	wrdreg s3  }
0xe: {  	s0 =	rddreg [dreg:$0x5];
	s2 =	simm.s32 $0x7  }
0xf: {  	[tilespmem:s4], [sflag:$0x7] =	stream.linear.gather [hbm4b:s0+s4], $0x800, $0x38;
	[tilespmem:$0x1A600] =	vst v63  }
0x10: {  	_ =	swait.ge [sflag:s2], $0x800  }
0x11: {  	[sflag:s2] =	ssyncset.done $0x0  }
0x12: {  	s15 =	simm.s32 $0x18E00;
	s14 =	rddreg [dreg:$0x4];
	[sflag:s2] =	ssyncadd.s32 $0xFFFFF800  }
0x13: {  	[tilespmem:s15], [sflag:$0x7] =	stream.linear.gather [hbm4b:s14+s4], $0x1800, $0x38;
	[tilespmem:$0x1A600] =	vst v63  }
0x14: {  	_ =	swait.ge [sflag:s2], $0x1800  }
0x15: {  	[sflag:s2] =	ssyncset.done $0x0  }
0x16: {  	s17 =	simm.s32 $0x18800;
	s16 =	rddreg [dreg:$0x6];
	[sflag:s2] =	ssyncadd.s32 $0xFFFFE800  }
0x17: {  	[tilespmem:s17], [sflag:$0x3] =	stream.linear.gather [hbm4b:s16+s4], $0x300, $0x38;
	[tilespmem:$0x1A600] =	vst v63  }
0x18: {  	v3 =	vld [tilespmem:$0x0];
	_ =	sdelay $0x4  }
0x19: {  	v4 =	vshrl.u32 v3, $0x3  }
0x1a: {  	v4 =	vmul.u32 $0x30, v4  }
0x1b: {  	v3 =	vand.u32 $0x7, v3  }
0x1c: {  	v3 =	vor.u32 v3, v4  }
0x1d: {  	v4 =	vperm.xlane v3, v0;
	_ =	sdelay $0x1  }
0x1e: {  	v4 =	vadd.s32 v1, v4;
	_ =	sdelay $0x3  }
0x1f: {  	s18 =	simm.s32 $0x800;
	v3 =	vperm.xlane v3, v2  }
0x20: {  	[tilespmem:s18], [sflag:$0x1] =	stream.indirect_vreg.gather [hbm4b:s1+s4], $0x80, v4, vm0, $0xb8;
	[tilespmem:$0x1A600] =	vst v63  }
0x21: {  	s19 =	simm.s32 $0x1000;
	v3 =	vadd.s32 v1, v3  }
0x22: {  	[tilespmem:s19], [sflag:$0x1] =	stream.indirect_vreg.gather [hbm4b:s11+s4], $0x80, v4, vm0, $0xb8;
	[tilespmem:$0x1A600] =	vst v63  }
0x23: {  	s20 =	simm.s32 $0x1800  }
0x24: {  	[tilespmem:s20], [sflag:$0x1] =	stream.indirect_vreg.gather [hbm4b:s12+s4], $0x80, v4, vm0, $0xb8;
	[tilespmem:$0x1A600] =	vst v63  }
0x25: {  	s21 =	simm.s32 $0x2000  }
0x26: {  	[tilespmem:s21], [sflag:$0x1] =	stream.indirect_vreg.gather [hbm4b:s1+s4], $0x80, v3, vm0, $0xb8;
	[tilespmem:$0x1A600] =	vst v63  }
0x27: {  	s22 =	simm.s32 $0x2800  }
0x28: {  	[tilespmem:s22], [sflag:$0x1] =	stream.indirect_vreg.gather [hbm4b:s11+s4], $0x80, v3, vm0, $0xb8;
	[tilespmem:$0x1A600] =	vst v63  }
0x29: {  	s23 =	simm.s32 $0x3000  }
0x2a: {  	[tilespmem:s23], [sflag:$0x1] =	stream.indirect_vreg.gather [hbm4b:s12+s4], $0x80, v3, vm0, $0xb8;
	[tilespmem:$0x1A600] =	vst v63  }
0x2b: {  	v3 =	vld [tilespmem:$0x10];
	_ =	sdelay $0x4  }
0x2c: {  	v63 =	vshrl.u32 v3, $0x3  }
0x2d: {  	v4 =	vmul.u32 $0x30, v63  }
0x2e: {  	v3 =	vand.u32 $0x7, v3  }
0x2f: {  	v3 =	vor.u32 v3, v4  }
0x30: {  	v4 =	vperm.xlane v3, v0;
	_ =	sdelay $0x1  }
0x31: {  	v4 =	vadd.s32 v1, v4;
	_ =	sdelay $0x3  }
0x32: {  	s24 =	simm.s32 $0x3800;
	v3 =	vperm.xlane v3, v2  }
0x33: {  	[tilespmem:s24], [sflag:$0x1] =	stream.indirect_vreg.gather [hbm4b:s1+s4], $0x80, v4, vm0, $0xb8;
	[tilespmem:$0x1A600] =	vst v63  }
0x34: {  	s25 =	simm.s32 $0x4000;
	v3 =	vadd.s32 v1, v3  }
0x35: {  	[tilespmem:s25], [sflag:$0x1] =	stream.indirect_vreg.gather [hbm4b:s11+s4], $0x80, v4, vm0, $0xb8;
	[tilespmem:$0x1A600] =	vst v63  }
0x36: {  	s26 =	simm.s32 $0x4800  }
0x37: {  	[tilespmem:s26], [sflag:$0x1] =	stream.indirect_vreg.gather [hbm4b:s12+s4], $0x80, v4, vm0, $0xb8;
	[tilespmem:$0x1A600] =	vst v63  }
0x38: {  	s28 =	simm.s32 $0x5000  }
0x39: {  	[tilespmem:s28], [sflag:$0x1] =	stream.indirect_vreg.gather [hbm4b:s1+s4], $0x80, v3, vm0, $0xb8;
	[tilespmem:$0x1A600] =	vst v63  }
0x3a: {  	s30 =	simm.s32 $0x5800  }
0x3b: {  	[tilespmem:s30], [sflag:$0x1] =	stream.indirect_vreg.gather [hbm4b:s11+s4], $0x80, v3, vm0, $0xb8;
	[tilespmem:$0x1A600] =	vst v63  }
0x3c: {  	s31 =	simm.s32 $0x6000;
	s9 =	simm.s32 $0x0  }
0x3d: {  	[tilespmem:s31], [sflag:$0x1] =	stream.indirect_vreg.gather [hbm4b:s12+s4], $0x80, v3, vm0, $0xb8;
	[tilespmem:$0x1A600] =	vst v63  }
.LBB2_2:
0x3e: {  	s10 =	sshllo.u32 s9, $0x1  }
0x3f: {  	s0 =	sadd.s32 s8, s10  }
0x40: {  	s0 =	smul.u32 $0x60, s0;
	_ =	sdelay $0x1  }
0x41: {  	s2 =	simm.s32 $0x18B00;
	s21 =	sshll.u32 s10, $0x7;
	s0 =	sadd.s32 s5, s0  }
0x42: {  	[tilespmem:s2], [sflag:$0x4] =	stream.linear.gather [hbm4b:s0+s4], $0x300, $0x38;
	[tilespmem:$0x1A600] =	vst v63  }
0x43: {  	s0 =	sand.u32 $0x3FFFFF80, s21  }
0x44: {  	v3 =	vld [tilespmem:s0+$0x0];
	_ =	sdelay $0x4  }
0x45: {  	v4 =	vshrl.u32 v3, $0x3  }
0x46: {  	v4 =	vmul.u32 $0x30, v4  }
0x47: {  	v3 =	vand.u32 $0x7, v3  }
0x48: {  	v3 =	vor.u32 v3, v4  }
0x49: {  	v4 =	vperm.xlane v3, v0;
	_ =	sdelay $0x1  }
0x4a: {  	v4 =	vadd.s32 v1, v4;
	_ =	sdelay $0x3  }
0x4b: {  	s22 =	simm.s32 $0x6800;
	v3 =	vperm.xlane v3, v2  }
0x4c: {  	[tilespmem:s22], [sflag:$0x2] =	stream.indirect_vreg.gather [hbm4b:s1+s4], $0x80, v4, vm0, $0xb8;
	[tilespmem:$0x1A600] =	vst v63  }
0x4d: {  	s23 =	simm.s32 $0x7000;
	v3 =	vadd.s32 v1, v3  }
0x4e: {  	[tilespmem:s23], [sflag:$0x2] =	stream.indirect_vreg.gather [hbm4b:s11+s4], $0x80, v4, vm0, $0xb8;
	[tilespmem:$0x1A600] =	vst v63  }
0x4f: {  	s24 =	simm.s32 $0x7800  }
0x50: {  	[tilespmem:s24], [sflag:$0x2] =	stream.indirect_vreg.gather [hbm4b:s12+s4], $0x80, v4, vm0, $0xb8;
	[tilespmem:$0x1A600] =	vst v63  }
0x51: {  	s25 =	simm.s32 $0x8000  }
0x52: {  	[tilespmem:s25], [sflag:$0x2] =	stream.indirect_vreg.gather [hbm4b:s1+s4], $0x80, v3, vm0, $0xb8;
	[tilespmem:$0x1A600] =	vst v63  }
0x53: {  	s26 =	simm.s32 $0x8800  }
0x54: {  	[tilespmem:s26], [sflag:$0x2] =	stream.indirect_vreg.gather [hbm4b:s11+s4], $0x80, v3, vm0, $0xb8;
	[tilespmem:$0x1A600] =	vst v63  }
0x55: {  	s28 =	simm.s32 $0x9000  }
0x56: {  	[tilespmem:s28], [sflag:$0x2] =	stream.indirect_vreg.gather [hbm4b:s12+s4], $0x80, v3, vm0, $0xb8;
	[tilespmem:$0x1A600] =	vst v63  }
0x57: {  	v3 =	vld [tilespmem:s0+$0x10];
	_ =	sdelay $0x4  }
0x58: {  	v4 =	vshrl.u32 v3, $0x3  }
0x59: {  	v4 =	vmul.u32 $0x30, v4  }
0x5a: {  	v3 =	vand.u32 $0x7, v3  }
0x5b: {  	v3 =	vor.u32 v3, v4  }
0x5c: {  	v4 =	vperm.xlane v3, v0;
	_ =	sdelay $0x1  }
0x5d: {  	v4 =	vadd.s32 v1, v4;
	_ =	sdelay $0x3  }
0x5e: {  	s3 =	simm.s32 $0x9800;
	v3 =	vperm.xlane v3, v2  }
0x5f: {  	[tilespmem:s3], [sflag:$0x2] =	stream.indirect_vreg.gather [hbm4b:s1+s4], $0x80, v4, vm0, $0xb8;
	[tilespmem:$0x1A600] =	vst v63  }
0x60: {  	s6 =	simm.s32 $0xA000;
	v3 =	vadd.s32 v1, v3  }
0x61: {  	[tilespmem:s6], [sflag:$0x2] =	stream.indirect_vreg.gather [hbm4b:s11+s4], $0x80, v4, vm0, $0xb8;
	[tilespmem:$0x1A600] =	vst v63  }
0x62: {  	s13 =	simm.s32 $0xA800  }
0x63: {  	[tilespmem:s13], [sflag:$0x2] =	stream.indirect_vreg.gather [hbm4b:s12+s4], $0x80, v4, vm0, $0xb8;
	[tilespmem:$0x1A600] =	vst v63  }
0x64: {  	s14 =	simm.s32 $0xB000  }
0x65: {  	[tilespmem:s14], [sflag:$0x2] =	stream.indirect_vreg.gather [hbm4b:s1+s4], $0x80, v3, vm0, $0xb8;
	[tilespmem:$0x1A600] =	vst v63  }
0x66: {  	s15 =	simm.s32 $0xB800  }
0x67: {  	[tilespmem:s15], [sflag:$0x2] =	stream.indirect_vreg.gather [hbm4b:s11+s4], $0x80, v3, vm0, $0xb8;
	[tilespmem:$0x1A600] =	vst v63  }
0x68: {  	s16 =	simm.s32 $0xC000;
	s17 =	simm.s32 $0x3  }
0x69: {  	[tilespmem:s16], [sflag:$0x2] =	stream.indirect_vreg.gather [hbm4b:s12+s4], $0x80, v3, vm0, $0xb8;
	[tilespmem:$0x1A600] =	vst v63  }
0x6a: {  	_ =	swait.ge [sflag:s17], $0x300  }
0x6b: {  	[sflag:s17] =	ssyncset.done $0x0  }
0x6c: {  	s18 =	simm.s32 $0x1;
	[sflag:s17] =	ssyncadd.s32 $0xFFFFFD00  }
0x6d: {  	_ =	swait.ge [sflag:s18], $0x6000  }
0x6e: {  	p0 =	seq.s32 s9, $0x0;
	[sflag:s18] =	ssyncset.done $0x0  }
0x6f: {  	s0 =	simm.s32 @!p0 $0x5;
	[sflag:s18] =	ssyncadd.s32 $0xFFFFA000  }
0x70: {  	_ =	swait.ge @!p0 [sflag:s0], $0x6000  }
0x71: {  	[sflag:s0] =	ssyncset.done @!p0 $0x0  }
0x72: {  	s19 =	simm.s32 $0x18800;
	[sflag:s0] =	ssyncadd.s32 @!p0 $0xFFFFA000  }
0x73: {  	s31 =	simm.s32 $0x18E00;
	s2 =	simm.s32 $0x0;
	v3 =	vld [tilespmem:s19+$0x0]  }
0x74: {  	s0 =	sand.u32 $0x1F0, s2;
	v5 =	vld [tilespmem:s31+$0x0]  }
0x75: {  	v7 =	vld [tilespmem:s0+$0x19100]  }
0x76: {  	v8 =	vld [tilespmem:s0+$0x19D00]  }
0x77: {  	s13 =	simm.s32 $0x0;
	v17 =	vld [tilespmem:s0+$0x18F80]  }
0x78: {  	s15 =	sand.u32 $0x3FFFFC00, s13;
	v18 =	vld [tilespmem:s0+$0x19B80]  }
0x79: {  	s13 =	sand.u32 $0x60, s2;
	s16 =	sadd.s32 $0x2000, s15;
	v19 =	vld [tilespmem:s0+$0x18980]  }
0x7a: {  	s14 =	sor.u32 s13, s16;
	s17 =	sadd.s32 $0x2080, s15;
	v20 =	vld [tilespmem:s0+$0x19A00]  }
0x7b: {  	s24 =	sadd.s32 $0x800, s15;
	s20 =	sor.u32 s13, s17;
	v13 =	vld [tilespmem:s14+$0x0]  }
0x7c: {  	s26 =	sor.u32 s13, s24;
	v14 =	vld [tilespmem:s20+$0x0]  }
0x7d: {  	v23 =	vld [tilespmem:s26+$0x200]  }
0x7e: {  	v24 =	vld [tilespmem:s26+$0x280]  }
0x7f: {  	v27 =	vld [tilespmem:s26+$0x300]  }
0x80: {  	v28 =	vld [tilespmem:s26+$0x380]  }
0x81: {  	v21 =	vld [tilespmem:s26+$0x0]  }
0x82: {  	s18 =	sadd.s32 $0x2100, s15;
	v29 =	vld [tilespmem:s26+$0x80]  }
0x83: {  	s19 =	sor.u32 s13, s18;
	s20 =	sadd.s32 $0x2180, s15;
	v45 =	vld [tilespmem:s26+$0x100]  }
0x84: {  	s14 =	sor.u32 $0x10, s13;
	v11 =	vld [tilespmem:s19+$0x0];
	s21 =	sor.u32 s13, s20  }
0x85: {  	s16 =	sor.u32 s14, s16;
	v9 =	vld [tilespmem:s21+$0x0]  }
0x86: {  	s22 =	sor.u32 s14, s17;
	v16 =	vld [tilespmem:s16+$0x0]  }
0x87: {  	s23 =	sor.u32 s14, s18;
	v15 =	vld [tilespmem:s22+$0x0]  }
0x88: {  	s25 =	sor.u32 s14, s20;
	v12 =	vld [tilespmem:s23+$0x0]  }
0x89: {  	s28 =	sor.u32 s14, s24;
	v10 =	vld [tilespmem:s25+$0x0];
	v4 =	vshll.u32 v3, $0x10  }
0x8a: {  	v22 =	vld [tilespmem:s28+$0x0];
	v3 =	vand.u32 $0xFFFF0000, v3;
	v6 =	vshll.u32 v5, $0x10;
	v26 =	vand.u32 $0xFFFF0000, v5  }
0x8b: {  	v25 =	vld [tilespmem:s28+$0x200];
	v32 =	vshll.u32 v20, $0x10;
	v30 =	vmul.f32 v6, v4;
	v6 =	vshll.u32 v19, $0x10  }
0x8c: {  	v33 =	vld [tilespmem:s28+$0x80];
	v5 =	vand.u32 $0xFFFF0000, v19;
	v19 =	vand.u32 $0xFFFF0000, v20;
	v20 =	vmul.f32 v32, v6  }
0x8d: {  	v31 =	vld [tilespmem:s28+$0x280];
	v26 =	vmul.f32 v26, v3;
	v19 =	vmul.f32 v19, v5  }
0x8e: {  	s3 =	simm.s32 $0x0;
	v34 =	vld [tilespmem:s28+$0x100];
	v21 =	vmul.f32 $2.771281240e+01, v21;
	v20 =	vadd.f32 v20, v30  }
0x8f: {  	s30 =	sand.u32 $0x3FFFFE00, s3;
	v22 =	vmul.f32 $2.771281240e+01, v22;
	v30 =	vld [tilespmem:s26+$0x180];
	v19 =	vadd.f32 v19, v26  }
0x90: {  	s17 =	sadd.s32 $0xC800, s30;
	v29 =	vmul.f32 $2.771281240e+01, v29;
	v26 =	vld [tilespmem:s28+$0x180];
	v21 =	vadd.f32 v20, v21  }
0x91: {  	v35 =	vld [tilespmem:s28+$0x300];
	s6 =	sor.u32 s13, s17;
	v33 =	vmul.f32 $2.771281240e+01, v33;
	v22 =	vadd.f32 v22, v19  }
0x92: {  	v36 =	vld [tilespmem:s28+$0x380];
	s17 =	sor.u32 s14, s17;
	[tilespmem:s6+$0x0] =	vst v21;
	v21 =	vadd.f32 v20, v29;
	v29 =	vmul.f32 $2.771281240e+01, v45  }
0x93: {  	v46 =	vmul.f32 $2.771281240e+01, v34;
	[tilespmem:s17+$0x0] =	vst v22;
	v22 =	vadd.f32 v33, v19  }
0x94: {  	[tilespmem:s6+$0x80] =	vst v21;
	v21 =	vadd.f32 v20, v29;
	v29 =	vmul.f32 $2.771281240e+01, v30  }
0x95: {  	v26 =	vmul.f32 $2.771281240e+01, v26;
	[tilespmem:s17+$0x80] =	vst v22;
	v22 =	vadd.f32 v46, v19  }
0x96: {  	[tilespmem:s6+$0x100] =	vst v21;
	v20 =	vadd.f32 v29, v20  }
0x97: {  	v19 =	vadd.f32 v26, v19;
	[tilespmem:s17+$0x100] =	vst v22  }
0x98: {  	[tilespmem:s6+$0x180] =	vst v20  }
0x99: {  	[tilespmem:s17+$0x180] =	vst v19  }
0x9a: {  	s19 =	sadd.s32 $0x2200, s15;
	v22 =	vld [tilespmem:s0+$0x19280]  }
0x9b: {  	s20 =	sor.u32 s13, s19;
	s21 =	sadd.s32 $0x2280, s15;
	v21 =	vld [tilespmem:s0+$0x19E80]  }
0x9c: {  	s23 =	sadd.s32 $0x2300, s15;
	s22 =	sor.u32 s13, s21;
	v30 =	vand.u32 $0xFFFF0000, v18;
	v26 =	vshll.u32 v17, $0x10;
	v29 =	vshll.u32 v18, $0x10;
	v20 =	vld [tilespmem:s20+$0x0]  }
0x9d: {  	s25 =	sadd.s32 $0x2380, s15;
	s24 =	sor.u32 s13, s23;
	v17 =	vand.u32 $0xFFFF0000, v17;
	v26 =	vmul.f32 v26, v4;
	v29 =	vmul.f32 v29, v6;
	v19 =	vld [tilespmem:s22+$0x0]  }
0x9e: {  	s26 =	sor.u32 s13, s25;
	v48 =	vmul.f32 v30, v5;
	v47 =	vmul.f32 v17, v3;
	v18 =	vld [tilespmem:s24+$0x0]  }
0x9f: {  	s16 =	sor.u32 s14, s19;
	v23 =	vmul.f32 $2.771281240e+01, v23;
	v49 =	vadd.f32 v29, v26;
	v17 =	vld [tilespmem:s26+$0x0]  }
0xa0: {  	v25 =	vmul.f32 $2.771281240e+01, v25;
	s28 =	sor.u32 s14, s21;
	v32 =	vadd.f32 v48, v47;
	v30 =	vld [tilespmem:s16+$0x0]  }
0xa1: {  	s3 =	sor.u32 s14, s23;
	v24 =	vmul.f32 $2.771281240e+01, v24;
	s6 =	sadd.s32 $0xD400, s30;
	v29 =	vld [tilespmem:s28+$0x0];
	v23 =	vadd.f32 v49, v23  }
0xa2: {  	s19 =	sor.u32 s14, s25;
	v31 =	vmul.f32 $2.771281240e+01, v31;
	v26 =	vld [tilespmem:s3+$0x0];
	s20 =	sor.u32 s13, s6;
	v33 =	vadd.f32 v25, v32  }
0xa3: {  	s21 =	sor.u32 s14, s6;
	v25 =	vld [tilespmem:s19+$0x0];
	s22 =	sadd.s32 $0xD480, s30;
	[tilespmem:s20+$0x0] =	vst v23;
	v23 =	vadd.f32 v49, v24;
	v24 =	vmul.f32 $2.771281240e+01, v27  }
0xa4: {  	s23 =	sor.u32 s13, s22;
	v27 =	vadd.f32 v31, v32;
	v31 =	vmul.f32 $2.771281240e+01, v35;
	[tilespmem:s21+$0x0] =	vst v33  }
0xa5: {  	s25 =	sadd.s32 $0xD500, s30;
	s24 =	sor.u32 s14, s22;
	[tilespmem:s23+$0x0] =	vst v23;
	v23 =	vadd.f32 v49, v24;
	v24 =	vmul.f32 $2.771281240e+01, v28  }
0xa6: {  	s26 =	sor.u32 s13, s25;
	v28 =	vmul.f32 $2.771281240e+01, v36;
	[tilespmem:s24+$0x0] =	vst v27;
	v27 =	vadd.f32 v31, v32  }
0xa7: {  	s28 =	sor.u32 s14, s25;
	s3 =	sadd.s32 $0xD580, s30;
	[tilespmem:s26+$0x0] =	vst v23;
	v23 =	vadd.f32 v24, v49  }
0xa8: {  	s6 =	sor.u32 s13, s3;
	v24 =	vadd.f32 v28, v32;
	[tilespmem:s28+$0x0] =	vst v27  }
0xa9: {  	s19 =	sadd.s32 $0x3800, s15;
	s18 =	sor.u32 s14, s3;
	[tilespmem:s6+$0x0] =	vst v23  }
0xaa: {  	s20 =	sor.u32 s13, s19;
	s21 =	sadd.s32 $0x3880, s15;
	[tilespmem:s18+$0x0] =	vst v24  }
0xab: {  	s22 =	sor.u32 s13, s21;
	s23 =	sadd.s32 $0x3900, s15;
	v28 =	vld [tilespmem:s20+$0x0]  }
0xac: {  	s25 =	sadd.s32 $0x3980, s15;
	s24 =	sor.u32 s13, s23;
	v27 =	vld [tilespmem:s22+$0x0]  }
0xad: {  	v50 =	vshll.u32 v8, $0x10;
	v8 =	vand.u32 $0xFFFF0000, v8;
	s26 =	sor.u32 s13, s25;
	v23 =	vshll.u32 v7, $0x10;
	v24 =	vld [tilespmem:s24+$0x0]  }
0xae: {  	v51 =	vmul.f32 v50, v6;
	v31 =	vand.u32 $0xFFFF0000, v7;
	s28 =	sor.u32 s14, s19;
	v23 =	vmul.f32 v23, v4;
	v7 =	vld [tilespmem:s26+$0x0]  }
0xaf: {  	v8 =	vmul.f32 v8, v5;
	s3 =	sor.u32 s14, s21;
	v53 =	vmul.f32 v31, v3;
	v52 =	vld [tilespmem:s28+$0x0]  }
0xb0: {  	v54 =	vmul.f32 $2.771281240e+01, v13;
	s6 =	sor.u32 s14, s23;
	v31 =	vld [tilespmem:s3+$0x0];
	v23 =	vadd.f32 v51, v23  }
0xb1: {  	v16 =	vmul.f32 $2.771281240e+01, v16;
	s17 =	sor.u32 s14, s25;
	v34 =	vadd.f32 v8, v53;
	v13 =	vld [tilespmem:s6+$0x0]  }
0xb2: {  	v14 =	vmul.f32 $2.771281240e+01, v14;
	s18 =	sadd.s32 $0xE000, s30;
	v8 =	vld [tilespmem:s17+$0x0];
	v33 =	vadd.f32 v23, v54  }
0xb3: {  	v15 =	vmul.f32 $2.771281240e+01, v15;
	v55 =	vld [tilespmem:s0+$0x19400];
	s19 =	sor.u32 s13, s18;
	v16 =	vadd.f32 v16, v34  }
0xb4: {  	v11 =	vmul.f32 $2.771281240e+01, v11;
	v56 =	vld [tilespmem:s0+$0x1A000];
	s16 =	sor.u32 s14, s18;
	s20 =	sadd.s32 $0xE080, s30;
	v14 =	vadd.f32 v23, v14;
	[tilespmem:s19+$0x0] =	vst v33  }
0xb5: {  	v12 =	vmul.f32 $2.771281240e+01, v12;
	v15 =	vadd.f32 v15, v34;
	s21 =	sor.u32 s13, s20;
	[tilespmem:s16+$0x0] =	vst v16  }
0xb6: {  	v9 =	vmul.f32 $2.771281240e+01, v9;
	s23 =	sadd.s32 $0xE100, s30;
	s22 =	sor.u32 s14, s20;
	v11 =	vadd.f32 v23, v11;
	[tilespmem:s21+$0x0] =	vst v14  }
0xb7: {  	v10 =	vmul.f32 $2.771281240e+01, v10;
	s24 =	sor.u32 s13, s23;
	v12 =	vadd.f32 v12, v34;
	[tilespmem:s22+$0x0] =	vst v15  }
0xb8: {  	s25 =	sor.u32 s14, s23;
	s26 =	sadd.s32 $0xE180, s30;
	v9 =	vadd.f32 v9, v23;
	[tilespmem:s24+$0x0] =	vst v11  }
0xb9: {  	v10 =	vadd.f32 v10, v34;
	s28 =	sor.u32 s13, s26;
	[tilespmem:s25+$0x0] =	vst v12  }
0xba: {  	s3 =	sor.u32 s14, s26;
	[tilespmem:s28+$0x0] =	vst v9  }
0xbb: {  	[tilespmem:s3+$0x0] =	vst v10  }
0xbc: {  	s6 =	sadd.s32 $0x3A00, s15;
	v16 =	vld [tilespmem:s0+$0x19580]  }
0xbd: {  	s18 =	sor.u32 s13, s6;
	s19 =	sadd.s32 $0x3A80, s15;
	v15 =	vld [tilespmem:s0+$0x1A180]  }
0xbe: {  	s20 =	sor.u32 s13, s19;
	s21 =	sadd.s32 $0x3B00, s15;
	v14 =	vand.u32 $0xFFFF0000, v22;
	v12 =	vshll.u32 v21, $0x10;
	v9 =	vshll.u32 v22, $0x10;
	v10 =	vld [tilespmem:s18+$0x0]  }
0xbf: {  	s23 =	sadd.s32 $0x3B80, s15;
	s22 =	sor.u32 s13, s21;
	v21 =	vand.u32 $0xFFFF0000, v21;
	v23 =	vmul.f32 v12, v6;
	v22 =	vmul.f32 v9, v4;
	v11 =	vld [tilespmem:s20+$0x0]  }
0xc0: {  	v14 =	vmul.f32 v14, v3;
	s24 =	sor.u32 s13, s23;
	v21 =	vmul.f32 v21, v5;
	v12 =	vld [tilespmem:s22+$0x0]  }
0xc1: {  	v20 =	vmul.f32 $2.771281240e+01, v20;
	s26 =	sor.u32 s14, s21;
	v9 =	vld [tilespmem:s24+$0x0];
	v57 =	vadd.f32 v23, v22  }
0xc2: {  	s16 =	sor.u32 s14, s6;
	v58 =	vadd.f32 v21, v14;
	v14 =	vmul.f32 $2.771281240e+01, v30;
	v21 =	vld [tilespmem:s26+$0x0]  }
0xc3: {  	v19 =	vmul.f32 $2.771281240e+01, v19;
	s25 =	sor.u32 s14, s19;
	s28 =	sadd.s32 $0xEC00, s30;
	v23 =	vld [tilespmem:s16+$0x0];
	v20 =	vadd.f32 v57, v20  }
0xc4: {  	v29 =	vmul.f32 $2.771281240e+01, v29;
	s3 =	sor.u32 s14, s23;
	s6 =	sor.u32 s13, s28;
	v22 =	vld [tilespmem:s25+$0x0];
	v30 =	vadd.f32 v14, v58  }
0xc5: {  	v18 =	vmul.f32 $2.771281240e+01, v18;
	s19 =	sor.u32 s14, s28;
	s20 =	sadd.s32 $0xEC80, s30;
	v14 =	vld [tilespmem:s3+$0x0];
	v19 =	vadd.f32 v57, v19;
	[tilespmem:s6+$0x0] =	vst v20  }
0xc6: {  	v26 =	vmul.f32 $2.771281240e+01, v26;
	s21 =	sor.u32 s13, s20;
	v20 =	vadd.f32 v29, v58;
	[tilespmem:s19+$0x0] =	vst v30  }
0xc7: {  	v17 =	vmul.f32 $2.771281240e+01, v17;
	s23 =	sadd.s32 $0xED00, s30;
	s22 =	sor.u32 s14, s20;
	v18 =	vadd.f32 v57, v18;
	[tilespmem:s21+$0x0] =	vst v19  }
0xc8: {  	s24 =	sor.u32 s13, s23;
	v19 =	vadd.f32 v26, v58;
	[tilespmem:s22+$0x0] =	vst v20;
	v20 =	vmul.f32 $2.771281240e+01, v25  }
0xc9: {  	s26 =	sadd.s32 $0xED80, s30;
	s25 =	sor.u32 s14, s23;
	v17 =	vadd.f32 v17, v57;
	[tilespmem:s24+$0x0] =	vst v18  }
0xca: {  	s28 =	sor.u32 s13, s26;
	[tilespmem:s25+$0x0] =	vst v19;
	v18 =	vadd.f32 v20, v58  }
0xcb: {  	s3 =	sor.u32 s14, s26;
	[tilespmem:s28+$0x0] =	vst v17  }
0xcc: {  	[tilespmem:s3+$0x0] =	vst v18  }
0xcd: {  	s6 =	sadd.s32 $0x5000, s15;
	v26 =	vld [tilespmem:s0+$0x19700]  }
0xce: {  	s18 =	sor.u32 s13, s6;
	s19 =	sadd.s32 $0x5080, s15;
	v25 =	vld [tilespmem:s0+$0x1A300]  }
0xcf: {  	v29 =	vand.u32 $0xFFFF0000, v55;
	s20 =	sor.u32 s13, s19;
	s21 =	sadd.s32 $0x5100, s15;
	v17 =	vshll.u32 v55, $0x10;
	v18 =	vshll.u32 v56, $0x10;
	v19 =	vld [tilespmem:s18+$0x0]  }
0xd0: {  	s23 =	sadd.s32 $0x5180, s15;
	v30 =	vand.u32 $0xFFFF0000, v56;
	s22 =	sor.u32 s13, s21;
	v59 =	vmul.f32 v17, v4;
	v20 =	vld [tilespmem:s20+$0x0];
	v60 =	vmul.f32 v18, v6  }
0xd1: {  	v29 =	vmul.f32 v29, v3;
	v61 =	vmul.f32 v30, v5;
	s24 =	sor.u32 s13, s23;
	v18 =	vld [tilespmem:s22+$0x0]  }
0xd2: {  	v28 =	vmul.f32 $2.771281240e+01, v28;
	s16 =	sor.u32 s14, s6;
	v17 =	vld [tilespmem:s24+$0x0];
	v34 =	vadd.f32 v60, v59  }
0xd3: {  	s17 =	simm.s32 $0x10;
	v32 =	vmul.f32 $2.771281240e+01, v52;
	v33 =	vadd.f32 v61, v29;
	s25 =	sor.u32 s14, s19;
	v30 =	vld [tilespmem:s16+$0x0]  }
0xd4: {  	v63 =	vmul.f32 $2.771281240e+01, v27;
	s26 =	sor.u32 s14, s21;
	s28 =	sadd.s32 $0xF800, s30;
	v29 =	vld [tilespmem:s25+$0x0];
	s20 =	sor.u32 s14, s23;
	v62 =	vadd.f32 v34, v28  }
0xd5: {  	v31 =	vmul.f32 $2.771281240e+01, v31;
	s19 =	simm.s32 $0x1;
	v32 =	vadd.f32 v32, v33;
	s21 =	sor.u32 s13, s28;
	s16 =	sshll.u32 s9, $0x1;
	v27 =	vld [tilespmem:s20+$0x0]  }
0xd6: {  	v24 =	vmul.f32 $2.771281240e+01, v24;
	s18 =	simm.s32 $0x18810;
	s20 =	sadd.s32 $0xF880, s30;
	v28 =	vld [tilespmem:s26+$0x0];
	v35 =	vadd.f32 v34, v63;
	[tilespmem:s21+$0x0] =	vst v62;
	s21 =	sor.u32 s14, s28  }
.LBB2_3:
0xd7: {  	v36 =	vld [tilespmem:s18+$0x0];
	p1 =	sne.s32 s19, $0x17;
	[tilespmem:s21+$0x0] =	vst v32;
	s21 =	sor.u32 s13, s20;
	v31 =	vadd.f32 v31, v33;
	v13 =	vmul.f32 $2.771281240e+01, v13;
	s31 =	sadd.s32 $0x10, s31  }
0xd8: {  	s22 =	sand.u32 $0x1F0, s17;
	s20 =	sor.u32 s14, s20;
	v32 =	vmul.f32 $2.771281240e+01, v7;
	v42 =	vld [tilespmem:s31+$0x0];
	[tilespmem:s21+$0x0] =	vst v35;
	v24 =	vadd.f32 v34, v24;
	s21 =	sadd.s32 $0xF900, s30  }
0xd9: {  	v7 =	vld [tilespmem:s22+$0x19100];
	[tilespmem:s20+$0x0] =	vst v31;
	s20 =	sor.u32 s13, s21;
	v13 =	vadd.f32 v13, v33;
	v31 =	vmul.f32 $2.771281240e+01, v8  }
0xda: {  	v32 =	vadd.f32 v32, v34;
	v8 =	vld [tilespmem:s22+$0x19D00];
	[tilespmem:s20+$0x0] =	vst v24;
	s20 =	sor.u32 s14, s21;
	s21 =	sadd.s32 $0xF980, s30  }
0xdb: {  	v24 =	vld [tilespmem:s22+$0x18F80];
	[tilespmem:s20+$0x0] =	vst v13;
	s20 =	sor.u32 s13, s21;
	v33 =	vadd.f32 v31, v33  }
0xdc: {  	v13 =	vld [tilespmem:s22+$0x19B80];
	[tilespmem:s20+$0x0] =	vst v32;
	s20 =	sor.u32 s14, s21;
	s21 =	sadd.s32 $0x5200, s15  }
0xdd: {  	s23 =	sadd.s32 $0x5280, s15;
	v31 =	vld [tilespmem:s22+$0x18980];
	[tilespmem:s20+$0x0] =	vst v33;
	s20 =	sor.u32 s13, s21  }
0xde: {  	s26 =	sadd.s32 $0x5300, s15;
	v37 =	vshll.u32 v36, $0x10;
	v35 =	vand.u32 $0xFFFF0000, v36;
	v38 =	vld [tilespmem:s20+$0x0];
	s20 =	sor.u32 s13, s23  }
0xdf: {  	s15 =	sadd.s32 $0x5380, s15;
	v32 =	vshll.u32 v16, $0x10;
	v16 =	vand.u32 $0xFFFF0000, v16;
	v36 =	vshll.u32 v15, $0x10;
	v34 =	vld [tilespmem:s20+$0x0];
	s20 =	sor.u32 s13, s26  }
0xe0: {  	v15 =	vand.u32 $0xFFFF0000, v15;
	v40 =	vmul.f32 v32, v4;
	v36 =	vmul.f32 v36, v6;
	v33 =	vld [tilespmem:s20+$0x0];
	s20 =	sor.u32 s13, s15  }
0xe1: {  	v39 =	vshll.u32 v42, $0x10;
	v16 =	vmul.f32 v16, v3;
	v15 =	vmul.f32 v15, v5;
	v32 =	vld [tilespmem:s20+$0x0];
	s20 =	sor.u32 s14, s21  }
0xe2: {  	v10 =	vmul.f32 $2.771281240e+01, v10;
	v23 =	vmul.f32 $2.771281240e+01, v23;
	v43 =	vadd.f32 v36, v40;
	v41 =	vld [tilespmem:s20+$0x0];
	s20 =	sor.u32 s14, s23  }
0xe3: {  	v11 =	vmul.f32 $2.771281240e+01, v11;
	v15 =	vadd.f32 v15, v16;
	v16 =	vmul.f32 $2.771281240e+01, v22;
	v40 =	vld [tilespmem:s20+$0x0];
	s20 =	sor.u32 s14, s26  }
0xe4: {  	v12 =	vmul.f32 $2.771281240e+01, v12;
	v44 =	vmul.f32 $2.771281240e+01, v21;
	s2 =	sadd.s32 $0x20, s2;
	s21 =	sshll.u32 s19, $0x8;
	v10 =	vadd.f32 v43, v10;
	s23 =	sor.u32 s14, s15;
	v36 =	vld [tilespmem:s20+$0x0]  }
0xe5: {  	v9 =	vmul.f32 $2.771281240e+01, v9;
	v23 =	vadd.f32 v23, v15;
	v11 =	vadd.f32 v43, v11;
	s15 =	sand.u32 $0x3FFFFC00, s21;
	s21 =	sadd.s32 $0x10400, s30;
	s20 =	sand.u32 $0x60, s2;
	v21 =	vld [tilespmem:s23+$0x0]  }
0xe6: {  	s6 =	sadd.s32 $0x10500, s30;
	v22 =	vand.u32 $0xFFFF0000, v42;
	v16 =	vadd.f32 v16, v15;
	v46 =	vadd.f32 v43, v12;
	s26 =	sadd.s32 $0x10480, s30;
	s23 =	sor.u32 s13, s21;
	v45 =	vld [tilespmem:s0+$0x19880]  }
0xe7: {  	v44 =	vadd.f32 v44, v15;
	v43 =	vadd.f32 v9, v43;
	v9 =	vmul.f32 $2.771281240e+01, v14;
	s3 =	sadd.s32 $0x2000, s15;
	v47 =	vld [tilespmem:s0+$0x1A480];
	[tilespmem:s23+$0x0] =	vst v10;
	s0 =	sor.u32 s14, s21;
	s23 =	sadd.s32 $0x10580, s30  }
0xe8: {  	v14 =	vand.u32 $0xFFFF0000, v26;
	s24 =	sadd.s32 $0x2080, s15;
	s21 =	sor.u32 s20, s3;
	v10 =	vshll.u32 v26, $0x10;
	v42 =	vld [tilespmem:s22+$0x19A00];
	[tilespmem:s0+$0x0] =	vst v23;
	s0 =	sor.u32 s13, s26;
	v23 =	vshll.u32 v25, $0x10  }
0xe9: {  	s25 =	sadd.s32 $0x2100, s15;
	v25 =	vand.u32 $0xFFFF0000, v25;
	v26 =	vmul.f32 v10, v4;
	v12 =	vld [tilespmem:s21+$0x0];
	s21 =	sor.u32 s20, s24;
	[tilespmem:s0+$0x0] =	vst v11;
	s0 =	sor.u32 s14, s26;
	v23 =	vmul.f32 v23, v6  }
0xea: {  	v14 =	vmul.f32 v14, v3;
	s28 =	sadd.s32 $0x2180, s15;
	v15 =	vadd.f32 v9, v15;
	s26 =	sor.u32 s20, s25;
	v11 =	vld [tilespmem:s21+$0x0];
	[tilespmem:s0+$0x0] =	vst v16;
	s0 =	sor.u32 s13, s6;
	v16 =	vmul.f32 v25, v5  }
0xeb: {  	s21 =	sor.u32 $0x10, s20;
	v25 =	vmul.f32 $2.771281240e+01, v19;
	v10 =	vld [tilespmem:s26+$0x0];
	s26 =	sor.u32 s20, s28;
	[tilespmem:s0+$0x0] =	vst v46;
	s0 =	sor.u32 s14, s6;
	v23 =	vadd.f32 v23, v26;
	v26 =	vmul.f32 $2.771281240e+01, v30  }
0xec: {  	s3 =	sor.u32 s21, s3;
	s6 =	sor.u32 s13, s23;
	v9 =	vld [tilespmem:s26+$0x0];
	[tilespmem:s0+$0x0] =	vst v44;
	v30 =	vadd.f32 v16, v14;
	v14 =	vmul.f32 $2.771281240e+01, v20;
	v20 =	vmul.f32 $2.771281240e+01, v29;
	s0 =	smov.u32 s22  }
0xed: {  	v18 =	vmul.f32 $2.771281240e+01, v18;
	v28 =	vmul.f32 $2.771281240e+01, v28;
	s22 =	sadd.s32 $0x11000, s30;
	v19 =	vld [tilespmem:s3+$0x0];
	s3 =	sor.u32 s21, s24;
	[tilespmem:s6+$0x0] =	vst v43;
	s6 =	sor.u32 s14, s23;
	v25 =	vadd.f32 v23, v25  }
0xee: {  	v17 =	vmul.f32 $2.771281240e+01, v17;
	v29 =	vmul.f32 $2.771281240e+01, v27;
	s23 =	sadd.s32 $0x11080, s30;
	v16 =	vld [tilespmem:s3+$0x0];
	s3 =	sor.u32 s21, s25;
	[tilespmem:s6+$0x0] =	vst v15;
	s6 =	sor.u32 s13, s22;
	v26 =	vadd.f32 v26, v30  }
0xef: {  	v27 =	vshll.u32 v45, $0x10;
	s24 =	sadd.s32 $0x800, s15;
	v43 =	vand.u32 $0xFFFF0000, v45;
	v15 =	vld [tilespmem:s3+$0x0];
	s3 =	sor.u32 s21, s28;
	[tilespmem:s6+$0x0] =	vst v25;
	s6 =	sor.u32 s14, s22;
	v25 =	vadd.f32 v23, v14  }
0xf0: {  	v44 =	vshll.u32 v47, $0x10;
	v45 =	vand.u32 $0xFFFF0000, v47;
	v20 =	vadd.f32 v20, v30;
	s22 =	sor.u32 s20, s24;
	v14 =	vld [tilespmem:s3+$0x0];
	[tilespmem:s6+$0x0] =	vst v26;
	s3 =	sor.u32 s13, s23  }
0xf1: {  	v18 =	vadd.f32 v23, v18;
	v46 =	vmul.f32 v27, v4;
	v6 =	vmul.f32 v44, v6;
	s6 =	sadd.s32 $0x11100, s30;
	v26 =	vld [tilespmem:s22+$0x200];
	[tilespmem:s3+$0x0] =	vst v25;
	s3 =	sor.u32 s14, s23  }
0xf2: {  	v5 =	vmul.f32 v45, v5;
	v25 =	vld [tilespmem:s22+$0x280];
	[tilespmem:s3+$0x0] =	vst v20;
	s3 =	sor.u32 s13, s6;
	v20 =	vadd.f32 v28, v30;
	v28 =	vmul.f32 v43, v3  }
0xf3: {  	v17 =	vadd.f32 v17, v23;
	v4 =	vmovc v37;
	v27 =	vld [tilespmem:s22+$0x300];
	[tilespmem:s3+$0x0] =	vst v18;
	s3 =	sor.u32 s14, s6;
	s6 =	sadd.s32 $0x11180, s30;
	v18 =	vadd.f32 v6, v46;
	v6 =	vmul.f32 $2.771281240e+01, v38  }
0xf4: {  	s23 =	sor.u32 s21, s24;
	v3 =	vmovc v35;
	v23 =	vld [tilespmem:s22+$0x380];
	[tilespmem:s3+$0x0] =	vst v20;
	s3 =	sor.u32 s13, s6;
	v20 =	vadd.f32 v29, v30;
	v29 =	vadd.f32 v5, v28;
	v5 =	vmul.f32 $2.771281240e+01, v41  }
0xf5: {  	v34 =	vmul.f32 $2.771281240e+01, v34;
	v35 =	vmul.f32 v39, v4;
	v30 =	vld [tilespmem:s23+$0x200];
	[tilespmem:s3+$0x0] =	vst v17;
	s3 =	sor.u32 s14, s6;
	v17 =	vadd.f32 v18, v6;
	s6 =	sadd.s32 $0x11C00, s30  }
0xf6: {  	v37 =	vmul.f32 $2.771281240e+01, v40;
	v6 =	vshll.u32 v31, $0x10;
	v28 =	vld [tilespmem:s23+$0x280];
	[tilespmem:s3+$0x0] =	vst v20;
	s3 =	sor.u32 s13, s6;
	v20 =	vadd.f32 v5, v29  }
0xf7: {  	v33 =	vmul.f32 $2.771281240e+01, v33;
	v5 =	vand.u32 $0xFFFF0000, v31;
	v31 =	vld [tilespmem:s22+$0x0];
	[tilespmem:s3+$0x0] =	vst v17;
	s3 =	sor.u32 s14, s6;
	v17 =	vadd.f32 v18, v34;
	s6 =	sadd.s32 $0x11C80, s30  }
0xf8: {  	v36 =	vmul.f32 $2.771281240e+01, v36;
	v38 =	vshll.u32 v42, $0x10;
	v34 =	vld [tilespmem:s23+$0x0];
	[tilespmem:s3+$0x0] =	vst v20;
	s3 =	sor.u32 s13, s6;
	v20 =	vadd.f32 v37, v29  }
0xf9: {  	v32 =	vmul.f32 $2.771281240e+01, v32;
	v39 =	vand.u32 $0xFFFF0000, v42;
	v37 =	vld [tilespmem:s22+$0x80];
	[tilespmem:s3+$0x0] =	vst v17;
	s3 =	sor.u32 s14, s6;
	v17 =	vadd.f32 v18, v33;
	s6 =	sadd.s32 $0x11D00, s30  }
0xfa: {  	v21 =	vmul.f32 $2.771281240e+01, v21;
	v38 =	vmul.f32 v38, v6;
	v33 =	vld [tilespmem:s23+$0x80];
	[tilespmem:s3+$0x0] =	vst v20;
	s3 =	sor.u32 s13, s6;
	v20 =	vadd.f32 v36, v29  }
0xfb: {  	v22 =	vmul.f32 v22, v3;
	v39 =	vmul.f32 v39, v5;
	v36 =	vld [tilespmem:s22+$0x100];
	[tilespmem:s3+$0x0] =	vst v17;
	s3 =	sor.u32 s14, s6;
	v17 =	vadd.f32 v32, v18;
	s6 =	sadd.s32 $0x11D80, s30  }
0xfc: {  	s24 =	sshll.u32 s19, $0x7;
	v32 =	vadd.f32 v38, v35;
	v18 =	vld [tilespmem:s23+$0x100];
	v31 =	vmul.f32 $2.771281240e+01, v31;
	[tilespmem:s3+$0x0] =	vst v20;
	s3 =	sor.u32 s13, s6;
	v20 =	vadd.f32 v21, v29;
	s13 =	smov.u32 s20  }
0xfd: {  	v22 =	vadd.f32 v39, v22;
	s30 =	sand.u32 $0x3FFFFE00, s24;
	v21 =	vld [tilespmem:s22+$0x180];
	v29 =	vmul.f32 $2.771281240e+01, v34;
	[tilespmem:s3+$0x0] =	vst v17;
	s3 =	sor.u32 s14, s6;
	s14 =	smov.u32 s21  }
0xfe: {  	s6 =	sadd.s32 $0xC800, s30;
	v17 =	vld [tilespmem:s23+$0x180];
	v31 =	vadd.f32 v32, v31;
	v34 =	vmul.f32 $2.771281240e+01, v37;
	[tilespmem:s3+$0x0] =	vst v20  }
0xff: {  	s3 =	sor.u32 s13, s6;
	v35 =	vld [tilespmem:s23+$0x300];
	v20 =	vadd.f32 v29, v22;
	v29 =	vmul.f32 $2.771281240e+01, v33  }
0x100: {  	s6 =	sor.u32 s14, s6;
	v37 =	vld [tilespmem:s23+$0x380];
	[tilespmem:s3+$0x0] =	vst v31;
	v31 =	vadd.f32 v32, v34;
	v33 =	vmul.f32 $2.771281240e+01, v36  }
0x101: {  	[tilespmem:s6+$0x0] =	vst v20;
	v20 =	vadd.f32 v29, v22;
	v18 =	vmul.f32 $2.771281240e+01, v18  }
0x102: {  	[tilespmem:s3+$0x80] =	vst v31;
	v29 =	vadd.f32 v32, v33;
	v21 =	vmul.f32 $2.771281240e+01, v21  }
0x103: {  	[tilespmem:s6+$0x80] =	vst v20;
	v18 =	vadd.f32 v18, v22;
	v17 =	vmul.f32 $2.771281240e+01, v17  }
0x104: {  	[tilespmem:s3+$0x100] =	vst v29;
	v20 =	vadd.f32 v21, v32  }
0x105: {  	[tilespmem:s6+$0x100] =	vst v18;
	v17 =	vadd.f32 v17, v22  }
0x106: {  	[tilespmem:s3+$0x180] =	vst v20  }
0x107: {  	[tilespmem:s6+$0x180] =	vst v17  }
0x108: {  	s3 =	sadd.s32 $0x2200, s15;
	v29 =	vld [tilespmem:s0+$0x19280]  }
0x109: {  	s20 =	sadd.s32 $0x2280, s15;
	s6 =	sor.u32 s13, s3;
	v22 =	vld [tilespmem:s0+$0x19E80]  }
0x10a: {  	s21 =	sadd.s32 $0x2300, s15;
	v18 =	vshll.u32 v13, $0x10;
	v17 =	vshll.u32 v24, $0x10;
	v24 =	vand.u32 $0xFFFF0000, v24;
	v21 =	vld [tilespmem:s6+$0x0];
	s6 =	sor.u32 s13, s20  }
0x10b: {  	s22 =	sadd.s32 $0x2380, s15;
	v13 =	vand.u32 $0xFFFF0000, v13;
	v32 =	vmul.f32 v18, v6;
	v31 =	vmul.f32 v17, v4;
	v20 =	vld [tilespmem:s6+$0x0];
	s6 =	sor.u32 s13, s21  }
0x10c: {  	v13 =	vmul.f32 v13, v5;
	v24 =	vmul.f32 v24, v3;
	v18 =	vld [tilespmem:s6+$0x0];
	s6 =	sor.u32 s13, s22  }
0x10d: {  	v26 =	vmul.f32 $2.771281240e+01, v26;
	s3 =	sor.u32 s14, s3;
	v31 =	vadd.f32 v32, v31;
	v17 =	vld [tilespmem:s6+$0x0]  }
0x10e: {  	v13 =	vadd.f32 v13, v24;
	v24 =	vmul.f32 $2.771281240e+01, v30;
	v33 =	vld [tilespmem:s3+$0x0];
	s3 =	sor.u32 s14, s20  }
0x10f: {  	v34 =	vmul.f32 $2.771281240e+01, v25;
	v32 =	vadd.f32 v31, v26;
	s6 =	sadd.s32 $0xD400, s30;
	v30 =	vld [tilespmem:s3+$0x0];
	s3 =	sor.u32 s14, s21  }
0x110: {  	v28 =	vmul.f32 $2.771281240e+01, v28;
	v24 =	vadd.f32 v24, v13;
	s20 =	sor.u32 s13, s6;
	v26 =	vld [tilespmem:s3+$0x0];
	s3 =	sor.u32 s14, s22  }
0x111: {  	v27 =	vmul.f32 $2.771281240e+01, v27;
	v25 =	vld [tilespmem:s3+$0x0];
	[tilespmem:s20+$0x0] =	vst v32;
	s3 =	sor.u32 s14, s6;
	v32 =	vadd.f32 v31, v34;
	s6 =	sadd.s32 $0xD480, s30  }
0x112: {  	[tilespmem:s3+$0x0] =	vst v24;
	s3 =	sor.u32 s13, s6;
	v24 =	vadd.f32 v28, v13;
	v28 =	vmul.f32 $2.771281240e+01, v35  }
0x113: {  	v23 =	vmul.f32 $2.771281240e+01, v23;
	v27 =	vadd.f32 v31, v27;
	[tilespmem:s3+$0x0] =	vst v32;
	s3 =	sor.u32 s14, s6;
	s6 =	sadd.s32 $0xD500, s30  }
0x114: {  	[tilespmem:s3+$0x0] =	vst v24;
	s3 =	sor.u32 s13, s6;
	v24 =	vadd.f32 v28, v13;
	v28 =	vmul.f32 $2.771281240e+01, v37  }
0x115: {  	v23 =	vadd.f32 v23, v31;
	[tilespmem:s3+$0x0] =	vst v27;
	s3 =	sor.u32 s14, s6;
	s6 =	sadd.s32 $0xD580, s30  }
0x116: {  	[tilespmem:s3+$0x0] =	vst v24;
	s3 =	sor.u32 s13, s6;
	v13 =	vadd.f32 v28, v13  }
0x117: {  	[tilespmem:s3+$0x0] =	vst v23;
	s3 =	sor.u32 s14, s6;
	s6 =	sadd.s32 $0x3800, s15  }
0x118: {  	s20 =	sadd.s32 $0x3880, s15;
	[tilespmem:s3+$0x0] =	vst v13;
	s3 =	sor.u32 s13, s6  }
0x119: {  	s21 =	sadd.s32 $0x3900, s15;
	v28 =	vld [tilespmem:s3+$0x0];
	s3 =	sor.u32 s13, s20  }
0x11a: {  	s22 =	sadd.s32 $0x3980, s15;
	v27 =	vld [tilespmem:s3+$0x0];
	s3 =	sor.u32 s13, s21  }
0x11b: {  	v31 =	vshll.u32 v8, $0x10;
	v23 =	vand.u32 $0xFFFF0000, v7;
	v13 =	vshll.u32 v7, $0x10;
	v24 =	vld [tilespmem:s3+$0x0];
	s3 =	sor.u32 s13, s22  }
0x11c: {  	v8 =	vand.u32 $0xFFFF0000, v8;
	v34 =	vmul.f32 v31, v6;
	v13 =	vmul.f32 v13, v4;
	v7 =	vld [tilespmem:s3+$0x0];
	s3 =	sor.u32 s14, s6  }
0x11d: {  	v8 =	vmul.f32 v8, v5;
	v23 =	vmul.f32 v23, v3;
	v32 =	vld [tilespmem:s3+$0x0];
	s3 =	sor.u32 s14, s20  }
0x11e: {  	v12 =	vmul.f32 $2.771281240e+01, v12;
	v36 =	vadd.f32 v34, v13;
	v31 =	vld [tilespmem:s3+$0x0];
	s3 =	sor.u32 s14, s21  }
0x11f: {  	v19 =	vmul.f32 $2.771281240e+01, v19;
	v23 =	vadd.f32 v8, v23;
	v13 =	vld [tilespmem:s3+$0x0];
	s3 =	sor.u32 s14, s22  }
0x120: {  	v11 =	vmul.f32 $2.771281240e+01, v11;
	v12 =	vadd.f32 v36, v12;
	v8 =	vld [tilespmem:s3+$0x0];
	s3 =	sadd.s32 $0xE000, s30  }
0x121: {  	v16 =	vmul.f32 $2.771281240e+01, v16;
	v19 =	vadd.f32 v19, v23;
	v35 =	vld [tilespmem:s0+$0x19400];
	s6 =	sor.u32 s13, s3  }
0x122: {  	v10 =	vmul.f32 $2.771281240e+01, v10;
	v11 =	vadd.f32 v36, v11;
	s3 =	sor.u32 s14, s3;
	v34 =	vld [tilespmem:s0+$0x1A000];
	[tilespmem:s6+$0x0] =	vst v12;
	s6 =	sadd.s32 $0xE080, s30  }
0x123: {  	v15 =	vmul.f32 $2.771281240e+01, v15;
	v12 =	vadd.f32 v16, v23;
	[tilespmem:s3+$0x0] =	vst v19;
	s3 =	sor.u32 s13, s6  }
0x124: {  	v9 =	vmul.f32 $2.771281240e+01, v9;
	v10 =	vadd.f32 v36, v10;
	[tilespmem:s3+$0x0] =	vst v11;
	s3 =	sor.u32 s14, s6;
	s6 =	sadd.s32 $0xE100, s30  }
0x125: {  	v11 =	vadd.f32 v15, v23;
	[tilespmem:s3+$0x0] =	vst v12;
	s3 =	sor.u32 s13, s6;
	v12 =	vmul.f32 $2.771281240e+01, v14  }
0x126: {  	v9 =	vadd.f32 v9, v36;
	[tilespmem:s3+$0x0] =	vst v10;
	s3 =	sor.u32 s14, s6;
	s6 =	sadd.s32 $0xE180, s30  }
0x127: {  	[tilespmem:s3+$0x0] =	vst v11;
	s3 =	sor.u32 s13, s6;
	v10 =	vadd.f32 v12, v23  }
0x128: {  	[tilespmem:s3+$0x0] =	vst v9;
	s3 =	sor.u32 s14, s6  }
0x129: {  	[tilespmem:s3+$0x0] =	vst v10  }
0x12a: {  	s3 =	sadd.s32 $0x3A00, s15;
	v16 =	vld [tilespmem:s0+$0x19580]  }
0x12b: {  	s20 =	sadd.s32 $0x3A80, s15;
	s6 =	sor.u32 s13, s3;
	v15 =	vld [tilespmem:s0+$0x1A180]  }
0x12c: {  	s21 =	sadd.s32 $0x3B00, s15;
	v14 =	vand.u32 $0xFFFF0000, v29;
	v12 =	vshll.u32 v22, $0x10;
	v9 =	vshll.u32 v29, $0x10;
	v10 =	vld [tilespmem:s6+$0x0];
	s6 =	sor.u32 s13, s20  }
0x12d: {  	s22 =	sadd.s32 $0x3B80, s15;
	v19 =	vand.u32 $0xFFFF0000, v22;
	v23 =	vmul.f32 v12, v6;
	v22 =	vmul.f32 v9, v4;
	v11 =	vld [tilespmem:s6+$0x0];
	s6 =	sor.u32 s13, s21  }
0x12e: {  	v19 =	vmul.f32 v19, v5;
	v14 =	vmul.f32 v14, v3;
	v12 =	vld [tilespmem:s6+$0x0];
	s6 =	sor.u32 s13, s22  }
0x12f: {  	v21 =	vmul.f32 $2.771281240e+01, v21;
	s3 =	sor.u32 s14, s3;
	v29 =	vadd.f32 v23, v22;
	v9 =	vld [tilespmem:s6+$0x0]  }
0x130: {  	v19 =	vadd.f32 v19, v14;
	v14 =	vmul.f32 $2.771281240e+01, v33;
	v23 =	vld [tilespmem:s3+$0x0];
	s3 =	sor.u32 s14, s20  }
0x131: {  	v20 =	vmul.f32 $2.771281240e+01, v20;
	v33 =	vadd.f32 v29, v21;
	s6 =	sadd.s32 $0xEC00, s30;
	v22 =	vld [tilespmem:s3+$0x0];
	s3 =	sor.u32 s14, s21  }
0x132: {  	v30 =	vmul.f32 $2.771281240e+01, v30;
	v36 =	vadd.f32 v14, v19;
	s20 =	sor.u32 s13, s6;
	v21 =	vld [tilespmem:s3+$0x0];
	s3 =	sor.u32 s14, s22  }
0x133: {  	v18 =	vmul.f32 $2.771281240e+01, v18;
	v20 =	vadd.f32 v29, v20;
	v14 =	vld [tilespmem:s3+$0x0];
	[tilespmem:s20+$0x0] =	vst v33;
	s3 =	sor.u32 s14, s6;
	s6 =	sadd.s32 $0xEC80, s30  }
0x134: {  	v26 =	vmul.f32 $2.771281240e+01, v26;
	v30 =	vadd.f32 v30, v19;
	[tilespmem:s3+$0x0] =	vst v36;
	s3 =	sor.u32 s13, s6  }
0x135: {  	v17 =	vmul.f32 $2.771281240e+01, v17;
	v18 =	vadd.f32 v29, v18;
	[tilespmem:s3+$0x0] =	vst v20;
	s3 =	sor.u32 s14, s6;
	s6 =	sadd.s32 $0xED00, s30  }
0x136: {  	v25 =	vmul.f32 $2.771281240e+01, v25;
	v20 =	vadd.f32 v26, v19;
	[tilespmem:s3+$0x0] =	vst v30;
	s3 =	sor.u32 s13, s6  }
0x137: {  	v17 =	vadd.f32 v17, v29;
	[tilespmem:s3+$0x0] =	vst v18;
	s3 =	sor.u32 s14, s6;
	s6 =	sadd.s32 $0xED80, s30  }
0x138: {  	v18 =	vadd.f32 v25, v19;
	[tilespmem:s3+$0x0] =	vst v20;
	s3 =	sor.u32 s13, s6  }
0x139: {  	[tilespmem:s3+$0x0] =	vst v17;
	s3 =	sor.u32 s14, s6  }
0x13a: {  	[tilespmem:s3+$0x0] =	vst v18  }
0x13b: {  	s3 =	sadd.s32 $0x5000, s15;
	v26 =	vld [tilespmem:s0+$0x19700]  }
0x13c: {  	s20 =	sadd.s32 $0x5080, s15;
	s6 =	sor.u32 s13, s3;
	v25 =	vld [tilespmem:s0+$0x1A300]  }
0x13d: {  	v29 =	vand.u32 $0xFFFF0000, v35;
	s21 =	sadd.s32 $0x5100, s15;
	v17 =	vshll.u32 v35, $0x10;
	v18 =	vshll.u32 v34, $0x10;
	v19 =	vld [tilespmem:s6+$0x0];
	s6 =	sor.u32 s13, s20  }
0x13e: {  	s22 =	sadd.s32 $0x5180, s15;
	v30 =	vand.u32 $0xFFFF0000, v34;
	v33 =	vmul.f32 v17, v4;
	v34 =	vmul.f32 v18, v6;
	v20 =	vld [tilespmem:s6+$0x0];
	s6 =	sor.u32 s13, s21  }
0x13f: {  	v29 =	vmul.f32 v29, v3;
	v35 =	vmul.f32 v30, v5;
	v18 =	vld [tilespmem:s6+$0x0];
	s6 =	sor.u32 s13, s22  }
.Ltmp0:
0x140: {  	v28 =	vmul.f32 $2.771281240e+01, v28;
	s3 =	sor.u32 s14, s3;
	v34 =	vadd.f32 v34, v33;
	v17 =	vld [tilespmem:s6+$0x0];
	(pc) =	sbr.rel @p1 .LBB2_3-.Ltmp0, $4  }
0x141: {  	v32 =	vmul.f32 $2.771281240e+01, v32;
	v33 =	vadd.f32 v35, v29;
	v30 =	vld [tilespmem:s3+$0x0];
	s3 =	sor.u32 s14, s20  }
0x142: {  	s17 =	sadd.s32 $0x10, s17;
	v36 =	vmul.f32 $2.771281240e+01, v27;
	v35 =	vadd.f32 v34, v28;
	s6 =	sadd.s32 $0xF800, s30;
	v29 =	vld [tilespmem:s3+$0x0];
	s3 =	sor.u32 s14, s21  }
0x143: {  	s18 =	sadd.s32 $0x10, s18;
	v31 =	vmul.f32 $2.771281240e+01, v31;
	v32 =	vadd.f32 v32, v33;
	s20 =	sor.u32 s13, s6;
	v28 =	vld [tilespmem:s3+$0x0];
	s3 =	sor.u32 s14, s22  }
0x144: {  	s19 =	sadd.s32 $0x1, s19;
	v24 =	vmul.f32 $2.771281240e+01, v24;
	s21 =	sor.u32 s14, s6;
	v27 =	vld [tilespmem:s3+$0x0];
	[tilespmem:s20+$0x0] =	vst v35;
	v35 =	vadd.f32 v34, v36;
	s20 =	sadd.s32 $0xF880, s30  }
0x145: {  	[tilespmem:s21+$0x0] =	vst v32;
	s2 =	sor.u32 s13, s20;
	v31 =	vadd.f32 v31, v33;
	v13 =	vmul.f32 $2.771281240e+01, v13  }
0x146: {  	s17 =	sor.u32 s14, s20;
	s3 =	sadd.s32 $0xF900, s30;
	v7 =	vmul.f32 $2.771281240e+01, v7;
	[tilespmem:s2+$0x0] =	vst v35;
	v24 =	vadd.f32 v34, v24  }
0x147: {  	v8 =	vmul.f32 $2.771281240e+01, v8;
	s18 =	sor.u32 s13, s3;
	[tilespmem:s17+$0x0] =	vst v31;
	v13 =	vadd.f32 v13, v33  }
0x148: {  	s20 =	sadd.s32 $0xF980, s30;
	s19 =	sor.u32 s14, s3;
	v7 =	vadd.f32 v7, v34;
	[tilespmem:s18+$0x0] =	vst v24  }
0x149: {  	s21 =	sor.u32 s13, s20;
	v8 =	vadd.f32 v8, v33;
	[tilespmem:s19+$0x0] =	vst v13  }
0x14a: {  	s23 =	sadd.s32 $0x5200, s15;
	s22 =	sor.u32 s14, s20;
	[tilespmem:s21+$0x0] =	vst v7  }
0x14b: {  	s6 =	sadd.s32 $0x5280, s15;
	s24 =	sor.u32 s13, s23;
	[tilespmem:s22+$0x0] =	vst v8  }
0x14c: {  	s25 =	sor.u32 s13, s6;
	s17 =	sadd.s32 $0x5300, s15;
	v7 =	vld [tilespmem:s24+$0x0]  }
0x14d: {  	s28 =	sadd.s32 $0x5380, s15;
	s26 =	sor.u32 s13, s17;
	v24 =	vshll.u32 v15, $0x10;
	v15 =	vand.u32 $0xFFFF0000, v15;
	v13 =	vshll.u32 v16, $0x10;
	v8 =	vld [tilespmem:s25+$0x0]  }
0x14e: {  	s18 =	sor.u32 s13, s28;
	v16 =	vand.u32 $0xFFFF0000, v16;
	v24 =	vmul.f32 v24, v6;
	v13 =	vmul.f32 v13, v4;
	v31 =	vld [tilespmem:s26+$0x0]  }
0x14f: {  	s19 =	sor.u32 s14, s23;
	v15 =	vmul.f32 v15, v5;
	v16 =	vmul.f32 v16, v3;
	v32 =	vld [tilespmem:s18+$0x0]  }
0x150: {  	v10 =	vmul.f32 $2.771281240e+01, v10;
	s20 =	sor.u32 s14, s6;
	v62 =	vld [tilespmem:s19+$0x0];
	v13 =	vadd.f32 v24, v13  }
0x151: {  	v23 =	vmul.f32 $2.771281240e+01, v23;
	v11 =	vmul.f32 $2.771281240e+01, v11;
	s21 =	sor.u32 s14, s17;
	v24 =	vld [tilespmem:s20+$0x0];
	v15 =	vadd.f32 v15, v16  }
0x152: {  	v12 =	vmul.f32 $2.771281240e+01, v12;
	s22 =	sor.u32 s14, s28;
	v16 =	vmul.f32 $2.771281240e+01, v22;
	v22 =	vld [tilespmem:s21+$0x0];
	v10 =	vadd.f32 v13, v10  }
0x153: {  	v9 =	vmul.f32 $2.771281240e+01, v9;
	s23 =	sadd.s32 $0x10400, s30;
	v63 =	vld [tilespmem:s22+$0x0];
	v23 =	vadd.f32 v23, v15;
	v11 =	vadd.f32 v13, v11  }
0x154: {  	v21 =	vmul.f32 $2.771281240e+01, v21;
	v35 =	vld [tilespmem:s0+$0x19880];
	s24 =	sor.u32 s13, s23;
	v16 =	vadd.f32 v16, v15;
	v12 =	vadd.f32 v13, v12  }
0x155: {  	s2 =	sor.u32 s14, s23;
	v36 =	vld [tilespmem:s0+$0x1A480];
	s25 =	sadd.s32 $0x10480, s30;
	v9 =	vadd.f32 v9, v13;
	v13 =	vmul.f32 $2.771281240e+01, v14;
	v14 =	vshll.u32 v26, $0x10;
	[tilespmem:s24+$0x0] =	vst v10  }
0x156: {  	s26 =	sor.u32 s13, s25;
	v14 =	vmul.f32 v14, v4;
	v10 =	vadd.f32 v21, v15;
	[tilespmem:s2+$0x0] =	vst v23;
	v23 =	vshll.u32 v25, $0x10  }
0x157: {  	s28 =	sadd.s32 $0x10500, s30;
	s0 =	sor.u32 s14, s25;
	v21 =	vand.u32 $0xFFFF0000, v26;
	[tilespmem:s26+$0x0] =	vst v11;
	v11 =	vand.u32 $0xFFFF0000, v25;
	v23 =	vmul.f32 v23, v6  }
0x158: {  	s6 =	sor.u32 s13, s28;
	v13 =	vadd.f32 v13, v15;
	v15 =	vmul.f32 v21, v3;
	[tilespmem:s0+$0x0] =	vst v16;
	v11 =	vmul.f32 v11, v5  }
0x159: {  	s15 =	sadd.s32 $0x10580, s30;
	s17 =	sor.u32 s14, s28;
	v16 =	vmul.f32 $2.771281240e+01, v30;
	[tilespmem:s6+$0x0] =	vst v12;
	v12 =	vadd.f32 v23, v14;
	v14 =	vmul.f32 $2.771281240e+01, v19  }
0x15a: {  	s18 =	sor.u32 s13, s15;
	v19 =	vand.u32 $0xFFFF0000, v35;
	[tilespmem:s17+$0x0] =	vst v10;
	v10 =	vadd.f32 v11, v15;
	v11 =	vmul.f32 $2.771281240e+01, v20  }
0x15b: {  	s19 =	sor.u32 s14, s15;
	s20 =	sadd.s32 $0x11000, s30;
	v15 =	vmul.f32 $2.771281240e+01, v29;
	v20 =	vand.u32 $0xFFFF0000, v36;
	[tilespmem:s18+$0x0] =	vst v9;
	v9 =	vadd.f32 v12, v14  }
0x15c: {  	s21 =	sor.u32 s13, s20;
	v3 =	vmul.f32 v19, v3;
	v14 =	vmul.f32 $2.771281240e+01, v18;
	[tilespmem:s19+$0x0] =	vst v13;
	v13 =	vadd.f32 v16, v10  }
0x15d: {  	s22 =	sadd.s32 $0x11080, s30;
	s23 =	sor.u32 s14, s20;
	v18 =	vmul.f32 $2.771281240e+01, v28;
	v16 =	vmul.f32 $2.771281240e+01, v17;
	[tilespmem:s21+$0x0] =	vst v9;
	v9 =	vadd.f32 v12, v11  }
0x15e: {  	s24 =	sor.u32 s13, s22;
	v11 =	vshll.u32 v35, $0x10;
	[tilespmem:s23+$0x0] =	vst v13;
	v13 =	vadd.f32 v15, v10;
	v15 =	vshll.u32 v36, $0x10  }
0x15f: {  	s25 =	sor.u32 s14, s22;
	s26 =	sadd.s32 $0x11100, s30;
	v4 =	vmul.f32 v11, v4;
	[tilespmem:s24+$0x0] =	vst v9;
	v9 =	vadd.f32 v12, v14;
	v6 =	vmul.f32 v15, v6  }
0x160: {  	s28 =	sor.u32 s13, s26;
	v5 =	vmul.f32 v20, v5;
	v17 =	vmul.f32 $2.771281240e+01, v27;
	v11 =	vadd.f32 v18, v10;
	[tilespmem:s25+$0x0] =	vst v13  }
0x161: {  	s3 =	sor.u32 s14, s26;
	s6 =	sadd.s32 $0x11180, s30;
	[tilespmem:s28+$0x0] =	vst v9;
	v9 =	vadd.f32 v16, v12;
	v4 =	vadd.f32 v6, v4;
	v6 =	vmul.f32 $2.771281240e+01, v7  }
0x162: {  	s15 =	sor.u32 s13, s6;
	v3 =	vadd.f32 v5, v3;
	v5 =	vmul.f32 $2.771281240e+01, v62;
	v7 =	vadd.f32 v17, v10;
	[tilespmem:s3+$0x0] =	vst v11  }
0x163: {  	v8 =	vmul.f32 $2.771281240e+01, v8;
	s17 =	sor.u32 s14, s6;
	s18 =	sadd.s32 $0x11C00, s30;
	[tilespmem:s15+$0x0] =	vst v9;
	v6 =	vadd.f32 v4, v6  }
0x164: {  	s19 =	sor.u32 s13, s18;
	v5 =	vadd.f32 v5, v3;
	[tilespmem:s17+$0x0] =	vst v7;
	v7 =	vmul.f32 $2.771281240e+01, v24  }
0x165: {  	s20 =	sor.u32 s14, s18;
	s21 =	sadd.s32 $0x11C80, s30;
	[tilespmem:s19+$0x0] =	vst v6;
	v6 =	vadd.f32 v4, v8;
	v8 =	vmul.f32 $2.771281240e+01, v31  }
0x166: {  	s22 =	sor.u32 s13, s21;
	[tilespmem:s20+$0x0] =	vst v5;
	v5 =	vadd.f32 v7, v3;
	v7 =	vmul.f32 $2.771281240e+01, v22  }
0x167: {  	s23 =	sor.u32 s14, s21;
	s24 =	sadd.s32 $0x11D00, s30;
	[tilespmem:s22+$0x0] =	vst v6;
	v6 =	vadd.f32 v4, v8;
	v8 =	vmul.f32 $2.771281240e+01, v32  }
0x168: {  	p1 =	seq.s32 s9, $0x7;
	s26 =	sshll.u32 s9, $0x4;
	s25 =	sor.u32 s13, s24;
	[tilespmem:s23+$0x0] =	vst v5;
	v5 =	vadd.f32 v7, v3;
	v7 =	vmul.f32 $2.771281240e+01, v63  }
0x169: {  	s2 =	sor.u32 s14, s24;
	s28 =	sadd.s32 $0x11D80, s30;
	s3 =	sadd.s32 s7, s26;
	[tilespmem:s25+$0x0] =	vst v6;
	v4 =	vadd.f32 v8, v4  }
0x16a: {  	s6 =	sadd.s32 @!p1 $0x2, s16;
	s13 =	sor.u32 s13, s28;
	s3 =	smul.u32 $0x180, s3;
	[tilespmem:s2+$0x0] =	vst v5;
	v3 =	vadd.f32 v7, v3  }
0x16b: {  	s0 =	sor.u32 s14, s28;
	s2 =	sadd.s32 @!p1 s8, s6;
	[tilespmem:s13+$0x0] =	vst v4  }
0x16c: {  	s16 =	simm.s32 $0xC800;
	s15 =	sadd.s32 s29, s3;
	s2 =	smul.u32 @!p1 $0x60, s2;
	[tilespmem:s0+$0x0] =	vst v3  }
0x16d: {  	[hbm4b:s15+s4] =	stream.linear.scatter [tilespmem:s16], [sflag:$0x5], $0x6000, $0x38;
	[tilespmem:$0x1A600] =	vst v63  }
0x16e: {  	s3 =	simm.s32 @!p1 $0x18800;
	s0 =	sadd.s32 @!p1 s5, s2;
	s2 =	simm.s32 @!p1 $0x0  }
0x16f: {  	[tilespmem:s3], [sflag:$0x3] =	stream.linear.gather @!p1 [hbm4b:s0+s2], $0x300, $0x38;
	[tilespmem:$0x1A600] =	vst v63  }
0x170: {  	s0 =	sshll.u32 @!p1 s6, $0x7  }
0x171: {  	s0 =	sand.u32 @!p1 $0x3FFFFF80, s0  }
0x172: {  	v3 =	vld @!p1 [tilespmem:s0+$0x0];
	_ =	sdelay $0x4  }
0x173: {  	v4 =	vshrl.u32 @!p1 v3, $0x3  }
0x174: {  	v4 =	vmul.u32 @!p1 $0x30, v4  }
0x175: {  	v5 =	vlaneseq.u32 @!p1;
	v3 =	vand.u32 @!p1 $0x7, v3  }
0x176: {  	v6 =	vshrl.u32 @!p1 v5, $0x3;
	v3 =	vor.u32 @!p1 v3, v4;
	v4 =	vand.u32 @!p1 $0x7, v5  }
0x177: {  	v6 =	vmul.u32 @!p1 $0x8, v6;
	v7 =	vperm.xlane @!p1 v3, v4;
	_ =	sdelay $0x1  }
0x178: {  	v7 =	vadd.s32 @!p1 v6, v7;
	_ =	sdelay $0x2  }
0x179: {  	v5 =	vor.u32 @!p1 $0x8, v5  }
0x17a: {  	vm1 =	vmmov @!p1 $0xffff;
	s3 =	simm.s32 @!p1 $0x800;
	v3 =	vperm.xlane @!p1 v3, v5  }
0x17b: {  	[tilespmem:s3], [sflag:$0x1] =	stream.indirect_vreg.gather @!p1 [hbm4b:s1+s2], $0x80, v7, vm1, $0xb8;
	[tilespmem:$0x1A600] =	vst v63  }
0x17c: {  	v3 =	vadd.s32 @!p1 v6, v3;
	s3 =	simm.s32 @!p1 $0x1000  }
0x17d: {  	[tilespmem:s3], [sflag:$0x1] =	stream.indirect_vreg.gather @!p1 [hbm4b:s11+s2], $0x80, v7, vm1, $0xb8;
	[tilespmem:$0x1A600] =	vst v63  }
0x17e: {  	s3 =	simm.s32 @!p1 $0x1800  }
0x17f: {  	[tilespmem:s3], [sflag:$0x1] =	stream.indirect_vreg.gather @!p1 [hbm4b:s12+s2], $0x80, v7, vm1, $0xb8;
	[tilespmem:$0x1A600] =	vst v63  }
0x180: {  	s3 =	simm.s32 @!p1 $0x2000  }
0x181: {  	[tilespmem:s3], [sflag:$0x1] =	stream.indirect_vreg.gather @!p1 [hbm4b:s1+s2], $0x80, v3, vm1, $0xb8;
	[tilespmem:$0x1A600] =	vst v63  }
0x182: {  	s3 =	simm.s32 @!p1 $0x2800  }
0x183: {  	[tilespmem:s3], [sflag:$0x1] =	stream.indirect_vreg.gather @!p1 [hbm4b:s11+s2], $0x80, v3, vm1, $0xb8;
	[tilespmem:$0x1A600] =	vst v63  }
0x184: {  	s3 =	simm.s32 @!p1 $0x3000  }
0x185: {  	[tilespmem:s3], [sflag:$0x1] =	stream.indirect_vreg.gather @!p1 [hbm4b:s12+s2], $0x80, v3, vm1, $0xb8;
	[tilespmem:$0x1A600] =	vst v63  }
0x186: {  	v3 =	vld @!p1 [tilespmem:s0+$0x10];
	_ =	sdelay $0x4  }
0x187: {  	v7 =	vshrl.u32 @!p1 v3, $0x3  }
0x188: {  	v7 =	vmul.u32 @!p1 $0x30, v7  }
0x189: {  	v3 =	vand.u32 @!p1 $0x7, v3  }
0x18a: {  	v3 =	vor.u32 @!p1 v3, v7  }
0x18b: {  	v4 =	vperm.xlane @!p1 v3, v4;
	_ =	sdelay $0x1  }
0x18c: {  	v4 =	vadd.s32 @!p1 v6, v4;
	_ =	sdelay $0x3  }
0x18d: {  	s0 =	simm.s32 @!p1 $0x3800;
	v3 =	vperm.xlane @!p1 v3, v5  }
0x18e: {  	[tilespmem:s0], [sflag:$0x1] =	stream.indirect_vreg.gather @!p1 [hbm4b:s1+s2], $0x80, v4, vm1, $0xb8;
	[tilespmem:$0x1A600] =	vst v63  }
0x18f: {  	v3 =	vadd.s32 @!p1 v6, v3;
	s0 =	simm.s32 @!p1 $0x4000  }
0x190: {  	[tilespmem:s0], [sflag:$0x1] =	stream.indirect_vreg.gather @!p1 [hbm4b:s11+s2], $0x80, v4, vm1, $0xb8;
	[tilespmem:$0x1A600] =	vst v63  }
0x191: {  	s0 =	simm.s32 @!p1 $0x4800  }
0x192: {  	[tilespmem:s0], [sflag:$0x1] =	stream.indirect_vreg.gather @!p1 [hbm4b:s12+s2], $0x80, v4, vm1, $0xb8;
	[tilespmem:$0x1A600] =	vst v63  }
0x193: {  	s0 =	simm.s32 @!p1 $0x5000  }
0x194: {  	[tilespmem:s0], [sflag:$0x1] =	stream.indirect_vreg.gather @!p1 [hbm4b:s1+s2], $0x80, v3, vm1, $0xb8;
	[tilespmem:$0x1A600] =	vst v63  }
0x195: {  	s0 =	simm.s32 @!p1 $0x5800  }
0x196: {  	[tilespmem:s0], [sflag:$0x1] =	stream.indirect_vreg.gather @!p1 [hbm4b:s11+s2], $0x80, v3, vm1, $0xb8;
	[tilespmem:$0x1A600] =	vst v63  }
0x197: {  	s17 =	simm.s32 $0x4;
	s0 =	simm.s32 @!p1 $0x6000  }
0x198: {  	[tilespmem:s0], [sflag:$0x1] =	stream.indirect_vreg.gather @!p1 [hbm4b:s12+s2], $0x80, v3, vm1, $0xb8;
	[tilespmem:$0x1A600] =	vst v63  }
0x199: {  	_ =	swait.ge [sflag:s17], $0x300  }
0x19a: {  	[sflag:s17] =	ssyncset.done $0x0  }
0x19b: {  	s18 =	simm.s32 $0x2;
	[sflag:s17] =	ssyncadd.s32 $0xFFFFFD00  }
0x19c: {  	_ =	swait.ge [sflag:s18], $0x6000  }
0x19d: {  	[sflag:s18] =	ssyncset.done $0x0  }
0x19e: {  	s0 =	simm.s32 @!p0 $0x6;
	[sflag:s18] =	ssyncadd.s32 $0xFFFFA000  }
0x19f: {  	_ =	swait.ge @!p0 [sflag:s0], $0x6000  }
0x1a0: {  	[sflag:s0] =	ssyncset.done @!p0 $0x0  }
0x1a1: {  	s19 =	simm.s32 $0x18B00;
	[sflag:s0] =	ssyncadd.s32 @!p0 $0xFFFFA000  }
0x1a2: {  	s31 =	simm.s32 $0x0;
	s0 =	simm.s32 $0x18E00;
	v3 =	vld [tilespmem:s19+$0x0]  }
0x1a3: {  	s15 =	sand.u32 $0x1F0, s31;
	v5 =	vld [tilespmem:s0+$0x0]  }
0x1a4: {  	v7 =	vld [tilespmem:s15+$0x19100]  }
0x1a5: {  	v8 =	vld [tilespmem:s15+$0x19D00]  }
0x1a6: {  	s20 =	simm.s32 $0x0;
	v19 =	vld [tilespmem:s15+$0x18F80]  }
0x1a7: {  	s2 =	sand.u32 $0x3FFFFC00, s20;
	v18 =	vld [tilespmem:s15+$0x19B80]  }
0x1a8: {  	s14 =	sand.u32 $0x60, s31;
	s21 =	sadd.s32 $0x8000, s2;
	v20 =	vld [tilespmem:s15+$0x18C80]  }
0x1a9: {  	s23 =	sadd.s32 $0x8080, s2;
	s22 =	sor.u32 s14, s21;
	v21 =	vld [tilespmem:s15+$0x19A00]  }
0x1aa: {  	s25 =	sadd.s32 $0x8100, s2;
	s24 =	sor.u32 s14, s23;
	v13 =	vld [tilespmem:s22+$0x0]  }
0x1ab: {  	s26 =	sor.u32 s14, s25;
	s18 =	sadd.s32 $0x8180, s2;
	v14 =	vld [tilespmem:s24+$0x0]  }
0x1ac: {  	s13 =	sor.u32 $0x10, s14;
	s28 =	sor.u32 s14, s18;
	v10 =	vld [tilespmem:s26+$0x0]  }
0x1ad: {  	s3 =	sor.u32 s13, s21;
	v9 =	vld [tilespmem:s28+$0x0]  }
0x1ae: {  	s16 =	sor.u32 s13, s23;
	v16 =	vld [tilespmem:s3+$0x0]  }
0x1af: {  	s17 =	sor.u32 s13, s25;
	v15 =	vld [tilespmem:s16+$0x0]  }
0x1b0: {  	s20 =	sor.u32 s13, s18;
	s18 =	sadd.s32 $0x6B80, s2;
	v12 =	vld [tilespmem:s17+$0x0]  }
0x1b1: {  	s25 =	sor.u32 s14, s18;
	v11 =	vld [tilespmem:s20+$0x0]  }
0x1b2: {  	s19 =	sadd.s32 $0x6A00, s2;
	v17 =	vld [tilespmem:s25+$0x0];
	s17 =	sor.u32 s13, s18  }
0x1b3: {  	s22 =	sadd.s32 $0x6A80, s2;
	s21 =	sor.u32 s14, s19;
	v45 =	vld [tilespmem:s17+$0x0]  }
0x1b4: {  	s16 =	sadd.s32 $0x6B00, s2;
	s23 =	sor.u32 s14, s22;
	v24 =	vld [tilespmem:s21+$0x0]  }
0x1b5: {  	s24 =	sor.u32 s14, s16;
	v25 =	vld [tilespmem:s23+$0x0]  }
0x1b6: {  	s28 =	sadd.s32 $0x6800, s2;
	s26 =	sor.u32 s13, s19;
	v27 =	vld [tilespmem:s24+$0x0]  }
0x1b7: {  	s20 =	sor.u32 s14, s28;
	v26 =	vld [tilespmem:s26+$0x0]  }
0x1b8: {  	s6 =	sor.u32 s13, s28;
	v22 =	vld [tilespmem:s20+$0x0];
	s21 =	sadd.s32 $0x6880, s2;
	v4 =	vshll.u32 v3, $0x10  }
0x1b9: {  	s19 =	sor.u32 s13, s22;
	v23 =	vld [tilespmem:s6+$0x0];
	s22 =	sor.u32 s14, s21;
	v3 =	vand.u32 $0xFFFF0000, v3;
	v6 =	vshll.u32 v5, $0x10;
	v29 =	vand.u32 $0xFFFF0000, v5  }
0x1ba: {  	s23 =	sadd.s32 $0x6900, s2;
	s3 =	sor.u32 s13, s21;
	v30 =	vld [tilespmem:s22+$0x0];
	v40 =	vshll.u32 v21, $0x10;
	v31 =	vmul.f32 v6, v4;
	v6 =	vshll.u32 v20, $0x10  }
0x1bb: {  	s24 =	sor.u32 s14, s23;
	v41 =	vld [tilespmem:s3+$0x0];
	v5 =	vand.u32 $0xFFFF0000, v20;
	v20 =	vand.u32 $0xFFFF0000, v21;
	v21 =	vmul.f32 v40, v6  }
0x1bc: {  	s25 =	sadd.s32 $0x6980, s2;
	s6 =	sor.u32 s13, s23;
	v42 =	vld [tilespmem:s24+$0x0];
	v29 =	vmul.f32 v29, v3;
	v20 =	vmul.f32 v20, v5  }
0x1bd: {  	s28 =	simm.s32 $0x0;
	s26 =	sor.u32 s14, s25;
	v43 =	vld [tilespmem:s6+$0x0];
	v22 =	vmul.f32 $2.771281240e+01, v22;
	v21 =	vadd.f32 v21, v31  }
0x1be: {  	s30 =	sand.u32 $0x3FFFFE00, s28;
	s3 =	sor.u32 s13, s25;
	v23 =	vmul.f32 $2.771281240e+01, v23;
	v31 =	vld [tilespmem:s26+$0x0];
	v20 =	vadd.f32 v20, v29  }
0x1bf: {  	s6 =	sadd.s32 $0x12800, s30;
	v29 =	vld [tilespmem:s3+$0x0];
	v30 =	vmul.f32 $2.771281240e+01, v30;
	v22 =	vadd.f32 v21, v22  }
0x1c0: {  	s16 =	sor.u32 s13, s16;
	v28 =	vld [tilespmem:s19+$0x0];
	s18 =	sor.u32 s14, s6;
	v33 =	vmul.f32 $2.771281240e+01, v41;
	v23 =	vadd.f32 v23, v20  }
0x1c1: {  	v44 =	vld [tilespmem:s16+$0x0];
	s20 =	sadd.s32 $0x12880, s30;
	s19 =	sor.u32 s13, s6;
	[tilespmem:s18+$0x0] =	vst v22;
	v22 =	vadd.f32 v21, v30;
	v30 =	vmul.f32 $2.771281240e+01, v42  }
0x1c2: {  	s21 =	sor.u32 s14, s20;
	v46 =	vmul.f32 $2.771281240e+01, v43;
	[tilespmem:s19+$0x0] =	vst v23;
	v23 =	vadd.f32 v33, v20  }
0x1c3: {  	s23 =	sadd.s32 $0x12900, s30;
	s22 =	sor.u32 s13, s20;
	[tilespmem:s21+$0x0] =	vst v22;
	v22 =	vadd.f32 v21, v30;
	v30 =	vmul.f32 $2.771281240e+01, v31  }
0x1c4: {  	s24 =	sor.u32 s14, s23;
	v29 =	vmul.f32 $2.771281240e+01, v29;
	[tilespmem:s22+$0x0] =	vst v23;
	v23 =	vadd.f32 v46, v20  }
0x1c5: {  	s25 =	sor.u32 s13, s23;
	s26 =	sadd.s32 $0x12980, s30;
	[tilespmem:s24+$0x0] =	vst v22;
	v21 =	vadd.f32 v30, v21  }
0x1c6: {  	s28 =	sor.u32 s14, s26;
	v20 =	vadd.f32 v29, v20;
	[tilespmem:s25+$0x0] =	vst v23  }
0x1c7: {  	s16 =	sor.u32 s13, s26;
	[tilespmem:s28+$0x0] =	vst v21  }
0x1c8: {  	[tilespmem:s16+$0x0] =	vst v20  }
0x1c9: {  	s17 =	sadd.s32 $0x8200, s2;
	v23 =	vld [tilespmem:s15+$0x19280]  }
0x1ca: {  	s18 =	sor.u32 s14, s17;
	s19 =	sadd.s32 $0x8280, s2;
	v22 =	vld [tilespmem:s15+$0x19E80]  }
0x1cb: {  	s20 =	sor.u32 s14, s19;
	s21 =	sadd.s32 $0x8300, s2;
	v29 =	vshll.u32 v19, $0x10;
	v30 =	vand.u32 $0xFFFF0000, v19;
	v19 =	vshll.u32 v18, $0x10;
	v21 =	vld [tilespmem:s18+$0x0]  }
0x1cc: {  	s23 =	sadd.s32 $0x8380, s2;
	s22 =	sor.u32 s14, s21;
	v18 =	vand.u32 $0xFFFF0000, v18;
	v29 =	vmul.f32 v29, v4;
	v31 =	vmul.f32 v19, v6;
	v20 =	vld [tilespmem:s20+$0x0]  }
0x1cd: {  	s24 =	sor.u32 s14, s23;
	v47 =	vmul.f32 v30, v3;
	v48 =	vmul.f32 v18, v5;
	v19 =	vld [tilespmem:s22+$0x0]  }
0x1ce: {  	v24 =	vmul.f32 $2.771281240e+01, v24;
	s3 =	sor.u32 s13, s17;
	v31 =	vadd.f32 v31, v29;
	v18 =	vld [tilespmem:s24+$0x0]  }
0x1cf: {  	v49 =	vmul.f32 $2.771281240e+01, v26;
	s25 =	sor.u32 s13, s19;
	v32 =	vadd.f32 v48, v47;
	v30 =	vld [tilespmem:s3+$0x0]  }
0x1d0: {  	v50 =	vmul.f32 $2.771281240e+01, v25;
	s26 =	sor.u32 s13, s21;
	s28 =	sadd.s32 $0x13400, s30;
	v29 =	vld [tilespmem:s25+$0x0];
	v24 =	vadd.f32 v31, v24  }
0x1d1: {  	v28 =	vmul.f32 $2.771281240e+01, v28;
	s17 =	sor.u32 s13, s23;
	v26 =	vld [tilespmem:s26+$0x0];
	s18 =	sor.u32 s14, s28;
	v33 =	vadd.f32 v49, v32  }
0x1d2: {  	v27 =	vmul.f32 $2.771281240e+01, v27;
	s19 =	sor.u32 s13, s28;
	v25 =	vld [tilespmem:s17+$0x0];
	s20 =	sadd.s32 $0x13480, s30;
	[tilespmem:s18+$0x0] =	vst v24;
	v24 =	vadd.f32 v31, v50  }
0x1d3: {  	v51 =	vmul.f32 $2.771281240e+01, v44;
	s21 =	sor.u32 s14, s20;
	v28 =	vadd.f32 v28, v32;
	[tilespmem:s19+$0x0] =	vst v33  }
0x1d4: {  	v17 =	vmul.f32 $2.771281240e+01, v17;
	s23 =	sadd.s32 $0x13500, s30;
	s22 =	sor.u32 s13, s20;
	[tilespmem:s21+$0x0] =	vst v24;
	v24 =	vadd.f32 v31, v27  }
0x1d5: {  	s24 =	sor.u32 s14, s23;
	v27 =	vadd.f32 v51, v32;
	[tilespmem:s22+$0x0] =	vst v28;
	v28 =	vmul.f32 $2.771281240e+01, v45  }
0x1d6: {  	s25 =	sor.u32 s13, s23;
	s26 =	sadd.s32 $0x13580, s30;
	v17 =	vadd.f32 v17, v31;
	[tilespmem:s24+$0x0] =	vst v24  }
0x1d7: {  	s28 =	sor.u32 s14, s26;
	[tilespmem:s25+$0x0] =	vst v27;
	v24 =	vadd.f32 v28, v32  }
0x1d8: {  	s17 =	sadd.s32 $0x9800, s2;
	s16 =	sor.u32 s13, s26;
	[tilespmem:s28+$0x0] =	vst v17  }
0x1d9: {  	s18 =	sor.u32 s14, s17;
	s19 =	sadd.s32 $0x9880, s2;
	[tilespmem:s16+$0x0] =	vst v24  }
0x1da: {  	s20 =	sor.u32 s14, s19;
	s21 =	sadd.s32 $0x9900, s2;
	v28 =	vld [tilespmem:s18+$0x0]  }
0x1db: {  	s23 =	sadd.s32 $0x9980, s2;
	s22 =	sor.u32 s14, s21;
	v27 =	vld [tilespmem:s20+$0x0]  }
0x1dc: {  	v52 =	vshll.u32 v8, $0x10;
	v8 =	vand.u32 $0xFFFF0000, v8;
	s24 =	sor.u32 s14, s23;
	v24 =	vshll.u32 v7, $0x10;
	v17 =	vld [tilespmem:s22+$0x0]  }
0x1dd: {  	v53 =	vmul.f32 v52, v6;
	v31 =	vand.u32 $0xFFFF0000, v7;
	s25 =	sor.u32 s13, s17;
	v7 =	vld [tilespmem:s24+$0x0];
	v24 =	vmul.f32 v24, v4  }
0x1de: {  	v8 =	vmul.f32 v8, v5;
	s26 =	sor.u32 s13, s19;
	v55 =	vmul.f32 v31, v3;
	v54 =	vld [tilespmem:s25+$0x0]  }
0x1df: {  	v56 =	vmul.f32 $2.771281240e+01, v13;
	s28 =	sor.u32 s13, s21;
	v31 =	vld [tilespmem:s26+$0x0];
	v24 =	vadd.f32 v53, v24  }
0x1e0: {  	v16 =	vmul.f32 $2.771281240e+01, v16;
	s6 =	sor.u32 s13, s23;
	v34 =	vadd.f32 v8, v55;
	v13 =	vld [tilespmem:s28+$0x0]  }
0x1e1: {  	v14 =	vmul.f32 $2.771281240e+01, v14;
	s16 =	sadd.s32 $0x14000, s30;
	v8 =	vld [tilespmem:s6+$0x0];
	v33 =	vadd.f32 v24, v56  }
0x1e2: {  	v15 =	vmul.f32 $2.771281240e+01, v15;
	v16 =	vadd.f32 v16, v34;
	v57 =	vld [tilespmem:s15+$0x19400];
	s17 =	sor.u32 s14, s16  }
0x1e3: {  	v10 =	vmul.f32 $2.771281240e+01, v10;
	v58 =	vld [tilespmem:s15+$0x1A000];
	s3 =	sor.u32 s13, s16;
	s18 =	sadd.s32 $0x14080, s30;
	v14 =	vadd.f32 v24, v14;
	[tilespmem:s17+$0x0] =	vst v33  }
0x1e4: {  	v12 =	vmul.f32 $2.771281240e+01, v12;
	v15 =	vadd.f32 v15, v34;
	s19 =	sor.u32 s14, s18;
	[tilespmem:s3+$0x0] =	vst v16  }
0x1e5: {  	v9 =	vmul.f32 $2.771281240e+01, v9;
	s21 =	sadd.s32 $0x14100, s30;
	s20 =	sor.u32 s13, s18;
	v10 =	vadd.f32 v24, v10;
	[tilespmem:s19+$0x0] =	vst v14  }
0x1e6: {  	v11 =	vmul.f32 $2.771281240e+01, v11;
	v12 =	vadd.f32 v12, v34;
	s22 =	sor.u32 s14, s21;
	[tilespmem:s20+$0x0] =	vst v15  }
0x1e7: {  	s23 =	sor.u32 s13, s21;
	s24 =	sadd.s32 $0x14180, s30;
	v9 =	vadd.f32 v9, v24;
	[tilespmem:s22+$0x0] =	vst v10  }
0x1e8: {  	s25 =	sor.u32 s14, s24;
	v10 =	vadd.f32 v11, v34;
	[tilespmem:s23+$0x0] =	vst v12  }
0x1e9: {  	s26 =	sor.u32 s13, s24;
	[tilespmem:s25+$0x0] =	vst v9  }
0x1ea: {  	[tilespmem:s26+$0x0] =	vst v10  }
0x1eb: {  	s28 =	sadd.s32 $0x9A00, s2;
	v16 =	vld [tilespmem:s15+$0x19580]  }
0x1ec: {  	s16 =	sor.u32 s14, s28;
	s17 =	sadd.s32 $0x9A80, s2;
	v15 =	vld [tilespmem:s15+$0x1A180]  }
0x1ed: {  	s18 =	sor.u32 s14, s17;
	s19 =	sadd.s32 $0x9B00, s2;
	v14 =	vand.u32 $0xFFFF0000, v23;
	v12 =	vshll.u32 v22, $0x10;
	v9 =	vshll.u32 v23, $0x10;
	v10 =	vld [tilespmem:s16+$0x0]  }
0x1ee: {  	s21 =	sadd.s32 $0x9B80, s2;
	s20 =	sor.u32 s14, s19;
	v22 =	vand.u32 $0xFFFF0000, v22;
	v24 =	vmul.f32 v12, v6;
	v23 =	vmul.f32 v9, v4;
	v11 =	vld [tilespmem:s18+$0x0]  }
0x1ef: {  	v14 =	vmul.f32 v14, v3;
	s22 =	sor.u32 s14, s21;
	v22 =	vmul.f32 v22, v5;
	v12 =	vld [tilespmem:s20+$0x0]  }
0x1f0: {  	v21 =	vmul.f32 $2.771281240e+01, v21;
	s24 =	sor.u32 s13, s19;
	v9 =	vld [tilespmem:s22+$0x0];
	v59 =	vadd.f32 v24, v23  }
0x1f1: {  	s3 =	sor.u32 s13, s28;
	v60 =	vadd.f32 v22, v14;
	v14 =	vmul.f32 $2.771281240e+01, v30;
	v22 =	vld [tilespmem:s24+$0x0]  }
0x1f2: {  	v20 =	vmul.f32 $2.771281240e+01, v20;
	s23 =	sor.u32 s13, s17;
	s25 =	sadd.s32 $0x14C00, s30;
	v24 =	vld [tilespmem:s3+$0x0];
	v21 =	vadd.f32 v59, v21  }
0x1f3: {  	v29 =	vmul.f32 $2.771281240e+01, v29;
	s26 =	sor.u32 s13, s21;
	s28 =	sor.u32 s14, s25;
	v23 =	vld [tilespmem:s23+$0x0];
	v30 =	vadd.f32 v14, v60  }
0x1f4: {  	v19 =	vmul.f32 $2.771281240e+01, v19;
	s17 =	sor.u32 s13, s25;
	s18 =	sadd.s32 $0x14C80, s30;
	v14 =	vld [tilespmem:s26+$0x0];
	v20 =	vadd.f32 v59, v20;
	[tilespmem:s28+$0x0] =	vst v21  }
0x1f5: {  	v26 =	vmul.f32 $2.771281240e+01, v26;
	s19 =	sor.u32 s14, s18;
	v21 =	vadd.f32 v29, v60;
	[tilespmem:s17+$0x0] =	vst v30  }
0x1f6: {  	v18 =	vmul.f32 $2.771281240e+01, v18;
	s21 =	sadd.s32 $0x14D00, s30;
	s20 =	sor.u32 s13, s18;
	v19 =	vadd.f32 v59, v19;
	[tilespmem:s19+$0x0] =	vst v20  }
0x1f7: {  	s22 =	sor.u32 s14, s21;
	v20 =	vadd.f32 v26, v60;
	[tilespmem:s20+$0x0] =	vst v21;
	v21 =	vmul.f32 $2.771281240e+01, v25  }
0x1f8: {  	s24 =	sadd.s32 $0x14D80, s30;
	s23 =	sor.u32 s13, s21;
	v18 =	vadd.f32 v18, v59;
	[tilespmem:s22+$0x0] =	vst v19  }
0x1f9: {  	s25 =	sor.u32 s14, s24;
	[tilespmem:s23+$0x0] =	vst v20;
	v19 =	vadd.f32 v21, v60  }
0x1fa: {  	s26 =	sor.u32 s13, s24;
	[tilespmem:s25+$0x0] =	vst v18  }
0x1fb: {  	[tilespmem:s26+$0x0] =	vst v19  }
0x1fc: {  	s28 =	sadd.s32 $0xB000, s2;
	v26 =	vld [tilespmem:s15+$0x19700]  }
0x1fd: {  	s16 =	sor.u32 s14, s28;
	s17 =	sadd.s32 $0xB080, s2;
	v25 =	vld [tilespmem:s15+$0x1A300]  }
0x1fe: {  	v29 =	vand.u32 $0xFFFF0000, v57;
	s18 =	sor.u32 s14, s17;
	s19 =	sadd.s32 $0xB100, s2;
	v18 =	vshll.u32 v57, $0x10;
	v19 =	vshll.u32 v58, $0x10;
	v21 =	vld [tilespmem:s16+$0x0]  }
0x1ff: {  	s21 =	sadd.s32 $0xB180, s2;
	v30 =	vand.u32 $0xFFFF0000, v58;
	s20 =	sor.u32 s14, s19;
	v61 =	vmul.f32 v18, v4;
	v20 =	vld [tilespmem:s18+$0x0];
	v62 =	vmul.f32 v19, v6  }
0x200: {  	v29 =	vmul.f32 v29, v3;
	v36 =	vmul.f32 v30, v5;
	s22 =	sor.u32 s14, s21;
	v19 =	vld [tilespmem:s20+$0x0]  }
0x201: {  	v28 =	vmul.f32 $2.771281240e+01, v28;
	s3 =	sor.u32 s13, s28;
	v18 =	vld [tilespmem:s22+$0x0];
	v35 =	vadd.f32 v62, v61  }
0x202: {  	v32 =	vmul.f32 $2.771281240e+01, v54;
	v33 =	vadd.f32 v36, v29;
	s23 =	sor.u32 s13, s17;
	v30 =	vld [tilespmem:s3+$0x0]  }
0x203: {  	v63 =	vmul.f32 $2.771281240e+01, v27;
	s24 =	sor.u32 s13, s19;
	s25 =	sadd.s32 $0x15800, s30;
	s26 =	sor.u32 s13, s21;
	v29 =	vld [tilespmem:s23+$0x0];
	v34 =	vadd.f32 v35, v28  }
0x204: {  	v31 =	vmul.f32 $2.771281240e+01, v31;
	s17 =	simm.s32 $0x18B10;
	v32 =	vadd.f32 v32, v33;
	s28 =	sor.u32 s14, s25;
	s19 =	sor.u32 s13, s25;
	v27 =	vld [tilespmem:s26+$0x0]  }
0x205: {  	v17 =	vmul.f32 $2.771281240e+01, v17;
	s16 =	simm.s32 $0x10;
	s20 =	sadd.s32 $0x15880, s30;
	s18 =	simm.s32 $0x1;
	v28 =	vld [tilespmem:s24+$0x0];
	[tilespmem:s28+$0x0] =	vst v34;
	v34 =	vadd.f32 v35, v63  }
.LBB2_5:
0x206: {  	v36 =	vld [tilespmem:s17+$0x0];
	p0 =	sne.s32 s18, $0x17;
	[tilespmem:s19+$0x0] =	vst v32;
	s3 =	sor.u32 s14, s20;
	v31 =	vadd.f32 v31, v33;
	v13 =	vmul.f32 $2.771281240e+01, v13;
	s0 =	sadd.s32 $0x10, s0  }
0x207: {  	s19 =	sand.u32 $0x1F0, s16;
	s6 =	sadd.s32 $0x15900, s30;
	v32 =	vmul.f32 $2.771281240e+01, v7;
	v43 =	vld [tilespmem:s0+$0x0];
	[tilespmem:s3+$0x0] =	vst v34;
	s3 =	sor.u32 s13, s20;
	v17 =	vadd.f32 v35, v17  }
0x208: {  	v7 =	vld [tilespmem:s19+$0x19100];
	[tilespmem:s3+$0x0] =	vst v31;
	s3 =	sor.u32 s14, s6;
	v13 =	vadd.f32 v13, v33;
	v31 =	vmul.f32 $2.771281240e+01, v8  }
0x209: {  	v32 =	vadd.f32 v32, v35;
	v8 =	vld [tilespmem:s19+$0x19D00];
	[tilespmem:s3+$0x0] =	vst v17;
	s3 =	sor.u32 s13, s6;
	s6 =	sadd.s32 $0x15980, s30  }
0x20a: {  	v17 =	vld [tilespmem:s19+$0x18F80];
	[tilespmem:s3+$0x0] =	vst v13;
	s3 =	sor.u32 s14, s6;
	v33 =	vadd.f32 v31, v33  }
0x20b: {  	v13 =	vld [tilespmem:s19+$0x19B80];
	[tilespmem:s3+$0x0] =	vst v32;
	s3 =	sor.u32 s13, s6;
	s6 =	sadd.s32 $0xB200, s2  }
0x20c: {  	s20 =	sadd.s32 $0xB280, s2;
	v31 =	vld [tilespmem:s19+$0x18C80];
	[tilespmem:s3+$0x0] =	vst v33;
	s3 =	sor.u32 s14, s6  }
0x20d: {  	s21 =	sadd.s32 $0xB300, s2;
	v38 =	vshll.u32 v36, $0x10;
	v36 =	vand.u32 $0xFFFF0000, v36;
	v39 =	vld [tilespmem:s3+$0x0];
	s3 =	sor.u32 s14, s20  }
0x20e: {  	v34 =	vshll.u32 v15, $0x10;
	s2 =	sadd.s32 $0xB380, s2;
	v32 =	vshll.u32 v16, $0x10;
	v16 =	vand.u32 $0xFFFF0000, v16;
	v35 =	vld [tilespmem:s3+$0x0];
	s3 =	sor.u32 s14, s21  }
0x20f: {  	v15 =	vand.u32 $0xFFFF0000, v15;
	v34 =	vmul.f32 v34, v6;
	v37 =	vmul.f32 v32, v4;
	v33 =	vld [tilespmem:s3+$0x0];
	s3 =	sor.u32 s14, s2  }
0x210: {  	v15 =	vmul.f32 v15, v5;
	v41 =	vshll.u32 v43, $0x10;
	v16 =	vmul.f32 v16, v3;
	v32 =	vld [tilespmem:s3+$0x0];
	s3 =	sor.u32 s13, s6  }
0x211: {  	v10 =	vmul.f32 $2.771281240e+01, v10;
	v44 =	vadd.f32 v34, v37;
	v34 =	vmul.f32 $2.771281240e+01, v24;
	v42 =	vld [tilespmem:s3+$0x0];
	s3 =	sor.u32 s13, s20  }
0x212: {  	v11 =	vmul.f32 $2.771281240e+01, v11;
	v15 =	vadd.f32 v15, v16;
	v16 =	vmul.f32 $2.771281240e+01, v23;
	v40 =	vld [tilespmem:s3+$0x0];
	s3 =	sor.u32 s13, s21  }
0x213: {  	v12 =	vmul.f32 $2.771281240e+01, v12;
	v22 =	vmul.f32 $2.771281240e+01, v22;
	s31 =	sadd.s32 $0x20, s31;
	s6 =	sshll.u32 s18, $0x8;
	v10 =	vadd.f32 v44, v10;
	v37 =	vld [tilespmem:s3+$0x0];
	s3 =	sor.u32 s13, s2  }
0x214: {  	v9 =	vmul.f32 $2.771281240e+01, v9;
	v23 =	vadd.f32 v34, v15;
	v11 =	vadd.f32 v44, v11;
	s20 =	sand.u32 $0x60, s31;
	s2 =	sand.u32 $0x3FFFFC00, s6;
	v24 =	vld [tilespmem:s3+$0x0];
	s3 =	sadd.s32 $0x16400, s30  }
0x215: {  	s22 =	sadd.s32 $0x16500, s30;
	v34 =	vand.u32 $0xFFFF0000, v43;
	v16 =	vadd.f32 v16, v15;
	v46 =	vadd.f32 v44, v12;
	s21 =	sadd.s32 $0x16480, s30;
	v45 =	vld [tilespmem:s15+$0x19880];
	s6 =	sor.u32 s14, s3  }
0x216: {  	v22 =	vadd.f32 v22, v15;
	v44 =	vadd.f32 v9, v44;
	v9 =	vmul.f32 $2.771281240e+01, v14;
	s23 =	sadd.s32 $0x8000, s2;
	s3 =	sor.u32 s13, s3;
	v47 =	vld [tilespmem:s15+$0x1A480];
	[tilespmem:s6+$0x0] =	vst v10;
	s6 =	sadd.s32 $0x16580, s30  }
0x217: {  	v14 =	vand.u32 $0xFFFF0000, v26;
	s24 =	sadd.s32 $0x8080, s2;
	s15 =	sor.u32 s20, s23;
	v10 =	vshll.u32 v26, $0x10;
	v43 =	vld [tilespmem:s19+$0x19A00];
	[tilespmem:s3+$0x0] =	vst v23;
	s3 =	sor.u32 s14, s21;
	v23 =	vshll.u32 v25, $0x10  }
0x218: {  	s25 =	sadd.s32 $0x8100, s2;
	v25 =	vand.u32 $0xFFFF0000, v25;
	v26 =	vmul.f32 v10, v4;
	v12 =	vld [tilespmem:s15+$0x0];
	s15 =	sor.u32 s20, s24;
	[tilespmem:s3+$0x0] =	vst v11;
	s3 =	sor.u32 s13, s21;
	v23 =	vmul.f32 v23, v6  }
0x219: {  	v14 =	vmul.f32 v14, v3;
	v15 =	vadd.f32 v9, v15;
	s26 =	sadd.s32 $0x8180, s2;
	v11 =	vld [tilespmem:s15+$0x0];
	s15 =	sor.u32 s20, s25;
	[tilespmem:s3+$0x0] =	vst v16;
	s3 =	sor.u32 s14, s22;
	v16 =	vmul.f32 v25, v5  }
0x21a: {  	v21 =	vmul.f32 $2.771281240e+01, v21;
	s21 =	sor.u32 $0x10, s20;
	v10 =	vld [tilespmem:s15+$0x0];
	s15 =	sor.u32 s20, s26;
	[tilespmem:s3+$0x0] =	vst v46;
	s3 =	sor.u32 s13, s22;
	v25 =	vadd.f32 v23, v26;
	v23 =	vmul.f32 $2.771281240e+01, v30  }
0x21b: {  	s22 =	sadd.s32 $0x17000, s30;
	v9 =	vld [tilespmem:s15+$0x0];
	s15 =	sor.u32 s21, s23;
	[tilespmem:s3+$0x0] =	vst v22;
	s3 =	sor.u32 s14, s6;
	v26 =	vadd.f32 v16, v14;
	v14 =	vmul.f32 $2.771281240e+01, v20;
	v22 =	vmul.f32 $2.771281240e+01, v29  }
0x21c: {  	v19 =	vmul.f32 $2.771281240e+01, v19;
	v28 =	vmul.f32 $2.771281240e+01, v28;
	v20 =	vld [tilespmem:s15+$0x0];
	s15 =	sor.u32 s21, s24;
	[tilespmem:s3+$0x0] =	vst v44;
	s3 =	sor.u32 s13, s6;
	v21 =	vadd.f32 v25, v21;
	s6 =	sadd.s32 $0x17080, s30  }
0x21d: {  	v18 =	vmul.f32 $2.771281240e+01, v18;
	v27 =	vmul.f32 $2.771281240e+01, v27;
	s23 =	sadd.s32 $0x17100, s30;
	v16 =	vld [tilespmem:s15+$0x0];
	s15 =	sor.u32 s21, s25;
	[tilespmem:s3+$0x0] =	vst v15;
	s3 =	sor.u32 s14, s22;
	v23 =	vadd.f32 v23, v26  }
0x21e: {  	v30 =	vand.u32 $0xFFFF0000, v45;
	v29 =	vshll.u32 v45, $0x10;
	s24 =	sadd.s32 $0x6A00, s2;
	v15 =	vld [tilespmem:s15+$0x0];
	s15 =	sor.u32 s21, s26;
	[tilespmem:s3+$0x0] =	vst v21;
	s3 =	sor.u32 s13, s22;
	v21 =	vadd.f32 v25, v14  }
0x21f: {  	v45 =	vand.u32 $0xFFFF0000, v47;
	s25 =	sadd.s32 $0x6A80, s2;
	v44 =	vadd.f32 v22, v26;
	v22 =	vshll.u32 v47, $0x10;
	s22 =	sor.u32 s20, s24;
	v14 =	vld [tilespmem:s15+$0x0];
	[tilespmem:s3+$0x0] =	vst v23;
	s3 =	sor.u32 s14, s6  }
0x220: {  	v19 =	vadd.f32 v25, v19;
	v29 =	vmul.f32 v29, v4;
	v6 =	vmul.f32 v22, v6;
	s15 =	sadd.s32 $0x6B00, s2;
	v23 =	vld [tilespmem:s22+$0x0];
	s22 =	sor.u32 s20, s25;
	[tilespmem:s3+$0x0] =	vst v21;
	s3 =	sor.u32 s13, s6  }
0x221: {  	v30 =	vmul.f32 v30, v3;
	v5 =	vmul.f32 v45, v5;
	v28 =	vadd.f32 v28, v26;
	s6 =	sor.u32 s20, s15;
	v22 =	vld [tilespmem:s22+$0x0];
	s22 =	sadd.s32 $0x6B80, s2;
	[tilespmem:s3+$0x0] =	vst v44;
	s3 =	sor.u32 s14, s23  }
0x222: {  	v18 =	vadd.f32 v18, v25;
	v4 =	vmovc v38;
	v25 =	vadd.f32 v6, v29;
	v6 =	vmul.f32 $2.771281240e+01, v39;
	v21 =	vld [tilespmem:s6+$0x0];
	s6 =	sor.u32 s20, s22;
	[tilespmem:s3+$0x0] =	vst v19;
	s3 =	sor.u32 s13, s23;
	s23 =	sadd.s32 $0x17180, s30  }
0x223: {  	v3 =	vmovc v36;
	v26 =	vadd.f32 v27, v26;
	v29 =	vadd.f32 v5, v30;
	v5 =	vmul.f32 $2.771281240e+01, v42;
	v19 =	vld [tilespmem:s6+$0x0];
	s6 =	sor.u32 s21, s24;
	[tilespmem:s3+$0x0] =	vst v28;
	s3 =	sor.u32 s14, s23;
	s24 =	sadd.s32 $0x17C00, s30  }
0x224: {  	v35 =	vmul.f32 $2.771281240e+01, v35;
	s26 =	sadd.s32 $0x6800, s2;
	v30 =	vmul.f32 v41, v4;
	v28 =	vld [tilespmem:s6+$0x0];
	s6 =	sor.u32 s21, s25;
	[tilespmem:s3+$0x0] =	vst v18;
	s3 =	sor.u32 s13, s23;
	v18 =	vadd.f32 v25, v6  }
0x225: {  	v36 =	vmul.f32 $2.771281240e+01, v40;
	v6 =	vshll.u32 v31, $0x10;
	s23 =	sor.u32 s20, s26;
	v27 =	vld [tilespmem:s6+$0x0];
	[tilespmem:s3+$0x0] =	vst v26;
	s3 =	sor.u32 s14, s24;
	v26 =	vadd.f32 v5, v29;
	s6 =	sadd.s32 $0x17C80, s30  }
0x226: {  	v33 =	vmul.f32 $2.771281240e+01, v33;
	s25 =	sor.u32 s21, s26;
	v5 =	vand.u32 $0xFFFF0000, v31;
	v31 =	vld [tilespmem:s23+$0x0];
	s23 =	sadd.s32 $0x6880, s2;
	[tilespmem:s3+$0x0] =	vst v18;
	s3 =	sor.u32 s13, s24;
	v18 =	vadd.f32 v25, v35  }
0x227: {  	v38 =	vshll.u32 v43, $0x10;
	s24 =	sor.u32 s20, s23;
	v35 =	vld [tilespmem:s25+$0x0];
	[tilespmem:s3+$0x0] =	vst v26;
	s3 =	sor.u32 s14, s6;
	v26 =	vadd.f32 v36, v29;
	s25 =	sadd.s32 $0x17D00, s30;
	v36 =	vmul.f32 $2.771281240e+01, v37  }
0x228: {  	v32 =	vmul.f32 $2.771281240e+01, v32;
	v39 =	vand.u32 $0xFFFF0000, v43;
	s23 =	sor.u32 s21, s23;
	v37 =	vld [tilespmem:s24+$0x0];
	s24 =	sadd.s32 $0x6900, s2;
	[tilespmem:s3+$0x0] =	vst v18;
	s3 =	sor.u32 s13, s6;
	v18 =	vadd.f32 v25, v33  }
0x229: {  	v24 =	vmul.f32 $2.771281240e+01, v24;
	v38 =	vmul.f32 v38, v6;
	s6 =	sor.u32 s20, s24;
	v33 =	vld [tilespmem:s23+$0x0];
	[tilespmem:s3+$0x0] =	vst v26;
	s3 =	sor.u32 s14, s25;
	v26 =	vadd.f32 v36, v29;
	s23 =	sadd.s32 $0x17D80, s30  }
0x22a: {  	v34 =	vmul.f32 v34, v3;
	v39 =	vmul.f32 v39, v5;
	s24 =	sor.u32 s21, s24;
	v36 =	vld [tilespmem:s6+$0x0];
	s6 =	sadd.s32 $0x6980, s2;
	[tilespmem:s3+$0x0] =	vst v18;
	s3 =	sor.u32 s13, s25;
	v18 =	vadd.f32 v32, v25  }
0x22b: {  	v24 =	vadd.f32 v24, v29;
	v30 =	vadd.f32 v38, v30;
	s25 =	sor.u32 s20, s6;
	v25 =	vld [tilespmem:s24+$0x0];
	v31 =	vmul.f32 $2.771281240e+01, v31;
	s24 =	sshll.u32 s18, $0x7;
	[tilespmem:s3+$0x0] =	vst v26;
	s3 =	sor.u32 s14, s23  }
0x22c: {  	v29 =	vadd.f32 v39, v34;
	s6 =	sor.u32 s21, s6;
	v26 =	vld [tilespmem:s25+$0x0];
	s30 =	sand.u32 $0x3FFFFE00, s24;
	v32 =	vmul.f32 $2.771281240e+01, v35;
	[tilespmem:s3+$0x0] =	vst v18;
	s3 =	sor.u32 s13, s23  }
0x22d: {  	v18 =	vld [tilespmem:s6+$0x0];
	s6 =	sor.u32 s21, s15;
	v31 =	vadd.f32 v30, v31;
	s13 =	sadd.s32 $0x12800, s30;
	v34 =	vmul.f32 $2.771281240e+01, v37;
	[tilespmem:s3+$0x0] =	vst v24;
	s15 =	smov.u32 s19  }
0x22e: {  	s14 =	smov.u32 s20;
	s3 =	sor.u32 s21, s22;
	v37 =	vld [tilespmem:s6+$0x0];
	s6 =	sor.u32 s20, s13;
	v24 =	vadd.f32 v32, v29;
	v32 =	vmul.f32 $2.771281240e+01, v33  }
0x22f: {  	v38 =	vld [tilespmem:s3+$0x0];
	[tilespmem:s6+$0x0] =	vst v31;
	s3 =	sor.u32 s21, s13;
	v31 =	vadd.f32 v30, v34;
	s6 =	sadd.s32 $0x12880, s30;
	v33 =	vmul.f32 $2.771281240e+01, v36;
	s13 =	smov.u32 s21  }
0x230: {  	[tilespmem:s3+$0x0] =	vst v24;
	s3 =	sor.u32 s14, s6;
	v24 =	vadd.f32 v32, v29;
	v25 =	vmul.f32 $2.771281240e+01, v25  }
0x231: {  	[tilespmem:s3+$0x0] =	vst v31;
	s3 =	sor.u32 s13, s6;
	v31 =	vadd.f32 v30, v33;
	s6 =	sadd.s32 $0x12900, s30;
	v26 =	vmul.f32 $2.771281240e+01, v26  }
0x232: {  	[tilespmem:s3+$0x0] =	vst v24;
	s3 =	sor.u32 s14, s6;
	v24 =	vadd.f32 v25, v29;
	v18 =	vmul.f32 $2.771281240e+01, v18  }
0x233: {  	[tilespmem:s3+$0x0] =	vst v31;
	s3 =	sor.u32 s13, s6;
	v25 =	vadd.f32 v26, v30;
	s6 =	sadd.s32 $0x12980, s30  }
0x234: {  	[tilespmem:s3+$0x0] =	vst v24;
	s3 =	sor.u32 s14, s6;
	v18 =	vadd.f32 v18, v29  }
0x235: {  	[tilespmem:s3+$0x0] =	vst v25;
	s3 =	sor.u32 s13, s6  }
0x236: {  	[tilespmem:s3+$0x0] =	vst v18  }
0x237: {  	s3 =	sadd.s32 $0x8200, s2;
	v33 =	vld [tilespmem:s15+$0x19280]  }
0x238: {  	s19 =	sadd.s32 $0x8280, s2;
	s6 =	sor.u32 s14, s3;
	v32 =	vld [tilespmem:s15+$0x19E80]  }
0x239: {  	s20 =	sadd.s32 $0x8300, s2;
	v25 =	vshll.u32 v13, $0x10;
	v18 =	vshll.u32 v17, $0x10;
	v17 =	vand.u32 $0xFFFF0000, v17;
	v24 =	vld [tilespmem:s6+$0x0];
	s6 =	sor.u32 s14, s19  }
0x23a: {  	s21 =	sadd.s32 $0x8380, s2;
	v13 =	vand.u32 $0xFFFF0000, v13;
	v30 =	vmul.f32 v25, v6;
	v29 =	vmul.f32 v18, v4;
	v26 =	vld [tilespmem:s6+$0x0];
	s6 =	sor.u32 s14, s20  }
0x23b: {  	v13 =	vmul.f32 v13, v5;
	v17 =	vmul.f32 v17, v3;
	v25 =	vld [tilespmem:s6+$0x0];
	s6 =	sor.u32 s14, s21  }
0x23c: {  	s3 =	sor.u32 s13, s3;
	v31 =	vadd.f32 v30, v29;
	v29 =	vmul.f32 $2.771281240e+01, v23;
	v18 =	vld [tilespmem:s6+$0x0]  }
0x23d: {  	v13 =	vadd.f32 v13, v17;
	v17 =	vmul.f32 $2.771281240e+01, v28;
	v23 =	vld [tilespmem:s3+$0x0];
	s3 =	sor.u32 s13, s19  }
0x23e: {  	v22 =	vmul.f32 $2.771281240e+01, v22;
	v28 =	vadd.f32 v31, v29;
	s6 =	sadd.s32 $0x13400, s30;
	v35 =	vld [tilespmem:s3+$0x0];
	s3 =	sor.u32 s13, s20  }
0x23f: {  	v27 =	vmul.f32 $2.771281240e+01, v27;
	v17 =	vadd.f32 v17, v13;
	s19 =	sor.u32 s14, s6;
	v30 =	vld [tilespmem:s3+$0x0];
	s3 =	sor.u32 s13, s21  }
0x240: {  	v21 =	vmul.f32 $2.771281240e+01, v21;
	v22 =	vadd.f32 v31, v22;
	v29 =	vld [tilespmem:s3+$0x0];
	[tilespmem:s19+$0x0] =	vst v28;
	s3 =	sor.u32 s13, s6;
	s6 =	sadd.s32 $0x13480, s30  }
0x241: {  	[tilespmem:s3+$0x0] =	vst v17;
	s3 =	sor.u32 s14, s6;
	v17 =	vadd.f32 v27, v13;
	v27 =	vmul.f32 $2.771281240e+01, v37  }
0x242: {  	v19 =	vmul.f32 $2.771281240e+01, v19;
	v21 =	vadd.f32 v31, v21;
	[tilespmem:s3+$0x0] =	vst v22;
	s3 =	sor.u32 s13, s6;
	s6 =	sadd.s32 $0x13500, s30  }
0x243: {  	v22 =	vmul.f32 $2.771281240e+01, v38;
	[tilespmem:s3+$0x0] =	vst v17;
	s3 =	sor.u32 s14, s6;
	v17 =	vadd.f32 v27, v13  }
0x244: {  	v19 =	vadd.f32 v19, v31;
	[tilespmem:s3+$0x0] =	vst v21;
	s3 =	sor.u32 s13, s6;
	s6 =	sadd.s32 $0x13580, s30  }
0x245: {  	v13 =	vadd.f32 v22, v13;
	[tilespmem:s3+$0x0] =	vst v17;
	s3 =	sor.u32 s14, s6  }
0x246: {  	[tilespmem:s3+$0x0] =	vst v19;
	s3 =	sor.u32 s13, s6;
	s6 =	sadd.s32 $0x9800, s2  }
0x247: {  	s19 =	sadd.s32 $0x9880, s2;
	[tilespmem:s3+$0x0] =	vst v13;
	s3 =	sor.u32 s14, s6  }
0x248: {  	s20 =	sadd.s32 $0x9900, s2;
	v28 =	vld [tilespmem:s3+$0x0];
	s3 =	sor.u32 s14, s19  }
0x249: {  	s21 =	sadd.s32 $0x9980, s2;
	v27 =	vld [tilespmem:s3+$0x0];
	s3 =	sor.u32 s14, s20  }
0x24a: {  	v21 =	vshll.u32 v8, $0x10;
	v19 =	vand.u32 $0xFFFF0000, v7;
	v13 =	vshll.u32 v7, $0x10;
	v17 =	vld [tilespmem:s3+$0x0];
	s3 =	sor.u32 s14, s21  }
0x24b: {  	v8 =	vand.u32 $0xFFFF0000, v8;
	v21 =	vmul.f32 v21, v6;
	v13 =	vmul.f32 v13, v4;
	v7 =	vld [tilespmem:s3+$0x0];
	s3 =	sor.u32 s13, s6  }
0x24c: {  	v8 =	vmul.f32 v8, v5;
	v19 =	vmul.f32 v19, v3;
	v34 =	vld [tilespmem:s3+$0x0];
	s3 =	sor.u32 s13, s19  }
0x24d: {  	v12 =	vmul.f32 $2.771281240e+01, v12;
	v21 =	vadd.f32 v21, v13;
	v31 =	vld [tilespmem:s3+$0x0];
	s3 =	sor.u32 s13, s20  }
0x24e: {  	v22 =	vadd.f32 v8, v19;
	v19 =	vmul.f32 $2.771281240e+01, v20;
	v13 =	vld [tilespmem:s3+$0x0];
	s3 =	sor.u32 s13, s21  }
0x24f: {  	v11 =	vmul.f32 $2.771281240e+01, v11;
	v12 =	vadd.f32 v21, v12;
	v8 =	vld [tilespmem:s3+$0x0];
	s3 =	sadd.s32 $0x14000, s30  }
0x250: {  	v16 =	vmul.f32 $2.771281240e+01, v16;
	v36 =	vadd.f32 v19, v22;
	v20 =	vld [tilespmem:s15+$0x19400];
	s6 =	sor.u32 s14, s3  }
0x251: {  	v10 =	vmul.f32 $2.771281240e+01, v10;
	v11 =	vadd.f32 v21, v11;
	s3 =	sor.u32 s13, s3;
	v19 =	vld [tilespmem:s15+$0x1A000];
	[tilespmem:s6+$0x0] =	vst v12;
	s6 =	sadd.s32 $0x14080, s30  }
0x252: {  	v15 =	vmul.f32 $2.771281240e+01, v15;
	v12 =	vadd.f32 v16, v22;
	[tilespmem:s3+$0x0] =	vst v36;
	s3 =	sor.u32 s14, s6  }
0x253: {  	v9 =	vmul.f32 $2.771281240e+01, v9;
	v10 =	vadd.f32 v21, v10;
	[tilespmem:s3+$0x0] =	vst v11;
	s3 =	sor.u32 s13, s6;
	s6 =	sadd.s32 $0x14100, s30  }
0x254: {  	v11 =	vadd.f32 v15, v22;
	[tilespmem:s3+$0x0] =	vst v12;
	s3 =	sor.u32 s14, s6;
	v12 =	vmul.f32 $2.771281240e+01, v14  }
0x255: {  	v9 =	vadd.f32 v9, v21;
	[tilespmem:s3+$0x0] =	vst v10;
	s3 =	sor.u32 s13, s6;
	s6 =	sadd.s32 $0x14180, s30  }
0x256: {  	[tilespmem:s3+$0x0] =	vst v11;
	s3 =	sor.u32 s14, s6;
	v10 =	vadd.f32 v12, v22  }
0x257: {  	[tilespmem:s3+$0x0] =	vst v9;
	s3 =	sor.u32 s13, s6  }
0x258: {  	[tilespmem:s3+$0x0] =	vst v10  }
0x259: {  	s3 =	sadd.s32 $0x9A00, s2;
	v16 =	vld [tilespmem:s15+$0x19580]  }
0x25a: {  	s19 =	sadd.s32 $0x9A80, s2;
	s6 =	sor.u32 s14, s3;
	v15 =	vld [tilespmem:s15+$0x1A180]  }
0x25b: {  	s20 =	sadd.s32 $0x9B00, s2;
	v14 =	vand.u32 $0xFFFF0000, v33;
	v12 =	vshll.u32 v32, $0x10;
	v9 =	vshll.u32 v33, $0x10;
	v10 =	vld [tilespmem:s6+$0x0];
	s6 =	sor.u32 s14, s19  }
0x25c: {  	v21 =	vand.u32 $0xFFFF0000, v32;
	s21 =	sadd.s32 $0x9B80, s2;
	v32 =	vmul.f32 v12, v6;
	v22 =	vmul.f32 v9, v4;
	v11 =	vld [tilespmem:s6+$0x0];
	s6 =	sor.u32 s14, s20  }
0x25d: {  	v21 =	vmul.f32 v21, v5;
	v14 =	vmul.f32 v14, v3;
	v12 =	vld [tilespmem:s6+$0x0];
	s6 =	sor.u32 s14, s21  }
0x25e: {  	s3 =	sor.u32 s13, s3;
	v32 =	vadd.f32 v32, v22;
	v22 =	vmul.f32 $2.771281240e+01, v24;
	v9 =	vld [tilespmem:s6+$0x0]  }
0x25f: {  	v21 =	vadd.f32 v21, v14;
	v14 =	vmul.f32 $2.771281240e+01, v23;
	v24 =	vld [tilespmem:s3+$0x0];
	s3 =	sor.u32 s13, s19  }
0x260: {  	v26 =	vmul.f32 $2.771281240e+01, v26;
	v33 =	vadd.f32 v32, v22;
	s6 =	sadd.s32 $0x14C00, s30;
	v23 =	vld [tilespmem:s3+$0x0];
	s3 =	sor.u32 s13, s20  }
0x261: {  	v35 =	vmul.f32 $2.771281240e+01, v35;
	v36 =	vadd.f32 v14, v21;
	s19 =	sor.u32 s14, s6;
	v22 =	vld [tilespmem:s3+$0x0];
	s3 =	sor.u32 s13, s21  }
0x262: {  	v25 =	vmul.f32 $2.771281240e+01, v25;
	v26 =	vadd.f32 v32, v26;
	v14 =	vld [tilespmem:s3+$0x0];
	[tilespmem:s19+$0x0] =	vst v33;
	s3 =	sor.u32 s13, s6;
	s6 =	sadd.s32 $0x14C80, s30  }
0x263: {  	v30 =	vmul.f32 $2.771281240e+01, v30;
	v33 =	vadd.f32 v35, v21;
	[tilespmem:s3+$0x0] =	vst v36;
	s3 =	sor.u32 s14, s6  }
0x264: {  	v18 =	vmul.f32 $2.771281240e+01, v18;
	v25 =	vadd.f32 v32, v25;
	[tilespmem:s3+$0x0] =	vst v26;
	s3 =	sor.u32 s13, s6;
	s6 =	sadd.s32 $0x14D00, s30  }
0x265: {  	v29 =	vmul.f32 $2.771281240e+01, v29;
	v26 =	vadd.f32 v30, v21;
	[tilespmem:s3+$0x0] =	vst v33;
	s3 =	sor.u32 s14, s6  }
0x266: {  	v18 =	vadd.f32 v18, v32;
	[tilespmem:s3+$0x0] =	vst v25;
	s3 =	sor.u32 s13, s6;
	s6 =	sadd.s32 $0x14D80, s30  }
0x267: {  	v21 =	vadd.f32 v29, v21;
	[tilespmem:s3+$0x0] =	vst v26;
	s3 =	sor.u32 s14, s6  }
0x268: {  	[tilespmem:s3+$0x0] =	vst v18;
	s3 =	sor.u32 s13, s6  }
0x269: {  	[tilespmem:s3+$0x0] =	vst v21  }
0x26a: {  	s3 =	sadd.s32 $0xB000, s2;
	v26 =	vld [tilespmem:s15+$0x19700]  }
0x26b: {  	s19 =	sadd.s32 $0xB080, s2;
	s6 =	sor.u32 s14, s3;
	v25 =	vld [tilespmem:s15+$0x1A300]  }
0x26c: {  	s20 =	sadd.s32 $0xB100, s2;
	v29 =	vand.u32 $0xFFFF0000, v20;
	v30 =	vshll.u32 v19, $0x10;
	v18 =	vshll.u32 v20, $0x10;
	v21 =	vld [tilespmem:s6+$0x0];
	s6 =	sor.u32 s14, s19  }
0x26d: {  	v32 =	vand.u32 $0xFFFF0000, v19;
	s21 =	sadd.s32 $0xB180, s2;
	v30 =	vmul.f32 v30, v6;
	v33 =	vmul.f32 v18, v4;
	v20 =	vld [tilespmem:s6+$0x0];
	s6 =	sor.u32 s14, s20  }
0x26e: {  	v32 =	vmul.f32 v32, v5;
	v29 =	vmul.f32 v29, v3;
	v19 =	vld [tilespmem:s6+$0x0];
	s6 =	sor.u32 s14, s21  }
.Ltmp1:
0x26f: {  	v28 =	vmul.f32 $2.771281240e+01, v28;
	s3 =	sor.u32 s13, s3;
	v35 =	vadd.f32 v30, v33;
	v18 =	vld [tilespmem:s6+$0x0];
	(pc) =	sbr.rel @p0 .LBB2_5-.Ltmp1, $4  }
0x270: {  	v33 =	vadd.f32 v32, v29;
	v32 =	vmul.f32 $2.771281240e+01, v34;
	v30 =	vld [tilespmem:s3+$0x0];
	s3 =	sor.u32 s13, s19  }
0x271: {  	s16 =	sadd.s32 $0x10, s16;
	v36 =	vmul.f32 $2.771281240e+01, v27;
	v34 =	vadd.f32 v35, v28;
	s6 =	sadd.s32 $0x15800, s30;
	v29 =	vld [tilespmem:s3+$0x0];
	s3 =	sor.u32 s13, s20  }
0x272: {  	s17 =	sadd.s32 $0x10, s17;
	v31 =	vmul.f32 $2.771281240e+01, v31;
	v32 =	vadd.f32 v32, v33;
	s19 =	sor.u32 s14, s6;
	v28 =	vld [tilespmem:s3+$0x0];
	s3 =	sor.u32 s13, s21  }
0x273: {  	s18 =	sadd.s32 $0x1, s18;
	v17 =	vmul.f32 $2.771281240e+01, v17;
	s20 =	sadd.s32 $0x15880, s30;
	v27 =	vld [tilespmem:s3+$0x0];
	[tilespmem:s19+$0x0] =	vst v34;
	s19 =	sor.u32 s13, s6;
	v34 =	vadd.f32 v35, v36  }
0x274: {  	[tilespmem:s19+$0x0] =	vst v32;
	s0 =	sor.u32 s14, s20;
	v31 =	vadd.f32 v31, v33;
	v13 =	vmul.f32 $2.771281240e+01, v13  }
0x275: {  	s20 =	sor.u32 s13, s20;
	s3 =	sadd.s32 $0x15900, s30;
	v7 =	vmul.f32 $2.771281240e+01, v7;
	[tilespmem:s0+$0x0] =	vst v34;
	v17 =	vadd.f32 v35, v17  }
0x276: {  	v8 =	vmul.f32 $2.771281240e+01, v8;
	s21 =	sor.u32 s14, s3;
	[tilespmem:s20+$0x0] =	vst v31;
	v13 =	vadd.f32 v13, v33  }
0x277: {  	s23 =	sadd.s32 $0x15980, s30;
	s22 =	sor.u32 s13, s3;
	v7 =	vadd.f32 v7, v35;
	[tilespmem:s21+$0x0] =	vst v17  }
0x278: {  	s24 =	sor.u32 s14, s23;
	v8 =	vadd.f32 v8, v33;
	[tilespmem:s22+$0x0] =	vst v13  }
0x279: {  	s26 =	sadd.s32 $0xB200, s2;
	s25 =	sor.u32 s13, s23;
	[tilespmem:s24+$0x0] =	vst v7  }
0x27a: {  	s6 =	sadd.s32 $0xB280, s2;
	s28 =	sor.u32 s14, s26;
	[tilespmem:s25+$0x0] =	vst v8  }
0x27b: {  	s16 =	sadd.s32 $0xB300, s2;
	s31 =	sor.u32 s14, s6;
	v7 =	vld [tilespmem:s28+$0x0]  }
0x27c: {  	s18 =	sadd.s32 $0xB380, s2;
	v46 =	vshll.u32 v16, $0x10;
	v47 =	vand.u32 $0xFFFF0000, v16;
	v10 =	vmul.f32 $2.771281240e+01, v10;
	s17 =	sor.u32 s14, s16;
	v8 =	vld [tilespmem:s31+$0x0]  }
0x27d: {  	v48 =	vshll.u32 v15, $0x10;
	v50 =	vmul.f32 $2.771281240e+01, v24;
	v11 =	vmul.f32 $2.771281240e+01, v11;
	s19 =	sor.u32 s14, s18;
	v31 =	vld [tilespmem:s17+$0x0]  }
0x27e: {  	v49 =	vand.u32 $0xFFFF0000, v15;
	s20 =	sor.u32 s13, s26;
	v17 =	vmul.f32 v48, v6;
	v13 =	vmul.f32 v46, v4;
	v32 =	vld [tilespmem:s19+$0x0]  }
0x27f: {  	v16 =	vmul.f32 v47, v3;
	v15 =	vmul.f32 v49, v5;
	s21 =	sor.u32 s13, s6;
	v33 =	vld [tilespmem:s20+$0x0]  }
0x280: {  	v51 =	vmul.f32 $2.771281240e+01, v23;
	v12 =	vmul.f32 $2.771281240e+01, v12;
	s22 =	sor.u32 s13, s16;
	v13 =	vadd.f32 v17, v13;
	v24 =	vld [tilespmem:s21+$0x0]  }
0x281: {  	v22 =	vmul.f32 $2.771281240e+01, v22;
	v9 =	vmul.f32 $2.771281240e+01, v9;
	s23 =	sor.u32 s13, s18;
	v15 =	vadd.f32 v15, v16;
	v23 =	vld [tilespmem:s22+$0x0]  }
0x282: {  	v54 =	vmul.f32 $2.771281240e+01, v14;
	v55 =	vshll.u32 v26, $0x10;
	s24 =	sadd.s32 $0x16400, s30;
	v34 =	vld [tilespmem:s23+$0x0];
	v10 =	vadd.f32 v13, v10  }
0x283: {  	v56 =	vand.u32 $0xFFFF0000, v26;
	v57 =	vshll.u32 v25, $0x10;
	v17 =	vadd.f32 v50, v15;
	s25 =	sor.u32 s14, s24;
	v52 =	vld [tilespmem:s15+$0x19880]  }
0x284: {  	v58 =	vand.u32 $0xFFFF0000, v25;
	v61 =	vmul.f32 $2.771281240e+01, v21;
	s26 =	sadd.s32 $0x16480, s30;
	s0 =	sor.u32 s13, s24;
	v36 =	vld [tilespmem:s15+$0x1A480];
	v11 =	vadd.f32 v13, v11;
	[tilespmem:s25+$0x0] =	vst v10  }
0x285: {  	v38 =	vmul.f32 $2.771281240e+01, v18;
	v14 =	vmul.f32 v55, v4;
	v16 =	vadd.f32 v51, v15;
	s28 =	sor.u32 s14, s26;
	[tilespmem:s0+$0x0] =	vst v17  }
0x286: {  	s3 =	sor.u32 s13, s26;
	v53 =	vadd.f32 v22, v15;
	v22 =	vmul.f32 v57, v6;
	s31 =	sadd.s32 $0x16500, s30;
	v12 =	vadd.f32 v13, v12;
	[tilespmem:s28+$0x0] =	vst v11  }
0x287: {  	v59 =	vmul.f32 v56, v3;
	s6 =	sor.u32 s14, s31;
	v11 =	vmul.f32 v58, v5;
	[tilespmem:s3+$0x0] =	vst v16  }
0x288: {  	v62 =	vmul.f32 $2.771281240e+01, v30;
	s15 =	sadd.s32 $0x16580, s30;
	v60 =	vadd.f32 v22, v14;
	v9 =	vadd.f32 v9, v13;
	s16 =	sor.u32 s13, s31;
	[tilespmem:s6+$0x0] =	vst v12  }
0x289: {  	v25 =	vmul.f32 $2.771281240e+01, v29;
	v13 =	vadd.f32 v54, v15;
	s17 =	sor.u32 s14, s15;
	v63 =	vadd.f32 v11, v59;
	[tilespmem:s16+$0x0] =	vst v53  }
0x28a: {  	s18 =	sadd.s32 $0x17000, s30;
	v29 =	vmul.f32 $2.771281240e+01, v19;
	v22 =	vmul.f32 $2.771281240e+01, v20;
	s19 =	sor.u32 s13, s15;
	v26 =	vadd.f32 v60, v61;
	[tilespmem:s17+$0x0] =	vst v9  }
0x28b: {  	v30 =	vmul.f32 $2.771281240e+01, v28;
	v39 =	vmul.f32 $2.771281240e+01, v27;
	s20 =	sor.u32 s14, s18;
	v37 =	vadd.f32 v62, v63;
	[tilespmem:s19+$0x0] =	vst v13  }
0x28c: {  	s21 =	sadd.s32 $0x17080, s30;
	s22 =	sor.u32 s13, s18;
	v40 =	vadd.f32 v60, v22;
	v46 =	vadd.f32 v60, v29;
	v41 =	vshll.u32 v52, $0x10;
	[tilespmem:s20+$0x0] =	vst v26  }
0x28d: {  	s23 =	sor.u32 s14, s21;
	v42 =	vand.u32 $0xFFFF0000, v52;
	v44 =	vshll.u32 v36, $0x10;
	v43 =	vadd.f32 v25, v63;
	[tilespmem:s22+$0x0] =	vst v37  }
0x28e: {  	s24 =	sadd.s32 $0x17100, s30;
	s25 =	sor.u32 s13, s21;
	v45 =	vand.u32 $0xFFFF0000, v36;
	v47 =	vmul.f32 v41, v4;
	v48 =	vmul.f32 v44, v6;
	[tilespmem:s23+$0x0] =	vst v40  }
0x28f: {  	s26 =	sor.u32 s14, s24;
	v3 =	vmul.f32 v42, v3;
	v50 =	vmul.f32 v45, v5;
	v49 =	vadd.f32 v30, v63;
	[tilespmem:s25+$0x0] =	vst v43  }
0x290: {  	s31 =	sadd.s32 $0x17180, s30;
	v51 =	vadd.f32 v38, v60;
	s28 =	sor.u32 s13, s24;
	v52 =	vmul.f32 $2.771281240e+01, v7;
	v4 =	vadd.f32 v48, v47;
	[tilespmem:s26+$0x0] =	vst v46  }
0x291: {  	v54 =	vmul.f32 $2.771281240e+01, v33;
	s3 =	sor.u32 s14, s31;
	v3 =	vadd.f32 v50, v3;
	v53 =	vadd.f32 v39, v63;
	[tilespmem:s28+$0x0] =	vst v49  }
0x292: {  	s15 =	sor.u32 s13, s31;
	v8 =	vmul.f32 $2.771281240e+01, v8;
	s6 =	sadd.s32 $0x17C00, s30;
	v6 =	vadd.f32 v4, v52;
	[tilespmem:s3+$0x0] =	vst v51  }
0x293: {  	v55 =	vmul.f32 $2.771281240e+01, v24;
	s16 =	sor.u32 s14, s6;
	v5 =	vadd.f32 v54, v3;
	[tilespmem:s15+$0x0] =	vst v53  }
0x294: {  	v57 =	vmul.f32 $2.771281240e+01, v31;
	s18 =	sor.u32 s13, s6;
	s17 =	sadd.s32 $0x17C80, s30;
	v56 =	vadd.f32 v4, v8;
	[tilespmem:s16+$0x0] =	vst v6  }
0x295: {  	s9 =	sadd.s32 $0x1, s9;
	v59 =	vmul.f32 $2.771281240e+01, v23;
	s19 =	sor.u32 s14, s17;
	v58 =	vadd.f32 v55, v3;
	[tilespmem:s18+$0x0] =	vst v5  }
0x296: {  	p0 =	sne.s32 s9, $0x8;
	v61 =	vmul.f32 $2.771281240e+01, v32;
	s21 =	sor.u32 s13, s17;
	v60 =	vadd.f32 v4, v57;
	s20 =	sadd.s32 $0x17D00, s30;
	[tilespmem:s19+$0x0] =	vst v56  }
0x297: {  	s24 =	sadd.s32 $0x17D80, s30;
	v63 =	vmul.f32 $2.771281240e+01, v34;
	v62 =	vadd.f32 v59, v3;
	s22 =	sor.u32 s14, s20;
	s23 =	sshll.u32 s10, $0x3;
	[tilespmem:s21+$0x0] =	vst v58  }
.Ltmp2:
0x298: {  	v4 =	vadd.f32 v61, v4;
	s25 =	sor.u32 s13, s20;
	s2 =	sadd.s32 s7, s23;
	[tilespmem:s22+$0x0] =	vst v60;
	(pc) =	sbr.rel @p0 .LBB2_2-.Ltmp2, $4  }
0x299: {  	v3 =	vadd.f32 v63, v3;
	s26 =	sor.u32 s14, s24;
	s2 =	smul.u32 $0x180, s2;
	[tilespmem:s25+$0x0] =	vst v62  }
0x29a: {  	s28 =	sor.u32 s13, s24;
	[tilespmem:s26+$0x0] =	vst v4  }
0x29b: {  	s31 =	simm.s32 $0x12800;
	s30 =	sadd.s32 s29, s2;
	[tilespmem:s28+$0x0] =	vst v3  }
0x29c: {  	[hbm4b:s30+s4] =	stream.linear.scatter [tilespmem:s31], [sflag:$0x6], $0x6000, $0x38;
	[tilespmem:$0x1A600] =	vst v63  }
0x29d: {  	s0 =	simm.s32 $0x5  }
0x29e: {  	_ =	swait.ge [sflag:s0], $0x6000  }
0x29f: {  	[sflag:s0] =	ssyncset.done $0x0  }
0x2a0: {  	s2 =	simm.s32 $0x6;
	[sflag:s0] =	ssyncadd.s32 $0xFFFFA000  }
0x2a1: {  	_ =	swait.ge [sflag:s2], $0x6000  }
0x2a2: {  	s3 =	rddreg [dreg:$0x8]  }
0x2a3: {  	s31 =	rddreg [dreg:$0x7];
	s3 =	sadd.s32 $0x1, s3  }
0x2a4: {  	p0 =	sne.s32 s3, s31  }
.Ltmp3:
0x2a5: {  	_ = 	snop;
	(pc) =	sbr.rel @p0 .LBB2_1-.Ltmp3, $3  }
0x2a6: {  	_ =	sdelay $0x1  }
0x2a7: {  	[sflag:s2] =	ssyncset.done $0x0  }
0x2a8: {  	[sflag:s2] =	ssyncadd.s32 $0xFFFFA000  }
0x2a9: {  	_ =	sfence.sel $0x180000  }
0x2aa: {  	[bflag:$0x0] =	sbarrier.arrive $0xFFFF  }
0x2ab: {  	_ =	strace $0x90000047  }
0x2ac: {  	s0 =	stileid.u32;
	[bflag:$0x2] =	sbarrier.arrive $0xFFFF  }
0x2ad: {  	p0 =	sne.s32 s0, $0x0;
	s0 =	rddreg [dreg:$0x3]  }
0x2ae: {  	s0 =	sadd.s32 @!p0 $0x100000, s0  }
0x2af: {  	[sflag:s0] =	ssyncadd.tile.s32 @!p0 $0x1;
	_ =	shalt  }
.Lfunc_end2:
_tile_overlayer_lowered:
.L_overlay_start_2:
0x2b0: {  	(tag) =	ssettag $0x2  }
0x2b1: {  	s0 =	rddreg [dreg:$0x0];
	s2 =	stileid.u32  }
0x2b2: {  	s1 =	rddreg [dreg:$0x1];
	p0 =	sne.s32 s2, $0x0  }
0x2b3: {  	s3 =	rddreg [dreg:$0x2];
	[bflag:$0x3] =	sbarrier.arrive $0xFFFF;
	s2 =	simm.s32 @!p0 $0x1C07  }
0x2b4: {  	[timem:s3], [sflag:s2] =	dma.local @!p0 [hbm:s0], s1  }
0x2b5: {  	s0 =	simm.s32 @!p0 $0x7  }
0x2b6: {  	_ =	swait.ge @!p0 [sflag:s0], s1  }
0x2b7: {  	s1 =	ssub.s32 @!p0 $0x0, s1;
	[sflag:s0] =	ssyncset.done @!p0 $0x0  }
0x2b8: {  	[sflag:s0] =	ssyncadd.s32 @!p0 s1  }
0x2b9: {  	[bflag:$0x3] =	sbarrier.arrive $0xFFFF  }
0x2ba: {  	_ =	shalt  }

</sc_bundles>
